<compile_context>
chip_gen: v7x
topology: tpu7x:2x2x1
jax: 0.10.2.dev20260603
libtpu: 0.0.44.dev20260713+nightly
codegen_flags: <defaults>
</compile_context>

<pallas_src>
import functools

import jax
import jax.numpy as jnp
from jax import lax
from jax.experimental import pallas as pl
from jax.experimental.pallas import tpu as pltpu
from jax.experimental.pallas import tpu_sc as plsc

N = 10000
E = 320000
D_IN = 128
HEADS = 4
OPH = 32
TAB_W = 144
ACC_W = 144

NC = 2
NS = 16
NW = NC * NS
EDGES_PER_TILE = E // NW
BLK = 40
NBLK = EDGES_PER_TILE // BLK
ROWS_PER_TILE = N // NS


def _phase1_body(x_ref, we_ref, wr_ref, pe_ref, pr_ref, ta_ref, the_ref):
    x = x_ref[...]
    he = jnp.dot(x, we_ref[...], preferred_element_type=jnp.float32)
    hr = jnp.dot(x, wr_ref[...], preferred_element_type=jnp.float32)
    s = (jnp.dot(he, pe_ref[...], preferred_element_type=jnp.float32)
         + jnp.dot(hr, pr_ref[...], preferred_element_type=jnp.float32))
    ta_ref[...] = jnp.concatenate([hr, s], axis=1)
    the_ref[...] = he


def _phase1(x, we_cat, wr_cat, p16e, p16r):
    blk = 1000
    return pl.pallas_call(
        _phase1_body,
        grid=(N // blk,),
        in_specs=[
            pl.BlockSpec((blk, D_IN), lambda i: (i, 0)),
            pl.BlockSpec((D_IN, 128), lambda i: (0, 0)),
            pl.BlockSpec((D_IN, 128), lambda i: (0, 0)),
            pl.BlockSpec((128, 16), lambda i: (0, 0)),
            pl.BlockSpec((128, 16), lambda i: (0, 0)),
        ],
        out_specs=[
            pl.BlockSpec((blk, TAB_W), lambda i: (i, 0)),
            pl.BlockSpec((blk, 128), lambda i: (i, 0)),
        ],
        out_shape=[
            jax.ShapeDtypeStruct((N, TAB_W), jnp.float32),
            jax.ShapeDtypeStruct((N, 128), jnp.float32),
        ],
    )(x, we_cat, wr_cat, p16e, p16r)


def _phase2_body(src_hbm, dst_hbm, ta_hbm, the_hbm, a45_hbm, zacc_hbm,
                 acc_out,
                 idx_s0, idx_d0, asrc0, adst0, hd0,
                 idx_s1, idx_d1, asrc1, adst1, hd1,
                 scat, a45_v, acc,
                 isem0, gsem0, isem1, gsem1):
    c = lax.axis_index("c")
    sid = lax.axis_index("s")
    wid = sid * NC + c

    IDX_S = [idx_s0, idx_s1]
    IDX_D = [idx_d0, idx_d1]
    ASRC = [asrc0, asrc1]
    ADST = [adst0, adst1]
    HD = [hd0, hd1]
    ISEM = [isem0, isem1]
    GSEM = [gsem0, gsem1]

    @pl.when(sid == 0)
    def _init():
        pltpu.sync_copy(zacc_hbm, acc)

    pltpu.sync_copy(a45_hbm, a45_v)
    plsc.subcore_barrier()

    lane = lax.iota(jnp.int32, 16)
    a4v = [(a45_v[h, pl.ds(0, 16)], a45_v[h, pl.ds(16, 16)]) for h in range(HEADS)]
    a5v = [(a45_v[h, pl.ds(32, 16)], a45_v[h, pl.ds(48, 16)]) for h in range(HEADS)]
    bfly = [jnp.bitwise_xor(lane, 1 << k) for k in range(4)]
    grp = lax.shift_right_logical(lane, 2)

    def fold(v, idx):
        return v + v.at[idx].get(mode="promise_in_bounds")

    def allsum4(ts):
        qs = ts
        z = jnp.where(grp == 0, qs[0],
                      jnp.where(grp == 1, qs[1],
                                jnp.where(grp == 2, qs[2], qs[3])))
        return fold(fold(z, bfly[1]), bfly[0])

    def issue_idx(i, p):
        base = wid * EDGES_PER_TILE + i * BLK
        pltpu.async_copy(src_hbm.at[pl.ds(base, BLK)], IDX_S[p], ISEM[p])
        pltpu.async_copy(dst_hbm.at[pl.ds(base, BLK)], IDX_D[p], ISEM[p])

    def wait_idx(p):
        pltpu.make_async_copy(src_hbm.at[pl.ds(0, BLK)], IDX_S[p], ISEM[p]).wait()
        pltpu.make_async_copy(dst_hbm.at[pl.ds(0, BLK)], IDX_D[p], ISEM[p]).wait()

    def issue_gathers(p):
        pltpu.async_copy(ta_hbm.at[IDX_S[p]], ASRC[p], GSEM[p])
        pltpu.async_copy(ta_hbm.at[IDX_D[p]], ADST[p], GSEM[p])
        pltpu.async_copy(the_hbm.at[IDX_D[p]], HD[p], GSEM[p])

    def wait_gathers(p):
        pltpu.make_async_copy(ta_hbm.at[IDX_S[p]], ASRC[p], GSEM[p]).wait()
        pltpu.make_async_copy(ta_hbm.at[IDX_D[p]], ADST[p], GSEM[p]).wait()
        pltpu.make_async_copy(the_hbm.at[IDX_D[p]], HD[p], GSEM[p]).wait()

    def sync_scatter(p):
        pltpu.sync_copy(scat, acc.at[IDX_S[p]], add=True)

    def compute_block(p):
        asrc, adst, hd = ASRC[p], ADST[p], HD[p]

        @plsc.parallel_loop(0, BLK, 1, unroll=2)
        def edge_body(e):
            ssrc_v = asrc[e, pl.ds(128, 16)]
            sdst_v = adst[e, pl.ds(128, 16)]
            ts = []
            for h in range(HEADS):
                hs0 = asrc[e, pl.ds(h * 32, 16)]
                hs1 = asrc[e, pl.ds(h * 32 + 16, 16)]
                hd0 = adst[e, pl.ds(h * 32, 16)]
                hd1 = adst[e, pl.ds(h * 32 + 16, 16)]
                ts.append(jnp.abs(hd0 - hs0) * a4v[h][0]
                          + jnp.abs(hd1 - hs1) * a4v[h][1]
                          + (hs0 * hd0) * a5v[h][0]
                          + (hs1 * hd1) * a5v[h][1]
                          + jnp.where(lane == h, ssrc_v, 0.0)
                          + jnp.where(lane == 8 + h, sdst_v, 0.0))
                ts[-1] = fold(fold(ts[-1], bfly[3]), bfly[2])
            alpha = allsum4(ts)
            alpha = jnp.where(alpha > 0, alpha, 0.2 * alpha)
            pv = jnp.exp(alpha)
            scat[e, pl.ds(128, 16)] = pv
            for h in range(HEADS):
                pb = pv.at[jnp.full((16,), 4 * h, jnp.int32)].get(
                    mode="promise_in_bounds")
                scat[e, pl.ds(h * 32, 16)] = hd[e, pl.ds(h * 32, 16)] * pb
                scat[e, pl.ds(h * 32 + 16, 16)] = (
                    hd[e, pl.ds(h * 32 + 16, 16)] * pb)

    issue_idx(0, 0)
    issue_idx(1, 1)
    wait_idx(0)
    issue_gathers(0)

    def do_iter(i, p):
        q = 1 - p

        wait_gathers(p)

        @pl.when(i + 1 < NBLK)
        def _ig():
            wait_idx(q)
            issue_gathers(q)

        compute_block(p)
        sync_scatter(p)

        @pl.when(i + 2 < NBLK)
        def _ii():
            issue_idx(i + 2, p)

    def loop_body(i, carry):
        @pl.when(i % 2 == 0)
        def _even():
            do_iter(i, 0)

        @pl.when(i % 2 == 1)
        def _odd():
            do_iter(i, 1)

        return carry

    lax.fori_loop(0, NBLK, loop_body, 0)

    plsc.subcore_barrier()

    r0 = pl.multiple_of(sid * 624, 8)

    @pl.when(sid < NS - 1)
    def _copy_main():
        pltpu.sync_copy(acc.at[pl.ds(r0, 624)],
                        acc_out.at[c, pl.ds(r0, 624)])

    @pl.when(sid == NS - 1)
    def _copy_tail():
        pltpu.sync_copy(acc.at[pl.ds(9360, 640)],
                        acc_out.at[c, pl.ds(9360, 640)])


def _phase2(src, dst, ta, the, a45, zacc):
    mesh = plsc.VectorSubcoreMesh(core_axis_name="c", subcore_axis_name="s")
    kern = functools.partial(
        pl.kernel,
        out_type=jax.ShapeDtypeStruct((NC, N, ACC_W), jnp.float32),
        mesh=mesh,
        compiler_params=pltpu.CompilerParams(use_tc_tiling_on_sc=False),
        scratch_types=(
            [pltpu.VMEM((BLK,), jnp.int32),
             pltpu.VMEM((BLK,), jnp.int32),
             pltpu.VMEM((BLK, TAB_W), jnp.float32),
             pltpu.VMEM((BLK, TAB_W), jnp.float32),
             pltpu.VMEM((BLK, 128), jnp.float32)] * 2
            + [pltpu.VMEM((BLK, ACC_W), jnp.float32),
               pltpu.VMEM((HEADS, 64), jnp.float32),
               pltpu.VMEM_SHARED((N, ACC_W), jnp.float32)]
            + [pltpu.SemaphoreType.DMA] * 4
        ),
    )(_phase2_body)
    return kern(src, dst, ta, the, a45, zacc)


def _phase3_body(a0_ref, a1_ref, r16_ref, out_ref):
    t = a0_ref[0] + a1_ref[0]
    ns = t[:, 0:128]
    d = t[:, 128:144]
    dfull = jnp.dot(d, r16_ref[...], preferred_element_type=jnp.float32)
    out_ref[...] = ns / (dfull + 1e-16)


def _phase3(acc, r16):
    blk = 1000
    return pl.pallas_call(
        _phase3_body,
        grid=(N // blk,),
        in_specs=[
            pl.BlockSpec((1, blk, ACC_W), lambda i: (0, i, 0)),
            pl.BlockSpec((1, blk, ACC_W), lambda i: (1, i, 0)),
            pl.BlockSpec((16, 128), lambda i: (0, 0)),
        ],
        out_specs=pl.BlockSpec((blk, 128), lambda i: (i, 0)),
        out_shape=jax.ShapeDtypeStruct((N, 128), jnp.float32),
    )(acc, acc, r16)


def kernel(x, edge_index, We, Wr, a):
    src = edge_index[0]
    dst = edge_index[1]

    we_cat = We.transpose(1, 0, 2).reshape(D_IN, HEADS * OPH)
    wr_cat = Wr.transpose(1, 0, 2).reshape(D_IN, HEADS * OPH)
    a1 = a[:, 0, 0:32]
    a2 = a[:, 0, 32:64]
    a3 = a[:, 0, 64:96]
    a45 = a[:, 0, 96:160]

    def scatter_cols(v_src, v_dst):
        m = jnp.zeros((D_IN, 16), jnp.float32)
        for h in range(HEADS):
            m = m.at[h * OPH:(h + 1) * OPH, h].set(v_src[h])
            m = m.at[h * OPH:(h + 1) * OPH, 8 + h].set(v_dst[h])
        return m

    p16e = scatter_cols(a1, a2)
    p16r = scatter_cols(-a3, a3)

    ta, the = _phase1(x, we_cat, wr_cat, p16e, p16r)

    zacc = jnp.zeros((N, ACC_W), jnp.float32)
    acc = _phase2(src, dst, ta, the, a45, zacc)

    r16 = jnp.zeros((16, 128), jnp.float32)
    for h in range(HEADS):
        r16 = r16.at[4 * h, h * OPH:(h + 1) * OPH].set(1.0)

    return _phase3(acc, r16)

# --- scband reference (transcript-rebuilt; emitter-appended) ---
"""Pipeline reference for scband-graph-att-conv-62388694942248 (READ-ONLY COPY).

The authoritative reference and input builder live on the scoring server;
editing this copy changes nothing except your own understanding.
"""

import jax, jax.numpy as jnp
import numpy as np

N = 10000
E = 320000
D_IN = 128
HEADS = 4
OUT_PERHEAD = 32  # out_features=128 / heads=4
CONCAT = 2 * OUT_PERHEAD + 3 * OUT_PERHEAD  # difference, abs_difference, elem_product all True -> 160
ALPHA_LRELU = 0.2


def setup_inputs(seed: int = 0) -> dict:
    key = jax.random.key(seed)
    k0, k1, k2, k3, k4 = jax.random.split(key, 5)
    x = jax.random.normal(k0, (N, D_IN), dtype=jnp.float32)
    edge_index = jax.random.randint(k1, (2, E), 0, N, dtype=jnp.int32)
    # xavier-normal-ish init with gain for relu (sqrt(2))
    std_w = float(np.sqrt(2.0) * np.sqrt(2.0 / (D_IN + OUT_PERHEAD)))
    std_a = float(np.sqrt(2.0) * np.sqrt(2.0 / (1 + CONCAT)))
    We = jax.random.normal(k2, (HEADS, D_IN, OUT_PERHEAD), dtype=jnp.float32) * std_w
    Wr = jax.random.normal(k3, (HEADS, D_IN, OUT_PERHEAD), dtype=jnp.float32) * std_w
    a = jax.random.normal(k4, (HEADS, 1, CONCAT), dtype=jnp.float32) * std_a
    return {"x": x, "edge_index": edge_index, "We": We, "Wr": Wr, "a": a}


def _one_head(x, src, dst, We_h, Wr_h, a_h):
    h_e = x @ We_h                      # [N, out_perhead]
    h_r = x @ Wr_h                      # [N, out_perhead]
    he_s = jnp.take(h_e, src, axis=0)   # gather by edge src
    he_d = jnp.take(h_e, dst, axis=0)   # gather by edge dst
    hr_s = jnp.take(h_r, src, axis=0)
    hr_d = jnp.take(h_r, dst, axis=0)
    diff = hr_d - hr_s                  # relations['difference']
    absdiff = jnp.abs(diff)             # relations['abs_difference']
    prod = hr_s * hr_d                  # relations['elem_product']
    edge_h = jnp.concatenate([he_s, he_d, diff, absdiff, prod], axis=1)  # [E, CONCAT]
    alpha = edge_h @ a_h[0]             # a.mm(edge_h).squeeze() -> [E]
    alpha = jnp.where(alpha > 0, alpha, ALPHA_LRELU * alpha)  # LeakyReLU(0.2)
    # sparse softmax over segments keyed by src node (edge[0])
    seg_max = jax.ops.segment_max(alpha, src, num_segments=N)
    alpha = jnp.exp(alpha - jnp.take(seg_max, src, axis=0))
    denom = jax.ops.segment_sum(alpha, src, num_segments=N)
    alpha = alpha / (jnp.take(denom, src, axis=0) + 1e-16)
    # dropout p=0.0 -> identity
    # spmm: out[row] += alpha * h_e[col], row=edge[0], col=edge[1]
    out = jax.ops.segment_sum(alpha[:, None] * he_d, src, num_segments=N)
    return out


def reference(x, edge_index, We, Wr, a):
    src = edge_index[0]
    dst = edge_index[1]
    outs = []
    for h in range(HEADS):
        outs.append(_one_head(x, src, dst, We[h], Wr[h], a[h]))
    return jnp.concatenate(outs, axis=1)  # [N, heads*out_perhead] = [N, 128]

if __name__ == "__main__":
    import jax
    _d = setup_inputs()
    print(jax.jit(kernel)(*tuple(_d.values())))

</pallas_src>

<mosaic_0001>
#map = affine_map<(d0, d1) -> (0)>
#map1 = affine_map<(d0, d1) -> (0, 0)>
#map2 = affine_map<(d0, d1) -> (0, 0, 0)>
module attributes {stable_mosaic.version = 14 : i64} {
  func.func @_phase2_body(%arg0: i32, %arg1: i32, %arg2: memref<320000xi32, #tpu.memory_space<hbm>>, %arg3: memref<320000xi32, #tpu.memory_space<hbm>>, %arg4: memref<10000x144xf32, #tpu.memory_space<hbm>>, %arg5: memref<10000x128xf32, #tpu.memory_space<hbm>>, %arg6: memref<4x64xf32, #tpu.memory_space<hbm>>, %arg7: memref<10000x144xf32, #tpu.memory_space<hbm>>, %arg8: memref<2x10000x144xf32, #tpu.memory_space<hbm>>, %arg9: memref<40xi32, #tpu.memory_space<vmem>>, %arg10: memref<40xi32, #tpu.memory_space<vmem>>, %arg11: memref<40x144xf32, #tpu.memory_space<vmem>>, %arg12: memref<40x144xf32, #tpu.memory_space<vmem>>, %arg13: memref<40x128xf32, #tpu.memory_space<vmem>>, %arg14: memref<40xi32, #tpu.memory_space<vmem>>, %arg15: memref<40xi32, #tpu.memory_space<vmem>>, %arg16: memref<40x144xf32, #tpu.memory_space<vmem>>, %arg17: memref<40x144xf32, #tpu.memory_space<vmem>>, %arg18: memref<40x128xf32, #tpu.memory_space<vmem>>, %arg19: memref<40x144xf32, #tpu.memory_space<vmem>>, %arg20: memref<4x64xf32, #tpu.memory_space<vmem>>, %arg21: memref<10000x144xf32, #tpu.memory_space<vmem_shared>>, %arg22: memref<!tpu.dma_semaphore, #tpu.memory_space<semaphore_mem>>, %arg23: memref<!tpu.dma_semaphore, #tpu.memory_space<semaphore_mem>>, %arg24: memref<!tpu.dma_semaphore, #tpu.memory_space<semaphore_mem>>, %arg25: memref<!tpu.dma_semaphore, #tpu.memory_space<semaphore_mem>>) attributes {dimension_semantics = [#tpu.dimension_semantics<core_parallel>, #tpu.dimension_semantics<subcore_parallel>], iteration_bounds = array<i64: 2, 16>, scalar_prefetch = 0 : i64, scratch_operands = 17 : i64, tpu.core_type = #tpu.core_type<sc_vector_subcore>, window_params = [{transform_indices = #map}, {transform_indices = #map}, {transform_indices = #map1}, {transform_indices = #map1}, {transform_indices = #map1}, {transform_indices = #map1}, {transform_indices = #map2}]} {
    %mul3A = arith.constant 2 : i32
    %mul3A_0 = arith.muli %arg1, %mul3A : i32
    %add3A = arith.addi %mul3A_0, %arg0 : i32
    %eq3A = arith.constant 0 : i32
    %eq3A_1 = arith.cmpi eq, %arg1, %eq3A : i32
    %convert_element_type3A = arith.extui %eq3A_1 : i1 to i32
    %cond3A = arith.constant 0 : i32
    %cond3A_2 = arith.cmpi ne, %convert_element_type3A, %cond3A : i32
    scf.if %cond3A_2 {
      "tpu.region"() ({
        %run_scoped3A = tpu.sem_alloc : memref<!tpu.dma_semaphore, #tpu.memory_space<semaphore_mem>>
        tpu.enqueue_dma source(%arg7 : memref<10000x144xf32, #tpu.memory_space<hbm>>) target(%arg21 : memref<10000x144xf32, #tpu.memory_space<vmem_shared>>) target_semaphore(%run_scoped3A : memref<!tpu.dma_semaphore, #tpu.memory_space<semaphore_mem>>)
        tpu.wait_dma2 semaphore(%run_scoped3A : memref<!tpu.dma_semaphore, #tpu.memory_space<semaphore_mem>>) src(%arg7 : memref<10000x144xf32, #tpu.memory_space<hbm>>) dst(%arg21 : memref<10000x144xf32, #tpu.memory_space<vmem_shared>>)
        tpu.yield
      }) : () -> ()
    } else {
    }
    "tpu.region"() ({
      %run_scoped3A = tpu.sem_alloc : memref<!tpu.dma_semaphore, #tpu.memory_space<semaphore_mem>>
      tpu.enqueue_dma source(%arg6 : memref<4x64xf32, #tpu.memory_space<hbm>>) target(%arg20 : memref<4x64xf32, #tpu.memory_space<vmem>>) target_semaphore(%run_scoped3A : memref<!tpu.dma_semaphore, #tpu.memory_space<semaphore_mem>>)
      tpu.wait_dma2 semaphore(%run_scoped3A : memref<!tpu.dma_semaphore, #tpu.memory_space<semaphore_mem>>) src(%arg6 : memref<4x64xf32, #tpu.memory_space<hbm>>) dst(%arg20 : memref<4x64xf32, #tpu.memory_space<vmem>>)
      tpu.yield
    }) : () -> ()
    %barrier3A = arith.constant 0 : index
    tpu.barrier barrier_id(%barrier3A)
    %iota3A = tpu.iota {dimensions = array<i32: 0>} : vector<16xi32>
    %get3A = arith.constant 0 : i32
    %get3A_3 = arith.index_cast %get3A : i32 to index
    %get3A_4 = arith.constant 0 : index
    %get3A_5 = tpu.vector_load %arg20[%get3A_3, %get3A_4] {strides = array<i32>} : memref<4x64xf32, #tpu.memory_space<vmem>>, vector<1x16xf32>,
    %get3A_6 = vector.shape_cast %get3A_5 : vector<1x16xf32> to vector<16xf32>
    %get3A_7 = arith.constant 0 : i32
    %get3A_8 = arith.index_cast %get3A_7 : i32 to index
    %get3A_9 = arith.constant 16 : index
    %get3A_10 = tpu.vector_load %arg20[%get3A_8, %get3A_9] {strides = array<i32>} : memref<4x64xf32, #tpu.memory_space<vmem>>, vector<1x16xf32>,
    %get3A_11 = vector.shape_cast %get3A_10 : vector<1x16xf32> to vector<16xf32>
    %get3A_12 = arith.constant 1 : i32
    %get3A_13 = arith.index_cast %get3A_12 : i32 to index
    %get3A_14 = arith.constant 0 : index
    %get3A_15 = tpu.vector_load %arg20[%get3A_13, %get3A_14] {strides = array<i32>} : memref<4x64xf32, #tpu.memory_space<vmem>>, vector<1x16xf32>,
    %get3A_16 = vector.shape_cast %get3A_15 : vector<1x16xf32> to vector<16xf32>
    %get3A_17 = arith.constant 1 : i32
    %get3A_18 = arith.index_cast %get3A_17 : i32 to index
    %get3A_19 = arith.constant 16 : index
    %get3A_20 = tpu.vector_load %arg20[%get3A_18, %get3A_19] {strides = array<i32>} : memref<4x64xf32, #tpu.memory_space<vmem>>, vector<1x16xf32>,
    %get3A_21 = vector.shape_cast %get3A_20 : vector<1x16xf32> to vector<16xf32>
    %get3A_22 = arith.constant 2 : i32
    %get3A_23 = arith.index_cast %get3A_22 : i32 to index
    %get3A_24 = arith.constant 0 : index
    %get3A_25 = tpu.vector_load %arg20[%get3A_23, %get3A_24] {strides = array<i32>} : memref<4x64xf32, #tpu.memory_space<vmem>>, vector<1x16xf32>,
    %get3A_26 = vector.shape_cast %get3A_25 : vector<1x16xf32> to vector<16xf32>
    %get3A_27 = arith.constant 2 : i32
    %get3A_28 = arith.index_cast %get3A_27 : i32 to index
    %get3A_29 = arith.constant 16 : index
    %get3A_30 = tpu.vector_load %arg20[%get3A_28, %get3A_29] {strides = array<i32>} : memref<4x64xf32, #tpu.memory_space<vmem>>, vector<1x16xf32>,
    %get3A_31 = vector.shape_cast %get3A_30 : vector<1x16xf32> to vector<16xf32>
    %get3A_32 = arith.constant 3 : i32
    %get3A_33 = arith.index_cast %get3A_32 : i32 to index
    %get3A_34 = arith.constant 0 : index
    %get3A_35 = tpu.vector_load %arg20[%get3A_33, %get3A_34] {strides = array<i32>} : memref<4x64xf32, #tpu.memory_space<vmem>>, vector<1x16xf32>,
    %get3A_36 = vector.shape_cast %get3A_35 : vector<1x16xf32> to vector<16xf32>
    %get3A_37 = arith.constant 3 : i32
    %get3A_38 = arith.index_cast %get3A_37 : i32 to index
    %get3A_39 = arith.constant 16 : index
    %get3A_40 = tpu.vector_load %arg20[%get3A_38, %get3A_39] {strides = array<i32>} : memref<4x64xf32, #tpu.memory_space<vmem>>, vector<1x16xf32>,
    %get3A_41 = vector.shape_cast %get3A_40 : vector<1x16xf32> to vector<16xf32>
    %get3A_42 = arith.constant 0 : i32
    %get3A_43 = arith.index_cast %get3A_42 : i32 to index
    %get3A_44 = arith.constant 32 : index
    %get3A_45 = tpu.vector_load %arg20[%get3A_43, %get3A_44] {strides = array<i32>} : memref<4x64xf32, #tpu.memory_space<vmem>>, vector<1x16xf32>,
    %get3A_46 = vector.shape_cast %get3A_45 : vector<1x16xf32> to vector<16xf32>
    %get3A_47 = arith.constant 0 : i32
    %get3A_48 = arith.index_cast %get3A_47 : i32 to index
    %get3A_49 = arith.constant 48 : index
    %get3A_50 = tpu.vector_load %arg20[%get3A_48, %get3A_49] {strides = array<i32>} : memref<4x64xf32, #tpu.memory_space<vmem>>, vector<1x16xf32>,
    %get3A_51 = vector.shape_cast %get3A_50 : vector<1x16xf32> to vector<16xf32>
    %get3A_52 = arith.constant 1 : i32
    %get3A_53 = arith.index_cast %get3A_52 : i32 to index
    %get3A_54 = arith.constant 32 : index
    %get3A_55 = tpu.vector_load %arg20[%get3A_53, %get3A_54] {strides = array<i32>} : memref<4x64xf32, #tpu.memory_space<vmem>>, vector<1x16xf32>,
    %get3A_56 = vector.shape_cast %get3A_55 : vector<1x16xf32> to vector<16xf32>
    %get3A_57 = arith.constant 1 : i32
    %get3A_58 = arith.index_cast %get3A_57 : i32 to index
    %get3A_59 = arith.constant 48 : index
    %get3A_60 = tpu.vector_load %arg20[%get3A_58, %get3A_59] {strides = array<i32>} : memref<4x64xf32, #tpu.memory_space<vmem>>, vector<1x16xf32>,
    %get3A_61 = vector.shape_cast %get3A_60 : vector<1x16xf32> to vector<16xf32>
    %get3A_62 = arith.constant 2 : i32
    %get3A_63 = arith.index_cast %get3A_62 : i32 to index
    %get3A_64 = arith.constant 32 : index
    %get3A_65 = tpu.vector_load %arg20[%get3A_63, %get3A_64] {strides = array<i32>} : memref<4x64xf32, #tpu.memory_space<vmem>>, vector<1x16xf32>,
    %get3A_66 = vector.shape_cast %get3A_65 : vector<1x16xf32> to vector<16xf32>
    %get3A_67 = arith.constant 2 : i32
    %get3A_68 = arith.index_cast %get3A_67 : i32 to index
    %get3A_69 = arith.constant 48 : index
    %get3A_70 = tpu.vector_load %arg20[%get3A_68, %get3A_69] {strides = array<i32>} : memref<4x64xf32, #tpu.memory_space<vmem>>, vector<1x16xf32>,
    %get3A_71 = vector.shape_cast %get3A_70 : vector<1x16xf32> to vector<16xf32>
    %get3A_72 = arith.constant 3 : i32
    %get3A_73 = arith.index_cast %get3A_72 : i32 to index
    %get3A_74 = arith.constant 32 : index
    %get3A_75 = tpu.vector_load %arg20[%get3A_73, %get3A_74] {strides = array<i32>} : memref<4x64xf32, #tpu.memory_space<vmem>>, vector<1x16xf32>,
    %get3A_76 = vector.shape_cast %get3A_75 : vector<1x16xf32> to vector<16xf32>
    %get3A_77 = arith.constant 3 : i32
    %get3A_78 = arith.index_cast %get3A_77 : i32 to index
    %get3A_79 = arith.constant 48 : index
    %get3A_80 = tpu.vector_load %arg20[%get3A_78, %get3A_79] {strides = array<i32>} : memref<4x64xf32, #tpu.memory_space<vmem>>, vector<1x16xf32>,
    %get3A_81 = vector.shape_cast %get3A_80 : vector<1x16xf32> to vector<16xf32>
    %xor3A = arith.constant 1 : i32
    %xor3A_82 = vector.broadcast %xor3A : i32 to vector<16xi32>
    %xor3A_83 = arith.xori %iota3A, %xor3A_82 : vector<16xi32>
    %xor3A_84 = arith.constant 2 : i32
    %xor3A_85 = vector.broadcast %xor3A_84 : i32 to vector<16xi32>
    %xor3A_86 = arith.xori %iota3A, %xor3A_85 : vector<16xi32>
    %xor3A_87 = arith.constant 4 : i32
    %xor3A_88 = vector.broadcast %xor3A_87 : i32 to vector<16xi32>
    %xor3A_89 = arith.xori %iota3A, %xor3A_88 : vector<16xi32>
    %xor3A_90 = arith.constant 8 : i32
    %xor3A_91 = vector.broadcast %xor3A_90 : i32 to vector<16xi32>
    %xor3A_92 = arith.xori %iota3A, %xor3A_91 : vector<16xi32>
    %shift_right_logical3A = arith.constant 2 : i32
    %shift_right_logical3A_93 = vector.broadcast %shift_right_logical3A : i32 to vector<16xi32>
    %shift_right_logical3A_94 = arith.shrui %iota3A, %shift_right_logical3A_93 : vector<16xi32>
    %mul3A_95 = arith.constant 10000 : i32
    %mul3A_96 = arith.muli %add3A, %mul3A_95 : i32
    %add3A_97 = arith.constant 0 : i32
    %add3A_98 = arith.addi %mul3A_96, %add3A_97 : i32
    %dma_start3A = tpu.memref_slice %arg2[%add3A_98] : memref<320000xi32, #tpu.memory_space<hbm>> -> memref<40xi32, #tpu.memory_space<hbm>>
    %dma_start3A_99 = tpu.memref_slice %arg2[%add3A_98] : memref<320000xi32, #tpu.memory_space<hbm>> -> memref<40xi32, #tpu.memory_space<hbm>>
    tpu.enqueue_dma source(%dma_start3A_99 : memref<40xi32, #tpu.memory_space<hbm>>) target(%arg9 : memref<40xi32, #tpu.memory_space<vmem>>) target_semaphore(%arg22 : memref<!tpu.dma_semaphore, #tpu.memory_space<semaphore_mem>>)
    %dma_start3A_100 = tpu.memref_slice %arg3[%add3A_98] : memref<320000xi32, #tpu.memory_space<hbm>> -> memref<40xi32, #tpu.memory_space<hbm>>
    %dma_start3A_101 = tpu.memref_slice %arg3[%add3A_98] : memref<320000xi32, #tpu.memory_space<hbm>> -> memref<40xi32, #tpu.memory_space<hbm>>
    tpu.enqueue_dma source(%dma_start3A_101 : memref<40xi32, #tpu.memory_space<hbm>>) target(%arg10 : memref<40xi32, #tpu.memory_space<vmem>>) target_semaphore(%arg22 : memref<!tpu.dma_semaphore, #tpu.memory_space<semaphore_mem>>)
    %mul3A_102 = arith.constant 10000 : i32
    %mul3A_103 = arith.muli %add3A, %mul3A_102 : i32
    %add3A_104 = arith.constant 40 : i32
    %add3A_105 = arith.addi %mul3A_103, %add3A_104 : i32
    %dma_start3A_106 = tpu.memref_slice %arg2[%add3A_105] : memref<320000xi32, #tpu.memory_space<hbm>> -> memref<40xi32, #tpu.memory_space<hbm>>
    %dma_start3A_107 = tpu.memref_slice %arg2[%add3A_105] : memref<320000xi32, #tpu.memory_space<hbm>> -> memref<40xi32, #tpu.memory_space<hbm>>
    tpu.enqueue_dma source(%dma_start3A_107 : memref<40xi32, #tpu.memory_space<hbm>>) target(%arg14 : memref<40xi32, #tpu.memory_space<vmem>>) target_semaphore(%arg24 : memref<!tpu.dma_semaphore, #tpu.memory_space<semaphore_mem>>)
    %dma_start3A_108 = tpu.memref_slice %arg3[%add3A_105] : memref<320000xi32, #tpu.memory_space<hbm>> -> memref<40xi32, #tpu.memory_space<hbm>>
    %dma_start3A_109 = tpu.memref_slice %arg3[%add3A_105] : memref<320000xi32, #tpu.memory_space<hbm>> -> memref<40xi32, #tpu.memory_space<hbm>>
    tpu.enqueue_dma source(%dma_start3A_109 : memref<40xi32, #tpu.memory_space<hbm>>) target(%arg15 : memref<40xi32, #tpu.memory_space<vmem>>) target_semaphore(%arg24 : memref<!tpu.dma_semaphore, #tpu.memory_space<semaphore_mem>>)
    %dma_wait3A = arith.constant 0 : i32
    %dma_wait3A_110 = tpu.memref_slice %arg2[%dma_wait3A] : memref<320000xi32, #tpu.memory_space<hbm>> -> memref<40xi32, #tpu.memory_space<hbm>>
    %dma_wait3A_111 = arith.constant 0 : i32
    %dma_wait3A_112 = tpu.memref_slice %arg2[%dma_wait3A_111] : memref<320000xi32, #tpu.memory_space<hbm>> -> memref<40xi32, #tpu.memory_space<hbm>>
    tpu.wait_dma2 semaphore(%arg22 : memref<!tpu.dma_semaphore, #tpu.memory_space<semaphore_mem>>) src(%dma_wait3A_112 : memref<40xi32, #tpu.memory_space<hbm>>) dst(%arg9 : memref<40xi32, #tpu.memory_space<vmem>>)
    %dma_wait3A_113 = arith.constant 0 : i32
    %dma_wait3A_114 = tpu.memref_slice %arg3[%dma_wait3A_113] : memref<320000xi32, #tpu.memory_space<hbm>> -> memref<40xi32, #tpu.memory_space<hbm>>
    %dma_wait3A_115 = arith.constant 0 : i32
    %dma_wait3A_116 = tpu.memref_slice %arg3[%dma_wait3A_115] : memref<320000xi32, #tpu.memory_space<hbm>> -> memref<40xi32, #tpu.memory_space<hbm>>
    tpu.wait_dma2 semaphore(%arg22 : memref<!tpu.dma_semaphore, #tpu.memory_space<semaphore_mem>>) src(%dma_wait3A_116 : memref<40xi32, #tpu.memory_space<hbm>>) dst(%arg10 : memref<40xi32, #tpu.memory_space<vmem>>)
    %dma_start3A_117 = arith.constant 0 : i32
    %dma_start3A_118 = arith.constant 0 : i32
    %dma_start3A_119 = tpu.memref_slice %arg4[%dma_start3A_117, %dma_start3A_118] : memref<10000x144xf32, #tpu.memory_space<hbm>> -> memref<10000x144xf32, #tpu.memory_space<hbm>>
    tpu.enqueue_indirect_dma source(%dma_start3A_119 : memref<10000x144xf32, #tpu.memory_space<hbm>>) target(%arg11 : memref<40x144xf32, #tpu.memory_space<vmem>>) offsets(%arg9 : memref<40xi32, #tpu.memory_space<vmem>>) semaphore(%arg23 : memref<!tpu.dma_semaphore, #tpu.memory_space<semaphore_mem>>)
    %dma_start3A_120 = arith.constant 0 : i32
    %dma_start3A_121 = arith.constant 0 : i32
    %dma_start3A_122 = tpu.memref_slice %arg4[%dma_start3A_120, %dma_start3A_121] : memref<10000x144xf32, #tpu.memory_space<hbm>> -> memref<10000x144xf32, #tpu.memory_space<hbm>>
    tpu.enqueue_indirect_dma source(%dma_start3A_122 : memref<10000x144xf32, #tpu.memory_space<hbm>>) target(%arg12 : memref<40x144xf32, #tpu.memory_space<vmem>>) offsets(%arg10 : memref<40xi32, #tpu.memory_space<vmem>>) semaphore(%arg23 : memref<!tpu.dma_semaphore, #tpu.memory_space<semaphore_mem>>)
    %dma_start3A_123 = arith.constant 0 : i32
    %dma_start3A_124 = arith.constant 0 : i32
    %dma_start3A_125 = tpu.memref_slice %arg5[%dma_start3A_123, %dma_start3A_124] : memref<10000x128xf32, #tpu.memory_space<hbm>> -> memref<10000x128xf32, #tpu.memory_space<hbm>>
    tpu.enqueue_indirect_dma source(%dma_start3A_125 : memref<10000x128xf32, #tpu.memory_space<hbm>>) target(%arg13 : memref<40x128xf32, #tpu.memory_space<vmem>>) offsets(%arg10 : memref<40xi32, #tpu.memory_space<vmem>>) semaphore(%arg23 : memref<!tpu.dma_semaphore, #tpu.memory_space<semaphore_mem>>)
    %scan3A = arith.constant 0 : i32
    %scan3A_126 = arith.constant 0 : i32
    %scan3A_127 = arith.constant 250 : i32
    %scan3A_128 = arith.addi %scan3A_126, %scan3A_127 : i32
    %scan3A_129 = arith.constant 1 : i32
    scf.for %scan3A_143 = %scan3A_126 to %scan3A_128 step %scan3A_129  : i32 {
      %jit3A = arith.constant 2 : i32
      %eq3A_144 = arith.constant 0 : i32
      %eq3A_145 = arith.cmpi eq, %jit3A, %eq3A_144 : i32
      %jit3A_146 = arith.constant 1 : i32
      %select_n3A = arith.select %eq3A_145, %jit3A_146, %jit3A : i32
      %rem3A = arith.remsi %scan3A_143, %select_n3A : i32
      %ne3A = arith.constant 0 : i32
      %ne3A_147 = arith.cmpi ne, %rem3A, %ne3A : i32
      %lt3A_148 = arith.constant 0 : i32
      %lt3A_149 = arith.cmpi slt, %rem3A, %lt3A_148 : i32
      %lt3A_150 = arith.constant 0 : i32
      %lt3A_151 = arith.cmpi slt, %select_n3A, %lt3A_150 : i32
      %ne3A_152 = arith.xori %lt3A_149, %lt3A_151 : i1
      %and3A = arith.andi %ne3A_152, %ne3A_147 : i1
      %add3A_153 = arith.addi %rem3A, %select_n3A : i32
      %select_n3A_154 = arith.select %and3A, %add3A_153, %rem3A : i32
      %eq3A_155 = arith.constant 0 : i32
      %eq3A_156 = arith.cmpi eq, %select_n3A_154, %eq3A_155 : i32
      %convert_element_type3A_157 = arith.extui %eq3A_156 : i1 to i32
      %cond3A_158 = arith.constant 0 : i32
      %cond3A_159 = arith.cmpi ne, %convert_element_type3A_157, %cond3A_158 : i32
      scf.if %cond3A_159 {
        %dma_wait3A_181 = arith.constant 0 : i32
        %dma_wait3A_182 = arith.constant 0 : i32
        %dma_wait3A_183 = tpu.memref_slice %arg4[%dma_wait3A_181, %dma_wait3A_182] : memref<10000x144xf32, #tpu.memory_space<hbm>> -> memref<10000x144xf32, #tpu.memory_space<hbm>>
        tpu.wait_indirect_dma semaphore(%arg23 : memref<!tpu.dma_semaphore, #tpu.memory_space<semaphore_mem>>) src(%dma_wait3A_183 : memref<10000x144xf32, #tpu.memory_space<hbm>>) dst(%arg11 : memref<40x144xf32, #tpu.memory_space<vmem>>)
        %dma_wait3A_184 = arith.constant 0 : i32
        %dma_wait3A_185 = arith.constant 0 : i32
        %dma_wait3A_186 = tpu.memref_slice %arg4[%dma_wait3A_184, %dma_wait3A_185] : memref<10000x144xf32, #tpu.memory_space<hbm>> -> memref<10000x144xf32, #tpu.memory_space<hbm>>
        tpu.wait_indirect_dma semaphore(%arg23 : memref<!tpu.dma_semaphore, #tpu.memory_space<semaphore_mem>>) src(%dma_wait3A_186 : memref<10000x144xf32, #tpu.memory_space<hbm>>) dst(%arg12 : memref<40x144xf32, #tpu.memory_space<vmem>>)
        %dma_wait3A_187 = arith.constant 0 : i32
        %dma_wait3A_188 = arith.constant 0 : i32
        %dma_wait3A_189 = tpu.memref_slice %arg5[%dma_wait3A_187, %dma_wait3A_188] : memref<10000x128xf32, #tpu.memory_space<hbm>> -> memref<10000x128xf32, #tpu.memory_space<hbm>>
        tpu.wait_indirect_dma semaphore(%arg23 : memref<!tpu.dma_semaphore, #tpu.memory_space<semaphore_mem>>) src(%dma_wait3A_189 : memref<10000x128xf32, #tpu.memory_space<hbm>>) dst(%arg13 : memref<40x128xf32, #tpu.memory_space<vmem>>)
        %add3A_190 = arith.constant 1 : i32
        %add3A_191 = arith.addi %scan3A_143, %add3A_190 : i32
        %lt3A_192 = arith.constant 250 : i32
        %lt3A_193 = arith.cmpi slt, %add3A_191, %lt3A_192 : i32
        %convert_element_type3A_194 = arith.extui %lt3A_193 : i1 to i32
        %cond3A_195 = arith.constant 0 : i32
        %cond3A_196 = arith.cmpi ne, %convert_element_type3A_194, %cond3A_195 : i32
        scf.if %cond3A_196 {
          %dma_wait3A_206 = arith.constant 0 : i32
          %dma_wait3A_207 = tpu.memref_slice %arg2[%dma_wait3A_206] : memref<320000xi32, #tpu.memory_space<hbm>> -> memref<40xi32, #tpu.memory_space<hbm>>
          %dma_wait3A_208 = arith.constant 0 : i32
          %dma_wait3A_209 = tpu.memref_slice %arg2[%dma_wait3A_208] : memref<320000xi32, #tpu.memory_space<hbm>> -> memref<40xi32, #tpu.memory_space<hbm>>
          tpu.wait_dma2 semaphore(%arg24 : memref<!tpu.dma_semaphore, #tpu.memory_space<semaphore_mem>>) src(%dma_wait3A_209 : memref<40xi32, #tpu.memory_space<hbm>>) dst(%arg14 : memref<40xi32, #tpu.memory_space<vmem>>)
          %dma_wait3A_210 = arith.constant 0 : i32
          %dma_wait3A_211 = tpu.memref_slice %arg3[%dma_wait3A_210] : memref<320000xi32, #tpu.memory_space<hbm>> -> memref<40xi32, #tpu.memory_space<hbm>>
          %dma_wait3A_212 = arith.constant 0 : i32
          %dma_wait3A_213 = tpu.memref_slice %arg3[%dma_wait3A_212] : memref<320000xi32, #tpu.memory_space<hbm>> -> memref<40xi32, #tpu.memory_space<hbm>>
          tpu.wait_dma2 semaphore(%arg24 : memref<!tpu.dma_semaphore, #tpu.memory_space<semaphore_mem>>) src(%dma_wait3A_213 : memref<40xi32, #tpu.memory_space<hbm>>) dst(%arg15 : memref<40xi32, #tpu.memory_space<vmem>>)
          %dma_start3A_214 = arith.constant 0 : i32
          %dma_start3A_215 = arith.constant 0 : i32
          %dma_start3A_216 = tpu.memref_slice %arg4[%dma_start3A_214, %dma_start3A_215] : memref<10000x144xf32, #tpu.memory_space<hbm>> -> memref<10000x144xf32, #tpu.memory_space<hbm>>
          tpu.enqueue_indirect_dma source(%dma_start3A_216 : memref<10000x144xf32, #tpu.memory_space<hbm>>) target(%arg16 : memref<40x144xf32, #tpu.memory_space<vmem>>) offsets(%arg14 : memref<40xi32, #tpu.memory_space<vmem>>) semaphore(%arg25 : memref<!tpu.dma_semaphore, #tpu.memory_space<semaphore_mem>>)
          %dma_start3A_217 = arith.constant 0 : i32
          %dma_start3A_218 = arith.constant 0 : i32
          %dma_start3A_219 = tpu.memref_slice %arg4[%dma_start3A_217, %dma_start3A_218] : memref<10000x144xf32, #tpu.memory_space<hbm>> -> memref<10000x144xf32, #tpu.memory_space<hbm>>
          tpu.enqueue_indirect_dma source(%dma_start3A_219 : memref<10000x144xf32, #tpu.memory_space<hbm>>) target(%arg17 : memref<40x144xf32, #tpu.memory_space<vmem>>) offsets(%arg15 : memref<40xi32, #tpu.memory_space<vmem>>) semaphore(%arg25 : memref<!tpu.dma_semaphore, #tpu.memory_space<semaphore_mem>>)
          %dma_start3A_220 = arith.constant 0 : i32
          %dma_start3A_221 = arith.constant 0 : i32
          %dma_start3A_222 = tpu.memref_slice %arg5[%dma_start3A_220, %dma_start3A_221] : memref<10000x128xf32, #tpu.memory_space<hbm>> -> memref<10000x128xf32, #tpu.memory_space<hbm>>
          tpu.enqueue_indirect_dma source(%dma_start3A_222 : memref<10000x128xf32, #tpu.memory_space<hbm>>) target(%arg18 : memref<40x128xf32, #tpu.memory_space<vmem>>) offsets(%arg15 : memref<40xi32, #tpu.memory_space<vmem>>) semaphore(%arg25 : memref<!tpu.dma_semaphore, #tpu.memory_space<semaphore_mem>>)
        } else {
        }
        %parallel_loop3A = arith.constant 0 : i32
        %parallel_loop3A_197 = arith.constant 40 : i32
        %parallel_loop3A_198 = arith.constant 1 : i32
        scf.for %parallel_loop3A_206 = %parallel_loop3A to %parallel_loop3A_197 step %parallel_loop3A_198  : i32 {
          %parallel_loop3A_207 = arith.index_cast %parallel_loop3A_206 : i32 to index
          %parallel_loop3A_208 = arith.constant 128 : index
          %parallel_loop3A_209 = tpu.vector_load %arg11[%parallel_loop3A_207, %parallel_loop3A_208] {strides = array<i32>} : memref<40x144xf32, #tpu.memory_space<vmem>>, vector<1x16xf32>,
          %parallel_loop3A_210 = vector.shape_cast %parallel_loop3A_209 : vector<1x16xf32> to vector<16xf32>
          %parallel_loop3A_211 = arith.index_cast %parallel_loop3A_206 : i32 to index
          %parallel_loop3A_212 = arith.constant 128 : index
          %parallel_loop3A_213 = tpu.vector_load %arg12[%parallel_loop3A_211, %parallel_loop3A_212] {strides = array<i32>} : memref<40x144xf32, #tpu.memory_space<vmem>>, vector<1x16xf32>,
          %parallel_loop3A_214 = vector.shape_cast %parallel_loop3A_213 : vector<1x16xf32> to vector<16xf32>
          %parallel_loop3A_215 = arith.index_cast %parallel_loop3A_206 : i32 to index
          %parallel_loop3A_216 = arith.constant 0 : index
          %parallel_loop3A_217 = tpu.vector_load %arg11[%parallel_loop3A_215, %parallel_loop3A_216] {strides = array<i32>} : memref<40x144xf32, #tpu.memory_space<vmem>>, vector<1x16xf32>,
          %parallel_loop3A_218 = vector.shape_cast %parallel_loop3A_217 : vector<1x16xf32> to vector<16xf32>
          %parallel_loop3A_219 = arith.index_cast %parallel_loop3A_206 : i32 to index
          %parallel_loop3A_220 = arith.constant 16 : index
          %parallel_loop3A_221 = tpu.vector_load %arg11[%parallel_loop3A_219, %parallel_loop3A_220] {strides = array<i32>} : memref<40x144xf32, #tpu.memory_space<vmem>>, vector<1x16xf32>,
          %parallel_loop3A_222 = vector.shape_cast %parallel_loop3A_221 : vector<1x16xf32> to vector<16xf32>
          %parallel_loop3A_223 = arith.index_cast %parallel_loop3A_206 : i32 to index
          %parallel_loop3A_224 = arith.constant 0 : index
          %parallel_loop3A_225 = tpu.vector_load %arg12[%parallel_loop3A_223, %parallel_loop3A_224] {strides = array<i32>} : memref<40x144xf32, #tpu.memory_space<vmem>>, vector<1x16xf32>,
          %parallel_loop3A_226 = vector.shape_cast %parallel_loop3A_225 : vector<1x16xf32> to vector<16xf32>
          %parallel_loop3A_227 = arith.index_cast %parallel_loop3A_206 : i32 to index
          %parallel_loop3A_228 = arith.constant 16 : index
          %parallel_loop3A_229 = tpu.vector_load %arg12[%parallel_loop3A_227, %parallel_loop3A_228] {strides = array<i32>} : memref<40x144xf32, #tpu.memory_space<vmem>>, vector<1x16xf32>,
          %parallel_loop3A_230 = vector.shape_cast %parallel_loop3A_229 : vector<1x16xf32> to vector<16xf32>
          %parallel_loop3A_231 = arith.subf %parallel_loop3A_226, %parallel_loop3A_218 : vector<16xf32>
          %parallel_loop3A_232 = math.absf %parallel_loop3A_231 : vector<16xf32>
          %parallel_loop3A_233 = arith.mulf %parallel_loop3A_232, %get3A_6 : vector<16xf32>
          %parallel_loop3A_234 = arith.subf %parallel_loop3A_230, %parallel_loop3A_222 : vector<16xf32>
          %parallel_loop3A_235 = math.absf %parallel_loop3A_234 : vector<16xf32>
          %parallel_loop3A_236 = arith.mulf %parallel_loop3A_235, %get3A_11 : vector<16xf32>
          %parallel_loop3A_237 = arith.addf %parallel_loop3A_233, %parallel_loop3A_236 : vector<16xf32>
          %parallel_loop3A_238 = arith.mulf %parallel_loop3A_218, %parallel_loop3A_226 : vector<16xf32>
          %parallel_loop3A_239 = arith.mulf %parallel_loop3A_238, %get3A_46 : vector<16xf32>
          %parallel_loop3A_240 = arith.addf %parallel_loop3A_237, %parallel_loop3A_239 : vector<16xf32>
          %parallel_loop3A_241 = arith.mulf %parallel_loop3A_222, %parallel_loop3A_230 : vector<16xf32>
          %parallel_loop3A_242 = arith.mulf %parallel_loop3A_241, %get3A_51 : vector<16xf32>
          %parallel_loop3A_243 = arith.addf %parallel_loop3A_240, %parallel_loop3A_242 : vector<16xf32>
          %parallel_loop3A_244 = arith.constant 0 : i32
          %parallel_loop3A_245 = vector.broadcast %parallel_loop3A_244 : i32 to vector<16xi32>
          %parallel_loop3A_246 = arith.cmpi eq, %iota3A, %parallel_loop3A_245 : vector<16xi32>
          %parallel_loop3A_247 = arith.constant 0.000000e+00 : f32
          %parallel_loop3A_248 = vector.broadcast %parallel_loop3A_247 : f32 to vector<16xf32>
          %parallel_loop3A_249 = arith.select %parallel_loop3A_246, %parallel_loop3A_210, %parallel_loop3A_248 : vector<16xi1>, vector<16xf32>
          %parallel_loop3A_250 = arith.addf %parallel_loop3A_243, %parallel_loop3A_249 : vector<16xf32>
          %parallel_loop3A_251 = arith.constant 8 : i32
          %parallel_loop3A_252 = vector.broadcast %parallel_loop3A_251 : i32 to vector<16xi32>
          %parallel_loop3A_253 = arith.cmpi eq, %iota3A, %parallel_loop3A_252 : vector<16xi32>
          %parallel_loop3A_254 = arith.constant 0.000000e+00 : f32
          %parallel_loop3A_255 = vector.broadcast %parallel_loop3A_254 : f32 to vector<16xf32>
          %parallel_loop3A_256 = arith.select %parallel_loop3A_253, %parallel_loop3A_214, %parallel_loop3A_255 : vector<16xi1>, vector<16xf32>
          %parallel_loop3A_257 = arith.addf %parallel_loop3A_250, %parallel_loop3A_256 : vector<16xf32>
          %parallel_loop3A_258 = arith.constant 0 : i32
          %parallel_loop3A_259 = vector.broadcast %parallel_loop3A_258 : i32 to vector<16xi32>
          %parallel_loop3A_260 = arith.cmpi slt, %xor3A_92, %parallel_loop3A_259 : vector<16xi32>
          %parallel_loop3A_261 = arith.constant 16 : i32
          %parallel_loop3A_262 = vector.broadcast %parallel_loop3A_261 : i32 to vector<16xi32>
          %parallel_loop3A_263 = arith.addi %xor3A_92, %parallel_loop3A_262 : vector<16xi32>
          %parallel_loop3A_264 = arith.select %parallel_loop3A_260, %parallel_loop3A_263, %xor3A_92 : vector<16xi1>, vector<16xi32>
          %parallel_loop3A_265 = vector.shape_cast %parallel_loop3A_264 : vector<16xi32> to vector<16x1xi32>
          %parallel_loop3A_266 = vector.shape_cast %parallel_loop3A_265 : vector<16x1xi32> to vector<16xi32>
          %parallel_loop3A_267 = tpu.dynamic_gather %parallel_loop3A_257[%parallel_loop3A_266] in [0] : vector<16xf32>, vector<16xi32> -> vector<16xf32>
          %parallel_loop3A_268 = arith.addf %parallel_loop3A_257, %parallel_loop3A_267 : vector<16xf32>
          %parallel_loop3A_269 = arith.constant 0 : i32
          %parallel_loop3A_270 = vector.broadcast %parallel_loop3A_269 : i32 to vector<16xi32>
          %parallel_loop3A_271 = arith.cmpi slt, %xor3A_89, %parallel_loop3A_270 : vector<16xi32>
          %parallel_loop3A_272 = arith.constant 16 : i32
          %parallel_loop3A_273 = vector.broadcast %parallel_loop3A_272 : i32 to vector<16xi32>
          %parallel_loop3A_274 = arith.addi %xor3A_89, %parallel_loop3A_273 : vector<16xi32>
          %parallel_loop3A_275 = arith.select %parallel_loop3A_271, %parallel_loop3A_274, %xor3A_89 : vector<16xi1>, vector<16xi32>
          %parallel_loop3A_276 = vector.shape_cast %parallel_loop3A_275 : vector<16xi32> to vector<16x1xi32>
          %parallel_loop3A_277 = vector.shape_cast %parallel_loop3A_276 : vector<16x1xi32> to vector<16xi32>
          %parallel_loop3A_278 = tpu.dynamic_gather %parallel_loop3A_268[%parallel_loop3A_277] in [0] : vector<16xf32>, vector<16xi32> -> vector<16xf32>
          %parallel_loop3A_279 = arith.addf %parallel_loop3A_268, %parallel_loop3A_278 : vector<16xf32>
          %parallel_loop3A_280 = arith.index_cast %parallel_loop3A_206 : i32 to index
          %parallel_loop3A_281 = arith.constant 32 : index
          %parallel_loop3A_282 = tpu.vector_load %arg11[%parallel_loop3A_280, %parallel_loop3A_281] {strides = array<i32>} : memref<40x144xf32, #tpu.memory_space<vmem>>, vector<1x16xf32>,
          %parallel_loop3A_283 = vector.shape_cast %parallel_loop3A_282 : vector<1x16xf32> to vector<16xf32>
          %parallel_loop3A_284 = arith.index_cast %parallel_loop3A_206 : i32 to index
          %parallel_loop3A_285 = arith.constant 48 : index
          %parallel_loop3A_286 = tpu.vector_load %arg11[%parallel_loop3A_284, %parallel_loop3A_285] {strides = array<i32>} : memref<40x144xf32, #tpu.memory_space<vmem>>, vector<1x16xf32>,
          %parallel_loop3A_287 = vector.shape_cast %parallel_loop3A_286 : vector<1x16xf32> to vector<16xf32>
          %parallel_loop3A_288 = arith.index_cast %parallel_loop3A_206 : i32 to index
          %parallel_loop3A_289 = arith.constant 32 : index
          %parallel_loop3A_290 = tpu.vector_load %arg12[%parallel_loop3A_288, %parallel_loop3A_289] {strides = array<i32>} : memref<40x144xf32, #tpu.memory_space<vmem>>, vector<1x16xf32>,
          %parallel_loop3A_291 = vector.shape_cast %parallel_loop3A_290 : vector<1x16xf32> to vector<16xf32>
          %parallel_loop3A_292 = arith.index_cast %parallel_loop3A_206 : i32 to index
          %parallel_loop3A_293 = arith.constant 48 : index
          %parallel_loop3A_294 = tpu.vector_load %arg12[%parallel_loop3A_292, %parallel_loop3A_293] {strides = array<i32>} : memref<40x144xf32, #tpu.memory_space<vmem>>, vector<1x16xf32>,
          %parallel_loop3A_295 = vector.shape_cast %parallel_loop3A_294 : vector<1x16xf32> to vector<16xf32>
          %parallel_loop3A_296 = arith.subf %parallel_loop3A_291, %parallel_loop3A_283 : vector<16xf32>
          %parallel_loop3A_297 = math.absf %parallel_loop3A_296 : vector<16xf32>
          %parallel_loop3A_298 = arith.mulf %parallel_loop3A_297, %get3A_16 : vector<16xf32>
          %parallel_loop3A_299 = arith.subf %parallel_loop3A_295, %parallel_loop3A_287 : vector<16xf32>
          %parallel_loop3A_300 = math.absf %parallel_loop3A_299 : vector<16xf32>
          %parallel_loop3A_301 = arith.mulf %parallel_loop3A_300, %get3A_21 : vector<16xf32>
          %parallel_loop3A_302 = arith.addf %parallel_loop3A_298, %parallel_loop3A_301 : vector<16xf32>
          %parallel_loop3A_303 = arith.mulf %parallel_loop3A_283, %parallel_loop3A_291 : vector<16xf32>
          %parallel_loop3A_304 = arith.mulf %parallel_loop3A_303, %get3A_56 : vector<16xf32>
          %parallel_loop3A_305 = arith.addf %parallel_loop3A_302, %parallel_loop3A_304 : vector<16xf32>
          %parallel_loop3A_306 = arith.mulf %parallel_loop3A_287, %parallel_loop3A_295 : vector<16xf32>
          %parallel_loop3A_307 = arith.mulf %parallel_loop3A_306, %get3A_61 : vector<16xf32>
          %parallel_loop3A_308 = arith.addf %parallel_loop3A_305, %parallel_loop3A_307 : vector<16xf32>
          %parallel_loop3A_309 = arith.constant 1 : i32
          %parallel_loop3A_310 = vector.broadcast %parallel_loop3A_309 : i32 to vector<16xi32>
          %parallel_loop3A_311 = arith.cmpi eq, %iota3A, %parallel_loop3A_310 : vector<16xi32>
          %parallel_loop3A_312 = arith.constant 0.000000e+00 : f32
          %parallel_loop3A_313 = vector.broadcast %parallel_loop3A_312 : f32 to vector<16xf32>
          %parallel_loop3A_314 = arith.select %parallel_loop3A_311, %parallel_loop3A_210, %parallel_loop3A_313 : vector<16xi1>, vector<16xf32>
          %parallel_loop3A_315 = arith.addf %parallel_loop3A_308, %parallel_loop3A_314 : vector<16xf32>
          %parallel_loop3A_316 = arith.constant 9 : i32
          %parallel_loop3A_317 = vector.broadcast %parallel_loop3A_316 : i32 to vector<16xi32>
          %parallel_loop3A_318 = arith.cmpi eq, %iota3A, %parallel_loop3A_317 : vector<16xi32>
          %parallel_loop3A_319 = arith.constant 0.000000e+00 : f32
          %parallel_loop3A_320 = vector.broadcast %parallel_loop3A_319 : f32 to vector<16xf32>
          %parallel_loop3A_321 = arith.select %parallel_loop3A_318, %parallel_loop3A_214, %parallel_loop3A_320 : vector<16xi1>, vector<16xf32>
          %parallel_loop3A_322 = arith.addf %parallel_loop3A_315, %parallel_loop3A_321 : vector<16xf32>
          %parallel_loop3A_323 = arith.constant 0 : i32
          %parallel_loop3A_324 = vector.broadcast %parallel_loop3A_323 : i32 to vector<16xi32>
          %parallel_loop3A_325 = arith.cmpi slt, %xor3A_92, %parallel_loop3A_324 : vector<16xi32>
          %parallel_loop3A_326 = arith.constant 16 : i32
          %parallel_loop3A_327 = vector.broadcast %parallel_loop3A_326 : i32 to vector<16xi32>
          %parallel_loop3A_328 = arith.addi %xor3A_92, %parallel_loop3A_327 : vector<16xi32>
          %parallel_loop3A_329 = arith.select %parallel_loop3A_325, %parallel_loop3A_328, %xor3A_92 : vector<16xi1>, vector<16xi32>
          %parallel_loop3A_330 = vector.shape_cast %parallel_loop3A_329 : vector<16xi32> to vector<16x1xi32>
          %parallel_loop3A_331 = vector.shape_cast %parallel_loop3A_330 : vector<16x1xi32> to vector<16xi32>
          %parallel_loop3A_332 = tpu.dynamic_gather %parallel_loop3A_322[%parallel_loop3A_331] in [0] : vector<16xf32>, vector<16xi32> -> vector<16xf32>
          %parallel_loop3A_333 = arith.addf %parallel_loop3A_322, %parallel_loop3A_332 : vector<16xf32>
          %parallel_loop3A_334 = arith.constant 0 : i32
          %parallel_loop3A_335 = vector.broadcast %parallel_loop3A_334 : i32 to vector<16xi32>
          %parallel_loop3A_336 = arith.cmpi slt, %xor3A_89, %parallel_loop3A_335 : vector<16xi32>
          %parallel_loop3A_337 = arith.constant 16 : i32
          %parallel_loop3A_338 = vector.broadcast %parallel_loop3A_337 : i32 to vector<16xi32>
          %parallel_loop3A_339 = arith.addi %xor3A_89, %parallel_loop3A_338 : vector<16xi32>
          %parallel_loop3A_340 = arith.select %parallel_loop3A_336, %parallel_loop3A_339, %xor3A_89 : vector<16xi1>, vector<16xi32>
          %parallel_loop3A_341 = vector.shape_cast %parallel_loop3A_340 : vector<16xi32> to vector<16x1xi32>
          %parallel_loop3A_342 = vector.shape_cast %parallel_loop3A_341 : vector<16x1xi32> to vector<16xi32>
          %parallel_loop3A_343 = tpu.dynamic_gather %parallel_loop3A_333[%parallel_loop3A_342] in [0] : vector<16xf32>, vector<16xi32> -> vector<16xf32>
          %parallel_loop3A_344 = arith.addf %parallel_loop3A_333, %parallel_loop3A_343 : vector<16xf32>
          %parallel_loop3A_345 = arith.index_cast %parallel_loop3A_206 : i32 to index
          %parallel_loop3A_346 = arith.constant 64 : index
          %parallel_loop3A_347 = tpu.vector_load %arg11[%parallel_loop3A_345, %parallel_loop3A_346] {strides = array<i32>} : memref<40x144xf32, #tpu.memory_space<vmem>>, vector<1x16xf32>,
          %parallel_loop3A_348 = vector.shape_cast %parallel_loop3A_347 : vector<1x16xf32> to vector<16xf32>
          %parallel_loop3A_349 = arith.index_cast %parallel_loop3A_206 : i32 to index
          %parallel_loop3A_350 = arith.constant 80 : index
          %parallel_loop3A_351 = tpu.vector_load %arg11[%parallel_loop3A_349, %parallel_loop3A_350] {strides = array<i32>} : memref<40x144xf32, #tpu.memory_space<vmem>>, vector<1x16xf32>,
          %parallel_loop3A_352 = vector.shape_cast %parallel_loop3A_351 : vector<1x16xf32> to vector<16xf32>
          %parallel_loop3A_353 = arith.index_cast %parallel_loop3A_206 : i32 to index
          %parallel_loop3A_354 = arith.constant 64 : index
          %parallel_loop3A_355 = tpu.vector_load %arg12[%parallel_loop3A_353, %parallel_loop3A_354] {strides = array<i32>} : memref<40x144xf32, #tpu.memory_space<vmem>>, vector<1x16xf32>,
          %parallel_loop3A_356 = vector.shape_cast %parallel_loop3A_355 : vector<1x16xf32> to vector<16xf32>
          %parallel_loop3A_357 = arith.index_cast %parallel_loop3A_206 : i32 to index
          %parallel_loop3A_358 = arith.constant 80 : index
          %parallel_loop3A_359 = tpu.vector_load %arg12[%parallel_loop3A_357, %parallel_loop3A_358] {strides = array<i32>} : memref<40x144xf32, #tpu.memory_space<vmem>>, vector<1x16xf32>,
          %parallel_loop3A_360 = vector.shape_cast %parallel_loop3A_359 : vector<1x16xf32> to vector<16xf32>
          %parallel_loop3A_361 = arith.subf %parallel_loop3A_356, %parallel_loop3A_348 : vector<16xf32>
          %parallel_loop3A_362 = math.absf %parallel_loop3A_361 : vector<16xf32>
          %parallel_loop3A_363 = arith.mulf %parallel_loop3A_362, %get3A_26 : vector<16xf32>
          %parallel_loop3A_364 = arith.subf %parallel_loop3A_360, %parallel_loop3A_352 : vector<16xf32>
          %parallel_loop3A_365 = math.absf %parallel_loop3A_364 : vector<16xf32>
          %parallel_loop3A_366 = arith.mulf %parallel_loop3A_365, %get3A_31 : vector<16xf32>
          %parallel_loop3A_367 = arith.addf %parallel_loop3A_363, %parallel_loop3A_366 : vector<16xf32>
          %parallel_loop3A_368 = arith.mulf %parallel_loop3A_348, %parallel_loop3A_356 : vector<16xf32>
          %parallel_loop3A_369 = arith.mulf %parallel_loop3A_368, %get3A_66 : vector<16xf32>
          %parallel_loop3A_370 = arith.addf %parallel_loop3A_367, %parallel_loop3A_369 : vector<16xf32>
          %parallel_loop3A_371 = arith.mulf %parallel_loop3A_352, %parallel_loop3A_360 : vector<16xf32>
          %parallel_loop3A_372 = arith.mulf %parallel_loop3A_371, %get3A_71 : vector<16xf32>
          %parallel_loop3A_373 = arith.addf %parallel_loop3A_370, %parallel_loop3A_372 : vector<16xf32>
          %parallel_loop3A_374 = arith.constant 2 : i32
          %parallel_loop3A_375 = vector.broadcast %parallel_loop3A_374 : i32 to vector<16xi32>
          %parallel_loop3A_376 = arith.cmpi eq, %iota3A, %parallel_loop3A_375 : vector<16xi32>
          %parallel_loop3A_377 = arith.constant 0.000000e+00 : f32
          %parallel_loop3A_378 = vector.broadcast %parallel_loop3A_377 : f32 to vector<16xf32>
          %parallel_loop3A_379 = arith.select %parallel_loop3A_376, %parallel_loop3A_210, %parallel_loop3A_378 : vector<16xi1>, vector<16xf32>
          %parallel_loop3A_380 = arith.addf %parallel_loop3A_373, %parallel_loop3A_379 : vector<16xf32>
          %parallel_loop3A_381 = arith.constant 10 : i32
          %parallel_loop3A_382 = vector.broadcast %parallel_loop3A_381 : i32 to vector<16xi32>
          %parallel_loop3A_383 = arith.cmpi eq, %iota3A, %parallel_loop3A_382 : vector<16xi32>
          %parallel_loop3A_384 = arith.constant 0.000000e+00 : f32
          %parallel_loop3A_385 = vector.broadcast %parallel_loop3A_384 : f32 to vector<16xf32>
          %parallel_loop3A_386 = arith.select %parallel_loop3A_383, %parallel_loop3A_214, %parallel_loop3A_385 : vector<16xi1>, vector<16xf32>
          %parallel_loop3A_387 = arith.addf %parallel_loop3A_380, %parallel_loop3A_386 : vector<16xf32>
          %parallel_loop3A_388 = arith.constant 0 : i32
          %parallel_loop3A_389 = vector.broadcast %parallel_loop3A_388 : i32 to vector<16xi32>
          %parallel_loop3A_390 = arith.cmpi slt, %xor3A_92, %parallel_loop3A_389 : vector<16xi32>
          %parallel_loop3A_391 = arith.constant 16 : i32
          %parallel_loop3A_392 = vector.broadcast %parallel_loop3A_391 : i32 to vector<16xi32>
          %parallel_loop3A_393 = arith.addi %xor3A_92, %parallel_loop3A_392 : vector<16xi32>
          %parallel_loop3A_394 = arith.select %parallel_loop3A_390, %parallel_loop3A_393, %xor3A_92 : vector<16xi1>, vector<16xi32>
          %parallel_loop3A_395 = vector.shape_cast %parallel_loop3A_394 : vector<16xi32> to vector<16x1xi32>
          %parallel_loop3A_396 = vector.shape_cast %parallel_loop3A_395 : vector<16x1xi32> to vector<16xi32>
          %parallel_loop3A_397 = tpu.dynamic_gather %parallel_loop3A_387[%parallel_loop3A_396] in [0] : vector<16xf32>, vector<16xi32> -> vector<16xf32>
          %parallel_loop3A_398 = arith.addf %parallel_loop3A_387, %parallel_loop3A_397 : vector<16xf32>
          %parallel_loop3A_399 = arith.constant 0 : i32
          %parallel_loop3A_400 = vector.broadcast %parallel_loop3A_399 : i32 to vector<16xi32>
          %parallel_loop3A_401 = arith.cmpi slt, %xor3A_89, %parallel_loop3A_400 : vector<16xi32>
          %parallel_loop3A_402 = arith.constant 16 : i32
          %parallel_loop3A_403 = vector.broadcast %parallel_loop3A_402 : i32 to vector<16xi32>
          %parallel_loop3A_404 = arith.addi %xor3A_89, %parallel_loop3A_403 : vector<16xi32>
          %parallel_loop3A_405 = arith.select %parallel_loop3A_401, %parallel_loop3A_404, %xor3A_89 : vector<16xi1>, vector<16xi32>
          %parallel_loop3A_406 = vector.shape_cast %parallel_loop3A_405 : vector<16xi32> to vector<16x1xi32>
          %parallel_loop3A_407 = vector.shape_cast %parallel_loop3A_406 : vector<16x1xi32> to vector<16xi32>
          %parallel_loop3A_408 = tpu.dynamic_gather %parallel_loop3A_398[%parallel_loop3A_407] in [0] : vector<16xf32>, vector<16xi32> -> vector<16xf32>
          %parallel_loop3A_409 = arith.addf %parallel_loop3A_398, %parallel_loop3A_408 : vector<16xf32>
          %parallel_loop3A_410 = arith.index_cast %parallel_loop3A_206 : i32 to index
          %parallel_loop3A_411 = arith.constant 96 : index
          %parallel_loop3A_412 = tpu.vector_load %arg11[%parallel_loop3A_410, %parallel_loop3A_411] {strides = array<i32>} : memref<40x144xf32, #tpu.memory_space<vmem>>, vector<1x16xf32>,
          %parallel_loop3A_413 = vector.shape_cast %parallel_loop3A_412 : vector<1x16xf32> to vector<16xf32>
          %parallel_loop3A_414 = arith.index_cast %parallel_loop3A_206 : i32 to index
          %parallel_loop3A_415 = arith.constant 112 : index
          %parallel_loop3A_416 = tpu.vector_load %arg11[%parallel_loop3A_414, %parallel_loop3A_415] {strides = array<i32>} : memref<40x144xf32, #tpu.memory_space<vmem>>, vector<1x16xf32>,
          %parallel_loop3A_417 = vector.shape_cast %parallel_loop3A_416 : vector<1x16xf32> to vector<16xf32>
          %parallel_loop3A_418 = arith.index_cast %parallel_loop3A_206 : i32 to index
          %parallel_loop3A_419 = arith.constant 96 : index
          %parallel_loop3A_420 = tpu.vector_load %arg12[%parallel_loop3A_418, %parallel_loop3A_419] {strides = array<i32>} : memref<40x144xf32, #tpu.memory_space<vmem>>, vector<1x16xf32>,
          %parallel_loop3A_421 = vector.shape_cast %parallel_loop3A_420 : vector<1x16xf32> to vector<16xf32>
          %parallel_loop3A_422 = arith.index_cast %parallel_loop3A_206 : i32 to index
          %parallel_loop3A_423 = arith.constant 112 : index
          %parallel_loop3A_424 = tpu.vector_load %arg12[%parallel_loop3A_422, %parallel_loop3A_423] {strides = array<i32>} : memref<40x144xf32, #tpu.memory_space<vmem>>, vector<1x16xf32>,
          %parallel_loop3A_425 = vector.shape_cast %parallel_loop3A_424 : vector<1x16xf32> to vector<16xf32>
          %parallel_loop3A_426 = arith.subf %parallel_loop3A_421, %parallel_loop3A_413 : vector<16xf32>
          %parallel_loop3A_427 = math.absf %parallel_loop3A_426 : vector<16xf32>
          %parallel_loop3A_428 = arith.mulf %parallel_loop3A_427, %get3A_36 : vector<16xf32>
          %parallel_loop3A_429 = arith.subf %parallel_loop3A_425, %parallel_loop3A_417 : vector<16xf32>
          %parallel_loop3A_430 = math.absf %parallel_loop3A_429 : vector<16xf32>
          %parallel_loop3A_431 = arith.mulf %parallel_loop3A_430, %get3A_41 : vector<16xf32>
          %parallel_loop3A_432 = arith.addf %parallel_loop3A_428, %parallel_loop3A_431 : vector<16xf32>
          %parallel_loop3A_433 = arith.mulf %parallel_loop3A_413, %parallel_loop3A_421 : vector<16xf32>
          %parallel_loop3A_434 = arith.mulf %parallel_loop3A_433, %get3A_76 : vector<16xf32>
          %parallel_loop3A_435 = arith.addf %parallel_loop3A_432, %parallel_loop3A_434 : vector<16xf32>
          %parallel_loop3A_436 = arith.mulf %parallel_loop3A_417, %parallel_loop3A_425 : vector<16xf32>
          %parallel_loop3A_437 = arith.mulf %parallel_loop3A_436, %get3A_81 : vector<16xf32>
          %parallel_loop3A_438 = arith.addf %parallel_loop3A_435, %parallel_loop3A_437 : vector<16xf32>
          %parallel_loop3A_439 = arith.constant 3 : i32
          %parallel_loop3A_440 = vector.broadcast %parallel_loop3A_439 : i32 to vector<16xi32>
          %parallel_loop3A_441 = arith.cmpi eq, %iota3A, %parallel_loop3A_440 : vector<16xi32>
          %parallel_loop3A_442 = arith.constant 0.000000e+00 : f32
          %parallel_loop3A_443 = vector.broadcast %parallel_loop3A_442 : f32 to vector<16xf32>
          %parallel_loop3A_444 = arith.select %parallel_loop3A_441, %parallel_loop3A_210, %parallel_loop3A_443 : vector<16xi1>, vector<16xf32>
          %parallel_loop3A_445 = arith.addf %parallel_loop3A_438, %parallel_loop3A_444 : vector<16xf32>
          %parallel_loop3A_446 = arith.constant 11 : i32
          %parallel_loop3A_447 = vector.broadcast %parallel_loop3A_446 : i32 to vector<16xi32>
          %parallel_loop3A_448 = arith.cmpi eq, %iota3A, %parallel_loop3A_447 : vector<16xi32>
          %parallel_loop3A_449 = arith.constant 0.000000e+00 : f32
          %parallel_loop3A_450 = vector.broadcast %parallel_loop3A_449 : f32 to vector<16xf32>
          %parallel_loop3A_451 = arith.select %parallel_loop3A_448, %parallel_loop3A_214, %parallel_loop3A_450 : vector<16xi1>, vector<16xf32>
          %parallel_loop3A_452 = arith.addf %parallel_loop3A_445, %parallel_loop3A_451 : vector<16xf32>
          %parallel_loop3A_453 = arith.constant 0 : i32
          %parallel_loop3A_454 = vector.broadcast %parallel_loop3A_453 : i32 to vector<16xi32>
          %parallel_loop3A_455 = arith.cmpi slt, %xor3A_92, %parallel_loop3A_454 : vector<16xi32>
          %parallel_loop3A_456 = arith.constant 16 : i32
          %parallel_loop3A_457 = vector.broadcast %parallel_loop3A_456 : i32 to vector<16xi32>
          %parallel_loop3A_458 = arith.addi %xor3A_92, %parallel_loop3A_457 : vector<16xi32>
          %parallel_loop3A_459 = arith.select %parallel_loop3A_455, %parallel_loop3A_458, %xor3A_92 : vector<16xi1>, vector<16xi32>
          %parallel_loop3A_460 = vector.shape_cast %parallel_loop3A_459 : vector<16xi32> to vector<16x1xi32>
          %parallel_loop3A_461 = vector.shape_cast %parallel_loop3A_460 : vector<16x1xi32> to vector<16xi32>
          %parallel_loop3A_462 = tpu.dynamic_gather %parallel_loop3A_452[%parallel_loop3A_461] in [0] : vector<16xf32>, vector<16xi32> -> vector<16xf32>
          %parallel_loop3A_463 = arith.addf %parallel_loop3A_452, %parallel_loop3A_462 : vector<16xf32>
          %parallel_loop3A_464 = arith.constant 0 : i32
          %parallel_loop3A_465 = vector.broadcast %parallel_loop3A_464 : i32 to vector<16xi32>
          %parallel_loop3A_466 = arith.cmpi slt, %xor3A_89, %parallel_loop3A_465 : vector<16xi32>
          %parallel_loop3A_467 = arith.constant 16 : i32
          %parallel_loop3A_468 = vector.broadcast %parallel_loop3A_467 : i32 to vector<16xi32>
          %parallel_loop3A_469 = arith.addi %xor3A_89, %parallel_loop3A_468 : vector<16xi32>
          %parallel_loop3A_470 = arith.select %parallel_loop3A_466, %parallel_loop3A_469, %xor3A_89 : vector<16xi1>, vector<16xi32>
          %parallel_loop3A_471 = vector.shape_cast %parallel_loop3A_470 : vector<16xi32> to vector<16x1xi32>
          %parallel_loop3A_472 = vector.shape_cast %parallel_loop3A_471 : vector<16x1xi32> to vector<16xi32>
          %parallel_loop3A_473 = tpu.dynamic_gather %parallel_loop3A_463[%parallel_loop3A_472] in [0] : vector<16xf32>, vector<16xi32> -> vector<16xf32>
          %parallel_loop3A_474 = arith.addf %parallel_loop3A_463, %parallel_loop3A_473 : vector<16xf32>
          %parallel_loop3A_475 = arith.constant 0 : i32
          %parallel_loop3A_476 = vector.broadcast %parallel_loop3A_475 : i32 to vector<16xi32>
          %parallel_loop3A_477 = arith.cmpi eq, %shift_right_logical3A_94, %parallel_loop3A_476 : vector<16xi32>
          %parallel_loop3A_478 = arith.constant 1 : i32
          %parallel_loop3A_479 = vector.broadcast %parallel_loop3A_478 : i32 to vector<16xi32>
          %parallel_loop3A_480 = arith.cmpi eq, %shift_right_logical3A_94, %parallel_loop3A_479 : vector<16xi32>
          %parallel_loop3A_481 = arith.constant 2 : i32
          %parallel_loop3A_482 = vector.broadcast %parallel_loop3A_481 : i32 to vector<16xi32>
          %parallel_loop3A_483 = arith.cmpi eq, %shift_right_logical3A_94, %parallel_loop3A_482 : vector<16xi32>
          %parallel_loop3A_484 = arith.select %parallel_loop3A_483, %parallel_loop3A_409, %parallel_loop3A_474 : vector<16xi1>, vector<16xf32>
          %parallel_loop3A_485 = arith.select %parallel_loop3A_480, %parallel_loop3A_344, %parallel_loop3A_484 : vector<16xi1>, vector<16xf32>
          %parallel_loop3A_486 = arith.select %parallel_loop3A_477, %parallel_loop3A_279, %parallel_loop3A_485 : vector<16xi1>, vector<16xf32>
          %parallel_loop3A_487 = arith.constant 0 : i32
          %parallel_loop3A_488 = vector.broadcast %parallel_loop3A_487 : i32 to vector<16xi32>
          %parallel_loop3A_489 = arith.cmpi slt, %xor3A_86, %parallel_loop3A_488 : vector<16xi32>
          %parallel_loop3A_490 = arith.constant 16 : i32
          %parallel_loop3A_491 = vector.broadcast %parallel_loop3A_490 : i32 to vector<16xi32>
          %parallel_loop3A_492 = arith.addi %xor3A_86, %parallel_loop3A_491 : vector<16xi32>
          %parallel_loop3A_493 = arith.select %parallel_loop3A_489, %parallel_loop3A_492, %xor3A_86 : vector<16xi1>, vector<16xi32>
          %parallel_loop3A_494 = vector.shape_cast %parallel_loop3A_493 : vector<16xi32> to vector<16x1xi32>
          %parallel_loop3A_495 = vector.shape_cast %parallel_loop3A_494 : vector<16x1xi32> to vector<16xi32>
          %parallel_loop3A_496 = tpu.dynamic_gather %parallel_loop3A_486[%parallel_loop3A_495] in [0] : vector<16xf32>, vector<16xi32> -> vector<16xf32>
          %parallel_loop3A_497 = arith.addf %parallel_loop3A_486, %parallel_loop3A_496 : vector<16xf32>
          %parallel_loop3A_498 = arith.constant 0 : i32
          %parallel_loop3A_499 = vector.broadcast %parallel_loop3A_498 : i32 to vector<16xi32>
          %parallel_loop3A_500 = arith.cmpi slt, %xor3A_83, %parallel_loop3A_499 : vector<16xi32>
          %parallel_loop3A_501 = arith.constant 16 : i32
          %parallel_loop3A_502 = vector.broadcast %parallel_loop3A_501 : i32 to vector<16xi32>
          %parallel_loop3A_503 = arith.addi %xor3A_83, %parallel_loop3A_502 : vector<16xi32>
          %parallel_loop3A_504 = arith.select %parallel_loop3A_500, %parallel_loop3A_503, %xor3A_83 : vector<16xi1>, vector<16xi32>
          %parallel_loop3A_505 = vector.shape_cast %parallel_loop3A_504 : vector<16xi32> to vector<16x1xi32>
          %parallel_loop3A_506 = vector.shape_cast %parallel_loop3A_505 : vector<16x1xi32> to vector<16xi32>
          %parallel_loop3A_507 = tpu.dynamic_gather %parallel_loop3A_497[%parallel_loop3A_506] in [0] : vector<16xf32>, vector<16xi32> -> vector<16xf32>
          %parallel_loop3A_508 = arith.addf %parallel_loop3A_497, %parallel_loop3A_507 : vector<16xf32>
          %parallel_loop3A_509 = arith.constant 0.000000e+00 : f32
          %parallel_loop3A_510 = vector.broadcast %parallel_loop3A_509 : f32 to vector<16xf32>
          %parallel_loop3A_511 = arith.cmpf ogt, %parallel_loop3A_508, %parallel_loop3A_510 : vector<16xf32>
          %parallel_loop3A_512 = arith.constant 2.000000e-01 : f32
          %parallel_loop3A_513 = vector.broadcast %parallel_loop3A_512 : f32 to vector<16xf32>
          %parallel_loop3A_514 = arith.mulf %parallel_loop3A_513, %parallel_loop3A_508 : vector<16xf32>
          %parallel_loop3A_515 = arith.select %parallel_loop3A_511, %parallel_loop3A_508, %parallel_loop3A_514 : vector<16xi1>, vector<16xf32>
          %parallel_loop3A_516 = math.exp %parallel_loop3A_515 : vector<16xf32>
          %parallel_loop3A_517 = arith.index_cast %parallel_loop3A_206 : i32 to index
          %parallel_loop3A_518 = arith.constant 128 : index
          %parallel_loop3A_519 = tpu.vector_load %arg19[%parallel_loop3A_517, %parallel_loop3A_518] {strides = array<i32>} : memref<40x144xf32, #tpu.memory_space<vmem>>, vector<1x16xf32>,
          %parallel_loop3A_520 = vector.shape_cast %parallel_loop3A_519 : vector<1x16xf32> to vector<16xf32>
          %parallel_loop3A_521 = vector.shape_cast %parallel_loop3A_516 : vector<16xf32> to vector<1x16xf32>
          tpu.vector_store %arg19[%parallel_loop3A_517, %parallel_loop3A_518], %parallel_loop3A_521 {strides = array<i32>} : memref<40x144xf32, #tpu.memory_space<vmem>>, vector<1x16xf32>,
          %parallel_loop3A_522 = arith.constant 0 : i32
          %parallel_loop3A_523 = vector.broadcast %parallel_loop3A_522 : i32 to vector<16xi32>
          %parallel_loop3A_524 = arith.constant 0 : i32
          %parallel_loop3A_525 = vector.broadcast %parallel_loop3A_524 : i32 to vector<16xi32>
          %parallel_loop3A_526 = arith.cmpi slt, %parallel_loop3A_523, %parallel_loop3A_525 : vector<16xi32>
          %parallel_loop3A_527 = arith.constant 16 : i32
          %parallel_loop3A_528 = vector.broadcast %parallel_loop3A_527 : i32 to vector<16xi32>
          %parallel_loop3A_529 = arith.addi %parallel_loop3A_523, %parallel_loop3A_528 : vector<16xi32>
          %parallel_loop3A_530 = arith.select %parallel_loop3A_526, %parallel_loop3A_529, %parallel_loop3A_523 : vector<16xi1>, vector<16xi32>
          %parallel_loop3A_531 = vector.shape_cast %parallel_loop3A_530 : vector<16xi32> to vector<16x1xi32>
          %parallel_loop3A_532 = vector.shape_cast %parallel_loop3A_531 : vector<16x1xi32> to vector<16xi32>
          %parallel_loop3A_533 = tpu.dynamic_gather %parallel_loop3A_516[%parallel_loop3A_532] in [0] : vector<16xf32>, vector<16xi32> -> vector<16xf32>
          %parallel_loop3A_534 = arith.index_cast %parallel_loop3A_206 : i32 to index
          %parallel_loop3A_535 = arith.constant 0 : index
          %parallel_loop3A_536 = tpu.vector_load %arg13[%parallel_loop3A_534, %parallel_loop3A_535] {strides = array<i32>} : memref<40x128xf32, #tpu.memory_space<vmem>>, vector<1x16xf32>,
          %parallel_loop3A_537 = vector.shape_cast %parallel_loop3A_536 : vector<1x16xf32> to vector<16xf32>
          %parallel_loop3A_538 = arith.mulf %parallel_loop3A_537, %parallel_loop3A_533 : vector<16xf32>
          %parallel_loop3A_539 = arith.index_cast %parallel_loop3A_206 : i32 to index
          %parallel_loop3A_540 = arith.constant 0 : index
          %parallel_loop3A_541 = tpu.vector_load %arg19[%parallel_loop3A_539, %parallel_loop3A_540] {strides = array<i32>} : memref<40x144xf32, #tpu.memory_space<vmem>>, vector<1x16xf32>,
          %parallel_loop3A_542 = vector.shape_cast %parallel_loop3A_541 : vector<1x16xf32> to vector<16xf32>
          %parallel_loop3A_543 = vector.shape_cast %parallel_loop3A_538 : vector<16xf32> to vector<1x16xf32>
          tpu.vector_store %arg19[%parallel_loop3A_539, %parallel_loop3A_540], %parallel_loop3A_543 {strides = array<i32>} : memref<40x144xf32, #tpu.memory_space<vmem>>, vector<1x16xf32>,
          %parallel_loop3A_544 = arith.index_cast %parallel_loop3A_206 : i32 to index
          %parallel_loop3A_545 = arith.constant 16 : index
          %parallel_loop3A_546 = tpu.vector_load %arg13[%parallel_loop3A_544, %parallel_loop3A_545] {strides = array<i32>} : memref<40x128xf32, #tpu.memory_space<vmem>>, vector<1x16xf32>,
          %parallel_loop3A_547 = vector.shape_cast %parallel_loop3A_546 : vector<1x16xf32> to vector<16xf32>
          %parallel_loop3A_548 = arith.mulf %parallel_loop3A_547, %parallel_loop3A_533 : vector<16xf32>
          %parallel_loop3A_549 = arith.index_cast %parallel_loop3A_206 : i32 to index
          %parallel_loop3A_550 = arith.constant 16 : index
          %parallel_loop3A_551 = tpu.vector_load %arg19[%parallel_loop3A_549, %parallel_loop3A_550] {strides = array<i32>} : memref<40x144xf32, #tpu.memory_space<vmem>>, vector<1x16xf32>,
          %parallel_loop3A_552 = vector.shape_cast %parallel_loop3A_551 : vector<1x16xf32> to vector<16xf32>
          %parallel_loop3A_553 = vector.shape_cast %parallel_loop3A_548 : vector<16xf32> to vector<1x16xf32>
          tpu.vector_store %arg19[%parallel_loop3A_549, %parallel_loop3A_550], %parallel_loop3A_553 {strides = array<i32>} : memref<40x144xf32, #tpu.memory_space<vmem>>, vector<1x16xf32>,
          %parallel_loop3A_554 = arith.constant 4 : i32
          %parallel_loop3A_555 = vector.broadcast %parallel_loop3A_554 : i32 to vector<16xi32>
          %parallel_loop3A_556 = arith.constant 0 : i32
          %parallel_loop3A_557 = vector.broadcast %parallel_loop3A_556 : i32 to vector<16xi32>
          %parallel_loop3A_558 = arith.cmpi slt, %parallel_loop3A_555, %parallel_loop3A_557 : vector<16xi32>
          %parallel_loop3A_559 = arith.constant 16 : i32
          %parallel_loop3A_560 = vector.broadcast %parallel_loop3A_559 : i32 to vector<16xi32>
          %parallel_loop3A_561 = arith.addi %parallel_loop3A_555, %parallel_loop3A_560 : vector<16xi32>
          %parallel_loop3A_562 = arith.select %parallel_loop3A_558, %parallel_loop3A_561, %parallel_loop3A_555 : vector<16xi1>, vector<16xi32>
          %parallel_loop3A_563 = vector.shape_cast %parallel_loop3A_562 : vector<16xi32> to vector<16x1xi32>
          %parallel_loop3A_564 = vector.shape_cast %parallel_loop3A_563 : vector<16x1xi32> to vector<16xi32>
          %parallel_loop3A_565 = tpu.dynamic_gather %parallel_loop3A_516[%parallel_loop3A_564] in [0] : vector<16xf32>, vector<16xi32> -> vector<16xf32>
          %parallel_loop3A_566 = arith.index_cast %parallel_loop3A_206 : i32 to index
          %parallel_loop3A_567 = arith.constant 32 : index
          %parallel_loop3A_568 = tpu.vector_load %arg13[%parallel_loop3A_566, %parallel_loop3A_567] {strides = array<i32>} : memref<40x128xf32, #tpu.memory_space<vmem>>, vector<1x16xf32>,
          %parallel_loop3A_569 = vector.shape_cast %parallel_loop3A_568 : vector<1x16xf32> to vector<16xf32>
          %parallel_loop3A_570 = arith.mulf %parallel_loop3A_569, %parallel_loop3A_565 : vector<16xf32>
          %parallel_loop3A_571 = arith.index_cast %parallel_loop3A_206 : i32 to index
          %parallel_loop3A_572 = arith.constant 32 : index
          %parallel_loop3A_573 = tpu.vector_load %arg19[%parallel_loop3A_571, %parallel_loop3A_572] {strides = array<i32>} : memref<40x144xf32, #tpu.memory_space<vmem>>, vector<1x16xf32>,
          %parallel_loop3A_574 = vector.shape_cast %parallel_loop3A_573 : vector<1x16xf32> to vector<16xf32>
          %parallel_loop3A_575 = vector.shape_cast %parallel_loop3A_570 : vector<16xf32> to vector<1x16xf32>
          tpu.vector_store %arg19[%parallel_loop3A_571, %parallel_loop3A_572], %parallel_loop3A_575 {strides = array<i32>} : memref<40x144xf32, #tpu.memory_space<vmem>>, vector<1x16xf32>,
          %parallel_loop3A_576 = arith.index_cast %parallel_loop3A_206 : i32 to index
          %parallel_loop3A_577 = arith.constant 48 : index
          %parallel_loop3A_578 = tpu.vector_load %arg13[%parallel_loop3A_576, %parallel_loop3A_577] {strides = array<i32>} : memref<40x128xf32, #tpu.memory_space<vmem>>, vector<1x16xf32>,
          %parallel_loop3A_579 = vector.shape_cast %parallel_loop3A_578 : vector<1x16xf32> to vector<16xf32>
          %parallel_loop3A_580 = arith.mulf %parallel_loop3A_579, %parallel_loop3A_565 : vector<16xf32>
          %parallel_loop3A_581 = arith.index_cast %parallel_loop3A_206 : i32 to index
          %parallel_loop3A_582 = arith.constant 48 : index
          %parallel_loop3A_583 = tpu.vector_load %arg19[%parallel_loop3A_581, %parallel_loop3A_582] {strides = array<i32>} : memref<40x144xf32, #tpu.memory_space<vmem>>, vector<1x16xf32>,
          %parallel_loop3A_584 = vector.shape_cast %parallel_loop3A_583 : vector<1x16xf32> to vector<16xf32>
          %parallel_loop3A_585 = vector.shape_cast %parallel_loop3A_580 : vector<16xf32> to vector<1x16xf32>
          tpu.vector_store %arg19[%parallel_loop3A_581, %parallel_loop3A_582], %parallel_loop3A_585 {strides = array<i32>} : memref<40x144xf32, #tpu.memory_space<vmem>>, vector<1x16xf32>,
          %parallel_loop3A_586 = arith.constant 8 : i32
          %parallel_loop3A_587 = vector.broadcast %parallel_loop3A_586 : i32 to vector<16xi32>
          %parallel_loop3A_588 = arith.constant 0 : i32
          %parallel_loop3A_589 = vector.broadcast %parallel_loop3A_588 : i32 to vector<16xi32>
          %parallel_loop3A_590 = arith.cmpi slt, %parallel_loop3A_587, %parallel_loop3A_589 : vector<16xi32>
          %parallel_loop3A_591 = arith.constant 16 : i32
          %parallel_loop3A_592 = vector.broadcast %parallel_loop3A_591 : i32 to vector<16xi32>
          %parallel_loop3A_593 = arith.addi %parallel_loop3A_587, %parallel_loop3A_592 : vector<16xi32>
          %parallel_loop3A_594 = arith.select %parallel_loop3A_590, %parallel_loop3A_593, %parallel_loop3A_587 : vector<16xi1>, vector<16xi32>
          %parallel_loop3A_595 = vector.shape_cast %parallel_loop3A_594 : vector<16xi32> to vector<16x1xi32>
          %parallel_loop3A_596 = vector.shape_cast %parallel_loop3A_595 : vector<16x1xi32> to vector<16xi32>
          %parallel_loop3A_597 = tpu.dynamic_gather %parallel_loop3A_516[%parallel_loop3A_596] in [0] : vector<16xf32>, vector<16xi32> -> vector<16xf32>
          %parallel_loop3A_598 = arith.index_cast %parallel_loop3A_206 : i32 to index
          %parallel_loop3A_599 = arith.constant 64 : index
          %parallel_loop3A_600 = tpu.vector_load %arg13[%parallel_loop3A_598, %parallel_loop3A_599] {strides = array<i32>} : memref<40x128xf32, #tpu.memory_space<vmem>>, vector<1x16xf32>,
          %parallel_loop3A_601 = vector.shape_cast %parallel_loop3A_600 : vector<1x16xf32> to vector<16xf32>
          %parallel_loop3A_602 = arith.mulf %parallel_loop3A_601, %parallel_loop3A_597 : vector<16xf32>
          %parallel_loop3A_603 = arith.index_cast %parallel_loop3A_206 : i32 to index
          %parallel_loop3A_604 = arith.constant 64 : index
          %parallel_loop3A_605 = tpu.vector_load %arg19[%parallel_loop3A_603, %parallel_loop3A_604] {strides = array<i32>} : memref<40x144xf32, #tpu.memory_space<vmem>>, vector<1x16xf32>,
          %parallel_loop3A_606 = vector.shape_cast %parallel_loop3A_605 : vector<1x16xf32> to vector<16xf32>
          %parallel_loop3A_607 = vector.shape_cast %parallel_loop3A_602 : vector<16xf32> to vector<1x16xf32>
          tpu.vector_store %arg19[%parallel_loop3A_603, %parallel_loop3A_604], %parallel_loop3A_607 {strides = array<i32>} : memref<40x144xf32, #tpu.memory_space<vmem>>, vector<1x16xf32>,
          %parallel_loop3A_608 = arith.index_cast %parallel_loop3A_206 : i32 to index
          %parallel_loop3A_609 = arith.constant 80 : index
          %parallel_loop3A_610 = tpu.vector_load %arg13[%parallel_loop3A_608, %parallel_loop3A_609] {strides = array<i32>} : memref<40x128xf32, #tpu.memory_space<vmem>>, vector<1x16xf32>,
          %parallel_loop3A_611 = vector.shape_cast %parallel_loop3A_610 : vector<1x16xf32> to vector<16xf32>
          %parallel_loop3A_612 = arith.mulf %parallel_loop3A_611, %parallel_loop3A_597 : vector<16xf32>
          %parallel_loop3A_613 = arith.index_cast %parallel_loop3A_206 : i32 to index
          %parallel_loop3A_614 = arith.constant 80 : index
          %parallel_loop3A_615 = tpu.vector_load %arg19[%parallel_loop3A_613, %parallel_loop3A_614] {strides = array<i32>} : memref<40x144xf32, #tpu.memory_space<vmem>>, vector<1x16xf32>,
          %parallel_loop3A_616 = vector.shape_cast %parallel_loop3A_615 : vector<1x16xf32> to vector<16xf32>
          %parallel_loop3A_617 = vector.shape_cast %parallel_loop3A_612 : vector<16xf32> to vector<1x16xf32>
          tpu.vector_store %arg19[%parallel_loop3A_613, %parallel_loop3A_614], %parallel_loop3A_617 {strides = array<i32>} : memref<40x144xf32, #tpu.memory_space<vmem>>, vector<1x16xf32>,
          %parallel_loop3A_618 = arith.constant 12 : i32
          %parallel_loop3A_619 = vector.broadcast %parallel_loop3A_618 : i32 to vector<16xi32>
          %parallel_loop3A_620 = arith.constant 0 : i32
          %parallel_loop3A_621 = vector.broadcast %parallel_loop3A_620 : i32 to vector<16xi32>
          %parallel_loop3A_622 = arith.cmpi slt, %parallel_loop3A_619, %parallel_loop3A_621 : vector<16xi32>
          %parallel_loop3A_623 = arith.constant 16 : i32
          %parallel_loop3A_624 = vector.broadcast %parallel_loop3A_623 : i32 to vector<16xi32>
          %parallel_loop3A_625 = arith.addi %parallel_loop3A_619, %parallel_loop3A_624 : vector<16xi32>
          %parallel_loop3A_626 = arith.select %parallel_loop3A_622, %parallel_loop3A_625, %parallel_loop3A_619 : vector<16xi1>, vector<16xi32>
          %parallel_loop3A_627 = vector.shape_cast %parallel_loop3A_626 : vector<16xi32> to vector<16x1xi32>
          %parallel_loop3A_628 = vector.shape_cast %parallel_loop3A_627 : vector<16x1xi32> to vector<16xi32>
          %parallel_loop3A_629 = tpu.dynamic_gather %parallel_loop3A_516[%parallel_loop3A_628] in [0] : vector<16xf32>, vector<16xi32> -> vector<16xf32>
          %parallel_loop3A_630 = arith.index_cast %parallel_loop3A_206 : i32 to index
          %parallel_loop3A_631 = arith.constant 96 : index
          %parallel_loop3A_632 = tpu.vector_load %arg13[%parallel_loop3A_630, %parallel_loop3A_631] {strides = array<i32>} : memref<40x128xf32, #tpu.memory_space<vmem>>, vector<1x16xf32>,
          %parallel_loop3A_633 = vector.shape_cast %parallel_loop3A_632 : vector<1x16xf32> to vector<16xf32>
          %parallel_loop3A_634 = arith.mulf %parallel_loop3A_633, %parallel_loop3A_629 : vector<16xf32>
          %parallel_loop3A_635 = arith.index_cast %parallel_loop3A_206 : i32 to index
          %parallel_loop3A_636 = arith.constant 96 : index
          %parallel_loop3A_637 = tpu.vector_load %arg19[%parallel_loop3A_635, %parallel_loop3A_636] {strides = array<i32>} : memref<40x144xf32, #tpu.memory_space<vmem>>, vector<1x16xf32>,
          %parallel_loop3A_638 = vector.shape_cast %parallel_loop3A_637 : vector<1x16xf32> to vector<16xf32>
          %parallel_loop3A_639 = vector.shape_cast %parallel_loop3A_634 : vector<16xf32> to vector<1x16xf32>
          tpu.vector_store %arg19[%parallel_loop3A_635, %parallel_loop3A_636], %parallel_loop3A_639 {strides = array<i32>} : memref<40x144xf32, #tpu.memory_space<vmem>>, vector<1x16xf32>,
          %parallel_loop3A_640 = arith.index_cast %parallel_loop3A_206 : i32 to index
          %parallel_loop3A_641 = arith.constant 112 : index
          %parallel_loop3A_642 = tpu.vector_load %arg13[%parallel_loop3A_640, %parallel_loop3A_641] {strides = array<i32>} : memref<40x128xf32, #tpu.memory_space<vmem>>, vector<1x16xf32>,
          %parallel_loop3A_643 = vector.shape_cast %parallel_loop3A_642 : vector<1x16xf32> to vector<16xf32>
          %parallel_loop3A_644 = arith.mulf %parallel_loop3A_643, %parallel_loop3A_629 : vector<16xf32>
          %parallel_loop3A_645 = arith.index_cast %parallel_loop3A_206 : i32 to index
          %parallel_loop3A_646 = arith.constant 112 : index
          %parallel_loop3A_647 = tpu.vector_load %arg19[%parallel_loop3A_645, %parallel_loop3A_646] {strides = array<i32>} : memref<40x144xf32, #tpu.memory_space<vmem>>, vector<1x16xf32>,
          %parallel_loop3A_648 = vector.shape_cast %parallel_loop3A_647 : vector<1x16xf32> to vector<16xf32>
          %parallel_loop3A_649 = vector.shape_cast %parallel_loop3A_644 : vector<16xf32> to vector<1x16xf32>
          tpu.vector_store %arg19[%parallel_loop3A_645, %parallel_loop3A_646], %parallel_loop3A_649 {strides = array<i32>} : memref<40x144xf32, #tpu.memory_space<vmem>>, vector<1x16xf32>,
        } {sc.loop_unroll_factor = 2 : i64, sc.parallel_access}
        "tpu.region"() ({
          %run_scoped3A = tpu.sem_alloc : memref<!tpu.dma_semaphore, #tpu.memory_space<semaphore_mem>>
          %dma_start3A_206 = arith.constant 0 : i32
          %dma_start3A_207 = arith.constant 0 : i32
          %dma_start3A_208 = tpu.memref_slice %arg21[%dma_start3A_206, %dma_start3A_207] : memref<10000x144xf32, #tpu.memory_space<vmem_shared>> -> memref<10000x144xf32, #tpu.memory_space<vmem_shared>>
          tpu.enqueue_indirect_dma source(%arg19 : memref<40x144xf32, #tpu.memory_space<vmem>>) target(%dma_start3A_208 : memref<10000x144xf32, #tpu.memory_space<vmem_shared>>) offsets(%arg9 : memref<40xi32, #tpu.memory_space<vmem>>) semaphore(%run_scoped3A : memref<!tpu.dma_semaphore, #tpu.memory_space<semaphore_mem>>) {add = true}
          %dma_wait3A_209 = arith.constant 0 : i32
          %dma_wait3A_210 = arith.constant 0 : i32
          %dma_wait3A_211 = tpu.memref_slice %arg21[%dma_wait3A_209, %dma_wait3A_210] : memref<10000x144xf32, #tpu.memory_space<vmem_shared>> -> memref<10000x144xf32, #tpu.memory_space<vmem_shared>>
          tpu.wait_indirect_dma semaphore(%run_scoped3A : memref<!tpu.dma_semaphore, #tpu.memory_space<semaphore_mem>>) src(%arg19 : memref<40x144xf32, #tpu.memory_space<vmem>>) dst(%dma_wait3A_211 : memref<10000x144xf32, #tpu.memory_space<vmem_shared>>)
          tpu.yield
        }) : () -> ()
        %add3A_199 = arith.constant 2 : i32
        %add3A_200 = arith.addi %scan3A_143, %add3A_199 : i32
        %lt3A_201 = arith.constant 250 : i32
        %lt3A_202 = arith.cmpi slt, %add3A_200, %lt3A_201 : i32
        %convert_element_type3A_203 = arith.extui %lt3A_202 : i1 to i32
        %cond3A_204 = arith.constant 0 : i32
        %cond3A_205 = arith.cmpi ne, %convert_element_type3A_203, %cond3A_204 : i32
        scf.if %cond3A_205 {
          %add3A_206 = arith.constant 2 : i32
          %add3A_207 = arith.addi %scan3A_143, %add3A_206 : i32
          %mul3A_208 = arith.constant 10000 : i32
          %mul3A_209 = arith.muli %add3A, %mul3A_208 : i32
          %mul3A_210 = arith.constant 40 : i32
          %mul3A_211 = arith.muli %add3A_207, %mul3A_210 : i32
          %add3A_212 = arith.addi %mul3A_209, %mul3A_211 : i32
          %dma_start3A_213 = tpu.memref_slice %arg2[%add3A_212] : memref<320000xi32, #tpu.memory_space<hbm>> -> memref<40xi32, #tpu.memory_space<hbm>>
          %dma_start3A_214 = tpu.memref_slice %arg2[%add3A_212] : memref<320000xi32, #tpu.memory_space<hbm>> -> memref<40xi32, #tpu.memory_space<hbm>>
          tpu.enqueue_dma source(%dma_start3A_214 : memref<40xi32, #tpu.memory_space<hbm>>) target(%arg9 : memref<40xi32, #tpu.memory_space<vmem>>) target_semaphore(%arg22 : memref<!tpu.dma_semaphore, #tpu.memory_space<semaphore_mem>>)
          %dma_start3A_215 = tpu.memref_slice %arg3[%add3A_212] : memref<320000xi32, #tpu.memory_space<hbm>> -> memref<40xi32, #tpu.memory_space<hbm>>
          %dma_start3A_216 = tpu.memref_slice %arg3[%add3A_212] : memref<320000xi32, #tpu.memory_space<hbm>> -> memref<40xi32, #tpu.memory_space<hbm>>
          tpu.enqueue_dma source(%dma_start3A_216 : memref<40xi32, #tpu.memory_space<hbm>>) target(%arg10 : memref<40xi32, #tpu.memory_space<vmem>>) target_semaphore(%arg22 : memref<!tpu.dma_semaphore, #tpu.memory_space<semaphore_mem>>)
        } else {
        }
      } else {
      }
      %jit3A_160 = arith.constant 2 : i32
      %eq3A_161 = arith.constant 0 : i32
      %eq3A_162 = arith.cmpi eq, %jit3A_160, %eq3A_161 : i32
      %jit3A_163 = arith.constant 1 : i32
      %select_n3A_164 = arith.select %eq3A_162, %jit3A_163, %jit3A_160 : i32
      %rem3A_165 = arith.remsi %scan3A_143, %select_n3A_164 : i32
      %ne3A_166 = arith.constant 0 : i32
      %ne3A_167 = arith.cmpi ne, %rem3A_165, %ne3A_166 : i32
      %lt3A_168 = arith.constant 0 : i32
      %lt3A_169 = arith.cmpi slt, %rem3A_165, %lt3A_168 : i32
      %lt3A_170 = arith.constant 0 : i32
      %lt3A_171 = arith.cmpi slt, %select_n3A_164, %lt3A_170 : i32
      %ne3A_172 = arith.xori %lt3A_169, %lt3A_171 : i1
      %and3A_173 = arith.andi %ne3A_172, %ne3A_167 : i1
      %add3A_174 = arith.addi %rem3A_165, %select_n3A_164 : i32
      %select_n3A_175 = arith.select %and3A_173, %add3A_174, %rem3A_165 : i32
      %eq3A_176 = arith.constant 1 : i32
      %eq3A_177 = arith.cmpi eq, %select_n3A_175, %eq3A_176 : i32
      %convert_element_type3A_178 = arith.extui %eq3A_177 : i1 to i32
      %cond3A_179 = arith.constant 0 : i32
      %cond3A_180 = arith.cmpi ne, %convert_element_type3A_178, %cond3A_179 : i32
      scf.if %cond3A_180 {
        %dma_wait3A_181 = arith.constant 0 : i32
        %dma_wait3A_182 = arith.constant 0 : i32
        %dma_wait3A_183 = tpu.memref_slice %arg4[%dma_wait3A_181, %dma_wait3A_182] : memref<10000x144xf32, #tpu.memory_space<hbm>> -> memref<10000x144xf32, #tpu.memory_space<hbm>>
        tpu.wait_indirect_dma semaphore(%arg25 : memref<!tpu.dma_semaphore, #tpu.memory_space<semaphore_mem>>) src(%dma_wait3A_183 : memref<10000x144xf32, #tpu.memory_space<hbm>>) dst(%arg16 : memref<40x144xf32, #tpu.memory_space<vmem>>)
        %dma_wait3A_184 = arith.constant 0 : i32
        %dma_wait3A_185 = arith.constant 0 : i32
        %dma_wait3A_186 = tpu.memref_slice %arg4[%dma_wait3A_184, %dma_wait3A_185] : memref<10000x144xf32, #tpu.memory_space<hbm>> -> memref<10000x144xf32, #tpu.memory_space<hbm>>
        tpu.wait_indirect_dma semaphore(%arg25 : memref<!tpu.dma_semaphore, #tpu.memory_space<semaphore_mem>>) src(%dma_wait3A_186 : memref<10000x144xf32, #tpu.memory_space<hbm>>) dst(%arg17 : memref<40x144xf32, #tpu.memory_space<vmem>>)
        %dma_wait3A_187 = arith.constant 0 : i32
        %dma_wait3A_188 = arith.constant 0 : i32
        %dma_wait3A_189 = tpu.memref_slice %arg5[%dma_wait3A_187, %dma_wait3A_188] : memref<10000x128xf32, #tpu.memory_space<hbm>> -> memref<10000x128xf32, #tpu.memory_space<hbm>>
        tpu.wait_indirect_dma semaphore(%arg25 : memref<!tpu.dma_semaphore, #tpu.memory_space<semaphore_mem>>) src(%dma_wait3A_189 : memref<10000x128xf32, #tpu.memory_space<hbm>>) dst(%arg18 : memref<40x128xf32, #tpu.memory_space<vmem>>)
        %add3A_190 = arith.constant 1 : i32
        %add3A_191 = arith.addi %scan3A_143, %add3A_190 : i32
        %lt3A_192 = arith.constant 250 : i32
        %lt3A_193 = arith.cmpi slt, %add3A_191, %lt3A_192 : i32
        %convert_element_type3A_194 = arith.extui %lt3A_193 : i1 to i32
        %cond3A_195 = arith.constant 0 : i32
        %cond3A_196 = arith.cmpi ne, %convert_element_type3A_194, %cond3A_195 : i32
        scf.if %cond3A_196 {
          %dma_wait3A_206 = arith.constant 0 : i32
          %dma_wait3A_207 = tpu.memref_slice %arg2[%dma_wait3A_206] : memref<320000xi32, #tpu.memory_space<hbm>> -> memref<40xi32, #tpu.memory_space<hbm>>
          %dma_wait3A_208 = arith.constant 0 : i32
          %dma_wait3A_209 = tpu.memref_slice %arg2[%dma_wait3A_208] : memref<320000xi32, #tpu.memory_space<hbm>> -> memref<40xi32, #tpu.memory_space<hbm>>
          tpu.wait_dma2 semaphore(%arg22 : memref<!tpu.dma_semaphore, #tpu.memory_space<semaphore_mem>>) src(%dma_wait3A_209 : memref<40xi32, #tpu.memory_space<hbm>>) dst(%arg9 : memref<40xi32, #tpu.memory_space<vmem>>)
          %dma_wait3A_210 = arith.constant 0 : i32
          %dma_wait3A_211 = tpu.memref_slice %arg3[%dma_wait3A_210] : memref<320000xi32, #tpu.memory_space<hbm>> -> memref<40xi32, #tpu.memory_space<hbm>>
          %dma_wait3A_212 = arith.constant 0 : i32
          %dma_wait3A_213 = tpu.memref_slice %arg3[%dma_wait3A_212] : memref<320000xi32, #tpu.memory_space<hbm>> -> memref<40xi32, #tpu.memory_space<hbm>>
          tpu.wait_dma2 semaphore(%arg22 : memref<!tpu.dma_semaphore, #tpu.memory_space<semaphore_mem>>) src(%dma_wait3A_213 : memref<40xi32, #tpu.memory_space<hbm>>) dst(%arg10 : memref<40xi32, #tpu.memory_space<vmem>>)
          %dma_start3A_214 = arith.constant 0 : i32
          %dma_start3A_215 = arith.constant 0 : i32
          %dma_start3A_216 = tpu.memref_slice %arg4[%dma_start3A_214, %dma_start3A_215] : memref<10000x144xf32, #tpu.memory_space<hbm>> -> memref<10000x144xf32, #tpu.memory_space<hbm>>
          tpu.enqueue_indirect_dma source(%dma_start3A_216 : memref<10000x144xf32, #tpu.memory_space<hbm>>) target(%arg11 : memref<40x144xf32, #tpu.memory_space<vmem>>) offsets(%arg9 : memref<40xi32, #tpu.memory_space<vmem>>) semaphore(%arg23 : memref<!tpu.dma_semaphore, #tpu.memory_space<semaphore_mem>>)
          %dma_start3A_217 = arith.constant 0 : i32
          %dma_start3A_218 = arith.constant 0 : i32
          %dma_start3A_219 = tpu.memref_slice %arg4[%dma_start3A_217, %dma_start3A_218] : memref<10000x144xf32, #tpu.memory_space<hbm>> -> memref<10000x144xf32, #tpu.memory_space<hbm>>
          tpu.enqueue_indirect_dma source(%dma_start3A_219 : memref<10000x144xf32, #tpu.memory_space<hbm>>) target(%arg12 : memref<40x144xf32, #tpu.memory_space<vmem>>) offsets(%arg10 : memref<40xi32, #tpu.memory_space<vmem>>) semaphore(%arg23 : memref<!tpu.dma_semaphore, #tpu.memory_space<semaphore_mem>>)
          %dma_start3A_220 = arith.constant 0 : i32
          %dma_start3A_221 = arith.constant 0 : i32
          %dma_start3A_222 = tpu.memref_slice %arg5[%dma_start3A_220, %dma_start3A_221] : memref<10000x128xf32, #tpu.memory_space<hbm>> -> memref<10000x128xf32, #tpu.memory_space<hbm>>
          tpu.enqueue_indirect_dma source(%dma_start3A_222 : memref<10000x128xf32, #tpu.memory_space<hbm>>) target(%arg13 : memref<40x128xf32, #tpu.memory_space<vmem>>) offsets(%arg10 : memref<40xi32, #tpu.memory_space<vmem>>) semaphore(%arg23 : memref<!tpu.dma_semaphore, #tpu.memory_space<semaphore_mem>>)
        } else {
        }
        %parallel_loop3A = arith.constant 0 : i32
        %parallel_loop3A_197 = arith.constant 40 : i32
        %parallel_loop3A_198 = arith.constant 1 : i32
        scf.for %parallel_loop3A_206 = %parallel_loop3A to %parallel_loop3A_197 step %parallel_loop3A_198  : i32 {
          %parallel_loop3A_207 = arith.index_cast %parallel_loop3A_206 : i32 to index
          %parallel_loop3A_208 = arith.constant 128 : index
          %parallel_loop3A_209 = tpu.vector_load %arg16[%parallel_loop3A_207, %parallel_loop3A_208] {strides = array<i32>} : memref<40x144xf32, #tpu.memory_space<vmem>>, vector<1x16xf32>,
          %parallel_loop3A_210 = vector.shape_cast %parallel_loop3A_209 : vector<1x16xf32> to vector<16xf32>
          %parallel_loop3A_211 = arith.index_cast %parallel_loop3A_206 : i32 to index
          %parallel_loop3A_212 = arith.constant 128 : index
          %parallel_loop3A_213 = tpu.vector_load %arg17[%parallel_loop3A_211, %parallel_loop3A_212] {strides = array<i32>} : memref<40x144xf32, #tpu.memory_space<vmem>>, vector<1x16xf32>,
          %parallel_loop3A_214 = vector.shape_cast %parallel_loop3A_213 : vector<1x16xf32> to vector<16xf32>
          %parallel_loop3A_215 = arith.index_cast %parallel_loop3A_206 : i32 to index
          %parallel_loop3A_216 = arith.constant 0 : index
          %parallel_loop3A_217 = tpu.vector_load %arg16[%parallel_loop3A_215, %parallel_loop3A_216] {strides = array<i32>} : memref<40x144xf32, #tpu.memory_space<vmem>>, vector<1x16xf32>,
          %parallel_loop3A_218 = vector.shape_cast %parallel_loop3A_217 : vector<1x16xf32> to vector<16xf32>
          %parallel_loop3A_219 = arith.index_cast %parallel_loop3A_206 : i32 to index
          %parallel_loop3A_220 = arith.constant 16 : index
          %parallel_loop3A_221 = tpu.vector_load %arg16[%parallel_loop3A_219, %parallel_loop3A_220] {strides = array<i32>} : memref<40x144xf32, #tpu.memory_space<vmem>>, vector<1x16xf32>,
          %parallel_loop3A_222 = vector.shape_cast %parallel_loop3A_221 : vector<1x16xf32> to vector<16xf32>
          %parallel_loop3A_223 = arith.index_cast %parallel_loop3A_206 : i32 to index
          %parallel_loop3A_224 = arith.constant 0 : index
          %parallel_loop3A_225 = tpu.vector_load %arg17[%parallel_loop3A_223, %parallel_loop3A_224] {strides = array<i32>} : memref<40x144xf32, #tpu.memory_space<vmem>>, vector<1x16xf32>,
          %parallel_loop3A_226 = vector.shape_cast %parallel_loop3A_225 : vector<1x16xf32> to vector<16xf32>
          %parallel_loop3A_227 = arith.index_cast %parallel_loop3A_206 : i32 to index
          %parallel_loop3A_228 = arith.constant 16 : index
          %parallel_loop3A_229 = tpu.vector_load %arg17[%parallel_loop3A_227, %parallel_loop3A_228] {strides = array<i32>} : memref<40x144xf32, #tpu.memory_space<vmem>>, vector<1x16xf32>,
          %parallel_loop3A_230 = vector.shape_cast %parallel_loop3A_229 : vector<1x16xf32> to vector<16xf32>
          %parallel_loop3A_231 = arith.subf %parallel_loop3A_226, %parallel_loop3A_218 : vector<16xf32>
          %parallel_loop3A_232 = math.absf %parallel_loop3A_231 : vector<16xf32>
          %parallel_loop3A_233 = arith.mulf %parallel_loop3A_232, %get3A_6 : vector<16xf32>
          %parallel_loop3A_234 = arith.subf %parallel_loop3A_230, %parallel_loop3A_222 : vector<16xf32>
          %parallel_loop3A_235 = math.absf %parallel_loop3A_234 : vector<16xf32>
          %parallel_loop3A_236 = arith.mulf %parallel_loop3A_235, %get3A_11 : vector<16xf32>
          %parallel_loop3A_237 = arith.addf %parallel_loop3A_233, %parallel_loop3A_236 : vector<16xf32>
          %parallel_loop3A_238 = arith.mulf %parallel_loop3A_218, %parallel_loop3A_226 : vector<16xf32>
          %parallel_loop3A_239 = arith.mulf %parallel_loop3A_238, %get3A_46 : vector<16xf32>
          %parallel_loop3A_240 = arith.addf %parallel_loop3A_237, %parallel_loop3A_239 : vector<16xf32>
          %parallel_loop3A_241 = arith.mulf %parallel_loop3A_222, %parallel_loop3A_230 : vector<16xf32>
          %parallel_loop3A_242 = arith.mulf %parallel_loop3A_241, %get3A_51 : vector<16xf32>
          %parallel_loop3A_243 = arith.addf %parallel_loop3A_240, %parallel_loop3A_242 : vector<16xf32>
          %parallel_loop3A_244 = arith.constant 0 : i32
          %parallel_loop3A_245 = vector.broadcast %parallel_loop3A_244 : i32 to vector<16xi32>
          %parallel_loop3A_246 = arith.cmpi eq, %iota3A, %parallel_loop3A_245 : vector<16xi32>
          %parallel_loop3A_247 = arith.constant 0.000000e+00 : f32
          %parallel_loop3A_248 = vector.broadcast %parallel_loop3A_247 : f32 to vector<16xf32>
          %parallel_loop3A_249 = arith.select %parallel_loop3A_246, %parallel_loop3A_210, %parallel_loop3A_248 : vector<16xi1>, vector<16xf32>
          %parallel_loop3A_250 = arith.addf %parallel_loop3A_243, %parallel_loop3A_249 : vector<16xf32>
          %parallel_loop3A_251 = arith.constant 8 : i32
          %parallel_loop3A_252 = vector.broadcast %parallel_loop3A_251 : i32 to vector<16xi32>
          %parallel_loop3A_253 = arith.cmpi eq, %iota3A, %parallel_loop3A_252 : vector<16xi32>
          %parallel_loop3A_254 = arith.constant 0.000000e+00 : f32
          %parallel_loop3A_255 = vector.broadcast %parallel_loop3A_254 : f32 to vector<16xf32>
          %parallel_loop3A_256 = arith.select %parallel_loop3A_253, %parallel_loop3A_214, %parallel_loop3A_255 : vector<16xi1>, vector<16xf32>
          %parallel_loop3A_257 = arith.addf %parallel_loop3A_250, %parallel_loop3A_256 : vector<16xf32>
          %parallel_loop3A_258 = arith.constant 0 : i32
          %parallel_loop3A_259 = vector.broadcast %parallel_loop3A_258 : i32 to vector<16xi32>
          %parallel_loop3A_260 = arith.cmpi slt, %xor3A_92, %parallel_loop3A_259 : vector<16xi32>
          %parallel_loop3A_261 = arith.constant 16 : i32
          %parallel_loop3A_262 = vector.broadcast %parallel_loop3A_261 : i32 to vector<16xi32>
          %parallel_loop3A_263 = arith.addi %xor3A_92, %parallel_loop3A_262 : vector<16xi32>
          %parallel_loop3A_264 = arith.select %parallel_loop3A_260, %parallel_loop3A_263, %xor3A_92 : vector<16xi1>, vector<16xi32>
          %parallel_loop3A_265 = vector.shape_cast %parallel_loop3A_264 : vector<16xi32> to vector<16x1xi32>
          %parallel_loop3A_266 = vector.shape_cast %parallel_loop3A_265 : vector<16x1xi32> to vector<16xi32>
          %parallel_loop3A_267 = tpu.dynamic_gather %parallel_loop3A_257[%parallel_loop3A_266] in [0] : vector<16xf32>, vector<16xi32> -> vector<16xf32>
          %parallel_loop3A_268 = arith.addf %parallel_loop3A_257, %parallel_loop3A_267 : vector<16xf32>
          %parallel_loop3A_269 = arith.constant 0 : i32
          %parallel_loop3A_270 = vector.broadcast %parallel_loop3A_269 : i32 to vector<16xi32>
          %parallel_loop3A_271 = arith.cmpi slt, %xor3A_89, %parallel_loop3A_270 : vector<16xi32>
          %parallel_loop3A_272 = arith.constant 16 : i32
          %parallel_loop3A_273 = vector.broadcast %parallel_loop3A_272 : i32 to vector<16xi32>
          %parallel_loop3A_274 = arith.addi %xor3A_89, %parallel_loop3A_273 : vector<16xi32>
          %parallel_loop3A_275 = arith.select %parallel_loop3A_271, %parallel_loop3A_274, %xor3A_89 : vector<16xi1>, vector<16xi32>
          %parallel_loop3A_276 = vector.shape_cast %parallel_loop3A_275 : vector<16xi32> to vector<16x1xi32>
          %parallel_loop3A_277 = vector.shape_cast %parallel_loop3A_276 : vector<16x1xi32> to vector<16xi32>
          %parallel_loop3A_278 = tpu.dynamic_gather %parallel_loop3A_268[%parallel_loop3A_277] in [0] : vector<16xf32>, vector<16xi32> -> vector<16xf32>
          %parallel_loop3A_279 = arith.addf %parallel_loop3A_268, %parallel_loop3A_278 : vector<16xf32>
          %parallel_loop3A_280 = arith.index_cast %parallel_loop3A_206 : i32 to index
          %parallel_loop3A_281 = arith.constant 32 : index
          %parallel_loop3A_282 = tpu.vector_load %arg16[%parallel_loop3A_280, %parallel_loop3A_281] {strides = array<i32>} : memref<40x144xf32, #tpu.memory_space<vmem>>, vector<1x16xf32>,
          %parallel_loop3A_283 = vector.shape_cast %parallel_loop3A_282 : vector<1x16xf32> to vector<16xf32>
          %parallel_loop3A_284 = arith.index_cast %parallel_loop3A_206 : i32 to index
          %parallel_loop3A_285 = arith.constant 48 : index
          %parallel_loop3A_286 = tpu.vector_load %arg16[%parallel_loop3A_284, %parallel_loop3A_285] {strides = array<i32>} : memref<40x144xf32, #tpu.memory_space<vmem>>, vector<1x16xf32>,
          %parallel_loop3A_287 = vector.shape_cast %parallel_loop3A_286 : vector<1x16xf32> to vector<16xf32>
          %parallel_loop3A_288 = arith.index_cast %parallel_loop3A_206 : i32 to index
          %parallel_loop3A_289 = arith.constant 32 : index
          %parallel_loop3A_290 = tpu.vector_load %arg17[%parallel_loop3A_288, %parallel_loop3A_289] {strides = array<i32>} : memref<40x144xf32, #tpu.memory_space<vmem>>, vector<1x16xf32>,
          %parallel_loop3A_291 = vector.shape_cast %parallel_loop3A_290 : vector<1x16xf32> to vector<16xf32>
          %parallel_loop3A_292 = arith.index_cast %parallel_loop3A_206 : i32 to index
          %parallel_loop3A_293 = arith.constant 48 : index
          %parallel_loop3A_294 = tpu.vector_load %arg17[%parallel_loop3A_292, %parallel_loop3A_293] {strides = array<i32>} : memref<40x144xf32, #tpu.memory_space<vmem>>, vector<1x16xf32>,
          %parallel_loop3A_295 = vector.shape_cast %parallel_loop3A_294 : vector<1x16xf32> to vector<16xf32>
          %parallel_loop3A_296 = arith.subf %parallel_loop3A_291, %parallel_loop3A_283 : vector<16xf32>
          %parallel_loop3A_297 = math.absf %parallel_loop3A_296 : vector<16xf32>
          %parallel_loop3A_298 = arith.mulf %parallel_loop3A_297, %get3A_16 : vector<16xf32>
          %parallel_loop3A_299 = arith.subf %parallel_loop3A_295, %parallel_loop3A_287 : vector<16xf32>
          %parallel_loop3A_300 = math.absf %parallel_loop3A_299 : vector<16xf32>
          %parallel_loop3A_301 = arith.mulf %parallel_loop3A_300, %get3A_21 : vector<16xf32>
          %parallel_loop3A_302 = arith.addf %parallel_loop3A_298, %parallel_loop3A_301 : vector<16xf32>
          %parallel_loop3A_303 = arith.mulf %parallel_loop3A_283, %parallel_loop3A_291 : vector<16xf32>
          %parallel_loop3A_304 = arith.mulf %parallel_loop3A_303, %get3A_56 : vector<16xf32>
          %parallel_loop3A_305 = arith.addf %parallel_loop3A_302, %parallel_loop3A_304 : vector<16xf32>
          %parallel_loop3A_306 = arith.mulf %parallel_loop3A_287, %parallel_loop3A_295 : vector<16xf32>
          %parallel_loop3A_307 = arith.mulf %parallel_loop3A_306, %get3A_61 : vector<16xf32>
          %parallel_loop3A_308 = arith.addf %parallel_loop3A_305, %parallel_loop3A_307 : vector<16xf32>
          %parallel_loop3A_309 = arith.constant 1 : i32
          %parallel_loop3A_310 = vector.broadcast %parallel_loop3A_309 : i32 to vector<16xi32>
          %parallel_loop3A_311 = arith.cmpi eq, %iota3A, %parallel_loop3A_310 : vector<16xi32>
          %parallel_loop3A_312 = arith.constant 0.000000e+00 : f32
          %parallel_loop3A_313 = vector.broadcast %parallel_loop3A_312 : f32 to vector<16xf32>
          %parallel_loop3A_314 = arith.select %parallel_loop3A_311, %parallel_loop3A_210, %parallel_loop3A_313 : vector<16xi1>, vector<16xf32>
          %parallel_loop3A_315 = arith.addf %parallel_loop3A_308, %parallel_loop3A_314 : vector<16xf32>
          %parallel_loop3A_316 = arith.constant 9 : i32
          %parallel_loop3A_317 = vector.broadcast %parallel_loop3A_316 : i32 to vector<16xi32>
          %parallel_loop3A_318 = arith.cmpi eq, %iota3A, %parallel_loop3A_317 : vector<16xi32>
          %parallel_loop3A_319 = arith.constant 0.000000e+00 : f32
          %parallel_loop3A_320 = vector.broadcast %parallel_loop3A_319 : f32 to vector<16xf32>
          %parallel_loop3A_321 = arith.select %parallel_loop3A_318, %parallel_loop3A_214, %parallel_loop3A_320 : vector<16xi1>, vector<16xf32>
          %parallel_loop3A_322 = arith.addf %parallel_loop3A_315, %parallel_loop3A_321 : vector<16xf32>
          %parallel_loop3A_323 = arith.constant 0 : i32
          %parallel_loop3A_324 = vector.broadcast %parallel_loop3A_323 : i32 to vector<16xi32>
          %parallel_loop3A_325 = arith.cmpi slt, %xor3A_92, %parallel_loop3A_324 : vector<16xi32>
          %parallel_loop3A_326 = arith.constant 16 : i32
          %parallel_loop3A_327 = vector.broadcast %parallel_loop3A_326 : i32 to vector<16xi32>
          %parallel_loop3A_328 = arith.addi %xor3A_92, %parallel_loop3A_327 : vector<16xi32>
          %parallel_loop3A_329 = arith.select %parallel_loop3A_325, %parallel_loop3A_328, %xor3A_92 : vector<16xi1>, vector<16xi32>
          %parallel_loop3A_330 = vector.shape_cast %parallel_loop3A_329 : vector<16xi32> to vector<16x1xi32>
          %parallel_loop3A_331 = vector.shape_cast %parallel_loop3A_330 : vector<16x1xi32> to vector<16xi32>
          %parallel_loop3A_332 = tpu.dynamic_gather %parallel_loop3A_322[%parallel_loop3A_331] in [0] : vector<16xf32>, vector<16xi32> -> vector<16xf32>
          %parallel_loop3A_333 = arith.addf %parallel_loop3A_322, %parallel_loop3A_332 : vector<16xf32>
          %parallel_loop3A_334 = arith.constant 0 : i32
          %parallel_loop3A_335 = vector.broadcast %parallel_loop3A_334 : i32 to vector<16xi32>
          %parallel_loop3A_336 = arith.cmpi slt, %xor3A_89, %parallel_loop3A_335 : vector<16xi32>
          %parallel_loop3A_337 = arith.constant 16 : i32
          %parallel_loop3A_338 = vector.broadcast %parallel_loop3A_337 : i32 to vector<16xi32>
          %parallel_loop3A_339 = arith.addi %xor3A_89, %parallel_loop3A_338 : vector<16xi32>
          %parallel_loop3A_340 = arith.select %parallel_loop3A_336, %parallel_loop3A_339, %xor3A_89 : vector<16xi1>, vector<16xi32>
          %parallel_loop3A_341 = vector.shape_cast %parallel_loop3A_340 : vector<16xi32> to vector<16x1xi32>
          %parallel_loop3A_342 = vector.shape_cast %parallel_loop3A_341 : vector<16x1xi32> to vector<16xi32>
          %parallel_loop3A_343 = tpu.dynamic_gather %parallel_loop3A_333[%parallel_loop3A_342] in [0] : vector<16xf32>, vector<16xi32> -> vector<16xf32>
          %parallel_loop3A_344 = arith.addf %parallel_loop3A_333, %parallel_loop3A_343 : vector<16xf32>
          %parallel_loop3A_345 = arith.index_cast %parallel_loop3A_206 : i32 to index
          %parallel_loop3A_346 = arith.constant 64 : index
          %parallel_loop3A_347 = tpu.vector_load %arg16[%parallel_loop3A_345, %parallel_loop3A_346] {strides = array<i32>} : memref<40x144xf32, #tpu.memory_space<vmem>>, vector<1x16xf32>,
          %parallel_loop3A_348 = vector.shape_cast %parallel_loop3A_347 : vector<1x16xf32> to vector<16xf32>
          %parallel_loop3A_349 = arith.index_cast %parallel_loop3A_206 : i32 to index
          %parallel_loop3A_350 = arith.constant 80 : index
          %parallel_loop3A_351 = tpu.vector_load %arg16[%parallel_loop3A_349, %parallel_loop3A_350] {strides = array<i32>} : memref<40x144xf32, #tpu.memory_space<vmem>>, vector<1x16xf32>,
          %parallel_loop3A_352 = vector.shape_cast %parallel_loop3A_351 : vector<1x16xf32> to vector<16xf32>
          %parallel_loop3A_353 = arith.index_cast %parallel_loop3A_206 : i32 to index
          %parallel_loop3A_354 = arith.constant 64 : index
          %parallel_loop3A_355 = tpu.vector_load %arg17[%parallel_loop3A_353, %parallel_loop3A_354] {strides = array<i32>} : memref<40x144xf32, #tpu.memory_space<vmem>>, vector<1x16xf32>,
          %parallel_loop3A_356 = vector.shape_cast %parallel_loop3A_355 : vector<1x16xf32> to vector<16xf32>
          %parallel_loop3A_357 = arith.index_cast %parallel_loop3A_206 : i32 to index
          %parallel_loop3A_358 = arith.constant 80 : index
          %parallel_loop3A_359 = tpu.vector_load %arg17[%parallel_loop3A_357, %parallel_loop3A_358] {strides = array<i32>} : memref<40x144xf32, #tpu.memory_space<vmem>>, vector<1x16xf32>,
          %parallel_loop3A_360 = vector.shape_cast %parallel_loop3A_359 : vector<1x16xf32> to vector<16xf32>
          %parallel_loop3A_361 = arith.subf %parallel_loop3A_356, %parallel_loop3A_348 : vector<16xf32>
          %parallel_loop3A_362 = math.absf %parallel_loop3A_361 : vector<16xf32>
          %parallel_loop3A_363 = arith.mulf %parallel_loop3A_362, %get3A_26 : vector<16xf32>
          %parallel_loop3A_364 = arith.subf %parallel_loop3A_360, %parallel_loop3A_352 : vector<16xf32>
          %parallel_loop3A_365 = math.absf %parallel_loop3A_364 : vector<16xf32>
          %parallel_loop3A_366 = arith.mulf %parallel_loop3A_365, %get3A_31 : vector<16xf32>
          %parallel_loop3A_367 = arith.addf %parallel_loop3A_363, %parallel_loop3A_366 : vector<16xf32>
          %parallel_loop3A_368 = arith.mulf %parallel_loop3A_348, %parallel_loop3A_356 : vector<16xf32>
          %parallel_loop3A_369 = arith.mulf %parallel_loop3A_368, %get3A_66 : vector<16xf32>
          %parallel_loop3A_370 = arith.addf %parallel_loop3A_367, %parallel_loop3A_369 : vector<16xf32>
          %parallel_loop3A_371 = arith.mulf %parallel_loop3A_352, %parallel_loop3A_360 : vector<16xf32>
          %parallel_loop3A_372 = arith.mulf %parallel_loop3A_371, %get3A_71 : vector<16xf32>
          %parallel_loop3A_373 = arith.addf %parallel_loop3A_370, %parallel_loop3A_372 : vector<16xf32>
          %parallel_loop3A_374 = arith.constant 2 : i32
          %parallel_loop3A_375 = vector.broadcast %parallel_loop3A_374 : i32 to vector<16xi32>
          %parallel_loop3A_376 = arith.cmpi eq, %iota3A, %parallel_loop3A_375 : vector<16xi32>
          %parallel_loop3A_377 = arith.constant 0.000000e+00 : f32
          %parallel_loop3A_378 = vector.broadcast %parallel_loop3A_377 : f32 to vector<16xf32>
          %parallel_loop3A_379 = arith.select %parallel_loop3A_376, %parallel_loop3A_210, %parallel_loop3A_378 : vector<16xi1>, vector<16xf32>
          %parallel_loop3A_380 = arith.addf %parallel_loop3A_373, %parallel_loop3A_379 : vector<16xf32>
          %parallel_loop3A_381 = arith.constant 10 : i32
          %parallel_loop3A_382 = vector.broadcast %parallel_loop3A_381 : i32 to vector<16xi32>
          %parallel_loop3A_383 = arith.cmpi eq, %iota3A, %parallel_loop3A_382 : vector<16xi32>
          %parallel_loop3A_384 = arith.constant 0.000000e+00 : f32
          %parallel_loop3A_385 = vector.broadcast %parallel_loop3A_384 : f32 to vector<16xf32>
          %parallel_loop3A_386 = arith.select %parallel_loop3A_383, %parallel_loop3A_214, %parallel_loop3A_385 : vector<16xi1>, vector<16xf32>
          %parallel_loop3A_387 = arith.addf %parallel_loop3A_380, %parallel_loop3A_386 : vector<16xf32>
          %parallel_loop3A_388 = arith.constant 0 : i32
          %parallel_loop3A_389 = vector.broadcast %parallel_loop3A_388 : i32 to vector<16xi32>
          %parallel_loop3A_390 = arith.cmpi slt, %xor3A_92, %parallel_loop3A_389 : vector<16xi32>
          %parallel_loop3A_391 = arith.constant 16 : i32
          %parallel_loop3A_392 = vector.broadcast %parallel_loop3A_391 : i32 to vector<16xi32>
          %parallel_loop3A_393 = arith.addi %xor3A_92, %parallel_loop3A_392 : vector<16xi32>
          %parallel_loop3A_394 = arith.select %parallel_loop3A_390, %parallel_loop3A_393, %xor3A_92 : vector<16xi1>, vector<16xi32>
          %parallel_loop3A_395 = vector.shape_cast %parallel_loop3A_394 : vector<16xi32> to vector<16x1xi32>
          %parallel_loop3A_396 = vector.shape_cast %parallel_loop3A_395 : vector<16x1xi32> to vector<16xi32>
          %parallel_loop3A_397 = tpu.dynamic_gather %parallel_loop3A_387[%parallel_loop3A_396] in [0] : vector<16xf32>, vector<16xi32> -> vector<16xf32>
          %parallel_loop3A_398 = arith.addf %parallel_loop3A_387, %parallel_loop3A_397 : vector<16xf32>
          %parallel_loop3A_399 = arith.constant 0 : i32
          %parallel_loop3A_400 = vector.broadcast %parallel_loop3A_399 : i32 to vector<16xi32>
          %parallel_loop3A_401 = arith.cmpi slt, %xor3A_89, %parallel_loop3A_400 : vector<16xi32>
          %parallel_loop3A_402 = arith.constant 16 : i32
          %parallel_loop3A_403 = vector.broadcast %parallel_loop3A_402 : i32 to vector<16xi32>
          %parallel_loop3A_404 = arith.addi %xor3A_89, %parallel_loop3A_403 : vector<16xi32>
          %parallel_loop3A_405 = arith.select %parallel_loop3A_401, %parallel_loop3A_404, %xor3A_89 : vector<16xi1>, vector<16xi32>
          %parallel_loop3A_406 = vector.shape_cast %parallel_loop3A_405 : vector<16xi32> to vector<16x1xi32>
          %parallel_loop3A_407 = vector.shape_cast %parallel_loop3A_406 : vector<16x1xi32> to vector<16xi32>
          %parallel_loop3A_408 = tpu.dynamic_gather %parallel_loop3A_398[%parallel_loop3A_407] in [0] : vector<16xf32>, vector<16xi32> -> vector<16xf32>
          %parallel_loop3A_409 = arith.addf %parallel_loop3A_398, %parallel_loop3A_408 : vector<16xf32>
          %parallel_loop3A_410 = arith.index_cast %parallel_loop3A_206 : i32 to index
          %parallel_loop3A_411 = arith.constant 96 : index
          %parallel_loop3A_412 = tpu.vector_load %arg16[%parallel_loop3A_410, %parallel_loop3A_411] {strides = array<i32>} : memref<40x144xf32, #tpu.memory_space<vmem>>, vector<1x16xf32>,
          %parallel_loop3A_413 = vector.shape_cast %parallel_loop3A_412 : vector<1x16xf32> to vector<16xf32>
          %parallel_loop3A_414 = arith.index_cast %parallel_loop3A_206 : i32 to index
          %parallel_loop3A_415 = arith.constant 112 : index
          %parallel_loop3A_416 = tpu.vector_load %arg16[%parallel_loop3A_414, %parallel_loop3A_415] {strides = array<i32>} : memref<40x144xf32, #tpu.memory_space<vmem>>, vector<1x16xf32>,
          %parallel_loop3A_417 = vector.shape_cast %parallel_loop3A_416 : vector<1x16xf32> to vector<16xf32>
          %parallel_loop3A_418 = arith.index_cast %parallel_loop3A_206 : i32 to index
          %parallel_loop3A_419 = arith.constant 96 : index
          %parallel_loop3A_420 = tpu.vector_load %arg17[%parallel_loop3A_418, %parallel_loop3A_419] {strides = array<i32>} : memref<40x144xf32, #tpu.memory_space<vmem>>, vector<1x16xf32>,
          %parallel_loop3A_421 = vector.shape_cast %parallel_loop3A_420 : vector<1x16xf32> to vector<16xf32>
          %parallel_loop3A_422 = arith.index_cast %parallel_loop3A_206 : i32 to index
          %parallel_loop3A_423 = arith.constant 112 : index
          %parallel_loop3A_424 = tpu.vector_load %arg17[%parallel_loop3A_422, %parallel_loop3A_423] {strides = array<i32>} : memref<40x144xf32, #tpu.memory_space<vmem>>, vector<1x16xf32>,
          %parallel_loop3A_425 = vector.shape_cast %parallel_loop3A_424 : vector<1x16xf32> to vector<16xf32>
          %parallel_loop3A_426 = arith.subf %parallel_loop3A_421, %parallel_loop3A_413 : vector<16xf32>
          %parallel_loop3A_427 = math.absf %parallel_loop3A_426 : vector<16xf32>
          %parallel_loop3A_428 = arith.mulf %parallel_loop3A_427, %get3A_36 : vector<16xf32>
          %parallel_loop3A_429 = arith.subf %parallel_loop3A_425, %parallel_loop3A_417 : vector<16xf32>
          %parallel_loop3A_430 = math.absf %parallel_loop3A_429 : vector<16xf32>
          %parallel_loop3A_431 = arith.mulf %parallel_loop3A_430, %get3A_41 : vector<16xf32>
          %parallel_loop3A_432 = arith.addf %parallel_loop3A_428, %parallel_loop3A_431 : vector<16xf32>
          %parallel_loop3A_433 = arith.mulf %parallel_loop3A_413, %parallel_loop3A_421 : vector<16xf32>
          %parallel_loop3A_434 = arith.mulf %parallel_loop3A_433, %get3A_76 : vector<16xf32>
          %parallel_loop3A_435 = arith.addf %parallel_loop3A_432, %parallel_loop3A_434 : vector<16xf32>
          %parallel_loop3A_436 = arith.mulf %parallel_loop3A_417, %parallel_loop3A_425 : vector<16xf32>
          %parallel_loop3A_437 = arith.mulf %parallel_loop3A_436, %get3A_81 : vector<16xf32>
          %parallel_loop3A_438 = arith.addf %parallel_loop3A_435, %parallel_loop3A_437 : vector<16xf32>
          %parallel_loop3A_439 = arith.constant 3 : i32
          %parallel_loop3A_440 = vector.broadcast %parallel_loop3A_439 : i32 to vector<16xi32>
          %parallel_loop3A_441 = arith.cmpi eq, %iota3A, %parallel_loop3A_440 : vector<16xi32>
          %parallel_loop3A_442 = arith.constant 0.000000e+00 : f32
          %parallel_loop3A_443 = vector.broadcast %parallel_loop3A_442 : f32 to vector<16xf32>
          %parallel_loop3A_444 = arith.select %parallel_loop3A_441, %parallel_loop3A_210, %parallel_loop3A_443 : vector<16xi1>, vector<16xf32>
          %parallel_loop3A_445 = arith.addf %parallel_loop3A_438, %parallel_loop3A_444 : vector<16xf32>
          %parallel_loop3A_446 = arith.constant 11 : i32
          %parallel_loop3A_447 = vector.broadcast %parallel_loop3A_446 : i32 to vector<16xi32>
          %parallel_loop3A_448 = arith.cmpi eq, %iota3A, %parallel_loop3A_447 : vector<16xi32>
          %parallel_loop3A_449 = arith.constant 0.000000e+00 : f32
          %parallel_loop3A_450 = vector.broadcast %parallel_loop3A_449 : f32 to vector<16xf32>
          %parallel_loop3A_451 = arith.select %parallel_loop3A_448, %parallel_loop3A_214, %parallel_loop3A_450 : vector<16xi1>, vector<16xf32>
          %parallel_loop3A_452 = arith.addf %parallel_loop3A_445, %parallel_loop3A_451 : vector<16xf32>
          %parallel_loop3A_453 = arith.constant 0 : i32
          %parallel_loop3A_454 = vector.broadcast %parallel_loop3A_453 : i32 to vector<16xi32>
          %parallel_loop3A_455 = arith.cmpi slt, %xor3A_92, %parallel_loop3A_454 : vector<16xi32>
          %parallel_loop3A_456 = arith.constant 16 : i32
          %parallel_loop3A_457 = vector.broadcast %parallel_loop3A_456 : i32 to vector<16xi32>
          %parallel_loop3A_458 = arith.addi %xor3A_92, %parallel_loop3A_457 : vector<16xi32>
          %parallel_loop3A_459 = arith.select %parallel_loop3A_455, %parallel_loop3A_458, %xor3A_92 : vector<16xi1>, vector<16xi32>
          %parallel_loop3A_460 = vector.shape_cast %parallel_loop3A_459 : vector<16xi32> to vector<16x1xi32>
          %parallel_loop3A_461 = vector.shape_cast %parallel_loop3A_460 : vector<16x1xi32> to vector<16xi32>
          %parallel_loop3A_462 = tpu.dynamic_gather %parallel_loop3A_452[%parallel_loop3A_461] in [0] : vector<16xf32>, vector<16xi32> -> vector<16xf32>
          %parallel_loop3A_463 = arith.addf %parallel_loop3A_452, %parallel_loop3A_462 : vector<16xf32>
          %parallel_loop3A_464 = arith.constant 0 : i32
          %parallel_loop3A_465 = vector.broadcast %parallel_loop3A_464 : i32 to vector<16xi32>
          %parallel_loop3A_466 = arith.cmpi slt, %xor3A_89, %parallel_loop3A_465 : vector<16xi32>
          %parallel_loop3A_467 = arith.constant 16 : i32
          %parallel_loop3A_468 = vector.broadcast %parallel_loop3A_467 : i32 to vector<16xi32>
          %parallel_loop3A_469 = arith.addi %xor3A_89, %parallel_loop3A_468 : vector<16xi32>
          %parallel_loop3A_470 = arith.select %parallel_loop3A_466, %parallel_loop3A_469, %xor3A_89 : vector<16xi1>, vector<16xi32>
          %parallel_loop3A_471 = vector.shape_cast %parallel_loop3A_470 : vector<16xi32> to vector<16x1xi32>
          %parallel_loop3A_472 = vector.shape_cast %parallel_loop3A_471 : vector<16x1xi32> to vector<16xi32>
          %parallel_loop3A_473 = tpu.dynamic_gather %parallel_loop3A_463[%parallel_loop3A_472] in [0] : vector<16xf32>, vector<16xi32> -> vector<16xf32>
          %parallel_loop3A_474 = arith.addf %parallel_loop3A_463, %parallel_loop3A_473 : vector<16xf32>
          %parallel_loop3A_475 = arith.constant 0 : i32
          %parallel_loop3A_476 = vector.broadcast %parallel_loop3A_475 : i32 to vector<16xi32>
          %parallel_loop3A_477 = arith.cmpi eq, %shift_right_logical3A_94, %parallel_loop3A_476 : vector<16xi32>
          %parallel_loop3A_478 = arith.constant 1 : i32
          %parallel_loop3A_479 = vector.broadcast %parallel_loop3A_478 : i32 to vector<16xi32>
          %parallel_loop3A_480 = arith.cmpi eq, %shift_right_logical3A_94, %parallel_loop3A_479 : vector<16xi32>
          %parallel_loop3A_481 = arith.constant 2 : i32
          %parallel_loop3A_482 = vector.broadcast %parallel_loop3A_481 : i32 to vector<16xi32>
          %parallel_loop3A_483 = arith.cmpi eq, %shift_right_logical3A_94, %parallel_loop3A_482 : vector<16xi32>
          %parallel_loop3A_484 = arith.select %parallel_loop3A_483, %parallel_loop3A_409, %parallel_loop3A_474 : vector<16xi1>, vector<16xf32>
          %parallel_loop3A_485 = arith.select %parallel_loop3A_480, %parallel_loop3A_344, %parallel_loop3A_484 : vector<16xi1>, vector<16xf32>
          %parallel_loop3A_486 = arith.select %parallel_loop3A_477, %parallel_loop3A_279, %parallel_loop3A_485 : vector<16xi1>, vector<16xf32>
          %parallel_loop3A_487 = arith.constant 0 : i32
          %parallel_loop3A_488 = vector.broadcast %parallel_loop3A_487 : i32 to vector<16xi32>
          %parallel_loop3A_489 = arith.cmpi slt, %xor3A_86, %parallel_loop3A_488 : vector<16xi32>
          %parallel_loop3A_490 = arith.constant 16 : i32
          %parallel_loop3A_491 = vector.broadcast %parallel_loop3A_490 : i32 to vector<16xi32>
          %parallel_loop3A_492 = arith.addi %xor3A_86, %parallel_loop3A_491 : vector<16xi32>
          %parallel_loop3A_493 = arith.select %parallel_loop3A_489, %parallel_loop3A_492, %xor3A_86 : vector<16xi1>, vector<16xi32>
          %parallel_loop3A_494 = vector.shape_cast %parallel_loop3A_493 : vector<16xi32> to vector<16x1xi32>
          %parallel_loop3A_495 = vector.shape_cast %parallel_loop3A_494 : vector<16x1xi32> to vector<16xi32>
          %parallel_loop3A_496 = tpu.dynamic_gather %parallel_loop3A_486[%parallel_loop3A_495] in [0] : vector<16xf32>, vector<16xi32> -> vector<16xf32>
          %parallel_loop3A_497 = arith.addf %parallel_loop3A_486, %parallel_loop3A_496 : vector<16xf32>
          %parallel_loop3A_498 = arith.constant 0 : i32
          %parallel_loop3A_499 = vector.broadcast %parallel_loop3A_498 : i32 to vector<16xi32>
          %parallel_loop3A_500 = arith.cmpi slt, %xor3A_83, %parallel_loop3A_499 : vector<16xi32>
          %parallel_loop3A_501 = arith.constant 16 : i32
          %parallel_loop3A_502 = vector.broadcast %parallel_loop3A_501 : i32 to vector<16xi32>
          %parallel_loop3A_503 = arith.addi %xor3A_83, %parallel_loop3A_502 : vector<16xi32>
          %parallel_loop3A_504 = arith.select %parallel_loop3A_500, %parallel_loop3A_503, %xor3A_83 : vector<16xi1>, vector<16xi32>
          %parallel_loop3A_505 = vector.shape_cast %parallel_loop3A_504 : vector<16xi32> to vector<16x1xi32>
          %parallel_loop3A_506 = vector.shape_cast %parallel_loop3A_505 : vector<16x1xi32> to vector<16xi32>
          %parallel_loop3A_507 = tpu.dynamic_gather %parallel_loop3A_497[%parallel_loop3A_506] in [0] : vector<16xf32>, vector<16xi32> -> vector<16xf32>
          %parallel_loop3A_508 = arith.addf %parallel_loop3A_497, %parallel_loop3A_507 : vector<16xf32>
          %parallel_loop3A_509 = arith.constant 0.000000e+00 : f32
          %parallel_loop3A_510 = vector.broadcast %parallel_loop3A_509 : f32 to vector<16xf32>
          %parallel_loop3A_511 = arith.cmpf ogt, %parallel_loop3A_508, %parallel_loop3A_510 : vector<16xf32>
          %parallel_loop3A_512 = arith.constant 2.000000e-01 : f32
          %parallel_loop3A_513 = vector.broadcast %parallel_loop3A_512 : f32 to vector<16xf32>
          %parallel_loop3A_514 = arith.mulf %parallel_loop3A_513, %parallel_loop3A_508 : vector<16xf32>
          %parallel_loop3A_515 = arith.select %parallel_loop3A_511, %parallel_loop3A_508, %parallel_loop3A_514 : vector<16xi1>, vector<16xf32>
          %parallel_loop3A_516 = math.exp %parallel_loop3A_515 : vector<16xf32>
          %parallel_loop3A_517 = arith.index_cast %parallel_loop3A_206 : i32 to index
          %parallel_loop3A_518 = arith.constant 128 : index
          %parallel_loop3A_519 = tpu.vector_load %arg19[%parallel_loop3A_517, %parallel_loop3A_518] {strides = array<i32>} : memref<40x144xf32, #tpu.memory_space<vmem>>, vector<1x16xf32>,
          %parallel_loop3A_520 = vector.shape_cast %parallel_loop3A_519 : vector<1x16xf32> to vector<16xf32>
          %parallel_loop3A_521 = vector.shape_cast %parallel_loop3A_516 : vector<16xf32> to vector<1x16xf32>
          tpu.vector_store %arg19[%parallel_loop3A_517, %parallel_loop3A_518], %parallel_loop3A_521 {strides = array<i32>} : memref<40x144xf32, #tpu.memory_space<vmem>>, vector<1x16xf32>,
          %parallel_loop3A_522 = arith.constant 0 : i32
          %parallel_loop3A_523 = vector.broadcast %parallel_loop3A_522 : i32 to vector<16xi32>
          %parallel_loop3A_524 = arith.constant 0 : i32
          %parallel_loop3A_525 = vector.broadcast %parallel_loop3A_524 : i32 to vector<16xi32>
          %parallel_loop3A_526 = arith.cmpi slt, %parallel_loop3A_523, %parallel_loop3A_525 : vector<16xi32>
          %parallel_loop3A_527 = arith.constant 16 : i32
          %parallel_loop3A_528 = vector.broadcast %parallel_loop3A_527 : i32 to vector<16xi32>
          %parallel_loop3A_529 = arith.addi %parallel_loop3A_523, %parallel_loop3A_528 : vector<16xi32>
          %parallel_loop3A_530 = arith.select %parallel_loop3A_526, %parallel_loop3A_529, %parallel_loop3A_523 : vector<16xi1>, vector<16xi32>
          %parallel_loop3A_531 = vector.shape_cast %parallel_loop3A_530 : vector<16xi32> to vector<16x1xi32>
          %parallel_loop3A_532 = vector.shape_cast %parallel_loop3A_531 : vector<16x1xi32> to vector<16xi32>
          %parallel_loop3A_533 = tpu.dynamic_gather %parallel_loop3A_516[%parallel_loop3A_532] in [0] : vector<16xf32>, vector<16xi32> -> vector<16xf32>
          %parallel_loop3A_534 = arith.index_cast %parallel_loop3A_206 : i32 to index
          %parallel_loop3A_535 = arith.constant 0 : index
          %parallel_loop3A_536 = tpu.vector_load %arg18[%parallel_loop3A_534, %parallel_loop3A_535] {strides = array<i32>} : memref<40x128xf32, #tpu.memory_space<vmem>>, vector<1x16xf32>,
          %parallel_loop3A_537 = vector.shape_cast %parallel_loop3A_536 : vector<1x16xf32> to vector<16xf32>
          %parallel_loop3A_538 = arith.mulf %parallel_loop3A_537, %parallel_loop3A_533 : vector<16xf32>
          %parallel_loop3A_539 = arith.index_cast %parallel_loop3A_206 : i32 to index
          %parallel_loop3A_540 = arith.constant 0 : index
          %parallel_loop3A_541 = tpu.vector_load %arg19[%parallel_loop3A_539, %parallel_loop3A_540] {strides = array<i32>} : memref<40x144xf32, #tpu.memory_space<vmem>>, vector<1x16xf32>,
          %parallel_loop3A_542 = vector.shape_cast %parallel_loop3A_541 : vector<1x16xf32> to vector<16xf32>
          %parallel_loop3A_543 = vector.shape_cast %parallel_loop3A_538 : vector<16xf32> to vector<1x16xf32>
          tpu.vector_store %arg19[%parallel_loop3A_539, %parallel_loop3A_540], %parallel_loop3A_543 {strides = array<i32>} : memref<40x144xf32, #tpu.memory_space<vmem>>, vector<1x16xf32>,
          %parallel_loop3A_544 = arith.index_cast %parallel_loop3A_206 : i32 to index
          %parallel_loop3A_545 = arith.constant 16 : index
          %parallel_loop3A_546 = tpu.vector_load %arg18[%parallel_loop3A_544, %parallel_loop3A_545] {strides = array<i32>} : memref<40x128xf32, #tpu.memory_space<vmem>>, vector<1x16xf32>,
          %parallel_loop3A_547 = vector.shape_cast %parallel_loop3A_546 : vector<1x16xf32> to vector<16xf32>
          %parallel_loop3A_548 = arith.mulf %parallel_loop3A_547, %parallel_loop3A_533 : vector<16xf32>
          %parallel_loop3A_549 = arith.index_cast %parallel_loop3A_206 : i32 to index
          %parallel_loop3A_550 = arith.constant 16 : index
          %parallel_loop3A_551 = tpu.vector_load %arg19[%parallel_loop3A_549, %parallel_loop3A_550] {strides = array<i32>} : memref<40x144xf32, #tpu.memory_space<vmem>>, vector<1x16xf32>,
          %parallel_loop3A_552 = vector.shape_cast %parallel_loop3A_551 : vector<1x16xf32> to vector<16xf32>
          %parallel_loop3A_553 = vector.shape_cast %parallel_loop3A_548 : vector<16xf32> to vector<1x16xf32>
          tpu.vector_store %arg19[%parallel_loop3A_549, %parallel_loop3A_550], %parallel_loop3A_553 {strides = array<i32>} : memref<40x144xf32, #tpu.memory_space<vmem>>, vector<1x16xf32>,
          %parallel_loop3A_554 = arith.constant 4 : i32
          %parallel_loop3A_555 = vector.broadcast %parallel_loop3A_554 : i32 to vector<16xi32>
          %parallel_loop3A_556 = arith.constant 0 : i32
          %parallel_loop3A_557 = vector.broadcast %parallel_loop3A_556 : i32 to vector<16xi32>
          %parallel_loop3A_558 = arith.cmpi slt, %parallel_loop3A_555, %parallel_loop3A_557 : vector<16xi32>
          %parallel_loop3A_559 = arith.constant 16 : i32
          %parallel_loop3A_560 = vector.broadcast %parallel_loop3A_559 : i32 to vector<16xi32>
          %parallel_loop3A_561 = arith.addi %parallel_loop3A_555, %parallel_loop3A_560 : vector<16xi32>
          %parallel_loop3A_562 = arith.select %parallel_loop3A_558, %parallel_loop3A_561, %parallel_loop3A_555 : vector<16xi1>, vector<16xi32>
          %parallel_loop3A_563 = vector.shape_cast %parallel_loop3A_562 : vector<16xi32> to vector<16x1xi32>
          %parallel_loop3A_564 = vector.shape_cast %parallel_loop3A_563 : vector<16x1xi32> to vector<16xi32>
          %parallel_loop3A_565 = tpu.dynamic_gather %parallel_loop3A_516[%parallel_loop3A_564] in [0] : vector<16xf32>, vector<16xi32> -> vector<16xf32>
          %parallel_loop3A_566 = arith.index_cast %parallel_loop3A_206 : i32 to index
          %parallel_loop3A_567 = arith.constant 32 : index
          %parallel_loop3A_568 = tpu.vector_load %arg18[%parallel_loop3A_566, %parallel_loop3A_567] {strides = array<i32>} : memref<40x128xf32, #tpu.memory_space<vmem>>, vector<1x16xf32>,
          %parallel_loop3A_569 = vector.shape_cast %parallel_loop3A_568 : vector<1x16xf32> to vector<16xf32>
          %parallel_loop3A_570 = arith.mulf %parallel_loop3A_569, %parallel_loop3A_565 : vector<16xf32>
          %parallel_loop3A_571 = arith.index_cast %parallel_loop3A_206 : i32 to index
          %parallel_loop3A_572 = arith.constant 32 : index
          %parallel_loop3A_573 = tpu.vector_load %arg19[%parallel_loop3A_571, %parallel_loop3A_572] {strides = array<i32>} : memref<40x144xf32, #tpu.memory_space<vmem>>, vector<1x16xf32>,
          %parallel_loop3A_574 = vector.shape_cast %parallel_loop3A_573 : vector<1x16xf32> to vector<16xf32>
          %parallel_loop3A_575 = vector.shape_cast %parallel_loop3A_570 : vector<16xf32> to vector<1x16xf32>
          tpu.vector_store %arg19[%parallel_loop3A_571, %parallel_loop3A_572], %parallel_loop3A_575 {strides = array<i32>} : memref<40x144xf32, #tpu.memory_space<vmem>>, vector<1x16xf32>,
          %parallel_loop3A_576 = arith.index_cast %parallel_loop3A_206 : i32 to index
          %parallel_loop3A_577 = arith.constant 48 : index
          %parallel_loop3A_578 = tpu.vector_load %arg18[%parallel_loop3A_576, %parallel_loop3A_577] {strides = array<i32>} : memref<40x128xf32, #tpu.memory_space<vmem>>, vector<1x16xf32>,
          %parallel_loop3A_579 = vector.shape_cast %parallel_loop3A_578 : vector<1x16xf32> to vector<16xf32>
          %parallel_loop3A_580 = arith.mulf %parallel_loop3A_579, %parallel_loop3A_565 : vector<16xf32>
          %parallel_loop3A_581 = arith.index_cast %parallel_loop3A_206 : i32 to index
          %parallel_loop3A_582 = arith.constant 48 : index
          %parallel_loop3A_583 = tpu.vector_load %arg19[%parallel_loop3A_581, %parallel_loop3A_582] {strides = array<i32>} : memref<40x144xf32, #tpu.memory_space<vmem>>, vector<1x16xf32>,
          %parallel_loop3A_584 = vector.shape_cast %parallel_loop3A_583 : vector<1x16xf32> to vector<16xf32>
          %parallel_loop3A_585 = vector.shape_cast %parallel_loop3A_580 : vector<16xf32> to vector<1x16xf32>
          tpu.vector_store %arg19[%parallel_loop3A_581, %parallel_loop3A_582], %parallel_loop3A_585 {strides = array<i32>} : memref<40x144xf32, #tpu.memory_space<vmem>>, vector<1x16xf32>,
          %parallel_loop3A_586 = arith.constant 8 : i32
          %parallel_loop3A_587 = vector.broadcast %parallel_loop3A_586 : i32 to vector<16xi32>
          %parallel_loop3A_588 = arith.constant 0 : i32
          %parallel_loop3A_589 = vector.broadcast %parallel_loop3A_588 : i32 to vector<16xi32>
          %parallel_loop3A_590 = arith.cmpi slt, %parallel_loop3A_587, %parallel_loop3A_589 : vector<16xi32>
          %parallel_loop3A_591 = arith.constant 16 : i32
          %parallel_loop3A_592 = vector.broadcast %parallel_loop3A_591 : i32 to vector<16xi32>
          %parallel_loop3A_593 = arith.addi %parallel_loop3A_587, %parallel_loop3A_592 : vector<16xi32>
          %parallel_loop3A_594 = arith.select %parallel_loop3A_590, %parallel_loop3A_593, %parallel_loop3A_587 : vector<16xi1>, vector<16xi32>
          %parallel_loop3A_595 = vector.shape_cast %parallel_loop3A_594 : vector<16xi32> to vector<16x1xi32>
          %parallel_loop3A_596 = vector.shape_cast %parallel_loop3A_595 : vector<16x1xi32> to vector<16xi32>
          %parallel_loop3A_597 = tpu.dynamic_gather %parallel_loop3A_516[%parallel_loop3A_596] in [0] : vector<16xf32>, vector<16xi32> -> vector<16xf32>
          %parallel_loop3A_598 = arith.index_cast %parallel_loop3A_206 : i32 to index
          %parallel_loop3A_599 = arith.constant 64 : index
          %parallel_loop3A_600 = tpu.vector_load %arg18[%parallel_loop3A_598, %parallel_loop3A_599] {strides = array<i32>} : memref<40x128xf32, #tpu.memory_space<vmem>>, vector<1x16xf32>,
          %parallel_loop3A_601 = vector.shape_cast %parallel_loop3A_600 : vector<1x16xf32> to vector<16xf32>
          %parallel_loop3A_602 = arith.mulf %parallel_loop3A_601, %parallel_loop3A_597 : vector<16xf32>
          %parallel_loop3A_603 = arith.index_cast %parallel_loop3A_206 : i32 to index
          %parallel_loop3A_604 = arith.constant 64 : index
          %parallel_loop3A_605 = tpu.vector_load %arg19[%parallel_loop3A_603, %parallel_loop3A_604] {strides = array<i32>} : memref<40x144xf32, #tpu.memory_space<vmem>>, vector<1x16xf32>,
          %parallel_loop3A_606 = vector.shape_cast %parallel_loop3A_605 : vector<1x16xf32> to vector<16xf32>
          %parallel_loop3A_607 = vector.shape_cast %parallel_loop3A_602 : vector<16xf32> to vector<1x16xf32>
          tpu.vector_store %arg19[%parallel_loop3A_603, %parallel_loop3A_604], %parallel_loop3A_607 {strides = array<i32>} : memref<40x144xf32, #tpu.memory_space<vmem>>, vector<1x16xf32>,
          %parallel_loop3A_608 = arith.index_cast %parallel_loop3A_206 : i32 to index
          %parallel_loop3A_609 = arith.constant 80 : index
          %parallel_loop3A_610 = tpu.vector_load %arg18[%parallel_loop3A_608, %parallel_loop3A_609] {strides = array<i32>} : memref<40x128xf32, #tpu.memory_space<vmem>>, vector<1x16xf32>,
          %parallel_loop3A_611 = vector.shape_cast %parallel_loop3A_610 : vector<1x16xf32> to vector<16xf32>
          %parallel_loop3A_612 = arith.mulf %parallel_loop3A_611, %parallel_loop3A_597 : vector<16xf32>
          %parallel_loop3A_613 = arith.index_cast %parallel_loop3A_206 : i32 to index
          %parallel_loop3A_614 = arith.constant 80 : index
          %parallel_loop3A_615 = tpu.vector_load %arg19[%parallel_loop3A_613, %parallel_loop3A_614] {strides = array<i32>} : memref<40x144xf32, #tpu.memory_space<vmem>>, vector<1x16xf32>,
          %parallel_loop3A_616 = vector.shape_cast %parallel_loop3A_615 : vector<1x16xf32> to vector<16xf32>
          %parallel_loop3A_617 = vector.shape_cast %parallel_loop3A_612 : vector<16xf32> to vector<1x16xf32>
          tpu.vector_store %arg19[%parallel_loop3A_613, %parallel_loop3A_614], %parallel_loop3A_617 {strides = array<i32>} : memref<40x144xf32, #tpu.memory_space<vmem>>, vector<1x16xf32>,
          %parallel_loop3A_618 = arith.constant 12 : i32
          %parallel_loop3A_619 = vector.broadcast %parallel_loop3A_618 : i32 to vector<16xi32>
          %parallel_loop3A_620 = arith.constant 0 : i32
          %parallel_loop3A_621 = vector.broadcast %parallel_loop3A_620 : i32 to vector<16xi32>
          %parallel_loop3A_622 = arith.cmpi slt, %parallel_loop3A_619, %parallel_loop3A_621 : vector<16xi32>
          %parallel_loop3A_623 = arith.constant 16 : i32
          %parallel_loop3A_624 = vector.broadcast %parallel_loop3A_623 : i32 to vector<16xi32>
          %parallel_loop3A_625 = arith.addi %parallel_loop3A_619, %parallel_loop3A_624 : vector<16xi32>
          %parallel_loop3A_626 = arith.select %parallel_loop3A_622, %parallel_loop3A_625, %parallel_loop3A_619 : vector<16xi1>, vector<16xi32>
          %parallel_loop3A_627 = vector.shape_cast %parallel_loop3A_626 : vector<16xi32> to vector<16x1xi32>
          %parallel_loop3A_628 = vector.shape_cast %parallel_loop3A_627 : vector<16x1xi32> to vector<16xi32>
          %parallel_loop3A_629 = tpu.dynamic_gather %parallel_loop3A_516[%parallel_loop3A_628] in [0] : vector<16xf32>, vector<16xi32> -> vector<16xf32>
          %parallel_loop3A_630 = arith.index_cast %parallel_loop3A_206 : i32 to index
          %parallel_loop3A_631 = arith.constant 96 : index
          %parallel_loop3A_632 = tpu.vector_load %arg18[%parallel_loop3A_630, %parallel_loop3A_631] {strides = array<i32>} : memref<40x128xf32, #tpu.memory_space<vmem>>, vector<1x16xf32>,
          %parallel_loop3A_633 = vector.shape_cast %parallel_loop3A_632 : vector<1x16xf32> to vector<16xf32>
          %parallel_loop3A_634 = arith.mulf %parallel_loop3A_633, %parallel_loop3A_629 : vector<16xf32>
          %parallel_loop3A_635 = arith.index_cast %parallel_loop3A_206 : i32 to index
          %parallel_loop3A_636 = arith.constant 96 : index
          %parallel_loop3A_637 = tpu.vector_load %arg19[%parallel_loop3A_635, %parallel_loop3A_636] {strides = array<i32>} : memref<40x144xf32, #tpu.memory_space<vmem>>, vector<1x16xf32>,
          %parallel_loop3A_638 = vector.shape_cast %parallel_loop3A_637 : vector<1x16xf32> to vector<16xf32>
          %parallel_loop3A_639 = vector.shape_cast %parallel_loop3A_634 : vector<16xf32> to vector<1x16xf32>
          tpu.vector_store %arg19[%parallel_loop3A_635, %parallel_loop3A_636], %parallel_loop3A_639 {strides = array<i32>} : memref<40x144xf32, #tpu.memory_space<vmem>>, vector<1x16xf32>,
          %parallel_loop3A_640 = arith.index_cast %parallel_loop3A_206 : i32 to index
          %parallel_loop3A_641 = arith.constant 112 : index
          %parallel_loop3A_642 = tpu.vector_load %arg18[%parallel_loop3A_640, %parallel_loop3A_641] {strides = array<i32>} : memref<40x128xf32, #tpu.memory_space<vmem>>, vector<1x16xf32>,
          %parallel_loop3A_643 = vector.shape_cast %parallel_loop3A_642 : vector<1x16xf32> to vector<16xf32>
          %parallel_loop3A_644 = arith.mulf %parallel_loop3A_643, %parallel_loop3A_629 : vector<16xf32>
          %parallel_loop3A_645 = arith.index_cast %parallel_loop3A_206 : i32 to index
          %parallel_loop3A_646 = arith.constant 112 : index
          %parallel_loop3A_647 = tpu.vector_load %arg19[%parallel_loop3A_645, %parallel_loop3A_646] {strides = array<i32>} : memref<40x144xf32, #tpu.memory_space<vmem>>, vector<1x16xf32>,
          %parallel_loop3A_648 = vector.shape_cast %parallel_loop3A_647 : vector<1x16xf32> to vector<16xf32>
          %parallel_loop3A_649 = vector.shape_cast %parallel_loop3A_644 : vector<16xf32> to vector<1x16xf32>
          tpu.vector_store %arg19[%parallel_loop3A_645, %parallel_loop3A_646], %parallel_loop3A_649 {strides = array<i32>} : memref<40x144xf32, #tpu.memory_space<vmem>>, vector<1x16xf32>,
        } {sc.loop_unroll_factor = 2 : i64, sc.parallel_access}
        "tpu.region"() ({
          %run_scoped3A = tpu.sem_alloc : memref<!tpu.dma_semaphore, #tpu.memory_space<semaphore_mem>>
          %dma_start3A_206 = arith.constant 0 : i32
          %dma_start3A_207 = arith.constant 0 : i32
          %dma_start3A_208 = tpu.memref_slice %arg21[%dma_start3A_206, %dma_start3A_207] : memref<10000x144xf32, #tpu.memory_space<vmem_shared>> -> memref<10000x144xf32, #tpu.memory_space<vmem_shared>>
          tpu.enqueue_indirect_dma source(%arg19 : memref<40x144xf32, #tpu.memory_space<vmem>>) target(%dma_start3A_208 : memref<10000x144xf32, #tpu.memory_space<vmem_shared>>) offsets(%arg14 : memref<40xi32, #tpu.memory_space<vmem>>) semaphore(%run_scoped3A : memref<!tpu.dma_semaphore, #tpu.memory_space<semaphore_mem>>) {add = true}
          %dma_wait3A_209 = arith.constant 0 : i32
          %dma_wait3A_210 = arith.constant 0 : i32
          %dma_wait3A_211 = tpu.memref_slice %arg21[%dma_wait3A_209, %dma_wait3A_210] : memref<10000x144xf32, #tpu.memory_space<vmem_shared>> -> memref<10000x144xf32, #tpu.memory_space<vmem_shared>>
          tpu.wait_indirect_dma semaphore(%run_scoped3A : memref<!tpu.dma_semaphore, #tpu.memory_space<semaphore_mem>>) src(%arg19 : memref<40x144xf32, #tpu.memory_space<vmem>>) dst(%dma_wait3A_211 : memref<10000x144xf32, #tpu.memory_space<vmem_shared>>)
          tpu.yield
        }) : () -> ()
        %add3A_199 = arith.constant 2 : i32
        %add3A_200 = arith.addi %scan3A_143, %add3A_199 : i32
        %lt3A_201 = arith.constant 250 : i32
        %lt3A_202 = arith.cmpi slt, %add3A_200, %lt3A_201 : i32
        %convert_element_type3A_203 = arith.extui %lt3A_202 : i1 to i32
        %cond3A_204 = arith.constant 0 : i32
        %cond3A_205 = arith.cmpi ne, %convert_element_type3A_203, %cond3A_204 : i32
        scf.if %cond3A_205 {
          %add3A_206 = arith.constant 2 : i32
          %add3A_207 = arith.addi %scan3A_143, %add3A_206 : i32
          %mul3A_208 = arith.constant 10000 : i32
          %mul3A_209 = arith.muli %add3A, %mul3A_208 : i32
          %mul3A_210 = arith.constant 40 : i32
          %mul3A_211 = arith.muli %add3A_207, %mul3A_210 : i32
          %add3A_212 = arith.addi %mul3A_209, %mul3A_211 : i32
          %dma_start3A_213 = tpu.memref_slice %arg2[%add3A_212] : memref<320000xi32, #tpu.memory_space<hbm>> -> memref<40xi32, #tpu.memory_space<hbm>>
          %dma_start3A_214 = tpu.memref_slice %arg2[%add3A_212] : memref<320000xi32, #tpu.memory_space<hbm>> -> memref<40xi32, #tpu.memory_space<hbm>>
          tpu.enqueue_dma source(%dma_start3A_214 : memref<40xi32, #tpu.memory_space<hbm>>) target(%arg14 : memref<40xi32, #tpu.memory_space<vmem>>) target_semaphore(%arg24 : memref<!tpu.dma_semaphore, #tpu.memory_space<semaphore_mem>>)
          %dma_start3A_215 = tpu.memref_slice %arg3[%add3A_212] : memref<320000xi32, #tpu.memory_space<hbm>> -> memref<40xi32, #tpu.memory_space<hbm>>
          %dma_start3A_216 = tpu.memref_slice %arg3[%add3A_212] : memref<320000xi32, #tpu.memory_space<hbm>> -> memref<40xi32, #tpu.memory_space<hbm>>
          tpu.enqueue_dma source(%dma_start3A_216 : memref<40xi32, #tpu.memory_space<hbm>>) target(%arg15 : memref<40xi32, #tpu.memory_space<vmem>>) target_semaphore(%arg24 : memref<!tpu.dma_semaphore, #tpu.memory_space<semaphore_mem>>)
        } else {
        }
      } else {
      }
    }
    %scan3A_130 = arith.constant 250 : i32
    %barrier3A_131 = arith.constant 0 : index
    tpu.barrier barrier_id(%barrier3A_131)
    %mul3A_132 = arith.constant 624 : i32
    %mul3A_133 = arith.muli %arg1, %mul3A_132 : i32
    %multiple_of3A = tpu.assume_multiple %mul3A_133, 8 : i32
    %lt3A = arith.constant 15 : i32
    %lt3A_134 = arith.cmpi slt, %arg1, %lt3A : i32
    %convert_element_type3A_135 = arith.extui %lt3A_134 : i1 to i32
    %cond3A_136 = arith.constant 0 : i32
    %cond3A_137 = arith.cmpi ne, %convert_element_type3A_135, %cond3A_136 : i32
    scf.if %cond3A_137 {
      "tpu.region"() ({
        %run_scoped3A = tpu.sem_alloc : memref<!tpu.dma_semaphore, #tpu.memory_space<semaphore_mem>>
        %dma_start3A_143 = arith.constant 0 : i32
        %dma_start3A_144 = tpu.memref_slice %arg8[%arg0, %multiple_of3A, %dma_start3A_143] : memref<2x10000x144xf32, #tpu.memory_space<hbm>> -> memref<1x624x144xf32, #tpu.memory_space<hbm>>
        %dma_start3A_145 = tpu.memref_squeeze %dma_start3A_144 : memref<1x624x144xf32, #tpu.memory_space<hbm>> -> memref<624x144xf32, #tpu.memory_space<hbm>>
        %dma_start3A_146 = arith.constant 0 : i32
        %dma_start3A_147 = tpu.memref_slice %arg21[%multiple_of3A, %dma_start3A_146] : memref<10000x144xf32, #tpu.memory_space<vmem_shared>> -> memref<624x144xf32, #tpu.memory_space<vmem_shared>>
        tpu.enqueue_dma source(%dma_start3A_147 : memref<624x144xf32, #tpu.memory_space<vmem_shared>>) target(%dma_start3A_145 : memref<624x144xf32, #tpu.memory_space<hbm>>) target_semaphore(%run_scoped3A : memref<!tpu.dma_semaphore, #tpu.memory_space<semaphore_mem>>)
        %dma_wait3A_148 = arith.constant 0 : i32
        %dma_wait3A_149 = tpu.memref_slice %arg8[%arg0, %multiple_of3A, %dma_wait3A_148] : memref<2x10000x144xf32, #tpu.memory_space<hbm>> -> memref<1x624x144xf32, #tpu.memory_space<hbm>>
        %dma_wait3A_150 = tpu.memref_squeeze %dma_wait3A_149 : memref<1x624x144xf32, #tpu.memory_space<hbm>> -> memref<624x144xf32, #tpu.memory_space<hbm>>
        %dma_wait3A_151 = arith.constant 0 : i32
        %dma_wait3A_152 = tpu.memref_slice %arg21[%multiple_of3A, %dma_wait3A_151] : memref<10000x144xf32, #tpu.memory_space<vmem_shared>> -> memref<624x144xf32, #tpu.memory_space<vmem_shared>>
        tpu.wait_dma2 semaphore(%run_scoped3A : memref<!tpu.dma_semaphore, #tpu.memory_space<semaphore_mem>>) src(%dma_wait3A_152 : memref<624x144xf32, #tpu.memory_space<vmem_shared>>) dst(%dma_wait3A_150 : memref<624x144xf32, #tpu.memory_space<hbm>>)
        tpu.yield
      }) : () -> ()
    } else {
    }
    %eq3A_138 = arith.constant 15 : i32
    %eq3A_139 = arith.cmpi eq, %arg1, %eq3A_138 : i32
    %convert_element_type3A_140 = arith.extui %eq3A_139 : i1 to i32
    %cond3A_141 = arith.constant 0 : i32
    %cond3A_142 = arith.cmpi ne, %convert_element_type3A_140, %cond3A_141 : i32
    scf.if %cond3A_142 {
      "tpu.region"() ({
        %run_scoped3A = tpu.sem_alloc : memref<!tpu.dma_semaphore, #tpu.memory_space<semaphore_mem>>
        %dma_start3A_143 = arith.constant 9360 : i32
        %dma_start3A_144 = arith.constant 0 : i32
        %dma_start3A_145 = tpu.memref_slice %arg8[%arg0, %dma_start3A_143, %dma_start3A_144] : memref<2x10000x144xf32, #tpu.memory_space<hbm>> -> memref<1x640x144xf32, #tpu.memory_space<hbm>>
        %dma_start3A_146 = tpu.memref_squeeze %dma_start3A_145 : memref<1x640x144xf32, #tpu.memory_space<hbm>> -> memref<640x144xf32, #tpu.memory_space<hbm>>
        %dma_start3A_147 = arith.constant 9360 : i32
        %dma_start3A_148 = arith.constant 0 : i32
        %dma_start3A_149 = tpu.memref_slice %arg21[%dma_start3A_147, %dma_start3A_148] : memref<10000x144xf32, #tpu.memory_space<vmem_shared>> -> memref<640x144xf32, #tpu.memory_space<vmem_shared>>
        tpu.enqueue_dma source(%dma_start3A_149 : memref<640x144xf32, #tpu.memory_space<vmem_shared>>) target(%dma_start3A_146 : memref<640x144xf32, #tpu.memory_space<hbm>>) target_semaphore(%run_scoped3A : memref<!tpu.dma_semaphore, #tpu.memory_space<semaphore_mem>>)
        %dma_wait3A_150 = arith.constant 9360 : i32
        %dma_wait3A_151 = arith.constant 0 : i32
        %dma_wait3A_152 = tpu.memref_slice %arg8[%arg0, %dma_wait3A_150, %dma_wait3A_151] : memref<2x10000x144xf32, #tpu.memory_space<hbm>> -> memref<1x640x144xf32, #tpu.memory_space<hbm>>
        %dma_wait3A_153 = tpu.memref_squeeze %dma_wait3A_152 : memref<1x640x144xf32, #tpu.memory_space<hbm>> -> memref<640x144xf32, #tpu.memory_space<hbm>>
        %dma_wait3A_154 = arith.constant 9360 : i32
        %dma_wait3A_155 = arith.constant 0 : i32
        %dma_wait3A_156 = tpu.memref_slice %arg21[%dma_wait3A_154, %dma_wait3A_155] : memref<10000x144xf32, #tpu.memory_space<vmem_shared>> -> memref<640x144xf32, #tpu.memory_space<vmem_shared>>
        tpu.wait_dma2 semaphore(%run_scoped3A : memref<!tpu.dma_semaphore, #tpu.memory_space<semaphore_mem>>) src(%dma_wait3A_156 : memref<640x144xf32, #tpu.memory_space<vmem_shared>>) dst(%dma_wait3A_153 : memref<640x144xf32, #tpu.memory_space<hbm>>)
        tpu.yield
      }) : () -> ()
    } else {
    }
    return
  }
}

module attributes {stable_mosaic.version = 14 : i64} {
  func.func @_phase1_body(%arg0: i32, %arg1: memref<1000x128xf32, #tpu.memory_space<vmem>>, %arg2: memref<128x128xf32, #tpu.memory_space<vmem>>, %arg3: memref<128x128xf32, #tpu.memory_space<vmem>>, %arg4: memref<128x16xf32, #tpu.memory_space<vmem>>, %arg5: memref<128x16xf32, #tpu.memory_space<vmem>>, %arg6: memref<1000x144xf32, #tpu.memory_space<vmem>>, %arg7: memref<1000x128xf32, #tpu.memory_space<vmem>>) attributes {dimension_semantics = [#tpu.dimension_semantics<arbitrary>], iteration_bounds = array<i64: 10>, scalar_prefetch = 0 : i64, scratch_operands = 0 : i64, tpu.core_type = #tpu.core_type<tc>, window_params = [{transform_indices = @transform_0, window_bounds = array<i64: 1000, 128>}, {pipeline_mode = #tpu.pipeline_mode<synchronous>, transform_indices = @transform_1, window_bounds = array<i64: 128, 128>}, {pipeline_mode = #tpu.pipeline_mode<synchronous>, transform_indices = @transform_2, window_bounds = array<i64: 128, 128>}, {pipeline_mode = #tpu.pipeline_mode<synchronous>, transform_indices = @transform_3, window_bounds = array<i64: 128, 16>}, {pipeline_mode = #tpu.pipeline_mode<synchronous>, transform_indices = @transform_4, window_bounds = array<i64: 128, 16>}, {transform_indices = @transform_5, window_bounds = array<i64: 1000, 144>}, {transform_indices = @transform_6, window_bounds = array<i64: 1000, 128>}]} {
    %get3A = arith.constant 0 : index
    %get3A_0 = arith.constant 0 : index
    %get3A_1 = vector.load %arg1[%get3A, %get3A_0] : memref<1000x128xf32, #tpu.memory_space<vmem>>, vector<1000x128xf32>
    %get3A_2 = arith.constant 0 : index
    %get3A_3 = arith.constant 0 : index
    %get3A_4 = vector.load %arg2[%get3A_2, %get3A_3] : memref<128x128xf32, #tpu.memory_space<vmem>>, vector<128x128xf32>
    %dot_general3A = arith.constant dense<0.000000e+00> : vector<1000x128xf32>
    %dot_general3A_5 = tpu.matmul %get3A_1, %get3A_4, %dot_general3A {dimension_numbers = #tpu.dot_dimension_numbers<[1], [0], [0], [1], [0, 0, 1, 1], [], []>, transpose_lhs_hint = false} : vector<1000x128xf32>, vector<128x128xf32>, vector<1000x128xf32> -> vector<1000x128xf32>
    %get3A_6 = arith.constant 0 : index
    %get3A_7 = arith.constant 0 : index
    %get3A_8 = vector.load %arg3[%get3A_6, %get3A_7] : memref<128x128xf32, #tpu.memory_space<vmem>>, vector<128x128xf32>
    %dot_general3A_9 = arith.constant dense<0.000000e+00> : vector<1000x128xf32>
    %dot_general3A_10 = tpu.matmul %get3A_1, %get3A_8, %dot_general3A_9 {dimension_numbers = #tpu.dot_dimension_numbers<[1], [0], [0], [1], [0, 0, 1, 1], [], []>, transpose_lhs_hint = false} : vector<1000x128xf32>, vector<128x128xf32>, vector<1000x128xf32> -> vector<1000x128xf32>
    %get3A_11 = arith.constant 0 : index
    %get3A_12 = arith.constant 0 : index
    %get3A_13 = vector.load %arg4[%get3A_11, %get3A_12] : memref<128x16xf32, #tpu.memory_space<vmem>>, vector<128x16xf32>
    %dot_general3A_14 = arith.constant dense<0.000000e+00> : vector<1000x16xf32>
    %dot_general3A_15 = tpu.matmul %dot_general3A_5, %get3A_13, %dot_general3A_14 {dimension_numbers = #tpu.dot_dimension_numbers<[1], [0], [0], [1], [0, 0, 1, 1], [], []>, transpose_lhs_hint = false} : vector<1000x128xf32>, vector<128x16xf32>, vector<1000x16xf32> -> vector<1000x16xf32>
    %get3A_16 = arith.constant 0 : index
    %get3A_17 = arith.constant 0 : index
    %get3A_18 = vector.load %arg5[%get3A_16, %get3A_17] : memref<128x16xf32, #tpu.memory_space<vmem>>, vector<128x16xf32>
    %dot_general3A_19 = arith.constant dense<0.000000e+00> : vector<1000x16xf32>
    %dot_general3A_20 = tpu.matmul %dot_general3A_10, %get3A_18, %dot_general3A_19 {dimension_numbers = #tpu.dot_dimension_numbers<[1], [0], [0], [1], [0, 0, 1, 1], [], []>, transpose_lhs_hint = false} : vector<1000x128xf32>, vector<128x16xf32>, vector<1000x16xf32> -> vector<1000x16xf32>
    %add3A = arith.addf %dot_general3A_15, %dot_general3A_20 : vector<1000x16xf32>
    %concatenate3A = tpu.concatenate %dot_general3A_10, %add3A in 1 : vector<1000x128xf32>, vector<1000x16xf32> -> vector<1000x144xf32>
    %swap3A = arith.constant 0 : index
    %swap3A_21 = arith.constant 0 : index
    %swap3A_22 = vector.load %arg6[%swap3A, %swap3A_21] : memref<1000x144xf32, #tpu.memory_space<vmem>>, vector<1000x144xf32>
    tpu.vector_store %arg6[%swap3A, %swap3A_21], %concatenate3A {strides = array<i32>} : memref<1000x144xf32, #tpu.memory_space<vmem>>, vector<1000x144xf32>,
    %swap3A_23 = arith.constant 0 : index
    %swap3A_24 = arith.constant 0 : index
    %swap3A_25 = vector.load %arg7[%swap3A_23, %swap3A_24] : memref<1000x128xf32, #tpu.memory_space<vmem>>, vector<1000x128xf32>
    tpu.vector_store %arg7[%swap3A_23, %swap3A_24], %dot_general3A_5 {strides = array<i32>} : memref<1000x128xf32, #tpu.memory_space<vmem>>, vector<1000x128xf32>,
    return
  }
  func.func @transform_0(%arg0: i32) -> (i32, i32) {
    %c0_i32 = arith.constant 0 : i32
    %c0_i32_0 = arith.constant 0 : i32
    return %arg0, %c0_i32 : i32, i32
  }
  func.func @transform_1(%arg0: i32) -> (i32, i32) {
    %c0_i32 = arith.constant 0 : i32
    %c0_i32_0 = arith.constant 0 : i32
    %c0_i32_1 = arith.constant 0 : i32
    return %c0_i32, %c0_i32_0 : i32, i32
  }
  func.func @transform_2(%arg0: i32) -> (i32, i32) {
    %c0_i32 = arith.constant 0 : i32
    %c0_i32_0 = arith.constant 0 : i32
    %c0_i32_1 = arith.constant 0 : i32
    return %c0_i32, %c0_i32_0 : i32, i32
  }
  func.func @transform_3(%arg0: i32) -> (i32, i32) {
    %c0_i32 = arith.constant 0 : i32
    %c0_i32_0 = arith.constant 0 : i32
    %c0_i32_1 = arith.constant 0 : i32
    return %c0_i32, %c0_i32_0 : i32, i32
  }
  func.func @transform_4(%arg0: i32) -> (i32, i32) {
    %c0_i32 = arith.constant 0 : i32
    %c0_i32_0 = arith.constant 0 : i32
    %c0_i32_1 = arith.constant 0 : i32
    return %c0_i32, %c0_i32_0 : i32, i32
  }
  func.func @transform_5(%arg0: i32) -> (i32, i32) {
    %c0_i32 = arith.constant 0 : i32
    %c0_i32_0 = arith.constant 0 : i32
    return %arg0, %c0_i32 : i32, i32
  }
  func.func @transform_6(%arg0: i32) -> (i32, i32) {
    %c0_i32 = arith.constant 0 : i32
    %c0_i32_0 = arith.constant 0 : i32
    return %arg0, %c0_i32 : i32, i32
  }
}

module attributes {stable_mosaic.version = 14 : i64} {
  func.func @_phase3_body(%arg0: i32, %arg1: memref<1x1000x144xf32, #tpu.memory_space<vmem>>, %arg2: memref<1x1000x144xf32, #tpu.memory_space<vmem>>, %arg3: memref<16x128xf32, #tpu.memory_space<vmem>>, %arg4: memref<1000x128xf32, #tpu.memory_space<vmem>>) attributes {dimension_semantics = [#tpu.dimension_semantics<arbitrary>], iteration_bounds = array<i64: 10>, scalar_prefetch = 0 : i64, scratch_operands = 0 : i64, tpu.core_type = #tpu.core_type<tc>, window_params = [{transform_indices = @transform_0, window_bounds = array<i64: 1, 1000, 144>}, {transform_indices = @transform_1, window_bounds = array<i64: 1, 1000, 144>}, {pipeline_mode = #tpu.pipeline_mode<synchronous>, transform_indices = @transform_2, window_bounds = array<i64: 16, 128>}, {transform_indices = @transform_3, window_bounds = array<i64: 1000, 128>}]} {
    %get3A = arith.constant 0 : index
    %get3A_0 = arith.constant 0 : index
    %get3A_1 = arith.constant 0 : index
    %get3A_2 = vector.load %arg1[%get3A, %get3A_0, %get3A_1] : memref<1x1000x144xf32, #tpu.memory_space<vmem>>, vector<1x1000x144xf32>
    %get3A_3 = vector.shape_cast %get3A_2 : vector<1x1000x144xf32> to vector<1000x144xf32>
    %get3A_4 = arith.constant 0 : index
    %get3A_5 = arith.constant 0 : index
    %get3A_6 = arith.constant 0 : index
    %get3A_7 = vector.load %arg2[%get3A_4, %get3A_5, %get3A_6] : memref<1x1000x144xf32, #tpu.memory_space<vmem>>, vector<1x1000x144xf32>
    %get3A_8 = vector.shape_cast %get3A_7 : vector<1x1000x144xf32> to vector<1000x144xf32>
    %add3A = arith.addf %get3A_3, %get3A_8 : vector<1000x144xf32>
    %slice3A = vector.extract_strided_slice %add3A {offsets = [0, 0], sizes = [1000, 128], strides = [1, 1]} : vector<1000x144xf32> to vector<1000x128xf32>
    %slice3A_9 = vector.extract_strided_slice %add3A {offsets = [0, 128], sizes = [1000, 16], strides = [1, 1]} : vector<1000x144xf32> to vector<1000x16xf32>
    %get3A_10 = arith.constant 0 : index
    %get3A_11 = arith.constant 0 : index
    %get3A_12 = vector.load %arg3[%get3A_10, %get3A_11] : memref<16x128xf32, #tpu.memory_space<vmem>>, vector<16x128xf32>
    %dot_general3A = arith.constant dense<0.000000e+00> : vector<1000x128xf32>
    %dot_general3A_13 = tpu.matmul %slice3A_9, %get3A_12, %dot_general3A {dimension_numbers = #tpu.dot_dimension_numbers<[1], [0], [0], [1], [0, 0, 1, 1], [], []>, transpose_lhs_hint = false} : vector<1000x16xf32>, vector<16x128xf32>, vector<1000x128xf32> -> vector<1000x128xf32>
    %add3A_14 = arith.constant 1.000000e-16 : f32
    %add3A_15 = vector.broadcast %add3A_14 : f32 to vector<1000x128xf32>
    %add3A_16 = arith.addf %dot_general3A_13, %add3A_15 : vector<1000x128xf32>
    %div3A = arith.divf %slice3A, %add3A_16 : vector<1000x128xf32>
    %swap3A = arith.constant 0 : index
    %swap3A_17 = arith.constant 0 : index
    %swap3A_18 = vector.load %arg4[%swap3A, %swap3A_17] : memref<1000x128xf32, #tpu.memory_space<vmem>>, vector<1000x128xf32>
    tpu.vector_store %arg4[%swap3A, %swap3A_17], %div3A {strides = array<i32>} : memref<1000x128xf32, #tpu.memory_space<vmem>>, vector<1000x128xf32>,
    return
  }
  func.func @transform_0(%arg0: i32) -> (i32, i32, i32) {
    %c0_i32 = arith.constant 0 : i32
    %c0_i32_0 = arith.constant 0 : i32
    %c0_i32_1 = arith.constant 0 : i32
    return %c0_i32, %arg0, %c0_i32_0 : i32, i32, i32
  }
  func.func @transform_1(%arg0: i32) -> (i32, i32, i32) {
    %c1_i32 = arith.constant 1 : i32
    %c0_i32 = arith.constant 0 : i32
    %c0_i32_0 = arith.constant 0 : i32
    return %c1_i32, %arg0, %c0_i32 : i32, i32, i32
  }
  func.func @transform_2(%arg0: i32) -> (i32, i32) {
    %c0_i32 = arith.constant 0 : i32
    %c0_i32_0 = arith.constant 0 : i32
    %c0_i32_1 = arith.constant 0 : i32
    return %c0_i32, %c0_i32_0 : i32, i32
  }
  func.func @transform_3(%arg0: i32) -> (i32, i32) {
    %c0_i32 = arith.constant 0 : i32
    %c0_i32_0 = arith.constant 0 : i32
    return %arg0, %c0_i32 : i32, i32
  }
}

</mosaic_0001>

<sc_bundles>
// kernel: kernel.5.cloned.1.call-start
scs
__scs_entry_jumppad:
0x0: {  	(pc) =	sbr.rel $0x88, $3  }
0x1: {  	(tag) =	ssettag $0x0;
	lr =	simm.s32 $0x1  }
0x2: {  	[smem:$0x3F9C] =	sst lr;
	_ =	strace $0xD0000000  }
0x3: {  	_ = 	snop  }
0x4: {  	_ = 	snop  }
0x5: {  	_ = 	snop  }
0x6: {  	_ = 	snop  }
0x7: {  	_ = 	snop  }
__scs_overlays_trampoline_lowered:
0x8: {  	[smem:$0x3FAB] =	sst s0  }
0x9: {  	[smem:$0x3FAC] =	sst s1  }
0xa: {  	[smem:$0x3FAD] =	sst s2  }
0xb: {  	[smem:$0x3FAE] =	sst s3  }
0xc: {  	[smem:$0x3FAF] =	sst s4  }
0xd: {  	[smem:$0x3FB0] =	sst s5  }
0xe: {  	[smem:$0x3FB1] =	sst s6  }
0xf: {  	[smem:$0x3FB2] =	sst s7  }
0x10: {  	[smem:$0x3FB3] =	sst s8  }
0x11: {  	[smem:$0x3FB4] =	sst s9;
	s0 =	simm.s32 @!p0 $0x0  }
0x12: {  	s1 =	sld [smem:$0x3F9A];
	s0 =	simm.s32 @p0 $0x1  }
0x13: {  	[smem:$0x3FB5] =	sst s0;
	s0 =	simm.s32 @!p1 $0x0  }
0x14: {  	s2 =	sld [smem:$0x3F99];
	s0 =	simm.s32 @p1 $0x1  }
0x15: {  	[smem:$0x3FB6] =	sst s0;
	s0 =	simm.s32 @!p2 $0x0  }
0x16: {  	s3 =	sld [smem:$0x3FDB];
	s0 =	simm.s32 @p2 $0x1  }
0x17: {  	s4 =	simm.s32 $0x1BF5;
	[smem:$0x3FB8] =	sst s0  }
0x18: {  	s0 =	sld [smem:$0x3F9B];
	_ =	swait.ge [sflag:s4], $0x0  }
0x19: {  	s7 =	sld [smem:$0x3F9C]  }
0x1a: {  	s8 =	sadd.s32 $0xFFFFE003, lr  }
0x1b: {  	s9 =	sadd.s32 $0xFFFFFEF7, lr;
	s5 =	simm.s32 $0xFFFFFFFF;
	p2 =	slt.u32 s8, $0xFFFFF086  }
0x1c: {  	p1 =	slt.u32 s9, $0xF7A;
	s5 =	simm.s32 @!p2 $0x0  }
0x1d: {  	s5 =	simm.s32 @p1 $0x1;
	p0 =	seq.s32 s7, s2  }
0x1e: {  	s7 =	smul.u32 @!p0 $0xF7A, s2;
	p2 =	seq.s32 @!p0 s5, $0x0  }
0x1f: {  	s9 =	smul.u32 $0xF7A, s1;
	s8 =	simm.s32 @!p0 $0x1BF5;
	p2 =	por !p2, p0  }
0x20: {  	[sflag:s8] =	ssyncset.s32 @!p0 $0xFFFFF086;
	s6 =	sadd.s32 @!p0 s3, s7;
	s7 =	simm.s32 @!p0 $0x108  }
0x21: {  	s3 =	sadd.s32 s3, s9;
	s6 =	sadd.s32 @!p0 $0x88, s6;
	s7 =	simm.s32 @p2 $0x1082  }
0x22: {  	[simem:s7], [sflag:s8] =	dma.local @!p0 [hbm:s6], $0xF7A  }
0x23: {  	s9 =	sor.u32 $0xD0000000, s2;
	s6 =	simm.s32 $0x108;
	_ =	swait.ge @!p0 [sflag:s8], $0x0  }
0x24: {  	s3 =	sadd.s32 $0x88, s3;
	s6 =	simm.s32 @!p1 $0x1082;
	[sflag:s4] =	ssyncset.s32 $0xFFFFF086  }
0x25: {  	[simem:s6], [sflag:s4] =	dma.local [hbm:s3], $0xF7A  }
0x26: {  	[smem:$0x3F9C] =	sst s1;
	(tag) =	ssettag s2;
	_ =	strace s9  }
0x27: {  	s1 =	sld [smem:$0x3FAC]  }
0x28: {  	s2 =	sld [smem:$0x3FAD]  }
0x29: {  	s4 =	sld [smem:$0x3FAF]  }
0x2a: {  	p0 =	seq.s32 s5, $0x0;
	s5 =	sld [smem:$0x3FB0]  }
0x2b: {  	s6 =	sld [smem:$0x3FB1]  }
0x2c: {  	s7 =	sld [smem:$0x3FB2]  }
0x2d: {  	s3 =	simm.s32 $0x108;
	s8 =	sld [smem:$0x3FB3]  }
0x2e: {  	s3 =	simm.s32 @!p0 $0x1082;
	s9 =	sld [smem:$0x3FB4]  }
0x2f: {  	lr =	sadd.s32 s0, s3;
	s0 =	sld [smem:$0x3FAB]  }
0x30: {  	s3 =	sld [smem:$0x3FAE]  }
0x31: {  	[smem:$0x3FB7] =	sst s10  }
0x32: {  	s10 =	sld [smem:$0x3FB5];
	_ =	sdelay $0x3  }
0x33: {  	p0 =	seq.s32 s10, $0x1;
	s10 =	sld [smem:$0x3FB7];
	_ =	sdelay $0x3  }
0x34: {  	[smem:$0x3FB7] =	sst s10  }
0x35: {  	s10 =	sld [smem:$0x3FB6];
	_ =	sdelay $0x3  }
0x36: {  	p1 =	seq.s32 s10, $0x1;
	s10 =	sld [smem:$0x3FB7];
	_ =	sdelay $0x3  }
0x37: {  	[smem:$0x3FB7] =	sst s10  }
0x38: {  	s10 =	sld [smem:$0x3FB8]  }
0x39: {  	_ = 	snop;
	(pc) =	sbr.ind lr, $3  }
0x3a: {  	_ = 	snop  }
0x3b: {  	_ = 	snop  }
0x3c: {  	p2 =	seq.s32 s10, $0x1;
	s10 =	sld [smem:$0x3FB7]  }
0x3d: {  	_ =	shalt  }
0x3e: {  	_ =	shalt  }
0x3f: {  	_ =	shalt  }
0x40: {  	_ =	shalt  }
0x41: {  	_ =	shalt  }
0x42: {  	_ =	shalt  }
0x43: {  	_ =	shalt  }
0x44: {  	_ =	shalt  }
0x45: {  	_ =	shalt  }
0x46: {  	_ =	shalt  }
0x47: {  	_ =	shalt  }
0x48: {  	_ =	shalt  }
0x49: {  	_ =	shalt  }
0x4a: {  	_ =	shalt  }
0x4b: {  	_ =	shalt  }
0x4c: {  	_ =	shalt  }
0x4d: {  	_ =	shalt  }
0x4e: {  	_ =	shalt  }
0x4f: {  	_ =	shalt  }
0x50: {  	_ =	shalt  }
0x51: {  	_ =	shalt  }
0x52: {  	_ =	shalt  }
0x53: {  	_ =	shalt  }
0x54: {  	_ =	shalt  }
0x55: {  	_ =	shalt  }
0x56: {  	_ =	shalt  }
0x57: {  	_ =	shalt  }
0x58: {  	_ =	shalt  }
0x59: {  	_ =	shalt  }
0x5a: {  	_ =	shalt  }
0x5b: {  	_ =	shalt  }
0x5c: {  	_ =	shalt  }
0x5d: {  	_ =	shalt  }
0x5e: {  	_ =	shalt  }
0x5f: {  	_ =	shalt  }
0x60: {  	_ =	shalt  }
0x61: {  	_ =	shalt  }
0x62: {  	_ =	shalt  }
0x63: {  	_ =	shalt  }
0x64: {  	_ =	shalt  }
0x65: {  	_ =	shalt  }
0x66: {  	_ =	shalt  }
0x67: {  	_ =	shalt  }
0x68: {  	_ =	shalt  }
0x69: {  	_ =	shalt  }
0x6a: {  	_ =	shalt  }
0x6b: {  	_ =	shalt  }
0x6c: {  	_ =	shalt  }
0x6d: {  	_ =	shalt  }
0x6e: {  	_ =	shalt  }
0x6f: {  	_ =	shalt  }
0x70: {  	_ =	shalt  }
0x71: {  	_ =	shalt  }
0x72: {  	_ =	shalt  }
0x73: {  	_ =	shalt  }
0x74: {  	_ =	shalt  }
0x75: {  	_ =	shalt  }
0x76: {  	_ =	shalt  }
0x77: {  	_ =	shalt  }
0x78: {  	_ =	shalt  }
0x79: {  	_ =	shalt  }
0x7a: {  	_ =	shalt  }
0x7b: {  	_ =	shalt  }
0x7c: {  	_ =	shalt  }
0x7d: {  	_ =	shalt  }
0x7e: {  	_ =	shalt  }
0x7f: {  	_ =	shalt  }
0x80: {  	_ =	shalt  }
0x81: {  	_ =	shalt  }
0x82: {  	_ =	shalt  }
0x83: {  	_ =	shalt  }
0x84: {  	_ =	shalt  }
0x85: {  	_ =	shalt  }
0x86: {  	_ =	shalt  }
0x87: {  	_ =	shalt  }
.Lfunc_end0:
.L_simem_size_0:
called_computation_lowered:
.L_overlay_start_0:
0x88: {  	s2 =	sld [smem:$0x3FD9]  }
0x89: {  	s3 =	sld [smem:$0x3FFE];
	_ =	sdelay $0x1  }
0x8a: {  	s1 =	srdreg.scid  }
0x8b: {  	s0 =	sand.u32 $0x1, s1  }
0x8c: {  	s17 =	sshll.u32 s0, $0xA;
	s2 =	sadd.s32 s3, s2  }
0x8d: {  	s2 =	sadd.s32 s2, s17  }
0x8e: {  	[smem:$0x3FC3] =	sst s2  }
0x8f: {  	_ = 	snop  }
0x90: {  	s2 =	sld [smem:$0x3FD0];
	(tm) =	ssettm $0x1  }
0x91: {  	s18 =	sld [smem:$0x3FFB];
	_ =	sdelay $0x3  }
0x92: {  	_ =	strace s18  }
0x93: {  	s3 =	sld [smem:$0x3FFC];
	_ =	sdelay $0x3  }
0x94: {  	_ =	strace s3  }
0x95: {  	s3 =	sld [smem:$0x3FFD];
	_ =	sdelay $0x3  }
0x96: {  	_ =	strace s3  }
0x97: {  	_ =	strace $0x8FFFFFFF  }
0x98: {  	s19 =	sld [smem:$0x3FDB];
	_ =	sdelay $0x1  }
0x99: {  	s4 =	simm.s32 $_scs_section_size  }
0x9a: {  	s5 =	simm.s32 $_size__tile_overlayer_lowered;
	s6 =	simm.s32 $_tile_overlayer_lowered  }
0x9b: {  	s22 =	simm.s32 $0x1BFF;
	s21 =	sshll.u32 s6, $0x1;
	s3 =	sadd.s32 s4, s19  }
0x9c: {  	s7 =	simm.s32 $0x0;
	s20 =	sshll.u32 s5, $0x1;
	s5 =	sadd.s32 s21, s3  }
0x9d: {  	[timem:s7], [sflag:s22] =	dma.local [hbm:s5], s20  }
0x9e: {  	_ =	swait.ge [sflag:s22], s20  }
0x9f: {  	s4 =	ssub.s32 $0x0, s20;
	[sflag:s22] =	ssyncset.done $0x0  }
0xa0: {  	[sflag:s22] =	ssyncadd.s32 s4;
	_ =	sdelay $0x1  }
0xa1: {  	s23 =	simm.s32 $0x1B8B  }
0xa2: {  	_ =	swait.ge [sflag:s23], $0x1  }
0xa3: {  	[sflag:s23] =	ssyncset.done $0x0  }
0xa4: {  	s25 =	simm.s32 $0x1B8E;
	s24 =	sld [smem:$0x3FFE];
	[sflag:s23] =	ssyncadd.s32 $0xFFFFFFFF  }
0xa5: {  	s26 =	simm.s32 $execute0_lowered;
	[smem:$0x3FD2] =	sst s25  }
0xa6: {  	s5 =	sshll.u32 s26, $0x1;
	_ =	strace $0x80000046;
	[dreg:$0x1] =	wrdreg $0xFFFFFFFF  }
0xa7: {  	s28 =	simm.s32 $_size_execute0_lowered;
	s3 =	sadd.s32 s3, s5;
	[dreg:$0x0] =	wrdreg $0x0  }
0xa8: {  	s5 =	sshll.u32 s28, $0x1;
	[dreg:$0x2] =	wrdreg s3  }
0xa9: {  	[dreg:$0x3] =	wrdreg s5  }
0xaa: {  	[dreg:$0x4] =	wrdreg $0xC0  }
0xab: {  	_ =	task [dreg:s7], $0x5FFFF  }
0xac: {  	[dreg:$0x1] =	wrdreg $0xFFFFFFFF  }
0xad: {  	[dreg:$0x0] =	wrdreg $0x60  }
0xae: {  	[dreg:$0x2] =	wrdreg s24  }
0xaf: {  	[dreg:$0x3] =	wrdreg s2  }
0xb0: {  	[dreg:$0x4] =	wrdreg $0x9A200  }
0xb1: {  	[dreg:$0x5] =	wrdreg $0x9  }
0xb2: {  	_ =	task.clear_ibuf [dreg:s7], $0x6FFFF;
	_ =	strace $0x90000046  }
0xb3: {  	s29 =	simm.s32 $0x9;
	_ =	strace $0x80000048  }
0xb4: {  	_ =	swait.ge [sflag:s29], $0x1  }
0xb5: {  	[sflag:s29] =	ssyncadd.s32 $0xFFFFFFFF  }
0xb6: {  	_ =	strace $0x90000048  }
0xb7: {  	_ =	sfence  }
0xb8: {  	s30 =	sld [smem:$0x0];
	_ =	sdelay $0x2  }
0xb9: {  	s31 =	sshll.u32 s1, $0xD;
	s1 =	sshrl.u32 s1, $0x2  }
0xba: {  	s3 =	sand.u32 $0x4000, s31;
	s1 =	sadd.s32 s1, s30  }
0xbb: {  	s0 =	sor.u32 s3, s0;
	s1 =	sshll.u32 s1, $0x11  }
0xbc: {  	s0 =	sor.u32 s1, s0  }
0xbd: {  	s0 =	sadd.s32 $0x8F2B, s0  }
0xbe: {  	[sflag:s0] =	ssyncadd.remote.s32 $0x1  }
0xbf: {  	_ =	sfence.sel $0xFFFF  }
0xc0: {  	[dreg:$0x0] =	wrdreg $0xFFFFFFFF;
	(pc) =	sbr.abs _section_cstart, $3  }
0xc1: {  	[dreg:$0x1] =	wrdreg $0xFFFFFFFF  }
0xc2: {  	_ =	task.clear_ibuf [dreg:s7], $0x2FFFF;
	_ =	strace $0x9FFFFFFF  }
0xc3: {  	(tm) =	ssettm $0x7FFFFFFF  }
tec
execute0_lowered:
.L_overlay_start_1:
0x0: {  	(tag) =	ssettag $0x1  }
0x1: {  	s0 =	rddreg [dreg:$0x0]  }
0x2: {  	s23 =	rddreg [dreg:$0x1]  }
0x3: {  	s8 =	rddreg [dreg:$0x2];
	s1 =	simm.s32 $0x0;
	s18 =	srdreg.scid  }
0x4: {  	s9 =	stileid.u32;
	s13 =	simm.s32 $0x4150;
	s31 =	simm.s32 $0x4  }
0x5: {  	s28 =	simm.s32 $0x3;
	[smem:$0x7FF] =	sst s1;
	s10 =	sadd.s32 $0x36C00, s0  }
0x6: {  	s1 =	sand.u32 $0x1, s18;
	s2 =	sshll.u32 s9, $0x1;
	s11 =	sadd.s32 $0x2CE00, s0  }
0x7: {  	s7 =	sadd.s32 $0xE00, s0;
	s3 =	sadd.s32 $0x40A00, s0;
	s4 =	sadd.s32 $0x40C00, s0  }
0x8: {  	v0 =	vimm.s32 $0xBA98FEDC;
	s0 =	sadd.s32 $0x6CC00, s0;
	s6 =	smul.u32 $0x15F00, s9;
	p0 =	sne.s32 s9, $0x0  }
0x9: {  	v1 =	vimm.s32 $0x32107654;
	p1 =	seq.s32 s9, $0xF;
	_ =	strace $0x80000047;
	[dreg:$0x6] =	wrdreg s3  }
0xa: {  	v2 =	vimm.s32 $0xFEDCBA98;
	v3 =	vimm.s32 $0x76543210;
	vm0 =	vmmov $0x1;
	s2 =	sor.u32 s1, s2;
	s19 =	ssub.s32 $0x2, s1;
	[dreg:$0x7] =	wrdreg s4  }
0xb: {  	vm1 =	vcmask $0x1F24;
	v57 =	vimm.s32 $0xDCFE98BA;
	v58 =	vimm.s32 $0x54761032;
	[dreg:$0x4] =	wrdreg s10;
	s2 =	smul.u32 $0x2710, s2;
	s20 =	sshrl.u32 s19, $0x1  }
0xc: {  	v4 =	vimm.s32 $0xEFCDAB89;
	v5 =	vimm.s32 $0x67452301;
	v2 =	vunpack.c.l.s4.s8 v2;
	s1 =	smul.u32 $0x15F900, s1;
	[dreg:$0x5] =	wrdreg s11;
	s3 =	ssub.s32 s19, s20  }
0xd: {  	vm2 =	vcmask $0x308;
	vm3 =	vcmask $0x2328;
	v3 =	vunpack.c.l.s4.s8 v3;
	s21 =	sshrl.u32 s2, $0x3;
	s22 =	sadd.s32 $0x28, s2;
	s2 =	sadd.s32 $0x50, s2  }
0xe: {  	vm4 =	vcmask $0x70C;
	vm5 =	vcmask $0x272C;
	v2 =	vunpack.c.0.s8.s32 v2;
	s25 =	sshrl.u32 s1, $0x3;
	s30 =	smax.u32 s3, $0x1;
	[dreg:$0xb] =	wrdreg s2  }
0xf: {  	vm6 =	vcmask $0xB10;
	v0 =	vunpack.c.l.s4.s8 v0;
	v3 =	vunpack.c.0.s8.s32 v3;
	s1 =	sadd.s32 s6, s1;
	s5 =	sadd.s32 s10, s21;
	[dreg:$0xf] =	wrdreg s30  }
0x10: {  	v4 =	vunpack.c.l.s4.s8 v4;
	v5 =	vunpack.c.l.s4.s8 v5;
	s20 =	simm.s32 $0x5;
	v56 =	vand.u32 $0xF, v2;
	s4 =	sadd.s32 s11, s21;
	[dreg:$0x8] =	wrdreg s5  }
0x11: {  	v2 =	vunpack.c.l.s4.s8 v57;
	s24 =	sshrl.u32 s22, $0x3;
	v18 =	vcombine.low v56, v3;
	v3 =	vunpack.c.l.s4.s8 v58;
	s2 =	sshrl.u32 @!p0 s8, $0x3;
	[dreg:$0x9] =	wrdreg s4  }
0x12: {  	v1 =	vunpack.c.l.s4.s8 v1;
	v4 =	vunpack.c.0.s8.s32 v4;
	v5 =	vunpack.c.0.s8.s32 v5;
	s1 =	sshrl.u32 s1, $0x3;
	s10 =	sadd.s32 s10, s24;
	[dreg:$0x10] =	wrdreg s2  }
0x13: {  	vm7 =	vcmask $0x2B30;
	s5 =	sadd.s32 s0, s25;
	s29 =	sadd.s32 s11, s24;
	v2 =	vunpack.c.0.s8.s32 v2;
	[dreg:$0xa] =	wrdreg s10;
	v3 =	vunpack.c.0.s8.s32 v3  }
.Ltmp0:
0x14: {  	v0 =	vunpack.c.0.s8.s32 v0;
	v1 =	vunpack.c.0.s8.s32 v1;
	v59 =	vcombine.low v5, v4;
	s0 =	sadd.s32 s0, s1;
	[dreg:$0xd] =	wrdreg s29;
	(pc) =	sbr.rel .LBB2_1-.Ltmp0, $4  }
0x15: {  	vm8 =	vcmask $0x3F30;
	vm9 =	vcmask $0x3F20;
	s1 =	sadd.s32 $0x149100, s8;
	s26 =	sadd.s32 $0x29220, s5;
	[dreg:$0xe] =	wrdreg s0;
	v2 =	vcombine.low v3, v2  }
0x16: {  	vm10 =	vmmov $0xf;
	v1 =	vcombine.low v1, v0;
	v59 =	vand.u32 $0xF, v59;
	s0 =	sadd.s32 s6, s8;
	s1 =	sshrl.u32 @p1 s1, $0x3;
	[dreg:$0xc] =	wrdreg s26  }
0x17: {  	v62 =	vimm.s32 $0x0;
	v17 =	vimm.s32 $0x8;
	s19 =	simm.s32 $0x2;
	[tilespmem:$0x1FFE0] =	vst v59;
	[dreg:$0x11] =	wrdreg s1;
	s0 =	sshrl.u32 @!p1 s0, $0x3;
	v60 =	vand.u32 $0xF, v2  }
0x18: {  	v42 =	vimm.s32 $0xC;
	s21 =	simm.s32 $0x28;
	v58 =	vimm.s32 $0x4;
	v21 =	vand.u32 $0xF, v1;
	s2 =	simm.s32 $0x0;
	[dreg:$0x12] =	wrdreg s0;
	[tilespmem:$0x1FFF0] =	vst v60  }
.LBB2_10:
0x19: {  	[bflag:$0x0] =	sbarrier.arrive $0xFFFF  }
0x1a: {  	s1 =	rddreg [dreg:$0xc]  }
0x1b: {  	s0 =	simm.s32 @p1 $0x1FC5;
	s2 =	rddreg [dreg:$0x11]  }
0x1c: {  	[hbm:s1], [sflag:s0] =	dma.local @p1 [spmem:s2], $0x2D00  }
0x1d: {  	s0 =	simm.s32 @p1 $0x5  }
0x1e: {  	s1 =	stileid.u32;
	_ =	swait.ge @p1 [sflag:s0], $0x2D00  }
0x1f: {  	s1 =	sshll.u32 @!p1 s1, $0x6;
	[sflag:s0] =	ssyncset.done @p1 $0x0;
	s2 =	rddreg [dreg:$0x12]  }
0x20: {  	[sflag:s0] =	ssyncadd.s32 @p1 $0xFFFFD300;
	s0 =	sor.u32 @!p1 $0x1C05, s1;
	s1 =	rddreg [dreg:$0xe]  }
0x21: {  	[hbm:s1], [sflag:s0] =	dma.local @!p1 [spmem:s2], $0x2BE0  }
0x22: {  	s0 =	simm.s32 @!p1 $0x5  }
0x23: {  	_ =	swait.ge @!p1 [sflag:s0], $0x2BE0  }
0x24: {  	s29 =	rddreg [dreg:$0x13]  }
0x25: {  	s30 =	rddreg [dreg:$0xf];
	s2 =	sadd.s32 $0x1, s29  }
0x26: {  	p2 =	sne.s32 s2, s30  }
.Ltmp1:
0x27: {  	_ = 	snop;
	(pc) =	sbr.rel @!p2 .LBB2_11-.Ltmp1, $3  }
0x28: {  	_ =	sdelay $0x1  }
0x29: {  	[sflag:s0] =	ssyncset.done @!p1 $0x0  }
0x2a: {  	[sflag:s0] =	ssyncadd.s32 @!p1 $0xFFFFD420  }
.LBB2_1:
0x2b: {  	[dreg:$0x13] =	wrdreg s2  }
0x2c: {  	s1 =	rddreg [dreg:$0x7]  }
0x2d: {  	s0 =	simm.s32 @!p0 $0x1C05;
	s2 =	rddreg [dreg:$0x10]  }
0x2e: {  	[spmem:s2], [sflag:s0] =	dma.local @!p0 [hbm:s1], $0x2BF20  }
0x2f: {  	s0 =	simm.s32 @!p0 $0x5  }
0x30: {  	_ =	swait.ge @!p0 [sflag:s0], $0x2BF20  }
0x31: {  	s12 =	simm.s32 $0x0;
	[sflag:s0] =	ssyncset.done @!p0 $0x0  }
0x32: {  	s15 =	simm.s32 $0x9920;
	s14 =	rddreg [dreg:$0x6];
	[sflag:s0] =	ssyncadd.s32 @!p0 $0xFFFD40E0  }
0x33: {  	[tilespmem:s15], [sflag:$0x5] =	stream.linear.gather [hbm4b:s14+s12], $0x100, $0x38;
	[tilespmem:$0x1F9B0] =	vst v63  }
0x34: {  	_ =	swait.ge [sflag:s20], $0x100  }
0x35: {  	[sflag:s20] =	ssyncset.done $0x0  }
0x36: {  	[sflag:s20] =	ssyncadd.s32 $0xFFFFFF00  }
0x37: {  	[bflag:$0x0] =	sbarrier.arrive $0xFFFF  }
0x38: {  	v51 =	vld [tilespmem:$0x9920]  }
0x39: {  	v52 =	vld [tilespmem:$0x9930]  }
0x3a: {  	v63 =	vld [tilespmem:$0x9960]  }
0x3b: {  	v40 =	vld [tilespmem:$0x9970]  }
0x3c: {  	v61 =	vld [tilespmem:$0x99A0]  }
0x3d: {  	v22 =	vld [tilespmem:$0x99B0]  }
0x3e: {  	v23 =	vld [tilespmem:$0x99E0]  }
0x3f: {  	v57 =	vld [tilespmem:$0x99F0]  }
0x40: {  	v43 =	vld [tilespmem:$0x9940]  }
0x41: {  	v44 =	vld [tilespmem:$0x9950]  }
0x42: {  	v45 =	vld [tilespmem:$0x9980]  }
0x43: {  	v46 =	vld [tilespmem:$0x9990]  }
0x44: {  	v47 =	vld [tilespmem:$0x99C0]  }
0x45: {  	v48 =	vld [tilespmem:$0x99D0]  }
0x46: {  	v49 =	vld [tilespmem:$0x9A00];
	s16 =	rddreg [dreg:$0x8]  }
0x47: {  	v50 =	vld [tilespmem:$0x9A10];
	[tilespmem:s12], [sflag:$0x1] =	stream.linear.gather [hbm4b:s16+s12], $0x28, $0x38  }
0x48: {  	s17 =	rddreg [dreg:$0x9]  }
0x49: {  	[tilespmem:s21], [sflag:$0x1] =	stream.linear.gather [hbm4b:s17+s12], $0x28, $0x38;
	[tilespmem:$0x1F9B0] =	vst v63  }
0x4a: {  	s18 =	rddreg [dreg:$0xa]  }
0x4b: {  	[tilespmem:s13], [sflag:$0x3] =	stream.linear.gather [hbm4b:s18+s12], $0x28, $0x38;
	[tilespmem:$0x1F9B0] =	vst v63  }
0x4c: {  	s24 =	simm.s32 $0x4178;
	s25 =	simm.s32 $0x1;
	s22 =	rddreg [dreg:$0xd]  }
0x4d: {  	[tilespmem:s24], [sflag:$0x3] =	stream.linear.gather [hbm4b:s22+s12], $0x28, $0x38;
	[tilespmem:$0x1F9B0] =	vst v63  }
0x4e: {  	_ =	swait.ge [sflag:s25], $0x28  }
0x4f: {  	[sflag:s25] =	ssyncset.done $0x0  }
0x50: {  	[sflag:s25] =	ssyncadd.s32 $0xFFFFFFD8  }
0x51: {  	_ =	swait.ge [sflag:s25], $0x28  }
0x52: {  	[tilespmem:$0x1FEE0] =	vst v57  }
0x53: {  	[tilespmem:$0x1FEF0] =	vst v40  }
0x54: {  	[tilespmem:$0x1FF00] =	vst v43  }
0x55: {  	[tilespmem:$0x1FF10] =	vst v44  }
0x56: {  	[tilespmem:$0x1FF20] =	vst v45  }
0x57: {  	[tilespmem:$0x1FF30] =	vst v46  }
0x58: {  	[tilespmem:$0x1FF40] =	vst v47  }
0x59: {  	[tilespmem:$0x1FF50] =	vst v48  }
0x5a: {  	[tilespmem:$0x1FF60] =	vst v49  }
0x5b: {  	[tilespmem:$0x1FF70] =	vst v50  }
0x5c: {  	[tilespmem:$0x1FF80] =	vst v63  }
0x5d: {  	[sflag:s25] =	ssyncset.done $0x0;
	[tilespmem:$0x1FF90] =	vst v52  }
0x5e: {  	s26 =	simm.s32 $0x50;
	[tilespmem:$0x1FFA0] =	vst v51;
	[sflag:s25] =	ssyncadd.s32 $0xFFFFFFD8  }
0x5f: {  	[tilespmem:s26], [sflag:$0x2] =	stream.indirect.gather [hbm4b:s7+s21], $0x90, s12, s21, $0xb8;
	[tilespmem:$0x1F9B0] =	vst v63  }
.Ltmp2:
0x60: {  	[tilespmem:$0x1FFB0] =	vst v23;
	(pc) =	sbr.rel .LBB2_2-.Ltmp2, $4  }
0x61: {  	s29 =	simm.s32 $0x16D0;
	[tilespmem:$0x1FFC0] =	vst v22  }
0x62: {  	[tilespmem:s29], [sflag:$0x2] =	stream.indirect.gather [hbm4b:s7+s21], $0x90, s21, s21, $0xb8;
	[tilespmem:$0x1F9B0] =	vst v63  }
0x63: {  	s30 =	simm.s32 $0x2D50;
	s9 =	simm.s32 $0x0;
	[tilespmem:$0x1FFD0] =	vst v61  }
0x64: {  	[tilespmem:s30], [sflag:$0x2] =	stream.indirect.gather [hbm4b:s23+s21], $0x80, s21, s21, $0xb8;
	[tilespmem:$0x1F9B0] =	vst v63  }
.LBB2_9:
0x65: {  	s9 =	sadd.s32 $0x1, s9  }
0x66: {  	p2 =	sne.s32 s9, $0xFA  }
.Ltmp3:
0x67: {  	_ = 	snop;
	(pc) =	sbr.rel @!p2 .LBB2_10-.Ltmp3, $1  }
0x68: {  	_ =	sdelay $0x3  }
.LBB2_2:
0x69: {  	s10 =	sand.u32 $0x1, s9  }
0x6a: {  	p2 =	seq.s32 s10, $0x1  }
.Ltmp4:
0x6b: {  	_ = 	snop;
	(pc) =	sbr.rel @p2 .LBB2_6-.Ltmp4, $1  }
0x6c: {  	_ =	sdelay $0x3  }
0x6d: {  	_ =	swait.ge [sflag:s19], $0x1680  }
0x6e: {  	[sflag:s19] =	ssyncset.done $0x0  }
0x6f: {  	[sflag:s19] =	ssyncadd.s32 $0xFFFFE980  }
0x70: {  	_ =	swait.ge [sflag:s19], $0x1680  }
0x71: {  	[sflag:s19] =	ssyncset.done $0x0  }
0x72: {  	[sflag:s19] =	ssyncadd.s32 $0xFFFFE980  }
0x73: {  	_ =	swait.ge [sflag:s19], $0x1400  }
0x74: {  	[sflag:s19] =	ssyncset.done $0x0  }
0x75: {  	[sflag:s19] =	ssyncadd.s32 $0xFFFFEC00  }
0x76: {  	_ =	swait.ge [sflag:s28], $0x28  }
0x77: {  	[sflag:s28] =	ssyncset.done $0x0  }
0x78: {  	[sflag:s28] =	ssyncadd.s32 $0xFFFFFFD8  }
0x79: {  	_ =	swait.ge [sflag:s28], $0x28  }
0x7a: {  	[sflag:s28] =	ssyncset.done $0x0  }
0x7b: {  	s0 =	simm.s32 $0x41A0;
	[sflag:s28] =	ssyncadd.s32 $0xFFFFFFD8  }
0x7c: {  	[tilespmem:s0], [sflag:$0x4] =	stream.indirect.gather [hbm4b:s7+s21], $0x90, s13, s21, $0xb8;
	[tilespmem:$0x1F9B0] =	vst v63  }
0x7d: {  	s18 =	simm.s32 $0x4178;
	s1 =	simm.s32 $0x5820  }
0x7e: {  	[tilespmem:s1], [sflag:$0x4] =	stream.indirect.gather [hbm4b:s7+s21], $0x90, s18, s21, $0xb8;
	[tilespmem:$0x1F9B0] =	vst v63  }
0x7f: {  	s22 =	simm.s32 $0x6EA0;
	s24 =	simm.s32 $0xE0  }
0x80: {  	[tilespmem:s22], [sflag:$0x4] =	stream.indirect.gather [hbm4b:s23+s21], $0x80, s18, s21, $0xb8;
	[tilespmem:$0x1F9B0] =	vst v63  }
0x81: {  	v3 =	vld [tilespmem:s24+$0x0]  }
0x82: {  	s25 =	simm.s32 $0x1760;
	v4 =	vld [tilespmem:s24+$0x10]  }
0x83: {  	v5 =	vld [tilespmem:s25+$0x0]  }
0x84: {  	v6 =	vld [tilespmem:s25+$0x10]  }
0x85: {  	v7 =	vld [tilespmem:s24+$0x20]  }
0x86: {  	v8 =	vld [tilespmem:s24+$0x30]  }
0x87: {  	v24 =	vld [tilespmem:s25+$0x20]  }
0x88: {  	v25 =	vld [tilespmem:s25+$0x30]  }
0x89: {  	v26 =	vld [tilespmem:s24+$0x40]  }
0x8a: {  	v27 =	vld [tilespmem:s24+$0x50]  }
0x8b: {  	v28 =	vld [tilespmem:s25+$0x40]  }
0x8c: {  	v29 =	vld [tilespmem:s25+$0x50]  }
0x8d: {  	v30 =	vld [tilespmem:s24+$0x70]  }
0x8e: {  	v31 =	vld [tilespmem:s25+$0x70]  }
0x8f: {  	v32 =	vld [tilespmem:s24+$0x60]  }
0x90: {  	v33 =	vld [tilespmem:s25+$0x60]  }
0x91: {  	v34 =	vmul.f32 v6, v4;
	v35 =	vmul.f32 v25, v8  }
0x92: {  	v37 =	vmul.f32 v5, v3;
	v38 =	vmul.f32 v29, v27;
	v3 =	vsub.f32 v5, v3  }
0x93: {  	v5 =	vmul.f32 v24, v7;
	v39 =	vmul.f32 v31, v30;
	v4 =	vsub.f32 v6, v4  }
0x94: {  	v6 =	vsub.f32 v24, v7;
	v7 =	vmul.f32 v28, v26;
	v8 =	vsub.f32 v25, v8  }
0x95: {  	v24 =	vsub.f32 v28, v26;
	v25 =	vmul.f32 v33, v32;
	v27 =	vsub.f32 v29, v27  }
0x96: {  	v32 =	vsub.f32 v33, v32;
	v30 =	vsub.f32 v31, v30;
	v26 =	vmul.f32 v34, v44  }
0x97: {  	v28 =	vmul.f32 v37, v43;
	v29 =	vmul.f32 v38, v48;
	v3 =	vand.u32 $0x7FFFFFFF, v3  }
0x98: {  	v2 =	vld [tilespmem:s24+$0x80];
	v4 =	vand.u32 $0x7FFFFFFF, v4;
	v7 =	vmul.f32 v7, v47;
	v6 =	vand.u32 $0x7FFFFFFF, v6  }
0x99: {  	v24 =	vand.u32 $0x7FFFFFFF, v24;
	v27 =	vand.u32 $0x7FFFFFFF, v27;
	v25 =	vmul.f32 v25, v49  }
0x9a: {  	v31 =	vld [tilespmem:s25+$0x80];
	v32 =	vand.u32 $0x7FFFFFFF, v32;
	v3 =	vmul.f32 v3, v51;
	v4 =	vmul.f32 v4, v52  }
0x9b: {  	v30 =	vand.u32 $0x7FFFFFFF, v30;
	v24 =	vmul.f32 v24, v61;
	v27 =	vmul.f32 v27, v22  }
0x9c: {  	v8 =	vand.u32 $0x7FFFFFFF, v8;
	v32 =	vmul.f32 v32, v23;
	v30 =	vmul.f32 v30, v57  }
0x9d: {  	v36 =	vnsel vm0, $0x0, v2;
	v6 =	vmul.f32 v6, v63;
	v8 =	vmul.f32 v8, v40  }
0x9e: {  	v5 =	vmul.f32 v5, v45;
	v24 =	vadd.f32 v27, v24;
	v27 =	vadd.f32 v30, v32  }
0x9f: {  	v13 =	vsel vm5, $0x0, v31;
	v3 =	vadd.f32 v4, v3;
	v4 =	vadd.f32 v8, v6  }
0xa0: {  	v8 =	vmul.f32 v39, v50;
	v6 =	vadd.f32 v24, v7;
	v7 =	vadd.f32 v27, v25  }
0xa1: {  	v3 =	vadd.f32 v3, v28;
	v4 =	vadd.f32 v4, v5;
	v5 =	vmul.f32 v35, v46  }
0xa2: {  	v24 =	vsel vm4, $0x0, v2;
	v6 =	vadd.f32 v6, v29;
	v7 =	vadd.f32 v7, v8  }
0xa3: {  	v3 =	vadd.f32 v3, v26;
	v4 =	vadd.f32 v4, v5;
	v5 =	vsel vm6, $0x0, v2  }
0xa4: {  	v2 =	vsel vm2, $0x0, v2;
	v6 =	vadd.f32 v6, v24;
	v5 =	vadd.f32 v7, v5  }
0xa5: {  	v7 =	vsel vm7, $0x0, v31;
	v3 =	vadd.f32 v3, v36;
	v2 =	vadd.f32 v4, v2  }
0xa6: {  	v4 =	vsel vm3, $0x0, v31;
	v6 =	vadd.f32 v6, v13;
	v5 =	vadd.f32 v5, v7  }
0xa7: {  	v7 =	vsel vm1, $0x0, v31;
	v2 =	vadd.f32 v2, v4  }
0xa8: {  	v3 =	vadd.f32 v3, v7;
	v4 =	vperm.xlane v6, v18;
	v7 =	vperm.xlane v5, v18  }
0xa9: {  	v8 =	vperm.xlane v2, v18  }
0xaa: {  	v24 =	vperm.xlane v3, v18;
	v4 =	vadd.f32 v6, v4;
	v5 =	vadd.f32 v5, v7  }
0xab: {  	v2 =	vadd.f32 v2, v8  }
0xac: {  	v3 =	vadd.f32 v3, v24;
	v6 =	vperm.xlane v4, v21;
	v7 =	vperm.xlane v5, v21  }
0xad: {  	v8 =	vperm.xlane v2, v21  }
0xae: {  	v24 =	vperm.xlane v3, v21;
	v4 =	vadd.f32 v4, v6;
	v5 =	vadd.f32 v5, v7  }
0xaf: {  	v2 =	vadd.f32 v2, v8  }
0xb0: {  	s26 =	simm.s32 $0x1880;
	v3 =	vadd.f32 v3, v24;
	v4 =	vsel vm8, v5, v4  }
0xb1: {  	v41 =	vld [tilespmem:s26+$0x10];
	v2 =	vsel vm9, v4, v2  }
0xb2: {  	v33 =	vld [tilespmem:s25+$0xFFFFFFA0];
	v2 =	vsel vm10, v3, v2  }
0xb3: {  	s2 =	simm.s32 $0x200;
	v34 =	vld [tilespmem:s24+$0xFFFFFF70];
	v3 =	vperm.xlane v2, v60  }
0xb4: {  	v37 =	vld [tilespmem:s2+$0x10]  }
0xb5: {  	v38 =	vld [tilespmem:s26+$0x0];
	v2 =	vadd.f32 v2, v3  }
0xb6: {  	v27 =	vld [tilespmem:s24+$0xFFFFFFE0]  }
0xb7: {  	v28 =	vld [tilespmem:s25+$0xFFFFFFD0];
	v4 =	vperm.xlane v2, v59  }
0xb8: {  	v26 =	vld [tilespmem:s24+$0xFFFFFFD0]  }
0xb9: {  	v29 =	vld [tilespmem:s25+$0xFFFFFFE0];
	v2 =	vadd.f32 v2, v4  }
0xba: {  	v35 =	vld [tilespmem:s25+$0xFFFFFF70]  }
0xbb: {  	v31 =	vld [tilespmem:s24+$0xFFFFFFA0];
	v4 =	vmul.f32 $2.000000030e-01, v2  }
0xbc: {  	v6 =	vld [tilespmem:s24+$0xFFFFFFB0];
	vm11 =	vgt.f32 v2, $0.0e+00  }
0xbd: {  	v56 =	vimm.s32 $0xC;
	v7 =	vld [tilespmem:s25+$0xFFFFFFB0];
	v2 =	vsel vm11, v2, v4  }
0xbe: {  	v42 =	vsub.f32 v28, v26;
	v54 =	vsub.f32 v29, v27;
	v8 =	vld [tilespmem:s25+$0xFFFFFFC0];
	v2 =	vmul.f32 $1.442695020e+00, v2  }
0xbf: {  	v15 =	vmovc v49;
	v49 =	vsub.f32 v35, v34;
	v34 =	vmul.f32 v35, v34;
	v26 =	vmul.f32 v28, v26;
	v3 =	vld [tilespmem:s24+$0xFFFFFFC0]  }
0xc0: {  	v10 =	vmovc v43;
	v11 =	vmovc v47;
	v47 =	vld [tilespmem:s2+$0x20];
	v42 =	vand.u32 $0x7FFFFFFF, v42;
	v43 =	vand.u32 $0x7FFFFFFF, v54;
	(erf) = vpow2.f32 v2  }
0xc1: {  	v16 =	vmovc v51;
	v30 =	vld [tilespmem:s24+$0xFFFFFF90];
	v49 =	vand.u32 $0x7FFFFFFF, v49;
	v42 =	vmul.f32 v42, v23;
	v43 =	vmul.f32 v43, v57  }
0xc2: {  	v1 =	vmovc v46;
	v32 =	vld [tilespmem:s25+$0xFFFFFF90];
	v27 =	vmul.f32 v29, v27;
	v49 =	vmul.f32 v49, v16;
	v46 =	vsub.f32 v33, v31  }
0xc3: {  	v12 =	vmovc v50;
	v51 =	vld [tilespmem:s26+$0x20];
	v26 =	vmul.f32 v26, v15;
	v55 =	vadd.f32 v43, v42;
	v14 =	vsub.f32 v7, v6  }
0xc4: {  	v27 =	vmul.f32 v27, v12;
	v31 =	vmul.f32 v33, v31;
	v5 =	vld [tilespmem:s25+$0xFFFFFF80];
	v53 =	vsub.f32 v8, v3  }
0xc5: {  	v33 =	vmul.f32 v34, v10;
	v46 =	vand.u32 $0x7FFFFFFF, v46;
	v26 =	vadd.f32 v55, v26;
	v4 =	vld [tilespmem:s24+$0xFFFFFF80]  }
0xc6: {  	v20 =	vmovc v40;
	v13 =	vmovc v48;
	v48 =	vld [tilespmem:s2+$0x30];
	v6 =	vmul.f32 v7, v6;
	v39 =	vand.u32 $0x7FFFFFFF, v14;
	v40 =	vand.u32 $0x7FFFFFFF, v53  }
0xc7: {  	v39 =	vmul.f32 v39, v61;
	v14 =	vmovc v45;
	v45 =	vsub.f32 v32, v30;
	v53 =	vld [tilespmem:s26+$0x30];
	v40 =	vmul.f32 v40, v22  }
0xc8: {  	v36 =	vld [tilespmem:s2+$0x0];
	v26 =	vadd.f32 v26, v27;
	v6 =	vmul.f32 v6, v11;
	v30 =	vmul.f32 v32, v30  }
0xc9: {  	s11 =	simm.s32 $0x8330;
	v43 =	vld [tilespmem:s26+$0x50];
	v45 =	vand.u32 $0x7FFFFFFF, v45;
	v3 =	vmul.f32 v8, v3;
	v39 =	vadd.f32 v40, v39;
	v24 =	vpop (erf)  }
0xca: {  	s16 =	simm.s32 $0x2DD0;
	v7 =	vld [tilespmem:s2+$0x50];
	v29 =	vmul.f32 v30, v14;
	v45 =	vmul.f32 v45, v63;
	v50 =	vsub.f32 v5, v4;
	[tilespmem:s11+$0x80] =	vst v24  }
0xcb: {  	v0 =	vmovc v44;
	v3 =	vmul.f32 v3, v13;
	v6 =	vadd.f32 v39, v6;
	v39 =	vmul.f32 v41, v37;
	v44 =	vld [tilespmem:s16+$0x0]  }
0xcc: {  	v9 =	vmovc v52;
	v35 =	vld [tilespmem:s2+$0x70];
	v42 =	vmul.f32 v53, v48;
	v37 =	vsub.f32 v41, v37;
	v28 =	vand.u32 $0x7FFFFFFF, v50  }
0xcd: {  	v54 =	vld [tilespmem:s2+$0x40];
	v48 =	vsub.f32 v53, v48;
	v4 =	vmul.f32 v5, v4;
	v28 =	vmul.f32 v28, v9  }
0xce: {  	v2 =	vld [tilespmem:s2+$0x80];
	v41 =	vsub.f32 v51, v47;
	v39 =	vmul.f32 v39, v0;
	v52 =	vperm.xlane v24, v62  }
0xcf: {  	v34 =	vld [tilespmem:s26+$0x60];
	v37 =	vand.u32 $0x7FFFFFFF, v37;
	v48 =	vand.u32 $0x7FFFFFFF, v48;
	v28 =	vadd.f32 v28, v49  }
0xd0: {  	v50 =	vld [tilespmem:s26+$0x40];
	v49 =	vmul.f32 v43, v7;
	v7 =	vsub.f32 v43, v7;
	v44 =	vmul.f32 v44, v52  }
0xd1: {  	v30 =	vld [tilespmem:s2+$0x60];
	v3 =	vadd.f32 v6, v3;
	v37 =	vmul.f32 v37, v9;
	v48 =	vmul.f32 v48, v20  }
0xd2: {  	v8 =	vld [tilespmem:s26+$0x70];
	v4 =	vmul.f32 v4, v0;
	v7 =	vand.u32 $0x7FFFFFFF, v7;
	v28 =	vadd.f32 v28, v33;
	[tilespmem:s11+$0x0] =	vst v44  }
0xd3: {  	v40 =	vnsel vm0, $0x0, v2;
	v53 =	vperm.xlane v24, v58;
	v7 =	vmul.f32 v7, v22;
	v32 =	vld [tilespmem:s16+$0x10]  }
0xd4: {  	v4 =	vadd.f32 v28, v4;
	v44 =	vmul.f32 v46, v20;
	v46 =	vmul.f32 v38, v36  }
0xd5: {  	v36 =	vsub.f32 v38, v36;
	v38 =	vmul.f32 v51, v47;
	v47 =	vmul.f32 v50, v54  }
0xd6: {  	v51 =	vmul.f32 v34, v30;
	v50 =	vsub.f32 v50, v54;
	v30 =	vsub.f32 v34, v30  }
0xd7: {  	v44 =	vadd.f32 v44, v45;
	v43 =	vmul.f32 v46, v10;
	v34 =	vmul.f32 v38, v14  }
0xd8: {  	v32 =	vmul.f32 v32, v52;
	v52 =	vmul.f32 v8, v35;
	v8 =	vsub.f32 v8, v35  }
0xd9: {  	v36 =	vand.u32 $0x7FFFFFFF, v36;
	v54 =	vand.u32 $0x7FFFFFFF, v50;
	v30 =	vand.u32 $0x7FFFFFFF, v30  }
0xda: {  	v36 =	vmul.f32 v36, v16;
	v30 =	vmul.f32 v30, v23;
	v8 =	vand.u32 $0x7FFFFFFF, v8  }
0xdb: {  	[tilespmem:s11+$0x10] =	vst v32;
	v32 =	vand.u32 $0x7FFFFFFF, v41;
	v41 =	vmul.f32 v54, v61;
	v8 =	vmul.f32 v8, v57  }
0xdc: {  	v38 =	vmul.f32 v47, v11;
	v36 =	vadd.f32 v37, v36;
	v55 =	vld [tilespmem:s16+$0x20];
	v32 =	vmul.f32 v32, v63  }
0xdd: {  	v35 =	vld [tilespmem:s26+$0x80];
	v7 =	vadd.f32 v7, v41;
	v8 =	vadd.f32 v8, v30;
	v30 =	vmul.f32 v51, v15  }
0xde: {  	v46 =	vmul.f32 v49, v13;
	v36 =	vadd.f32 v36, v43;
	v32 =	vadd.f32 v48, v32  }
0xdf: {  	v7 =	vadd.f32 v7, v38;
	v8 =	vadd.f32 v8, v30;
	v30 =	vmul.f32 v52, v12  }
0xe0: {  	v54 =	vsel vm6, $0x0, v2;
	v51 =	vmul.f32 v42, v1;
	v32 =	vadd.f32 v32, v34  }
0xe1: {  	v50 =	vmul.f32 v55, v53;
	v7 =	vadd.f32 v7, v46;
	v8 =	vadd.f32 v8, v30  }
0xe2: {  	v49 =	vsel vm5, $0x0, v35;
	v52 =	vsel vm4, $0x0, v2;
	v32 =	vadd.f32 v32, v51  }
0xe3: {  	v2 =	vsel vm2, $0x0, v2;
	[tilespmem:s11+$0x20] =	vst v50;
	v7 =	vadd.f32 v7, v52;
	v8 =	vadd.f32 v8, v54  }
0xe4: {  	v38 =	vsel vm7, $0x0, v35;
	v30 =	vadd.f32 v36, v39;
	v55 =	vld [tilespmem:s16+$0x30];
	v2 =	vadd.f32 v32, v2  }
0xe5: {  	v25 =	vld [tilespmem:s24+$0xFFFFFFF0];
	v39 =	vsel vm3, $0x0, v35;
	v7 =	vadd.f32 v7, v49;
	v8 =	vadd.f32 v8, v38  }
0xe6: {  	v31 =	vmul.f32 v31, v1;
	v33 =	vld [tilespmem:s2+$0xFFFFFFE0];
	v30 =	vadd.f32 v30, v40;
	v2 =	vadd.f32 v2, v39  }
0xe7: {  	v40 =	vsel vm1, $0x0, v35;
	v35 =	vld [tilespmem:s26+$0xFFFFFFE0];
	v41 =	vperm.xlane v7, v18;
	v42 =	vperm.xlane v8, v18  }
0xe8: {  	v29 =	vadd.f32 v44, v29;
	v30 =	vadd.f32 v30, v40;
	v44 =	vperm.xlane v2, v18  }
0xe9: {  	v43 =	vmul.f32 v55, v53;
	v7 =	vadd.f32 v7, v41;
	v8 =	vadd.f32 v8, v42  }
0xea: {  	v45 =	vsel vm4, $0x0, v25;
	v46 =	vperm.xlane v30, v18;
	v2 =	vadd.f32 v2, v44  }
0xeb: {  	v3 =	vadd.f32 v3, v45;
	[tilespmem:s11+$0x30] =	vst v43;
	v32 =	vperm.xlane v7, v21;
	v47 =	vperm.xlane v8, v21  }
0xec: {  	v54 =	vsub.f32 v35, v33;
	v30 =	vadd.f32 v30, v46;
	v5 =	vld [tilespmem:s16+$0x40];
	v6 =	vperm.xlane v2, v21  }
0xed: {  	v27 =	vperm.xlane v24, v17;
	v7 =	vadd.f32 v7, v32;
	v8 =	vadd.f32 v8, v47  }
0xee: {  	v43 =	vand.u32 $0x7FFFFFFF, v54;
	v48 =	vperm.xlane v30, v21;
	v2 =	vadd.f32 v2, v6;
	v6 =	vld [tilespmem:s25+$0xFFFFFFF0]  }
0xef: {  	v40 =	vperm.xlane v24, v56;
	v43 =	vmul.f32 v43, v57;
	v7 =	vsel vm8, v8, v7  }
0xf0: {  	v30 =	vadd.f32 v30, v48;
	v8 =	vsel vm6, $0x0, v25;
	v2 =	vsel vm9, v7, v2  }
0xf1: {  	v28 =	vld [tilespmem:s26+$0xFFFFFFB0];
	v7 =	vadd.f32 v29, v31;
	v5 =	vmul.f32 v5, v27;
	v8 =	vadd.f32 v26, v8  }
0xf2: {  	v29 =	vld [tilespmem:s2+$0xFFFFFFB0];
	v2 =	vsel vm10, v30, v2;
	v30 =	vsel vm2, $0x0, v25;
	v25 =	vnsel vm0, $0x0, v25  }
0xf3: {  	v49 =	vperm.xlane v2, v60;
	[tilespmem:s11+$0x40] =	vst v5;
	v5 =	vadd.f32 v7, v30;
	v7 =	vsel vm5, $0x0, v6  }
0xf4: {  	v34 =	vld [tilespmem:s26+$0xFFFFFFD0];
	v30 =	vsel vm3, $0x0, v6;
	v4 =	vadd.f32 v4, v25;
	v3 =	vadd.f32 v3, v7  }
0xf5: {  	v26 =	vld [tilespmem:s16+$0x50];
	v7 =	vsel vm7, $0x0, v6;
	v6 =	vsel vm1, $0x0, v6;
	v2 =	vadd.f32 v2, v49  }
0xf6: {  	v7 =	vadd.f32 v8, v7;
	v8 =	vld [tilespmem:s2+$0xFFFFFFD0];
	v5 =	vadd.f32 v5, v30;
	v30 =	vperm.xlane v3, v18  }
0xf7: {  	v24 =	vsub.f32 v28, v29;
	v28 =	vmul.f32 v28, v29;
	v25 =	vperm.xlane v2, v59  }
0xf8: {  	v4 =	vadd.f32 v4, v6;
	v6 =	vperm.xlane v7, v18;
	v3 =	vadd.f32 v3, v30  }
0xf9: {  	v28 =	vmul.f32 v28, v11;
	v2 =	vadd.f32 v2, v25;
	v25 =	vperm.xlane v5, v18  }
0xfa: {  	v36 =	vld [tilespmem:s26+$0xFFFFFF90];
	v52 =	vand.u32 $0x7FFFFFFF, v24;
	v26 =	vmul.f32 v26, v27;
	v27 =	vperm.xlane v4, v18  }
0xfb: {  	v38 =	vld [tilespmem:s26+$0xFFFFFFA0];
	v6 =	vadd.f32 v7, v6;
	v41 =	vmul.f32 v52, v61;
	v53 =	vsub.f32 v34, v8  }
0xfc: {  	v30 =	vld [tilespmem:s2+$0xFFFFFF90];
	v8 =	vmul.f32 v34, v8;
	v50 =	vmul.f32 $2.000000030e-01, v2;
	v5 =	vadd.f32 v5, v25  }
0xfd: {  	s0 =	simm.s32 $0x320;
	v7 =	vld [tilespmem:s2+$0xFFFFFFA0];
	vm11 =	vgt.f32 v2, $0.0e+00;
	v25 =	vperm.xlane v3, v21;
	v4 =	vadd.f32 v4, v27  }
0xfe: {  	v37 =	vld [tilespmem:s0+$0x0];
	[tilespmem:s11+$0x50] =	vst v26;
	v26 =	vperm.xlane v6, v21;
	v42 =	vand.u32 $0x7FFFFFFF, v53;
	v8 =	vmul.f32 v8, v15  }
0xff: {  	v39 =	vld [tilespmem:s2+$0xFFFFFF70];
	v2 =	vsel vm11, v2, v50;
	v51 =	vperm.xlane v5, v21;
	v3 =	vadd.f32 v3, v25  }
0x100: {  	v27 =	vld [tilespmem:s16+$0x60];
	v25 =	vperm.xlane v4, v21;
	v6 =	vadd.f32 v6, v26;
	v42 =	vmul.f32 v42, v23  }
0x101: {  	v32 =	vld [tilespmem:s26+$0xFFFFFFC0];
	v55 =	vsub.f32 v36, v30;
	v30 =	vmul.f32 v36, v30;
	v2 =	vmul.f32 $1.442695020e+00, v2  }
0x102: {  	v31 =	vld [tilespmem:s2+$0xFFFFFFC0];
	v46 =	vsub.f32 v38, v7;
	v7 =	vmul.f32 v38, v7;
	v4 =	vadd.f32 v4, v25  }
0x103: {  	v3 =	vsel vm8, v6, v3;
	(erf) = vpow2.f32 v2;
	v2 =	vadd.f32 v5, v51;
	v5 =	vld [tilespmem:s26+$0xFFFFFF70]  }
0x104: {  	v26 =	vld [tilespmem:s2+$0xFFFFFF80];
	v45 =	vand.u32 $0x7FFFFFFF, v55;
	v42 =	vadd.f32 v43, v42;
	v30 =	vmul.f32 v30, v14  }
0x105: {  	v46 =	vand.u32 $0x7FFFFFFF, v46;
	v6 =	vmul.f32 v27, v40;
	v27 =	vld [tilespmem:s26+$0xFFFFFF80];
	v2 =	vsel vm9, v3, v2  }
0x106: {  	s3 =	simm.s32 $0x19A0;
	v44 =	vld [tilespmem:s0+$0x10];
	v45 =	vmul.f32 v45, v63;
	v7 =	vmul.f32 v7, v1;
	v3 =	vsel vm10, v4, v2  }
0x107: {  	v47 =	vld [tilespmem:s3+$0x0];
	v46 =	vmul.f32 v46, v20;
	v4 =	vperm.xlane v3, v60  }
0x108: {  	v49 =	vld [tilespmem:s3+$0x10];
	v8 =	vadd.f32 v42, v8;
	v48 =	vsub.f32 v5, v39;
	v5 =	vmul.f32 v5, v39  }
0x109: {  	v25 =	vld [tilespmem:s2+$0xFFFFFFF0];
	[tilespmem:s11+$0x60] =	vst v6;
	v3 =	vadd.f32 v3, v4;
	v4 =	vsub.f32 v32, v31;
	v31 =	vmul.f32 v32, v31  }
0x10a: {  	v6 =	vld [tilespmem:s16+$0x70];
	v50 =	vsub.f32 v27, v26;
	v32 =	vmul.f32 v35, v33;
	v26 =	vmul.f32 v27, v26  }
0x10b: {  	v29 =	vld [tilespmem:s0+$0x30];
	v34 =	vand.u32 $0x7FFFFFFF, v48;
	v5 =	vmul.f32 v5, v10;
	v54 =	vperm.xlane v3, v59  }
0x10c: {  	v52 =	vld [tilespmem:s0+$0x20];
	v4 =	vand.u32 $0x7FFFFFFF, v4;
	v34 =	vmul.f32 v34, v16;
	v31 =	vmul.f32 v31, v13  }
0x10d: {  	s12 =	simm.s32 $0x8450;
	v48 =	vld [tilespmem:s3+$0x20];
	v50 =	vand.u32 $0x7FFFFFFF, v50;
	v32 =	vmul.f32 v32, v12;
	v26 =	vmul.f32 v26, v0;
	v24 =	vpop (erf)  }
0x10e: {  	s14 =	simm.s32 $0x2ED0;
	v36 =	vld [tilespmem:s0+$0x40];
	v38 =	vsel vm4, $0x0, v25;
	v4 =	vmul.f32 v4, v22;
	v50 =	vmul.f32 v50, v9;
	[tilespmem:s12+$0x80] =	vst v24  }
0x10f: {  	v6 =	vmul.f32 v6, v40;
	v3 =	vadd.f32 v3, v54;
	v8 =	vadd.f32 v8, v32;
	v51 =	vld [tilespmem:s14+$0x0]  }
0x110: {  	v55 =	vld [tilespmem:s3+$0x30];
	v53 =	vperm.xlane v24, v62;
	v4 =	vadd.f32 v4, v41;
	v34 =	vadd.f32 v50, v34  }
0x111: {  	v39 =	vld [tilespmem:s3+$0x40];
	v50 =	vmul.f32 v47, v37;
	v37 =	vsub.f32 v47, v37;
	v43 =	vmul.f32 $2.000000030e-01, v3  }
0x112: {  	v33 =	vld [tilespmem:s3+$0x50];
	vm11 =	vgt.f32 v3, $0.0e+00;
	v47 =	vmul.f32 v48, v52;
	v48 =	vsub.f32 v48, v52  }
0x113: {  	v35 =	vld [tilespmem:s0+$0x70];
	v28 =	vadd.f32 v4, v28;
	v50 =	vmul.f32 v50, v10;
	v3 =	vsel vm11, v3, v43  }
0x114: {  	v40 =	vld [tilespmem:s3+$0x70];
	v37 =	vand.u32 $0x7FFFFFFF, v37;
	v3 =	vmul.f32 $1.442695020e+00, v3;
	v41 =	vmul.f32 v51, v53  }
0x115: {  	v4 =	vld [tilespmem:s0+$0x60];
	v5 =	vadd.f32 v34, v5;
	v43 =	vmul.f32 v49, v44;
	v44 =	vsub.f32 v49, v44  }
0x116: {  	v49 =	vmul.f32 v39, v36;
	v36 =	vsub.f32 v39, v36;
	(erf) = vpow2.f32 v3;
	v3 =	vld [tilespmem:s3+$0x60];
	[tilespmem:s12+$0x0] =	vst v41  }
0x117: {  	v41 =	vadd.f32 v46, v45;
	v45 =	vmul.f32 v55, v29;
	v29 =	vsub.f32 v55, v29;
	v54 =	vld [tilespmem:s14+$0x10]  }
0x118: {  	v48 =	vand.u32 $0x7FFFFFFF, v48;
	v37 =	vmul.f32 v37, v16;
	v47 =	vmul.f32 v47, v14;
	v51 =	vld [tilespmem:s0+$0x50]  }
0x119: {  	v48 =	vmul.f32 v48, v63;
	v27 =	vadd.f32 v28, v31;
	v29 =	vand.u32 $0x7FFFFFFF, v29  }
0x11a: {  	v52 =	vand.u32 $0x7FFFFFFF, v44;
	v36 =	vand.u32 $0x7FFFFFFF, v36;
	v29 =	vmul.f32 v29, v20  }
0x11b: {  	v36 =	vmul.f32 v36, v61;
	v39 =	vmul.f32 v3, v4;
	v3 =	vsub.f32 v3, v4  }
0x11c: {  	v4 =	vsub.f32 v40, v35;
	v29 =	vadd.f32 v29, v48;
	v42 =	vmul.f32 v54, v53  }
0x11d: {  	v53 =	vmul.f32 v33, v51;
	v54 =	vmul.f32 v40, v35;
	v33 =	vsub.f32 v33, v51  }
0x11e: {  	v40 =	vmul.f32 v52, v9;
	v3 =	vand.u32 $0x7FFFFFFF, v3;
	v4 =	vand.u32 $0x7FFFFFFF, v4  }
0x11f: {  	v2 =	vld [tilespmem:s0+$0x80];
	v3 =	vmul.f32 v3, v23;
	v4 =	vmul.f32 v4, v57;
	v33 =	vand.u32 $0x7FFFFFFF, v33  }
0x120: {  	v29 =	vadd.f32 v29, v47;
	v37 =	vadd.f32 v40, v37;
	v33 =	vmul.f32 v33, v22  }
0x121: {  	v35 =	vld [tilespmem:s3+$0x80];
	v51 =	vmul.f32 v53, v13;
	v3 =	vadd.f32 v4, v3;
	v4 =	vmul.f32 v39, v15  }
0x122: {  	v53 =	vmul.f32 v49, v11;
	v37 =	vadd.f32 v37, v50;
	v33 =	vadd.f32 v33, v36  }
0x123: {  	v50 =	vmul.f32 v45, v1;
	v3 =	vadd.f32 v3, v4;
	v4 =	vmul.f32 v54, v12  }
0x124: {  	v43 =	vmul.f32 v43, v0;
	v46 =	vnsel vm0, $0x0, v2;
	v33 =	vadd.f32 v33, v53  }
0x125: {  	v52 =	vsel vm6, $0x0, v2;
	v29 =	vadd.f32 v29, v50;
	v3 =	vadd.f32 v3, v4  }
0x126: {  	v54 =	vsel vm7, $0x0, v35;
	v4 =	vadd.f32 v37, v43;
	v33 =	vadd.f32 v33, v51  }
0x127: {  	v51 =	vsel vm4, $0x0, v2;
	v2 =	vsel vm2, $0x0, v2;
	v3 =	vadd.f32 v3, v52  }
0x128: {  	[tilespmem:s12+$0x10] =	vst v42;
	v4 =	vadd.f32 v4, v46;
	v2 =	vadd.f32 v29, v2;
	v29 =	vsel vm3, $0x0, v35  }
0x129: {  	v53 =	vld [tilespmem:s14+$0x20];
	v33 =	vadd.f32 v33, v51;
	v36 =	vadd.f32 v3, v54;
	v3 =	vsel vm1, $0x0, v35  }
0x12a: {  	v55 =	vsel vm5, $0x0, v35;
	v2 =	vadd.f32 v2, v29;
	v35 =	vadd.f32 v4, v3  }
0x12b: {  	v33 =	vadd.f32 v33, v55;
	v55 =	vperm.xlane v24, v58;
	v46 =	vperm.xlane v36, v18  }
0x12c: {  	[tilespmem:s11+$0x70] =	vst v6;
	v5 =	vadd.f32 v5, v26;
	v47 =	vperm.xlane v2, v18;
	v6 =	vperm.xlane v35, v18  }
0x12d: {  	v32 =	vld [tilespmem:s0+$0xFFFFFFE0];
	v30 =	vadd.f32 v41, v30;
	v45 =	vperm.xlane v33, v18;
	v36 =	vadd.f32 v36, v46  }
0x12e: {  	v29 =	vld [tilespmem:s26+$0xFFFFFFF0];
	v37 =	vmul.f32 v53, v55;
	v2 =	vadd.f32 v2, v47;
	v6 =	vadd.f32 v35, v6  }
0x12f: {  	v7 =	vadd.f32 v30, v7;
	v35 =	vld [tilespmem:s3+$0xFFFFFFE0];
	v33 =	vadd.f32 v33, v45;
	v49 =	vperm.xlane v36, v21  }
0x130: {  	v30 =	vsel vm2, $0x0, v25;
	[tilespmem:s12+$0x20] =	vst v37;
	v31 =	vperm.xlane v2, v21;
	v50 =	vperm.xlane v6, v21  }
0x131: {  	v7 =	vadd.f32 v7, v30;
	v28 =	vld [tilespmem:s14+$0x30];
	v48 =	vperm.xlane v33, v21;
	v51 =	vadd.f32 v36, v49  }
0x132: {  	v2 =	vadd.f32 v2, v31;
	v31 =	vsel vm6, $0x0, v25;
	v6 =	vadd.f32 v6, v50  }
0x133: {  	v25 =	vnsel vm0, $0x0, v25;
	v33 =	vadd.f32 v33, v48;
	v8 =	vadd.f32 v8, v31  }
0x134: {  	v26 =	vsel vm5, $0x0, v29;
	v5 =	vadd.f32 v5, v25;
	v53 =	vsub.f32 v35, v32  }
0x135: {  	v39 =	vld [tilespmem:s3+$0xFFFFFFA0];
	v25 =	vsel vm1, $0x0, v29;
	v32 =	vmul.f32 v35, v32;
	v52 =	vsel vm8, v51, v33  }
0x136: {  	v37 =	vld [tilespmem:s0+$0xFFFFFFA0];
	v28 =	vmul.f32 v28, v55;
	v42 =	vand.u32 $0x7FFFFFFF, v53;
	v2 =	vsel vm9, v52, v2  }
0x137: {  	v36 =	vld [tilespmem:s0+$0xFFFFFF90];
	v32 =	vmul.f32 v32, v12;
	v2 =	vsel vm10, v6, v2;
	v6 =	vadd.f32 v27, v38  }
0x138: {  	v42 =	vmul.f32 v42, v57;
	[tilespmem:s12+$0x30] =	vst v28;
	v28 =	vsel vm3, $0x0, v29;
	v38 =	vld [tilespmem:s3+$0xFFFFFF90];
	v27 =	vperm.xlane v2, v60  }
0x139: {  	s4 =	simm.s32 $0x440;
	v30 =	vld [tilespmem:s14+$0x40];
	v7 =	vadd.f32 v7, v28;
	v6 =	vadd.f32 v6, v26;
	v26 =	vsel vm7, $0x0, v29  }
0x13a: {  	s5 =	simm.s32 $0x1AC0;
	v46 =	vld [tilespmem:s4+$0x10];
	v28 =	vperm.xlane v24, v17;
	v2 =	vadd.f32 v2, v27;
	v8 =	vadd.f32 v8, v26  }
0x13b: {  	v45 =	vsub.f32 v39, v37;
	v51 =	vld [tilespmem:s5+$0x10];
	v24 =	vperm.xlane v24, v56;
	v27 =	vperm.xlane v6, v18  }
0x13c: {  	v5 =	vadd.f32 v5, v25;
	v26 =	vperm.xlane v2, v59;
	v25 =	vperm.xlane v8, v18  }
0x13d: {  	v44 =	vsub.f32 v38, v36;
	v36 =	vmul.f32 v38, v36;
	v6 =	vadd.f32 v6, v27  }
0x13e: {  	v27 =	vmul.f32 v30, v28;
	v30 =	vperm.xlane v5, v18;
	v2 =	vadd.f32 v2, v26  }
0x13f: {  	v34 =	vld [tilespmem:s3+$0xFFFFFFB0];
	v26 =	vperm.xlane v7, v18;
	v8 =	vadd.f32 v8, v25;
	v35 =	vmul.f32 v36, v14  }
0x140: {  	v33 =	vld [tilespmem:s3+$0xFFFFFFD0];
	v36 =	vmul.f32 v51, v46;
	v46 =	vsub.f32 v51, v46;
	v5 =	vadd.f32 v5, v30  }
0x141: {  	v29 =	vld [tilespmem:s0+$0xFFFFFFD0];
	[tilespmem:s12+$0x40] =	vst v27;
	v25 =	vmul.f32 $2.000000030e-01, v2;
	v7 =	vadd.f32 v7, v26;
	v26 =	vperm.xlane v6, v21  }
0x142: {  	vm11 =	vgt.f32 v2, $0.0e+00;
	v27 =	vperm.xlane v8, v21;
	v30 =	vld [tilespmem:s14+$0x50];
	v46 =	vand.u32 $0x7FFFFFFF, v46  }
0x143: {  	v40 =	vld [tilespmem:s0+$0xFFFFFF70];
	v36 =	vmul.f32 v36, v0;
	v46 =	vmul.f32 v46, v9;
	v2 =	vsel vm11, v2, v25  }
0x144: {  	v3 =	vld [tilespmem:s0+$0xFFFFFFB0];
	v55 =	vand.u32 $0x7FFFFFFF, v45;
	v25 =	vperm.xlane v7, v21;
	v2 =	vmul.f32 $1.442695020e+00, v2  }
0x145: {  	v4 =	vld [tilespmem:s0+$0xFFFFFFC0];
	v6 =	vadd.f32 v6, v26;
	v26 =	vperm.xlane v5, v21;
	v8 =	vadd.f32 v8, v27  }
0x146: {  	v31 =	vld [tilespmem:s3+$0xFFFFFFC0];
	v7 =	vadd.f32 v7, v25;
	v25 =	vsub.f32 v33, v29;
	(erf) = vpow2.f32 v2  }
0x147: {  	v2 =	vadd.f32 v5, v26;
	v5 =	vsel vm8, v8, v6;
	v6 =	vld [tilespmem:s0+$0xFFFFFF80];
	v8 =	vmul.f32 v30, v28  }
0x148: {  	v29 =	vmul.f32 v33, v29;
	v30 =	vld [tilespmem:s3+$0xFFFFFF80];
	v5 =	vsel vm9, v5, v7;
	v54 =	vand.u32 $0x7FFFFFFF, v25  }
0x149: {  	v7 =	vld [tilespmem:s3+$0xFFFFFF70];
	v2 =	vsel vm10, v2, v5;
	[tilespmem:s12+$0x50] =	vst v8;
	v8 =	vsub.f32 v34, v3;
	v47 =	vmul.f32 v54, v23  }
0x14a: {  	v43 =	vld [tilespmem:s4+$0x0];
	v44 =	vand.u32 $0x7FFFFFFF, v44;
	v3 =	vmul.f32 v34, v3;
	v5 =	vperm.xlane v2, v60  }
0x14b: {  	v48 =	vld [tilespmem:s5+$0x0];
	v29 =	vmul.f32 v29, v15;
	v34 =	vmul.f32 v55, v20;
	v8 =	vand.u32 $0x7FFFFFFF, v8  }
0x14c: {  	v33 =	vld [tilespmem:s4+$0x20];
	v42 =	vadd.f32 v42, v47;
	v3 =	vmul.f32 v3, v11;
	v27 =	vadd.f32 v2, v5  }
0x14d: {  	v41 =	vld [tilespmem:s14+$0x60];
	v5 =	vsub.f32 v31, v4;
	v8 =	vmul.f32 v8, v61;
	v52 =	vsub.f32 v30, v6  }
0x14e: {  	v28 =	vld [tilespmem:s0+$0xFFFFFFF0];
	v4 =	vmul.f32 v31, v4;
	v6 =	vmul.f32 v30, v6;
	v49 =	vsub.f32 v7, v40  }
0x14f: {  	v31 =	vld [tilespmem:s5+$0x40];
	v7 =	vmul.f32 v7, v40;
	v29 =	vadd.f32 v42, v29;
	v5 =	vand.u32 $0x7FFFFFFF, v5  }
0x150: {  	v30 =	vld [tilespmem:s5+$0x70];
	v52 =	vand.u32 $0x7FFFFFFF, v52;
	v4 =	vmul.f32 v4, v13;
	v6 =	vmul.f32 v6, v0  }
0x151: {  	v55 =	vmovc v13;
	v40 =	vld [tilespmem:s4+$0x50];
	v13 =	vmul.f32 v48, v43;
	v43 =	vsub.f32 v48, v43;
	v50 =	vmul.f32 v5, v22  }
0x152: {  	v26 =	vpop (erf);
	v5 =	vmul.f32 v41, v24;
	v41 =	vmul.f32 v44, v63;
	v44 =	vld [tilespmem:s4+$0x30];
	v45 =	vand.u32 $0x7FFFFFFF, v49  }
0x153: {  	s15 =	simm.s32 $0x8570;
	v49 =	vld [tilespmem:s5+$0x20];
	v56 =	vmul.f32 v52, v9;
	v7 =	vmul.f32 v7, v10;
	v29 =	vadd.f32 v29, v32;
	v25 =	vpop (erf)  }
0x154: {  	s17 =	simm.s32 $0x2FD0;
	v52 =	vld [tilespmem:s4+$0x40];
	v32 =	vsel vm6, $0x0, v28;
	v38 =	vmul.f32 v45, v16;
	v43 =	vand.u32 $0x7FFFFFFF, v43;
	[tilespmem:s15+$0x80] =	vst v25  }
0x155: {  	v54 =	vperm.xlane v25, v62;
	v8 =	vadd.f32 v50, v8;
	v34 =	vadd.f32 v34, v41;
	v53 =	vld [tilespmem:s17+$0x0]  }
0x156: {  	v45 =	vld [tilespmem:s5+$0x30];
	v41 =	vsel vm4, $0x0, v28;
	v51 =	vperm.xlane v25, v58;
	v38 =	vadd.f32 v56, v38  }
0x157: {  	v29 =	vadd.f32 v29, v32;
	v3 =	vadd.f32 v8, v3;
	v8 =	vmul.f32 v39, v37;
	v37 =	vld [tilespmem:s5+$0x50]  }
0x158: {  	v43 =	vmul.f32 v43, v16;
	v39 =	vld [tilespmem:s4+$0x70];
	v34 =	vadd.f32 v34, v35;
	v7 =	vadd.f32 v38, v7  }
0x159: {  	v35 =	vld [tilespmem:s5+$0x60];
	v48 =	vmul.f32 v49, v33;
	v33 =	vsub.f32 v49, v33;
	v56 =	vmul.f32 v31, v52  }
0x15a: {  	v31 =	vsub.f32 v31, v52;
	v3 =	vadd.f32 v3, v4;
	v4 =	vld [tilespmem:s4+$0x60];
	v53 =	vmul.f32 v53, v54  }
0x15b: {  	v52 =	vadd.f32 v46, v43;
	v42 =	vmul.f32 v45, v44;
	v44 =	vsub.f32 v45, v44  }
0x15c: {  	v8 =	vmul.f32 v8, v1;
	v33 =	vand.u32 $0x7FFFFFFF, v33;
	v31 =	vand.u32 $0x7FFFFFFF, v31;
	[tilespmem:s15+$0x0] =	vst v53  }
0x15d: {  	v6 =	vadd.f32 v7, v6;
	v31 =	vmul.f32 v31, v61;
	v44 =	vand.u32 $0x7FFFFFFF, v44;
	v47 =	vld [tilespmem:s17+$0x10]  }
0x15e: {  	v33 =	vmul.f32 v33, v63;
	v53 =	vmul.f32 v30, v39;
	v30 =	vsub.f32 v30, v39  }
0x15f: {  	v50 =	vmul.f32 v37, v40;
	v45 =	vmul.f32 v35, v4;
	v4 =	vsub.f32 v35, v4  }
0x160: {  	v2 =	vld [tilespmem:s4+$0x80];
	v37 =	vsub.f32 v37, v40;
	v40 =	vmul.f32 v13, v10;
	v30 =	vand.u32 $0x7FFFFFFF, v30  }
0x161: {  	v44 =	vmul.f32 v44, v20;
	v4 =	vand.u32 $0x7FFFFFFF, v4;
	v30 =	vmul.f32 v30, v57  }
0x162: {  	v8 =	vadd.f32 v34, v8;
	v4 =	vmul.f32 v4, v23;
	v34 =	vmul.f32 v47, v54  }
0x163: {  	v39 =	vld [tilespmem:s5+$0x80];
	v47 =	vmul.f32 v50, v55;
	v55 =	vmul.f32 v56, v11;
	v56 =	vand.u32 $0x7FFFFFFF, v37  }
0x164: {  	v4 =	vadd.f32 v30, v4;
	v30 =	vmul.f32 v45, v15;
	[tilespmem:s15+$0x10] =	vst v34;
	v34 =	vmul.f32 v56, v22  }
0x165: {  	v38 =	vnsel vm0, $0x0, v2;
	v13 =	vmovc v10;
	v10 =	vmovc v14;
	v33 =	vadd.f32 v44, v33;
	v54 =	vmul.f32 v48, v14;
	v14 =	vld [tilespmem:s17+$0x20]  }
0x166: {  	v4 =	vadd.f32 v4, v30;
	v30 =	vmul.f32 v53, v12;
	v31 =	vadd.f32 v34, v31  }
0x167: {  	v37 =	vadd.f32 v52, v40;
	v33 =	vadd.f32 v33, v54;
	v54 =	vmul.f32 v42, v1  }
0x168: {  	v45 =	vsel vm1, $0x0, v39;
	v4 =	vadd.f32 v4, v30;
	v31 =	vadd.f32 v31, v55  }
0x169: {  	v56 =	vsel vm6, $0x0, v2;
	v30 =	vadd.f32 v37, v36;
	v33 =	vadd.f32 v33, v54  }
0x16a: {  	v55 =	vsel vm4, $0x0, v2;
	v50 =	vmul.f32 v14, v51;
	v31 =	vadd.f32 v31, v47  }
0x16b: {  	v2 =	vsel vm2, $0x0, v2;
	v4 =	vadd.f32 v4, v56;
	v30 =	vadd.f32 v30, v38  }
0x16c: {  	v42 =	vsel vm7, $0x0, v39;
	v2 =	vadd.f32 v33, v2;
	[tilespmem:s15+$0x20] =	vst v50;
	v31 =	vadd.f32 v31, v55  }
0x16d: {  	v49 =	vsel vm5, $0x0, v39;
	v4 =	vadd.f32 v4, v42;
	v30 =	vadd.f32 v30, v45;
	v14 =	vld [tilespmem:s17+$0x30]  }
0x16e: {  	v3 =	vadd.f32 v3, v41;
	v43 =	vsel vm3, $0x0, v39;
	v31 =	vadd.f32 v31, v49  }
0x16f: {  	v2 =	vadd.f32 v2, v43;
	v47 =	vperm.xlane v4, v18;
	v50 =	vperm.xlane v30, v18  }
0x170: {  	v44 =	vsel vm2, $0x0, v28;
	v28 =	vnsel vm0, $0x0, v28;
	v46 =	vperm.xlane v31, v18  }
0x171: {  	v48 =	vperm.xlane v2, v18;
	v4 =	vadd.f32 v4, v47;
	v30 =	vadd.f32 v30, v50  }
0x172: {  	v49 =	vld [tilespmem:s3+$0xFFFFFFF0];
	v50 =	vperm.xlane v27, v59;
	v35 =	vmul.f32 v14, v51;
	v31 =	vadd.f32 v31, v46  }
0x173: {  	[tilespmem:s12+$0x60] =	vst v5;
	v5 =	vperm.xlane v25, v17;
	v2 =	vadd.f32 v2, v48;
	v52 =	vperm.xlane v4, v21  }
0x174: {  	v54 =	vperm.xlane v30, v21;
	v27 =	vadd.f32 v27, v50;
	[tilespmem:s15+$0x30] =	vst v35;
	v51 =	vperm.xlane v31, v21  }
0x175: {  	v7 =	vadd.f32 v8, v44;
	v53 =	vperm.xlane v2, v21;
	v4 =	vadd.f32 v4, v52;
	v8 =	vld [tilespmem:s17+$0x40]  }
0x176: {  	v30 =	vadd.f32 v30, v54;
	vm11 =	vgt.f32 v27, $0.0e+00;
	v31 =	vadd.f32 v31, v51  }
0x177: {  	v55 =	vsel vm5, $0x0, v49;
	v56 =	vsel vm3, $0x0, v49;
	v2 =	vadd.f32 v2, v53  }
0x178: {  	v41 =	vld [tilespmem:s5+$0xFFFFFFE0];
	v48 =	vsel vm7, $0x0, v49;
	v53 =	vmul.f32 $2.000000030e-01, v27;
	v4 =	vsel vm8, v4, v31  }
0x179: {  	v3 =	vadd.f32 v3, v55;
	v29 =	vadd.f32 v29, v48;
	v31 =	vld [tilespmem:s14+$0x70];
	v2 =	vsel vm9, v4, v2  }
0x17a: {  	v39 =	vld [tilespmem:s4+$0xFFFFFFE0];
	v4 =	vadd.f32 v6, v28;
	v8 =	vmul.f32 v8, v5;
	v2 =	vsel vm10, v30, v2  }
0x17b: {  	v7 =	vadd.f32 v7, v56;
	v28 =	vsel vm1, $0x0, v49;
	v30 =	vperm.xlane v2, v60  }
0x17c: {  	v40 =	vld [tilespmem:s5+$0xFFFFFFD0];
	v27 =	vsel vm11, v27, v53;
	v49 =	vperm.xlane v3, v18;
	v4 =	vadd.f32 v4, v28;
	[tilespmem:s15+$0x40] =	vst v8  }
0x17d: {  	v8 =	vperm.xlane v29, v18;
	v28 =	vld [tilespmem:s17+$0x50];
	v2 =	vadd.f32 v2, v30;
	v30 =	vperm.xlane v7, v18  }
0x17e: {  	v36 =	vld [tilespmem:s5+$0xFFFFFFB0];
	v3 =	vadd.f32 v3, v49;
	v51 =	vperm.xlane v4, v18;
	v24 =	vmul.f32 v31, v24  }
0x17f: {  	v37 =	vld [tilespmem:s5+$0xFFFFFFC0];
	v31 =	vsub.f32 v41, v39;
	v8 =	vadd.f32 v29, v8;
	v52 =	vperm.xlane v2, v59  }
0x180: {  	v38 =	vld [tilespmem:s4+$0xFFFFFFA0];
	v39 =	vmul.f32 v41, v39;
	v7 =	vadd.f32 v7, v30;
	v30 =	vperm.xlane v3, v21  }
0x181: {  	v42 =	vld [tilespmem:s4+$0xFFFFFF90];
	v4 =	vadd.f32 v4, v51;
	v54 =	vperm.xlane v8, v21;
	v2 =	vadd.f32 v2, v52  }
0x182: {  	[tilespmem:s11+$0xFFFFFFF0] =	vst v26;
	v43 =	vld [tilespmem:s4+$0xFFFFFF80];
	v55 =	vperm.xlane v7, v21;
	v3 =	vadd.f32 v3, v30;
	v5 =	vmul.f32 v28, v5  }
0x183: {  	v14 =	vld [tilespmem:s16+$0xFFFFFF80];
	v28 =	vperm.xlane v4, v21;
	v8 =	vadd.f32 v8, v54;
	v30 =	vmul.f32 $2.000000030e-01, v2  }
0x184: {  	v35 =	vld [tilespmem:s4+$0xFFFFFFC0];
	vm11 =	vgt.f32 v2, $0.0e+00;
	[tilespmem:s15+$0x50] =	vst v5;
	v5 =	vadd.f32 v7, v55;
	v7 =	vmul.f32 $1.442695020e+00, v27  }
0x185: {  	v6 =	vld [tilespmem:s4+$0xFFFFFFB0];
	v4 =	vadd.f32 v4, v28;
	v3 =	vsel vm8, v8, v3;
	v2 =	vsel vm11, v2, v30  }
0x186: {  	v56 =	vperm.xlane v26, v58;
	v27 =	vld [tilespmem:s17+$0x60];
	v2 =	vmul.f32 $1.442695020e+00, v2;
	v3 =	vsel vm9, v3, v5  }
0x187: {  	v39 =	vmul.f32 v39, v12;
	v8 =	vld [tilespmem:s5+$0xFFFFFF90];
	(erf) = vpow2.f32 v7;
	v3 =	vsel vm10, v4, v3  }
0x188: {  	v28 =	vimm.s32 $0xC;
	v5 =	vld [tilespmem:s5+$0xFFFFFFA0];
	(erf) = vpow2.f32 v2;
	v2 =	vperm.xlane v3, v60  }
0x189: {  	v29 =	vld [tilespmem:s4+$0xFFFFFFD0];
	v51 =	vand.u32 $0x7FFFFFFF, v31;
	v7 =	vperm.xlane v25, v28;
	v25 =	vperm.xlane v26, v62  }
0x18a: {  	v51 =	vmul.f32 v51, v57;
	v4 =	vld [tilespmem:s4+$0xFFFFFF70];
	[tilespmem:$0x1FE70] =	vst v24;
	v33 =	vadd.f32 v3, v2;
	v2 =	vperm.xlane v26, v17  }
0x18b: {  	v44 =	vld [tilespmem:s5+$0xFFFFFF70];
	v34 =	vmul.f32 v14, v25;
	[tilespmem:$0x1FDC0] =	vst v56;
	v24 =	vmul.f32 v27, v7  }
0x18c: {  	v48 =	vsub.f32 v8, v42;
	v8 =	vmul.f32 v8, v42;
	v3 =	vld [tilespmem:s5+$0xFFFFFF80];
	v27 =	vsub.f32 v37, v35;
	[tilespmem:$0x1FE00] =	vst v2  }
0x18d: {  	v35 =	vmul.f32 v37, v35;
	v49 =	vsub.f32 v5, v38;
	[tilespmem:s15+$0x60] =	vst v24;
	v24 =	vperm.xlane v26, v28  }
0x18e: {  	v48 =	vand.u32 $0x7FFFFFFF, v48;
	v8 =	vmul.f32 v8, v10;
	v5 =	vmul.f32 v5, v38  }
0x18f: {  	v2 =	vsub.f32 v36, v6;
	v32 =	vand.u32 $0x7FFFFFFF, v27;
	v6 =	vmul.f32 v36, v6;
	v45 =	vld [tilespmem:s4+$0xFFFFFFF0];
	[tilespmem:$0x1FED0] =	vst v24  }
0x190: {  	s6 =	simm.s32 $0x560;
	v26 =	vsub.f32 v40, v29;
	v53 =	vsub.f32 v44, v4;
	v50 =	vmul.f32 v32, v22;
	v46 =	vld [tilespmem:s17+$0x70]  }
0x191: {  	v29 =	vmul.f32 v40, v29;
	v32 =	vmul.f32 v48, v63;
	v47 =	vand.u32 $0x7FFFFFFF, v2;
	v2 =	vld [tilespmem:s6+$0x80]  }
0x192: {  	v49 =	vand.u32 $0x7FFFFFFF, v49;
	v4 =	vmul.f32 v44, v4;
	v5 =	vmul.f32 v5, v1;
	v52 =	vld [tilespmem:s6+$0x0]  }
0x193: {  	s8 =	simm.s32 $0x1BE0;
	v49 =	vmul.f32 v49, v20;
	v6 =	vmul.f32 v6, v11;
	v26 =	vand.u32 $0x7FFFFFFF, v26;
	v55 =	vld [tilespmem:s6+$0x10]  }
0x194: {  	v27 =	vpop (erf);
	v14 =	vsub.f32 v3, v43;
	v47 =	vmul.f32 v47, v61;
	v29 =	vmul.f32 v29, v15;
	v56 =	vld [tilespmem:s8+$0x0]  }
0x195: {  	s18 =	simm.s32 $0x8690;
	v53 =	vand.u32 $0x7FFFFFFF, v53;
	v4 =	vmul.f32 v4, v13;
	v3 =	vmul.f32 v3, v43;
	v36 =	vld [tilespmem:s8+$0x10];
	v31 =	vpop (erf)  }
0x196: {  	s24 =	simm.s32 $0x30D0;
	v26 =	vmul.f32 v26, v23;
	v42 =	vld [tilespmem:s6+$0x20];
	v40 =	vadd.f32 v49, v32;
	v54 =	vand.u32 $0x7FFFFFFF, v14;
	[tilespmem:s18+$0x80] =	vst v31  }
0x197: {  	v47 =	vadd.f32 v50, v47;
	v50 =	vmul.f32 v53, v16;
	v3 =	vmul.f32 v3, v0;
	v48 =	vld [tilespmem:s24+$0x0]  }
0x198: {  	v19 =	vmovc v57;
	v44 =	vld [tilespmem:s8+$0x30];
	v14 =	vmul.f32 v54, v9;
	v26 =	vadd.f32 v51, v26;
	v57 =	vperm.xlane v31, v62  }
0x199: {  	v37 =	vld [tilespmem:s6+$0x40];
	v49 =	vsel vm4, $0x0, v45;
	v8 =	vadd.f32 v40, v8;
	v6 =	vadd.f32 v47, v6  }
0x19a: {  	v54 =	vld [tilespmem:s6+$0x30];
	v26 =	vadd.f32 v26, v29;
	v50 =	vadd.f32 v14, v50;
	v7 =	vmul.f32 v46, v7  }
0x19b: {  	v51 =	vld [tilespmem:s8+$0x20];
	v14 =	vsel vm6, $0x0, v45;
	v5 =	vadd.f32 v8, v5;
	v8 =	vsel vm2, $0x0, v45  }
0x19c: {  	v41 =	vld [tilespmem:s6+$0x50];
	v45 =	vnsel vm0, $0x0, v45;
	v38 =	vmul.f32 v36, v55;
	[tilespmem:$0x1FE80] =	vst v7;
	v48 =	vmul.f32 v48, v57  }
0x19d: {  	v46 =	vnsel vm0, $0x0, v2;
	v36 =	vsub.f32 v36, v55;
	v4 =	vadd.f32 v50, v4;
	v7 =	vld [tilespmem:s8+$0x40]  }
0x19e: {  	v32 =	vmul.f32 v56, v52;
	v26 =	vadd.f32 v26, v39;
	v5 =	vadd.f32 v5, v8;
	v43 =	vld [tilespmem:s6+$0x60];
	[tilespmem:s18+$0x0] =	vst v48  }
0x19f: {  	v50 =	vsub.f32 v56, v52;
	v47 =	vmul.f32 v44, v54;
	v44 =	vsub.f32 v44, v54;
	v30 =	vld [tilespmem:$0x1FF50]  }
0x1a0: {  	v52 =	vmul.f32 v51, v42;
	v42 =	vsub.f32 v51, v42;
	v36 =	vand.u32 $0x7FFFFFFF, v36;
	v53 =	vld [tilespmem:s24+$0x10]  }
0x1a1: {  	v3 =	vadd.f32 v4, v3;
	v4 =	vld [tilespmem:s8+$0x60];
	v36 =	vmul.f32 v36, v9;
	v44 =	vand.u32 $0x7FFFFFFF, v44  }
0x1a2: {  	v26 =	vadd.f32 v26, v14;
	v44 =	vmul.f32 v44, v20;
	v14 =	vmul.f32 v7, v37  }
0x1a3: {  	v7 =	vsub.f32 v7, v37;
	v37 =	vmul.f32 v38, v0;
	v38 =	vperm.xlane v31, v58  }
0x1a4: {  	v40 =	vld [tilespmem:s8+$0x50];
	v3 =	vadd.f32 v3, v45;
	v0 =	vperm.xlane v27, v58;
	v14 =	vmul.f32 v14, v11  }
0x1a5: {  	v7 =	vand.u32 $0x7FFFFFFF, v7;
	v35 =	vmul.f32 v35, v30;
	v8 =	vmul.f32 v53, v57  }
0x1a6: {  	v39 =	vld [tilespmem:s8+$0x70];
	v57 =	vmul.f32 v4, v43;
	v4 =	vsub.f32 v4, v43;
	v43 =	vmul.f32 v52, v10  }
0x1a7: {  	v7 =	vmul.f32 v7, v61;
	v6 =	vadd.f32 v6, v35;
	v35 =	vld [tilespmem:s6+$0x70];
	[tilespmem:s18+$0x10] =	vst v8;
	v8 =	vand.u32 $0x7FFFFFFF, v42  }
0x1a8: {  	v4 =	vand.u32 $0x7FFFFFFF, v4;
	v57 =	vmul.f32 v57, v15;
	v8 =	vmul.f32 v8, v63  }
0x1a9: {  	v55 =	vld [tilespmem:s24+$0x20];
	v6 =	vadd.f32 v6, v49;
	v49 =	vmul.f32 v40, v41;
	v40 =	vsub.f32 v40, v41  }
0x1aa: {  	v42 =	vld [tilespmem:s5+$0xFFFFFFF0];
	v4 =	vmul.f32 v4, v23;
	v41 =	vmul.f32 v32, v13;
	v32 =	vmovc v13;
	v13 =	vand.u32 $0x7FFFFFFF, v50  }
0x1ab: {  	v8 =	vadd.f32 v44, v8;
	v48 =	vmul.f32 v49, v30;
	v40 =	vand.u32 $0x7FFFFFFF, v40  }
0x1ac: {  	v49 =	vmul.f32 v13, v16;
	v53 =	vmul.f32 v39, v35;
	v35 =	vsub.f32 v39, v35  }
0x1ad: {  	v50 =	vsel vm4, $0x0, v2;
	v40 =	vmul.f32 v40, v22;
	v8 =	vadd.f32 v8, v43  }
0x1ae: {  	v39 =	vld [tilespmem:s8+$0x80];
	v13 =	vmul.f32 v55, v38;
	v36 =	vadd.f32 v36, v49;
	v35 =	vand.u32 $0x7FFFFFFF, v35  }
0x1af: {  	v49 =	vmul.f32 v47, v1;
	v47 =	vsel vm7, $0x0, v42;
	v35 =	vmul.f32 v35, v19  }
0x1b0: {  	v29 =	vmovc v1;
	v1 =	vimm.s32 $0xC;
	v7 =	vadd.f32 v40, v7;
	v36 =	vadd.f32 v36, v41;
	[tilespmem:s18+$0x20] =	vst v13  }
0x1b1: {  	v40 =	vperm.xlane v31, v17;
	v8 =	vadd.f32 v8, v49;
	v54 =	vld [tilespmem:s24+$0x30];
	v4 =	vadd.f32 v35, v4  }
0x1b2: {  	v7 =	vadd.f32 v7, v14;
	v14 =	vmul.f32 v53, v12;
	v53 =	vsel vm6, $0x0, v2  }
0x1b3: {  	v2 =	vsel vm2, $0x0, v2;
	v56 =	vsel vm5, $0x0, v39;
	v4 =	vadd.f32 v4, v57  }
0x1b4: {  	v52 =	vadd.f32 v36, v37;
	v55 =	vsel vm7, $0x0, v39;
	v2 =	vadd.f32 v8, v2  }
0x1b5: {  	v8 =	vsel vm3, $0x0, v39;
	v7 =	vadd.f32 v7, v48;
	v4 =	vadd.f32 v4, v14  }
0x1b6: {  	v35 =	vadd.f32 v52, v46;
	v2 =	vadd.f32 v2, v8;
	v37 =	vmul.f32 v54, v38  }
0x1b7: {  	v39 =	vsel vm1, $0x0, v39;
	v7 =	vadd.f32 v7, v50;
	v4 =	vadd.f32 v4, v53  }
0x1b8: {  	v31 =	vperm.xlane v31, v1;
	v8 =	vadd.f32 v35, v39;
	v35 =	vadd.f32 v26, v47;
	[tilespmem:s18+$0x30] =	vst v37  }
0x1b9: {  	v52 =	vsel vm1, $0x0, v42;
	v7 =	vadd.f32 v7, v56;
	v26 =	vld [tilespmem:s24+$0x40];
	v4 =	vadd.f32 v4, v55  }
0x1ba: {  	v3 =	vadd.f32 v3, v52;
	v14 =	vsel vm3, $0x0, v42;
	v44 =	vperm.xlane v2, v18  }
0x1bb: {  	v56 =	vsel vm5, $0x0, v42;
	v57 =	vperm.xlane v7, v18;
	v13 =	vperm.xlane v4, v18  }
0x1bc: {  	v5 =	vadd.f32 v5, v14;
	v46 =	vperm.xlane v8, v18;
	v6 =	vadd.f32 v6, v56  }
0x1bd: {  	v53 =	vperm.xlane v33, v59;
	v7 =	vadd.f32 v7, v57;
	v4 =	vadd.f32 v4, v13  }
0x1be: {  	v45 =	vld [tilespmem:s6+$0xFFFFFFD0];
	[tilespmem:s12+$0xFFFFFFF0] =	vst v27;
	v2 =	vadd.f32 v2, v44;
	v57 =	vperm.xlane v3, v18;
	v54 =	vmul.f32 v26, v40  }
0x1bf: {  	[tilespmem:s11+$0xFFFFFF70] =	vst v34;
	v50 =	vld [tilespmem:s14+$0xFFFFFF80];
	v8 =	vadd.f32 v8, v46;
	v48 =	vperm.xlane v7, v21;
	v49 =	vperm.xlane v4, v21  }
0x1c0: {  	v34 =	vld [tilespmem:s6+$0xFFFFFF90];
	v56 =	vperm.xlane v5, v18;
	v38 =	vperm.xlane v2, v21;
	v3 =	vadd.f32 v3, v57;
	[tilespmem:s18+$0x40] =	vst v54  }
0x1c1: {  	v51 =	vperm.xlane v8, v21;
	v7 =	vadd.f32 v7, v48;
	v13 =	vld [tilespmem:s24+$0x50];
	v4 =	vadd.f32 v4, v49  }
0x1c2: {  	v36 =	vld [tilespmem:s16+$0xFFFFFF90];
	v5 =	vadd.f32 v5, v56;
	v2 =	vadd.f32 v2, v38;
	v26 =	vperm.xlane v27, v62  }
0x1c3: {  	v8 =	vadd.f32 v8, v51;
	v51 =	vld [tilespmem:s8+$0xFFFFFF70];
	v56 =	vperm.xlane v3, v21;
	v4 =	vsel vm8, v4, v7  }
0x1c4: {  	v38 =	vmul.f32 v50, v26;
	v50 =	vld [tilespmem:s6+$0xFFFFFF70];
	v7 =	vperm.xlane v6, v18;
	v2 =	vsel vm9, v4, v2  }
0x1c5: {  	v43 =	vld [tilespmem:s8+$0xFFFFFFB0];
	v3 =	vadd.f32 v3, v56;
	v4 =	vperm.xlane v35, v18;
	v2 =	vsel vm10, v8, v2  }
0x1c6: {  	v41 =	vld [tilespmem:s6+$0xFFFFFFB0];
	v6 =	vadd.f32 v6, v7;
	v7 =	vadd.f32 v33, v53;
	v57 =	vmul.f32 v13, v40  }
0x1c7: {  	v47 =	vld [tilespmem:s8+$0xFFFFFF90];
	v40 =	vmul.f32 v36, v25;
	v33 =	vimm.s32 $0x4;
	v55 =	vperm.xlane v2, v60  }
0x1c8: {  	v42 =	vld [tilespmem:s6+$0xFFFFFFC0];
	v4 =	vadd.f32 v35, v4;
	v14 =	vperm.xlane v6, v21;
	v52 =	vmul.f32 $2.000000030e-01, v7  }
0x1c9: {  	v44 =	vld [tilespmem:s6+$0xFFFFFFE0];
	[tilespmem:s18+$0x50] =	vst v57;
	v57 =	vsub.f32 v51, v50;
	v50 =	vmul.f32 v51, v50;
	v2 =	vadd.f32 v2, v55  }
0x1ca: {  	v46 =	vld [tilespmem:s8+$0xFFFFFFD0];
	vm11 =	vgt.f32 v7, $0.0e+00;
	v54 =	vperm.xlane v4, v21;
	v55 =	vperm.xlane v5, v21  }
0x1cb: {  	v48 =	vld [tilespmem:s8+$0xFFFFFFE0];
	v6 =	vadd.f32 v6, v14;
	v7 =	vsel vm11, v7, v52;
	v53 =	vperm.xlane v2, v59  }
0x1cc: {  	v49 =	vld [tilespmem:s6+$0xFFFFFFA0];
	v14 =	vsub.f32 v47, v34;
	v57 =	vand.u32 $0x7FFFFFFF, v57;
	v4 =	vadd.f32 v4, v54  }
0x1cd: {  	v8 =	vld [tilespmem:s8+$0xFFFFFFC0];
	v5 =	vadd.f32 v5, v55;
	v7 =	vmul.f32 $1.442695020e+00, v7;
	v2 =	vadd.f32 v2, v53  }
0x1ce: {  	v34 =	vmul.f32 v47, v34;
	v47 =	vmul.f32 v57, v16;
	v4 =	vsel vm8, v4, v6;
	v6 =	vld [tilespmem:s8+$0xFFFFFFA0]  }
0x1cf: {  	(erf) = vpow2.f32 v7;
	v7 =	vld [tilespmem:s6+$0xFFFFFF80];
	v4 =	vsel vm9, v4, v5;
	v59 =	vmul.f32 $2.000000030e-01, v2  }
0x1d0: {  	v5 =	vld [tilespmem:s24+$0x60];
	[tilespmem:$0x1FDD0] =	vst v0;
	v0 =	vperm.xlane v27, v17;
	vm11 =	vgt.f32 v2, $0.0e+00;
	v3 =	vsel vm10, v3, v4  }
0x1d1: {  	v53 =	vand.u32 $0x7FFFFFFF, v14;
	v4 =	vperm.xlane v3, v60;
	v2 =	vsel vm11, v2, v59  }
0x1d2: {  	[tilespmem:$0x1FE40] =	vst v0;
	v0 =	vperm.xlane v27, v1;
	v27 =	vsub.f32 v8, v42;
	v2 =	vmul.f32 $1.442695020e+00, v2  }
0x1d3: {  	v24 =	vmovc v60;
	v53 =	vmul.f32 v53, v63;
	v60 =	vsub.f32 v46, v45;
	v8 =	vmul.f32 v8, v42  }
0x1d4: {  	v52 =	vld [tilespmem:s8+$0xFFFFFF80];
	v39 =	vadd.f32 v3, v4;
	[tilespmem:$0x1FDB0] =	vst v0;
	v27 =	vand.u32 $0x7FFFFFFF, v27;
	(erf) = vpow2.f32 v2  }
0x1d5: {  	v28 =	vmovc v10;
	v54 =	vand.u32 $0x7FFFFFFF, v60;
	v8 =	vmul.f32 v8, v30;
	v3 =	vmul.f32 v5, v31;
	v5 =	vld [tilespmem:s6+$0xFFFFFFF0]  }
0x1d6: {  	s22 =	simm.s32 $0x680;
	v10 =	vmovc v11;
	v4 =	vld [tilespmem:s8+$0xFFFFFFF0];
	v27 =	vmul.f32 v27, v22;
	v2 =	vsub.f32 v43, v41;
	v41 =	vmul.f32 v43, v41  }
0x1d7: {  	v60 =	vld [tilespmem:s22+$0x0];
	v54 =	vmul.f32 v54, v23;
	v43 =	vmul.f32 v46, v45;
	[tilespmem:s18+$0x60] =	vst v3;
	v3 =	vsub.f32 v6, v49  }
0x1d8: {  	s13 =	smov.u32 s23;
	s23 =	simm.s32 $0x1D00;
	v11 =	vmovc v15;
	v51 =	vld [tilespmem:s22+$0x30];
	v6 =	vmul.f32 v6, v49;
	v13 =	vand.u32 $0x7FFFFFFF, v2;
	v41 =	vmul.f32 v41, v10  }
0x1d9: {  	v42 =	vld [tilespmem:s23+$0x20];
	v2 =	vsub.f32 v48, v44;
	v43 =	vmul.f32 v43, v11;
	v44 =	vmul.f32 v48, v44  }
0x1da: {  	v45 =	vld [tilespmem:s23+$0x0];
	v58 =	vsub.f32 v52, v7;
	v48 =	vmul.f32 v34, v28;
	v7 =	vmul.f32 v52, v7  }
0x1db: {  	v14 =	vmovc v61;
	v1 =	vmovc v28;
	v55 =	vld [tilespmem:s24+$0x70];
	v28 =	vimm.s32 $0x4;
	v35 =	vmul.f32 v13, v61;
	v3 =	vand.u32 $0x7FFFFFFF, v3  }
0x1dc: {  	v49 =	vld [tilespmem:s22+$0x40];
	v36 =	vpop (erf);
	v6 =	vmul.f32 v6, v29;
	v56 =	vand.u32 $0x7FFFFFFF, v2;
	v3 =	vmul.f32 v3, v20  }
0x1dd: {  	s25 =	simm.s32 $0x87B0;
	v61 =	vld [tilespmem:s22+$0x10];
	v46 =	vand.u32 $0x7FFFFFFF, v58;
	v56 =	vmul.f32 v56, v19;
	v27 =	vadd.f32 v27, v35;
	v37 =	vpop (erf)  }
0x1de: {  	s26 =	simm.s32 $0x31D0;
	v58 =	vld [tilespmem:s23+$0x10];
	v44 =	vmul.f32 v44, v12;
	v46 =	vmul.f32 v46, v9;
	v3 =	vadd.f32 v3, v53;
	[tilespmem:s25+$0x80] =	vst v37  }
0x1df: {  	v52 =	vsel vm3, $0x0, v4;
	v54 =	vadd.f32 v56, v54;
	v27 =	vadd.f32 v27, v41;
	v35 =	vld [tilespmem:s26+$0x0]  }
0x1e0: {  	v15 =	vmovc v9;
	v2 =	vld [tilespmem:s22+$0x80];
	v9 =	vmul.f32 v55, v31;
	v31 =	vadd.f32 v46, v47;
	v55 =	vmul.f32 v50, v32  }
0x1e1: {  	v53 =	vsel vm4, $0x0, v5;
	v41 =	vld [tilespmem:s23+$0x30];
	v3 =	vadd.f32 v3, v48;
	v43 =	vadd.f32 v54, v43  }
0x1e2: {  	v56 =	vld [tilespmem:s22+$0x20];
	v31 =	vadd.f32 v31, v55;
	v8 =	vadd.f32 v27, v8;
	v59 =	vperm.xlane v37, v62;
	[tilespmem:$0x1FE90] =	vst v9  }
0x1e3: {  	v46 =	vmul.f32 v58, v61;
	v58 =	vsub.f32 v58, v61;
	v3 =	vadd.f32 v3, v6;
	v47 =	vld [tilespmem:s22+$0x50]  }
0x1e4: {  	v6 =	vsel vm2, $0x0, v5;
	v27 =	vadd.f32 v43, v44;
	v48 =	vld [tilespmem:s23+$0x40];
	v62 =	vmul.f32 v35, v59  }
0x1e5: {  	v13 =	vmovc v16;
	v16 =	vmovc v10;
	v10 =	vimm.s32 $0x0;
	v8 =	vadd.f32 v8, v53;
	v44 =	vld [tilespmem:s23+$0x50];
	v3 =	vadd.f32 v3, v6  }
0x1e6: {  	v50 =	vld [tilespmem:s22+$0x70];
	v6 =	vsel vm5, $0x0, v4;
	v55 =	vmul.f32 v41, v51;
	v41 =	vsub.f32 v41, v51;
	[tilespmem:s25+$0x0] =	vst v62  }
0x1e7: {  	v0 =	vmovc v30;
	v54 =	vnsel vm0, $0x0, v2;
	v58 =	vand.u32 $0x7FFFFFFF, v58;
	v6 =	vadd.f32 v8, v6;
	v30 =	vld [tilespmem:$0x1FF10]  }
0x1e8: {  	v43 =	vld [tilespmem:s23+$0x70];
	v58 =	vmul.f32 v58, v15;
	v8 =	vsel vm7, $0x0, v4;
	v41 =	vand.u32 $0x7FFFFFFF, v41  }
0x1e9: {  	v3 =	vadd.f32 v3, v52;
	v41 =	vmul.f32 v41, v20;
	v52 =	vperm.xlane v6, v18  }
0x1ea: {  	v4 =	vsel vm1, $0x0, v4;
	v34 =	vmul.f32 v44, v47;
	v61 =	vmul.f32 v48, v49  }
0x1eb: {  	v48 =	vsub.f32 v48, v49;
	v49 =	vperm.xlane v37, v33;
	v44 =	vsub.f32 v44, v47  }
0x1ec: {  	v6 =	vadd.f32 v6, v52;
	v62 =	vsel vm6, $0x0, v5;
	v57 =	vld [tilespmem:s26+$0x10];
	v7 =	vmul.f32 v7, v30  }
0x1ed: {  	v27 =	vadd.f32 v27, v62;
	v62 =	vmul.f32 v43, v50;
	v43 =	vsub.f32 v43, v50  }
0x1ee: {  	v5 =	vnsel vm0, $0x0, v5;
	v50 =	vld [tilespmem:s23+$0x80];
	v44 =	vand.u32 $0x7FFFFFFF, v44;
	v7 =	vadd.f32 v31, v7  }
0x1ef: {  	v44 =	vmul.f32 v44, v22;
	v43 =	vand.u32 $0x7FFFFFFF, v43;
	v8 =	vadd.f32 v27, v8  }
0x1f0: {  	v53 =	vld [tilespmem:s23+$0x60];
	v43 =	vmul.f32 v43, v19;
	v46 =	vmul.f32 v46, v30;
	v5 =	vadd.f32 v7, v5  }
0x1f1: {  	v31 =	vld [tilespmem:s22+$0x60];
	v7 =	vmul.f32 v57, v59;
	v57 =	vmul.f32 v45, v60;
	v45 =	vsub.f32 v45, v60  }
0x1f2: {  	v60 =	vmul.f32 v42, v56;
	v42 =	vsub.f32 v42, v56;
	v56 =	vmul.f32 v61, v16  }
0x1f3: {  	v61 =	vand.u32 $0x7FFFFFFF, v48;
	v59 =	vsel vm5, $0x0, v50;
	v48 =	vmul.f32 v62, v12  }
0x1f4: {  	v62 =	vsel vm7, $0x0, v50;
	v47 =	vmul.f32 v57, v32;
	v57 =	vmul.f32 v34, v0;
	[tilespmem:s25+$0x10] =	vst v7  }
0x1f5: {  	v45 =	vand.u32 $0x7FFFFFFF, v45;
	v7 =	vand.u32 $0x7FFFFFFF, v42;
	v42 =	vmul.f32 v61, v14;
	v33 =	vld [tilespmem:s26+$0x20]  }
0x1f6: {  	v61 =	vsel vm6, $0x0, v2;
	v51 =	vmul.f32 v53, v31;
	v31 =	vsub.f32 v53, v31  }
0x1f7: {  	v4 =	vadd.f32 v5, v4;
	v53 =	vmul.f32 v60, v1;
	v7 =	vmul.f32 v7, v63  }
0x1f8: {  	v45 =	vmul.f32 v45, v13;
	v42 =	vadd.f32 v44, v42;
	v31 =	vand.u32 $0x7FFFFFFF, v31  }
0x1f9: {  	v51 =	vmul.f32 v51, v11;
	v7 =	vadd.f32 v41, v7;
	v31 =	vmul.f32 v31, v23  }
0x1fa: {  	v45 =	vadd.f32 v58, v45;
	v58 =	vadd.f32 v42, v56;
	v44 =	vmul.f32 v33, v49  }
0x1fb: {  	v56 =	vmul.f32 v55, v29;
	v7 =	vadd.f32 v7, v53;
	v31 =	vadd.f32 v43, v31  }
0x1fc: {  	v25 =	vmovc v63;
	v63 =	vmovc v12;
	v12 =	vsel vm1, $0x0, v50;
	v41 =	vadd.f32 v58, v57;
	v58 =	vsel vm4, $0x0, v2;
	[tilespmem:s25+$0x20] =	vst v44  }
0x1fd: {  	v34 =	vmovc v0;
	v57 =	vperm.xlane v8, v18;
	v7 =	vadd.f32 v7, v56;
	v31 =	vadd.f32 v31, v51;
	v44 =	vld [tilespmem:s26+$0x30]  }
0x1fe: {  	v0 =	vmovc v1;
	v1 =	vperm.xlane v36, v28;
	v51 =	vadd.f32 v45, v47;
	v41 =	vadd.f32 v41, v58  }
0x1ff: {  	v2 =	vsel vm2, $0x0, v2;
	v8 =	vadd.f32 v8, v57;
	v31 =	vadd.f32 v31, v48  }
0x200: {  	v58 =	vperm.xlane v3, v18;
	v2 =	vadd.f32 v7, v2;
	v60 =	vadd.f32 v51, v46  }
0x201: {  	[tilespmem:s15+$0xFFFFFFF0] =	vst v36;
	v7 =	vsel vm3, $0x0, v50;
	v41 =	vadd.f32 v41, v59;
	v31 =	vadd.f32 v31, v61  }
0x202: {  	[tilespmem:s12+$0xFFFFFF70] =	vst v38;
	v38 =	vld [tilespmem:s17+$0xFFFFFF80];
	v2 =	vadd.f32 v2, v7;
	v42 =	vadd.f32 v60, v54;
	v27 =	vmul.f32 v44, v49  }
0x203: {  	[tilespmem:s11+$0xFFFFFF80] =	vst v40;
	v40 =	vld [tilespmem:s14+$0xFFFFFF90];
	v3 =	vadd.f32 v3, v58;
	v33 =	vperm.xlane v41, v18;
	v31 =	vadd.f32 v31, v62  }
0x204: {  	v60 =	vperm.xlane v6, v21;
	v50 =	vperm.xlane v2, v18;
	v7 =	vadd.f32 v42, v12;
	v49 =	vld [tilespmem:s22+$0xFFFFFFC0];
	[tilespmem:s25+$0x30] =	vst v27  }
0x205: {  	v41 =	vadd.f32 v41, v33;
	v33 =	vperm.xlane v36, v10;
	v48 =	vperm.xlane v31, v18;
	v9 =	vld [tilespmem:$0x1FFE0]  }
0x206: {  	v62 =	vperm.xlane v3, v21;
	v2 =	vadd.f32 v2, v50;
	v51 =	vperm.xlane v7, v18;
	v5 =	vld [tilespmem:s26+$0x40]  }
0x207: {  	v6 =	vadd.f32 v6, v60;
	v27 =	vperm.xlane v41, v21;
	v31 =	vadd.f32 v31, v48;
	v48 =	vld [tilespmem:s23+$0xFFFFFFC0]  }
0x208: {  	v50 =	vperm.xlane v37, v17;
	v54 =	vperm.xlane v2, v21;
	v7 =	vadd.f32 v7, v51  }
0x209: {  	v3 =	vadd.f32 v3, v62;
	v27 =	vadd.f32 v41, v27;
	v43 =	vperm.xlane v31, v21  }
0x20a: {  	v52 =	vld [tilespmem:s23+$0xFFFFFFD0];
	v41 =	vmul.f32 v38, v33;
	v2 =	vadd.f32 v2, v54;
	v55 =	vperm.xlane v7, v21  }
0x20b: {  	v47 =	vld [tilespmem:s22+$0xFFFFFFB0];
	v53 =	vperm.xlane v39, v9;
	v56 =	vadd.f32 v31, v43;
	v5 =	vmul.f32 v5, v50  }
0x20c: {  	v46 =	vld [tilespmem:s23+$0xFFFFFFB0];
	v7 =	vadd.f32 v7, v55;
	v43 =	vmul.f32 v40, v26;
	v60 =	vsub.f32 v48, v49  }
0x20d: {  	v51 =	vld [tilespmem:s22+$0xFFFFFFE0];
	v48 =	vmul.f32 v48, v49;
	v27 =	vsel vm8, v56, v27;
	[tilespmem:s25+$0x40] =	vst v5;
	v5 =	vperm.xlane v8, v21  }
0x20e: {  	v2 =	vsel vm9, v27, v2;
	v27 =	vadd.f32 v39, v53;
	v39 =	vld [tilespmem:s22+$0xFFFFFFD0];
	v54 =	vand.u32 $0x7FFFFFFF, v60  }
0x20f: {  	v53 =	vld [tilespmem:s23+$0xFFFFFFE0];
	v48 =	vmul.f32 v48, v34;
	v2 =	vsel vm10, v7, v2;
	v7 =	vperm.xlane v4, v18  }
0x210: {  	v9 =	vld [tilespmem:$0x1FFE0];
	v5 =	vadd.f32 v8, v5;
	v59 =	vperm.xlane v2, v24;
	v61 =	vmul.f32 $2.000000030e-01, v27  }
0x211: {  	v54 =	vmul.f32 v54, v22;
	vm11 =	vgt.f32 v27, $0.0e+00;
	v4 =	vadd.f32 v4, v7  }
0x212: {  	v7 =	vld [tilespmem:s26+$0x50];
	v5 =	vsel vm8, v5, v6;
	v2 =	vadd.f32 v2, v59;
	v27 =	vsel vm11, v27, v61  }
0x213: {  	v44 =	vld [tilespmem:s16+$0xFFFFFFA0];
	v3 =	vsel vm9, v5, v3;
	v59 =	vsub.f32 v46, v47;
	v46 =	vmul.f32 v46, v47  }
0x214: {  	v8 =	vld [tilespmem:s22+$0xFFFFFF90];
	v12 =	vperm.xlane v4, v21;
	v26 =	vmul.f32 $1.442695020e+00, v27;
	v61 =	vsub.f32 v52, v39  }
0x215: {  	v6 =	vld [tilespmem:s23+$0xFFFFFF90];
	v62 =	vsub.f32 v53, v51;
	v47 =	vmul.f32 v52, v39;
	v57 =	vperm.xlane v2, v9  }
0x216: {  	v38 =	vld [tilespmem:s22+$0xFFFFFFA0];
	v51 =	vmul.f32 v53, v51;
	v9 =	vperm.xlane v36, v17;
	v4 =	vadd.f32 v4, v12  }
0x217: {  	v5 =	vld [tilespmem:s23+$0xFFFFFFA0];
	v46 =	vmul.f32 v46, v16;
	v2 =	vadd.f32 v2, v57;
	v7 =	vmul.f32 v7, v50  }
0x218: {  	(erf) = vpow2.f32 v26;
	v55 =	vand.u32 $0x7FFFFFFF, v61;
	v3 =	vsel vm10, v4, v3;
	v4 =	vld [tilespmem:s22+$0xFFFFFF70];
	[tilespmem:$0x1FDE0] =	vst v1  }
0x219: {  	v56 =	vand.u32 $0x7FFFFFFF, v62;
	v47 =	vmul.f32 v47, v11;
	v27 =	vmul.f32 $2.000000030e-01, v2;
	v50 =	vld [tilespmem:s22+$0xFFFFFF80];
	[tilespmem:s25+$0x50] =	vst v7  }
0x21a: {  	v42 =	vsub.f32 v6, v8;
	v58 =	vperm.xlane v3, v24;
	vm11 =	vgt.f32 v2, $0.0e+00;
	v10 =	vld [tilespmem:$0x1FDC0]  }
0x21b: {  	v55 =	vmul.f32 v55, v23;
	v56 =	vmul.f32 v56, v19;
	v7 =	vld [tilespmem:s26+$0x60];
	[tilespmem:$0x1FE50] =	vst v9;
	v2 =	vsel vm11, v2, v27  }
0x21c: {  	v9 =	vimm.s32 $0xC;
	v45 =	vadd.f32 v3, v58;
	v3 =	vld [tilespmem:s23+$0xFFFFFF70];
	v2 =	vmul.f32 $1.442695020e+00, v2  }
0x21d: {  	v6 =	vmul.f32 v6, v8;
	v57 =	vsub.f32 v5, v38;
	v27 =	vperm.xlane v36, v9;
	v36 =	vld [tilespmem:s23+$0xFFFFFF80]  }
0x21e: {  	v35 =	vmovc v32;
	v5 =	vmul.f32 v5, v38;
	v42 =	vand.u32 $0x7FFFFFFF, v42;
	v58 =	vld [tilespmem:s22+$0xFFFFFFF0];
	(erf) = vpow2.f32 v2  }
0x21f: {  	s1 =	simm.s32 $0x7A0;
	v32 =	vmovc v29;
	v55 =	vadd.f32 v56, v55;
	v6 =	vmul.f32 v6, v0;
	v37 =	vperm.xlane v37, v9;
	v60 =	vld [tilespmem:s23+$0xFFFFFFF0]  }
0x220: {  	v26 =	vimm.s32 $0x4;
	v52 =	vmul.f32 v42, v25;
	v5 =	vmul.f32 v5, v32;
	v28 =	vld [tilespmem:s1+$0x80]  }
0x221: {  	v61 =	vld [tilespmem:s1+$0x0];
	v47 =	vadd.f32 v55, v47;
	v2 =	vand.u32 $0x7FFFFFFF, v59;
	v7 =	vmul.f32 v7, v37  }
0x222: {  	s2 =	simm.s32 $0x1E20;
	v29 =	vld [tilespmem:s1+$0x10];
	v44 =	vmul.f32 v44, v10;
	v62 =	vmul.f32 v2, v14;
	v59 =	vsub.f32 v3, v4  }
0x223: {  	v8 =	vld [tilespmem:s2+$0x10];
	v12 =	vsub.f32 v36, v50;
	v3 =	vmul.f32 v3, v4;
	v4 =	vimm.s32 $0x0;
	[tilespmem:s25+$0x60] =	vst v7  }
0x224: {  	v9 =	vmovc v32;
	v36 =	vmul.f32 v36, v50;
	v32 =	vsel vm7, $0x0, v60;
	v7 =	vand.u32 $0x7FFFFFFF, v57;
	v57 =	vld [tilespmem:s26+$0x70]  }
0x225: {  	v53 =	vld [tilespmem:s1+$0x20];
	v59 =	vand.u32 $0x7FFFFFFF, v59;
	v12 =	vand.u32 $0x7FFFFFFF, v12;
	v7 =	vmul.f32 v7, v20  }
0x226: {  	v55 =	vld [tilespmem:s2+$0x20];
	v42 =	vpop (erf);
	v54 =	vadd.f32 v54, v62;
	v56 =	vmul.f32 v59, v13;
	v12 =	vmul.f32 v12, v15  }
0x227: {  	s8 =	simm.s32 $0x88D0;
	v50 =	vld [tilespmem:s2+$0x30];
	v3 =	vmul.f32 v3, v35;
	v36 =	vmul.f32 v36, v30;
	v7 =	vadd.f32 v7, v52;
	v39 =	vpop (erf)  }
0x228: {  	s29 =	simm.s32 $0x32D0;
	v62 =	vld [tilespmem:s2+$0x0];
	v46 =	vadd.f32 v54, v46;
	v59 =	vsel vm2, $0x0, v58;
	v40 =	vadd.f32 v12, v56;
	[tilespmem:s8+$0x80] =	vst v39  }
0x229: {  	v6 =	vadd.f32 v7, v6;
	v7 =	vmul.f32 v51, v63;
	v2 =	vmul.f32 v57, v37;
	v49 =	vld [tilespmem:s29+$0x0]  }
0x22a: {  	v54 =	vld [tilespmem:s1+$0x30];
	v52 =	vsel vm4, $0x0, v58;
	v3 =	vadd.f32 v40, v3;
	v40 =	vadd.f32 v46, v48  }
0x22b: {  	v1 =	vmovc v63;
	v51 =	vld [tilespmem:s1+$0x40];
	v63 =	vsel vm5, $0x0, v60;
	v57 =	vsel vm6, $0x0, v58;
	v7 =	vadd.f32 v47, v7;
	[tilespmem:$0x1FEA0] =	vst v2  }
0x22c: {  	v56 =	vperm.xlane v39, v4;
	v5 =	vadd.f32 v6, v5;
	v37 =	vadd.f32 v40, v52;
	v46 =	vld [tilespmem:s1+$0x50]  }
0x22d: {  	v3 =	vadd.f32 v3, v36;
	v40 =	vsel vm3, $0x0, v60;
	v7 =	vadd.f32 v7, v57;
	v47 =	vld [tilespmem:s2+$0x50]  }
0x22e: {  	v12 =	vmovc v34;
	v5 =	vadd.f32 v5, v59;
	v37 =	vadd.f32 v37, v63;
	v49 =	vmul.f32 v49, v56  }
0x22f: {  	v34 =	vmovc v30;
	v30 =	vadd.f32 v7, v32;
	v7 =	vmul.f32 v50, v54;
	v50 =	vsub.f32 v50, v54  }
0x230: {  	v36 =	vmul.f32 v55, v53;
	v48 =	vld [tilespmem:s1+$0x70];
	v31 =	vadd.f32 v5, v40;
	v40 =	vperm.xlane v42, v4;
	[tilespmem:s8+$0x0] =	vst v49  }
0x231: {  	v59 =	vperm.xlane v37, v18;
	v57 =	vperm.xlane v30, v18;
	v50 =	vand.u32 $0x7FFFFFFF, v50;
	v2 =	vld [tilespmem:$0x1FFE0]  }
0x232: {  	v7 =	vmul.f32 v7, v9;
	v4 =	vmul.f32 v47, v46;
	v49 =	vnsel vm0, $0x0, v58;
	v52 =	vld [tilespmem:s29+$0x10]  }
0x233: {  	v46 =	vsub.f32 v47, v46;
	v47 =	vmul.f32 v36, v0;
	v3 =	vadd.f32 v3, v49;
	v49 =	vld [tilespmem:s2+$0x70]  }
0x234: {  	v38 =	vsel vm1, $0x0, v60;
	v6 =	vld [tilespmem:s2+$0x40];
	v50 =	vmul.f32 v50, v20;
	v4 =	vmul.f32 v4, v12  }
0x235: {  	v63 =	vld [tilespmem:s1+$0x60];
	v46 =	vand.u32 $0x7FFFFFFF, v46;
	v32 =	vadd.f32 v3, v38;
	v3 =	vmul.f32 v62, v61  }
0x236: {  	v46 =	vmul.f32 v46, v22;
	v61 =	vsub.f32 v62, v61;
	v60 =	vperm.xlane v45, v2;
	v2 =	vld [tilespmem:s2+$0x60]  }
0x237: {  	v58 =	vnsel vm0, $0x0, v28;
	v3 =	vmul.f32 v3, v35;
	v52 =	vmul.f32 v52, v56  }
0x238: {  	v36 =	vand.u32 $0x7FFFFFFF, v61;
	v56 =	vmul.f32 v8, v29;
	v5 =	vmul.f32 v49, v48  }
0x239: {  	v8 =	vsub.f32 v8, v29;
	v29 =	vsub.f32 v55, v53;
	v53 =	vmul.f32 v6, v51  }
0x23a: {  	v6 =	vsub.f32 v6, v51;
	v48 =	vsub.f32 v49, v48;
	v51 =	vmul.f32 v56, v34  }
0x23b: {  	v8 =	vand.u32 $0x7FFFFFFF, v8;
	v38 =	vmul.f32 v2, v63;
	v2 =	vsub.f32 v2, v63  }
0x23c: {  	v53 =	vmul.f32 v53, v16;
	v6 =	vand.u32 $0x7FFFFFFF, v6;
	v56 =	vmul.f32 v36, v13  }
0x23d: {  	[tilespmem:s8+$0x10] =	vst v52;
	v48 =	vand.u32 $0x7FFFFFFF, v48;
	v6 =	vmul.f32 v6, v14;
	v2 =	vand.u32 $0x7FFFFFFF, v2  }
0x23e: {  	v29 =	vand.u32 $0x7FFFFFFF, v29;
	v52 =	vld [tilespmem:s29+$0x20];
	v48 =	vmul.f32 v48, v19;
	v2 =	vmul.f32 v2, v23  }
0x23f: {  	v30 =	vadd.f32 v30, v57;
	v8 =	vmul.f32 v8, v15;
	v29 =	vmul.f32 v29, v25  }
0x240: {  	v6 =	vadd.f32 v46, v6;
	v38 =	vmul.f32 v38, v11;
	v2 =	vadd.f32 v48, v2  }
0x241: {  	v55 =	vperm.xlane v39, v26;
	v8 =	vadd.f32 v8, v56;
	v29 =	vadd.f32 v50, v29  }
0x242: {  	v49 =	vld [tilespmem:s2+$0x80];
	v5 =	vmul.f32 v5, v1;
	v6 =	vadd.f32 v6, v53;
	v2 =	vadd.f32 v2, v38  }
0x243: {  	v3 =	vadd.f32 v8, v3;
	v8 =	vadd.f32 v29, v47;
	v54 =	vmul.f32 v52, v55  }
0x244: {  	v4 =	vadd.f32 v6, v4;
	v6 =	vsel vm4, $0x0, v28;
	v2 =	vadd.f32 v2, v5  }
0x245: {  	v3 =	vadd.f32 v3, v51;
	[tilespmem:s8+$0x20] =	vst v54;
	v5 =	vadd.f32 v8, v7;
	v7 =	vsel vm6, $0x0, v28  }
0x246: {  	[tilespmem:s15+$0xFFFFFF70] =	vst v41;
	v62 =	vperm.xlane v39, v17;
	v4 =	vadd.f32 v4, v6;
	v2 =	vadd.f32 v2, v7;
	v7 =	vld [tilespmem:s29+$0x30]  }
0x247: {  	[tilespmem:s12+$0xFFFFFF80] =	vst v43;
	v41 =	vld [tilespmem:s17+$0xFFFFFF90];
	v61 =	vsel vm5, $0x0, v49;
	v3 =	vadd.f32 v3, v58;
	v8 =	vsel vm2, $0x0, v28  }
0x248: {  	[tilespmem:s11+$0xFFFFFF90] =	vst v44;
	v44 =	vld [tilespmem:s14+$0xFFFFFFA0];
	v6 =	vsel vm7, $0x0, v49;
	v4 =	vadd.f32 v4, v61;
	v5 =	vadd.f32 v5, v8  }
0x249: {  	v50 =	vld [tilespmem:s1+$0xFFFFFFE0];
	v28 =	vsel vm1, $0x0, v49;
	v8 =	vsel vm3, $0x0, v49;
	v2 =	vadd.f32 v2, v6  }
0x24a: {  	v52 =	vld [tilespmem:s2+$0xFFFFFFC0];
	v3 =	vadd.f32 v3, v28;
	v28 =	vperm.xlane v4, v18;
	v5 =	vadd.f32 v5, v8  }
0x24b: {  	v43 =	vadd.f32 v37, v59;
	v51 =	vld [tilespmem:s2+$0xFFFFFFB0];
	v29 =	vperm.xlane v2, v18;
	v7 =	vmul.f32 v7, v55  }
0x24c: {  	[tilespmem:s18+$0xFFFFFFF0] =	vst v42;
	v54 =	vld [tilespmem:s2+$0xFFFFFFE0];
	v58 =	vperm.xlane v3, v18;
	v4 =	vadd.f32 v4, v28;
	v56 =	vperm.xlane v5, v18  }
0x24d: {  	v45 =	vadd.f32 v45, v60;
	v6 =	vperm.xlane v31, v18;
	v8 =	vld [tilespmem:s24+$0xFFFFFF80];
	v2 =	vadd.f32 v2, v29;
	[tilespmem:s8+$0x30] =	vst v7  }
0x24e: {  	v3 =	vadd.f32 v3, v58;
	v59 =	vperm.xlane v4, v21;
	v5 =	vadd.f32 v5, v56;
	v48 =	vld [tilespmem:s29+$0x40]  }
0x24f: {  	v49 =	vld [tilespmem:s1+$0xFFFFFFB0];
	v6 =	vadd.f32 v31, v6;
	v31 =	vperm.xlane v43, v21;
	v60 =	vperm.xlane v2, v21  }
0x250: {  	v28 =	vld [tilespmem:s16+$0xFFFFFFB0];
	v61 =	vperm.xlane v3, v21;
	v4 =	vadd.f32 v4, v59;
	v7 =	vperm.xlane v5, v21  }
0x251: {  	v55 =	vld [tilespmem:s1+$0xFFFFFF90];
	v29 =	vperm.xlane v32, v18;
	v31 =	vadd.f32 v43, v31;
	v2 =	vadd.f32 v2, v60  }
0x252: {  	v43 =	vmul.f32 v41, v33;
	v33 =	vld [tilespmem:s1+$0xFFFFFFA0];
	v37 =	vmul.f32 v8, v40;
	v5 =	vadd.f32 v5, v7  }
0x253: {  	v8 =	vld [tilespmem:s1+$0xFFFFFFC0];
	v3 =	vadd.f32 v3, v61;
	v2 =	vsel vm8, v2, v4;
	v57 =	vmul.f32 v48, v62  }
0x254: {  	vm11 =	vgt.f32 v45, $0.0e+00;
	v38 =	vmovc v1;
	v4 =	vadd.f32 v32, v29;
	v29 =	vld [tilespmem:s1+$0xFFFFFFD0];
	v2 =	vsel vm9, v2, v5  }
0x255: {  	v1 =	vperm.xlane v42, v26;
	v5 =	vperm.xlane v30, v21;
	v2 =	vsel vm10, v3, v2;
	v3 =	vld [tilespmem:s2+$0xFFFFFFD0];
	[tilespmem:s8+$0x40] =	vst v57  }
0x256: {  	v36 =	vmovc v9;
	v63 =	vperm.xlane v6, v21;
	v61 =	vsub.f32 v51, v49;
	v7 =	vmul.f32 $2.000000030e-01, v45;
	v9 =	vld [tilespmem:$0x1FFE0]  }
0x257: {  	v59 =	vperm.xlane v4, v21;
	v58 =	vperm.xlane v2, v24;
	v5 =	vadd.f32 v30, v5;
	v30 =	vld [tilespmem:s29+$0x50]  }
0x258: {  	v49 =	vmul.f32 v51, v49;
	v6 =	vadd.f32 v6, v63;
	v7 =	vsel vm11, v45, v7;
	[tilespmem:$0x1FE20] =	vst v1;
	v1 =	vld [tilespmem:$0x1FDD0]  }
0x259: {  	v4 =	vadd.f32 v4, v59;
	v2 =	vadd.f32 v2, v58;
	v5 =	vsel vm8, v5, v31  }
0x25a: {  	v47 =	vmul.f32 v28, v10;
	v7 =	vmul.f32 $1.442695020e+00, v7;
	v5 =	vsel vm9, v5, v6  }
0x25b: {  	v49 =	vmul.f32 v49, v16;
	v4 =	vsel vm10, v4, v5;
	v31 =	vperm.xlane v2, v9  }
0x25c: {  	(erf) = vpow2.f32 v7;
	v7 =	vperm.xlane v4, v24  }
0x25d: {  	v28 =	vld [tilespmem:s1+$0xFFFFFF70];
	v46 =	vmul.f32 v44, v1;
	v32 =	vmul.f32 v30, v62;
	v2 =	vadd.f32 v2, v31  }
0x25e: {  	v53 =	vld [tilespmem:s1+$0xFFFFFF80];
	v9 =	vimm.s32 $0xC;
	v62 =	vsub.f32 v3, v29;
	v3 =	vmul.f32 v3, v29  }
0x25f: {  	v5 =	vld [tilespmem:s2+$0xFFFFFFA0];
	v48 =	vadd.f32 v4, v7;
	v30 =	vperm.xlane v42, v9;
	[tilespmem:s8+$0x50] =	vst v32;
	v60 =	vmul.f32 $2.000000030e-01, v2  }
0x260: {  	v39 =	vperm.xlane v39, v9;
	v9 =	vimm.s32 $0x0;
	v63 =	vld [tilespmem:s29+$0x60];
	vm11 =	vgt.f32 v2, $0.0e+00  }
0x261: {  	v6 =	vld [tilespmem:s2+$0xFFFFFF90];
	v31 =	vperm.xlane v42, v17;
	v32 =	vsub.f32 v52, v8;
	v2 =	vsel vm11, v2, v60  }
0x262: {  	v4 =	vld [tilespmem:s2+$0xFFFFFF70];
	v42 =	vand.u32 $0x7FFFFFFF, v61;
	v3 =	vmul.f32 v3, v11;
	v2 =	vmul.f32 $1.442695020e+00, v2  }
0x263: {  	v7 =	vld [tilespmem:s2+$0xFFFFFF80];
	v61 =	vsub.f32 v54, v50;
	v8 =	vmul.f32 v52, v8;
	v42 =	vmul.f32 v42, v14  }
0x264: {  	v58 =	vsub.f32 v5, v33;
	v5 =	vmul.f32 v5, v33;
	(erf) = vpow2.f32 v2  }
0x265: {  	v32 =	vand.u32 $0x7FFFFFFF, v32;
	v44 =	vand.u32 $0x7FFFFFFF, v61;
	v45 =	vmul.f32 v63, v39  }
0x266: {  	s5 =	simm.s32 $0x1F40;
	v8 =	vmul.f32 v8, v12;
	v32 =	vmul.f32 v32, v22;
	v58 =	vand.u32 $0x7FFFFFFF, v58  }
0x267: {  	v52 =	vld [tilespmem:s5+$0x10];
	v44 =	vmul.f32 v44, v19;
	v60 =	vsub.f32 v6, v55;
	v57 =	vsub.f32 v4, v28;
	[tilespmem:s8+$0x60] =	vst v45  }
0x268: {  	v59 =	vsub.f32 v7, v53;
	v6 =	vmul.f32 v6, v55;
	v2 =	vand.u32 $0x7FFFFFFF, v62;
	v62 =	vld [tilespmem:s29+$0x70]  }
0x269: {  	s3 =	simm.s32 $0x8C0;
	v61 =	vld [tilespmem:s2+$0xFFFFFFF0];
	v4 =	vmul.f32 v4, v28;
	v32 =	vadd.f32 v32, v42;
	v56 =	vand.u32 $0x7FFFFFFF, v60  }
0x26a: {  	v55 =	vld [tilespmem:s3+$0x0];
	v57 =	vand.u32 $0x7FFFFFFF, v57;
	v6 =	vmul.f32 v6, v0;
	v2 =	vmul.f32 v2, v23  }
0x26b: {  	v10 =	vmovc v0;
	v28 =	vld [tilespmem:s5+$0x0];
	v29 =	vand.u32 $0x7FFFFFFF, v59;
	v51 =	vmul.f32 v56, v25;
	v56 =	vmul.f32 v58, v20  }
0x26c: {  	v60 =	vld [tilespmem:s1+$0xFFFFFFF0];
	v63 =	vmul.f32 v57, v13;
	v29 =	vmul.f32 v29, v15;
	v45 =	vpop (erf);
	v2 =	vadd.f32 v44, v2  }
0x26d: {  	s30 =	simm.s32 $0x89F0;
	v57 =	vld [tilespmem:s3+$0x10];
	v32 =	vadd.f32 v32, v49;
	v51 =	vadd.f32 v56, v51;
	v0 =	vmul.f32 v62, v39;
	v44 =	vpop (erf)  }
0x26e: {  	s4 =	simm.s32 $0x33D0;
	v7 =	vmul.f32 v7, v53;
	v2 =	vadd.f32 v2, v3;
	v3 =	vadd.f32 v29, v63;
	v29 =	vld [tilespmem:s3+$0x20];
	[tilespmem:s30+$0x80] =	vst v44  }
0x26f: {  	v50 =	vmul.f32 v54, v50;
	v5 =	vmul.f32 v5, v36;
	v6 =	vadd.f32 v51, v6;
	v59 =	vld [tilespmem:s4+$0x0];
	[tilespmem:$0x1FEB0] =	vst v0  }
0x270: {  	v4 =	vmul.f32 v4, v35;
	v7 =	vmul.f32 v7, v34;
	v8 =	vadd.f32 v32, v8;
	v49 =	vld [tilespmem:s3+$0x30]  }
0x271: {  	v56 =	vsel vm4, $0x0, v60;
	v5 =	vadd.f32 v6, v5;
	v62 =	vmul.f32 v50, v38;
	v32 =	vld [tilespmem:s5+$0x30]  }
0x272: {  	v58 =	vsel vm2, $0x0, v60;
	v6 =	vadd.f32 v8, v56;
	v3 =	vadd.f32 v3, v4;
	v51 =	vld [tilespmem:s3+$0x40]  }
0x273: {  	v63 =	vsel vm6, $0x0, v60;
	v5 =	vadd.f32 v5, v58;
	v2 =	vadd.f32 v2, v62;
	v54 =	vld [tilespmem:s5+$0x40]  }
0x274: {  	v62 =	vsel vm7, $0x0, v61;
	v3 =	vadd.f32 v3, v7;
	v50 =	vperm.xlane v44, v9;
	v56 =	vld [tilespmem:s3+$0x70]  }
0x275: {  	v7 =	vsel vm3, $0x0, v61;
	v2 =	vadd.f32 v2, v63;
	v63 =	vnsel vm0, $0x0, v60;
	v60 =	vld [tilespmem:s5+$0x70]  }
0x276: {  	v5 =	vadd.f32 v5, v7;
	v3 =	vadd.f32 v3, v63;
	v33 =	vmul.f32 v59, v50  }
0x277: {  	v42 =	vmovc v34;
	v4 =	vld [tilespmem:s5+$0x20];
	v34 =	vadd.f32 v2, v62;
	v59 =	vsel vm5, $0x0, v61;
	v61 =	vsel vm1, $0x0, v61  }
0x278: {  	v8 =	vld [tilespmem:s3+$0x50];
	v6 =	vadd.f32 v6, v59;
	v7 =	vadd.f32 v3, v61;
	v3 =	vmul.f32 v32, v49;
	[tilespmem:s30+$0x0] =	vst v33  }
0x279: {  	v32 =	vsub.f32 v32, v49;
	v49 =	vmul.f32 v54, v51;
	v51 =	vsub.f32 v54, v51;
	v2 =	vld [tilespmem:$0x1FFE0]  }
0x27a: {  	v62 =	vperm.xlane v5, v18;
	v54 =	vmul.f32 v60, v56;
	v56 =	vsub.f32 v60, v56;
	v53 =	vld [tilespmem:s4+$0x10]  }
0x27b: {  	v26 =	vmovc v35;
	v63 =	vld [tilespmem:s3+$0x60];
	v59 =	vperm.xlane v34, v18;
	v35 =	vperm.xlane v6, v18;
	v51 =	vand.u32 $0x7FFFFFFF, v51  }
0x27c: {  	v33 =	vld [tilespmem:s5+$0x50];
	v56 =	vand.u32 $0x7FFFFFFF, v56;
	v49 =	vmul.f32 v49, v16;
	v3 =	vmul.f32 v3, v36  }
0x27d: {  	v61 =	vld [tilespmem:s5+$0x60];
	v32 =	vand.u32 $0x7FFFFFFF, v32;
	v51 =	vmul.f32 v51, v14;
	v56 =	vmul.f32 v56, v19  }
0x27e: {  	v41 =	vimm.s32 $0x4;
	v32 =	vmul.f32 v32, v20;
	v58 =	vperm.xlane v48, v2  }
0x27f: {  	v5 =	vadd.f32 v5, v62;
	v50 =	vmul.f32 v53, v50;
	v53 =	vmul.f32 v52, v57  }
0x280: {  	v2 =	vmul.f32 v28, v55;
	v28 =	vsub.f32 v28, v55;
	v55 =	vmul.f32 v4, v29  }
0x281: {  	v52 =	vsub.f32 v52, v57;
	v57 =	vmul.f32 v33, v8;
	v8 =	vsub.f32 v33, v8  }
0x282: {  	v4 =	vsub.f32 v4, v29;
	v33 =	vmul.f32 v61, v63;
	v61 =	vsub.f32 v61, v63  }
0x283: {  	v63 =	vperm.xlane v44, v41;
	v53 =	vmul.f32 v53, v42;
	v8 =	vand.u32 $0x7FFFFFFF, v8  }
0x284: {  	v2 =	vmul.f32 v2, v26;
	v57 =	vmul.f32 v57, v12;
	v28 =	vand.u32 $0x7FFFFFFF, v28  }
0x285: {  	v52 =	vand.u32 $0x7FFFFFFF, v52;
	v61 =	vand.u32 $0x7FFFFFFF, v61;
	v8 =	vmul.f32 v8, v22  }
0x286: {  	v0 =	vmovc v42;
	v29 =	vld [tilespmem:s3+$0x80];
	[tilespmem:s30+$0x10] =	vst v50;
	v4 =	vand.u32 $0x7FFFFFFF, v4;
	v61 =	vmul.f32 v61, v23;
	v28 =	vmul.f32 v28, v13  }
0x287: {  	[tilespmem:s12+$0xFFFFFF90] =	vst v46;
	v46 =	vadd.f32 v48, v58;
	v42 =	vld [tilespmem:s4+$0x20];
	v52 =	vmul.f32 v52, v15;
	v4 =	vmul.f32 v4, v25  }
0x288: {  	v33 =	vmul.f32 v33, v11;
	v8 =	vadd.f32 v8, v51;
	v56 =	vadd.f32 v56, v61  }
0x289: {  	v55 =	vmul.f32 v55, v10;
	v28 =	vadd.f32 v52, v28;
	v4 =	vadd.f32 v32, v4  }
0x28a: {  	v8 =	vadd.f32 v8, v49;
	v56 =	vadd.f32 v56, v33;
	v49 =	vmul.f32 v54, v38  }
0x28b: {  	v50 =	vld [tilespmem:s5+$0x80];
	v60 =	vnsel vm0, $0x0, v29;
	v2 =	vadd.f32 v28, v2;
	v4 =	vadd.f32 v4, v55  }
0x28c: {  	v51 =	vmul.f32 v42, v63;
	v8 =	vadd.f32 v8, v57;
	v32 =	vadd.f32 v56, v49  }
0x28d: {  	v28 =	vsel vm4, $0x0, v29;
	v2 =	vadd.f32 v2, v53;
	v3 =	vadd.f32 v4, v3  }
0x28e: {  	v4 =	vsel vm6, $0x0, v29;
	v29 =	vsel vm2, $0x0, v29;
	[tilespmem:s30+$0x20] =	vst v51;
	v8 =	vadd.f32 v8, v28  }
0x28f: {  	[tilespmem:s11+$0xFFFFFFA0] =	vst v47;
	v47 =	vperm.xlane v7, v18;
	v4 =	vadd.f32 v32, v4;
	v3 =	vadd.f32 v3, v29;
	v29 =	vld [tilespmem:s4+$0x30]  }
0x290: {  	[tilespmem:s15+$0xFFFFFF80] =	vst v43;
	v43 =	vld [tilespmem:s14+$0xFFFFFFB0];
	v61 =	vsel vm5, $0x0, v50;
	v52 =	vsel vm7, $0x0, v50;
	v2 =	vadd.f32 v2, v60  }
0x291: {  	v48 =	vld [tilespmem:s3+$0xFFFFFFC0];
	v53 =	vsel vm3, $0x0, v50;
	v8 =	vadd.f32 v8, v61;
	v4 =	vadd.f32 v4, v52  }
0x292: {  	v34 =	vadd.f32 v34, v59;
	v54 =	vsel vm1, $0x0, v50;
	v33 =	vld [tilespmem:s17+$0xFFFFFFA0];
	v3 =	vadd.f32 v3, v53  }
0x293: {  	[tilespmem:s25+$0xFFFFFFF0] =	vst v45;
	v51 =	vld [tilespmem:s16+$0xFFFFFFC0];
	v2 =	vadd.f32 v2, v54;
	v55 =	vperm.xlane v8, v18;
	v56 =	vperm.xlane v4, v18  }
0x294: {  	[tilespmem:s18+$0xFFFFFF70] =	vst v37;
	v6 =	vadd.f32 v6, v35;
	v28 =	vld [tilespmem:s26+$0xFFFFFF80];
	v57 =	vperm.xlane v3, v18;
	v29 =	vmul.f32 v29, v63  }
0x295: {  	v32 =	vld [tilespmem:s24+$0xFFFFFF90];
	v58 =	vperm.xlane v2, v18;
	v8 =	vadd.f32 v8, v55;
	v4 =	vadd.f32 v4, v56  }
0x296: {  	v39 =	vperm.xlane v45, v9;
	v7 =	vadd.f32 v7, v47;
	v52 =	vld [tilespmem:s3+$0xFFFFFFB0];
	v3 =	vadd.f32 v3, v57;
	[tilespmem:s30+$0x30] =	vst v29  }
0x297: {  	v2 =	vadd.f32 v2, v58;
	v35 =	vperm.xlane v8, v21;
	v37 =	vperm.xlane v4, v21;
	v60 =	vld [tilespmem:s4+$0x40]  }
0x298: {  	v62 =	vperm.xlane v6, v21;
	vm11 =	vgt.f32 v46, $0.0e+00;
	v54 =	vld [tilespmem:s5+$0xFFFFFFC0];
	v29 =	vperm.xlane v3, v21  }
0x299: {  	v53 =	vld [tilespmem:s3+$0xFFFFFFE0];
	v61 =	vperm.xlane v2, v21;
	v8 =	vadd.f32 v8, v35;
	v4 =	vadd.f32 v4, v37  }
0x29a: {  	v42 =	vmovc v36;
	v36 =	vperm.xlane v44, v17;
	v49 =	vmul.f32 v28, v39;
	v28 =	vld [tilespmem:s5+$0xFFFFFFB0];
	v3 =	vadd.f32 v3, v29  }
0x29b: {  	v63 =	vmul.f32 $2.000000030e-01, v46;
	v56 =	vld [tilespmem:s5+$0xFFFFFFD0];
	v2 =	vadd.f32 v2, v61;
	v4 =	vsel vm8, v4, v8  }
0x29c: {  	v29 =	vld [tilespmem:s3+$0xFFFFFFD0];
	v8 =	vperm.xlane v34, v21;
	v3 =	vsel vm9, v4, v3;
	v57 =	vmul.f32 v60, v36  }
0x29d: {  	v4 =	vperm.xlane v5, v21;
	v60 =	vsel vm11, v46, v63;
	v46 =	vmul.f32 v32, v40;
	v32 =	vld [tilespmem:s3+$0xFFFFFFA0]  }
0x29e: {  	v6 =	vadd.f32 v6, v62;
	v2 =	vsel vm10, v2, v3;
	v3 =	vld [tilespmem:s5+$0xFFFFFFE0];
	v8 =	vadd.f32 v34, v8;
	[tilespmem:s30+$0x40] =	vst v57  }
0x29f: {  	v4 =	vadd.f32 v5, v4;
	v9 =	vld [tilespmem:$0x1FFE0]  }
0x2a0: {  	v59 =	vperm.xlane v7, v21;
	v58 =	vperm.xlane v2, v24;
	v5 =	vld [tilespmem:s3+$0xFFFFFF90];
	v6 =	vsel vm8, v8, v6  }
0x2a1: {  	v40 =	vld [tilespmem:$0x1FDE0];
	v4 =	vsel vm9, v6, v4;
	v6 =	vperm.xlane v45, v41  }
0x2a2: {  	v7 =	vadd.f32 v7, v59;
	v61 =	vld [tilespmem:s4+$0x50];
	v2 =	vadd.f32 v2, v58  }
0x2a3: {  	v8 =	vmul.f32 $1.442695020e+00, v60;
	v35 =	vld [tilespmem:$0x1FE00];
	[tilespmem:$0x1FE60] =	vst v6  }
0x2a4: {  	v4 =	vsel vm10, v7, v4;
	v6 =	vld [tilespmem:s5+$0xFFFFFF90];
	v62 =	vperm.xlane v2, v9;
	v9 =	vperm.xlane v45, v17  }
0x2a5: {  	(erf) = vpow2.f32 v8;
	v8 =	vperm.xlane v4, v24;
	v7 =	vld [tilespmem:s5+$0xFFFFFFA0]  }
0x2a6: {  	v50 =	vmul.f32 v33, v40;
	v33 =	vld [tilespmem:s3+$0xFFFFFF70];
	[tilespmem:$0x1FDF0] =	vst v9;
	v9 =	vimm.s32 $0xC  }
0x2a7: {  	v4 =	vadd.f32 v4, v8;
	v8 =	vperm.xlane v45, v9  }
0x2a8: {  	v34 =	vmul.f32 v61, v36;
	v2 =	vadd.f32 v2, v62;
	v57 =	vld [tilespmem:s3+$0xFFFFFF80]  }
0x2a9: {  	v47 =	vmul.f32 v51, v35;
	v51 =	vld [tilespmem:s5+$0xFFFFFF70];
	[tilespmem:$0x1FE10] =	vst v8  }
0x2aa: {  	v36 =	vmul.f32 $2.000000030e-01, v2;
	[tilespmem:s30+$0x50] =	vst v34  }
0x2ab: {  	vm11 =	vgt.f32 v2, $0.0e+00;
	v59 =	vld [tilespmem:s4+$0x60]  }
0x2ac: {  	v63 =	vsub.f32 v28, v52;
	v28 =	vmul.f32 v28, v52;
	v2 =	vsel vm11, v2, v36  }
0x2ad: {  	v43 =	vmul.f32 v43, v1;
	v2 =	vmul.f32 $1.442695020e+00, v2  }
0x2ae: {  	v28 =	vmul.f32 v28, v16;
	v44 =	vperm.xlane v44, v9  }
0x2af: {  	v37 =	vsub.f32 v3, v53;
	v3 =	vmul.f32 v3, v53;
	(erf) = vpow2.f32 v2  }
0x2b0: {  	v58 =	vand.u32 $0x7FFFFFFF, v63;
	v45 =	vsub.f32 v54, v48;
	v59 =	vmul.f32 v59, v44  }
0x2b1: {  	v58 =	vmul.f32 v58, v14;
	v55 =	vand.u32 $0x7FFFFFFF, v37;
	v3 =	vmul.f32 v3, v38  }
0x2b2: {  	v55 =	vmul.f32 v55, v19;
	v48 =	vmul.f32 v54, v48;
	v45 =	vand.u32 $0x7FFFFFFF, v45;
	[tilespmem:s30+$0x60] =	vst v59  }
0x2b3: {  	v41 =	vsub.f32 v6, v5;
	v5 =	vmul.f32 v6, v5;
	v45 =	vmul.f32 v45, v22;
	v6 =	vld [tilespmem:s4+$0x70]  }
0x2b4: {  	v8 =	vld [tilespmem:s5+$0xFFFFFF80];
	v34 =	vsub.f32 v56, v29;
	v36 =	vsub.f32 v7, v32;
	v29 =	vmul.f32 v56, v29  }
0x2b5: {  	v60 =	vand.u32 $0x7FFFFFFF, v41;
	v5 =	vmul.f32 v5, v10;
	v7 =	vmul.f32 v7, v32  }
0x2b6: {  	s6 =	simm.s32 $0x9E0;
	v63 =	vld [tilespmem:s3+$0xFFFFFFF0];
	v34 =	vand.u32 $0x7FFFFFFF, v34;
	v61 =	vand.u32 $0x7FFFFFFF, v36;
	v36 =	vmul.f32 v60, v25  }
0x2b7: {  	v56 =	vld [tilespmem:s6+$0x0];
	v58 =	vadd.f32 v45, v58;
	v29 =	vmul.f32 v29, v11;
	v34 =	vmul.f32 v34, v23;
	v45 =	vpop (erf)  }
0x2b8: {  	s22 =	simm.s32 $0x2060;
	v54 =	vld [tilespmem:s6+$0x10];
	s3 =	simm.s32 $0x8B10;
	v2 =	vsub.f32 v51, v33;
	v33 =	vmul.f32 v51, v33;
	v51 =	vpop (erf);
	v1 =	vmul.f32 v6, v44  }
0x2b9: {  	v53 =	vld [tilespmem:s22+$0x0];
	v7 =	vmul.f32 v7, v42;
	v28 =	vadd.f32 v58, v28;
	v37 =	vsub.f32 v8, v57;
	[tilespmem:s3+$0x80] =	vst v51  }
0x2ba: {  	s23 =	simm.s32 $0x34D0;
	v60 =	vld [tilespmem:s5+$0xFFFFFFF0];
	v2 =	vand.u32 $0x7FFFFFFF, v2;
	v34 =	vadd.f32 v55, v34;
	v58 =	vmul.f32 v33, v26;
	[tilespmem:$0x1FEC0] =	vst v1  }
0x2bb: {  	v8 =	vmul.f32 v8, v57;
	v41 =	vand.u32 $0x7FFFFFFF, v37;
	v37 =	vmul.f32 v61, v20;
	v6 =	vld [tilespmem:s23+$0x0]  }
0x2bc: {  	v62 =	vsel vm2, $0x0, v63;
	v2 =	vmul.f32 v2, v13;
	v61 =	vmul.f32 v48, v12  }
0x2bd: {  	v52 =	vmul.f32 v41, v15;
	v41 =	vadd.f32 v37, v36;
	v1 =	vimm.s32 $0x0  }
0x2be: {  	v29 =	vadd.f32 v34, v29;
	v8 =	vmul.f32 v8, v0;
	v55 =	vperm.xlane v51, v1  }
0x2bf: {  	v59 =	vsel vm4, $0x0, v63;
	v2 =	vadd.f32 v52, v2;
	v5 =	vadd.f32 v41, v5;
	v34 =	vld [tilespmem:s22+$0x10]  }
0x2c0: {  	v28 =	vadd.f32 v28, v61;
	v3 =	vadd.f32 v29, v3;
	v52 =	vld [tilespmem:s6+$0x20];
	v6 =	vmul.f32 v6, v55  }
0x2c1: {  	v36 =	vmovc v26;
	v29 =	vsel vm6, $0x0, v63;
	v2 =	vadd.f32 v2, v58;
	v5 =	vadd.f32 v5, v7;
	v33 =	vld [tilespmem:s22+$0x20]  }
0x2c2: {  	v26 =	vmovc v12;
	v12 =	vmovc v38;
	v37 =	vnsel vm0, $0x0, v63;
	v38 =	vsel vm3, $0x0, v60;
	v28 =	vadd.f32 v28, v59;
	v7 =	vld [tilespmem:s6+$0x40];
	[tilespmem:s3+$0x0] =	vst v6  }
0x2c3: {  	v2 =	vadd.f32 v2, v8;
	v8 =	vsel vm5, $0x0, v60;
	v5 =	vadd.f32 v5, v62;
	v9 =	vld [tilespmem:$0x1FFE0]  }
0x2c4: {  	v3 =	vadd.f32 v3, v29;
	v44 =	vsel vm1, $0x0, v60;
	v6 =	vadd.f32 v28, v8;
	v28 =	vld [tilespmem:s23+$0x10]  }
0x2c5: {  	v2 =	vadd.f32 v2, v37;
	v58 =	vld [tilespmem:s6+$0x50];
	v5 =	vadd.f32 v5, v38;
	v8 =	vsel vm7, $0x0, v60  }
0x2c6: {  	v29 =	vld [tilespmem:s22+$0x40];
	v48 =	vperm.xlane v45, v1;
	v1 =	vimm.s32 $0xC;
	v3 =	vadd.f32 v3, v8  }
0x2c7: {  	v57 =	vadd.f32 v2, v44;
	v38 =	vperm.xlane v5, v18;
	v8 =	vld [tilespmem:s22+$0x50];
	v59 =	vperm.xlane v6, v18  }
0x2c8: {  	v44 =	vimm.s32 $0x0;
	v62 =	vperm.xlane v3, v18;
	v61 =	vperm.xlane v4, v9  }
0x2c9: {  	v28 =	vmul.f32 v28, v55;
	v55 =	vmul.f32 v53, v56;
	v53 =	vsub.f32 v53, v56  }
0x2ca: {  	v32 =	vld [tilespmem:s6+$0x30];
	v56 =	vmul.f32 v34, v54;
	v34 =	vsub.f32 v34, v54;
	v54 =	vmul.f32 v33, v52  }
0x2cb: {  	v63 =	vld [tilespmem:s22+$0x70];
	v33 =	vsub.f32 v33, v52;
	v52 =	vmul.f32 v29, v7;
	v7 =	vsub.f32 v29, v7  }
0x2cc: {  	v2 =	vld [tilespmem:s6+$0x60];
	v3 =	vadd.f32 v3, v62;
	v29 =	vmul.f32 v8, v58;
	v8 =	vsub.f32 v8, v58  }
0x2cd: {  	v60 =	vld [tilespmem:s6+$0x70];
	v4 =	vadd.f32 v4, v61;
	v56 =	vmul.f32 v56, v0;
	v7 =	vand.u32 $0x7FFFFFFF, v7  }
0x2ce: {  	v61 =	vld [tilespmem:s22+$0x60];
	v8 =	vand.u32 $0x7FFFFFFF, v8;
	v55 =	vmul.f32 v55, v36;
	v29 =	vmul.f32 v29, v26  }
0x2cf: {  	v62 =	vld [tilespmem:s22+$0x30];
	v53 =	vand.u32 $0x7FFFFFFF, v53;
	v52 =	vmul.f32 v52, v16;
	v54 =	vmul.f32 v54, v10  }
0x2d0: {  	v34 =	vand.u32 $0x7FFFFFFF, v34;
	v7 =	vmul.f32 v7, v14;
	v8 =	vmul.f32 v8, v22  }
0x2d1: {  	v33 =	vand.u32 $0x7FFFFFFF, v33;
	v53 =	vmul.f32 v53, v13;
	v34 =	vmul.f32 v34, v15  }
0x2d2: {  	[tilespmem:s25+$0xFFFFFF70] =	vst v49;
	v9 =	vimm.s32 $0x4;
	v33 =	vmul.f32 v33, v25;
	v49 =	vmul.f32 $2.000000030e-01, v4  }
0x2d3: {  	v37 =	vmul.f32 v61, v2;
	v2 =	vsub.f32 v61, v2;
	v61 =	vmul.f32 v63, v60  }
0x2d4: {  	v60 =	vsub.f32 v63, v60;
	v63 =	vmul.f32 v62, v32;
	v32 =	vsub.f32 v62, v32  }
0x2d5: {  	[tilespmem:s3+$0x10] =	vst v28;
	vm11 =	vgt.f32 v4, $0.0e+00;
	v7 =	vadd.f32 v8, v7;
	v2 =	vand.u32 $0x7FFFFFFF, v2  }
0x2d6: {  	v8 =	vld [tilespmem:s23+$0x20];
	v60 =	vand.u32 $0x7FFFFFFF, v60;
	v32 =	vand.u32 $0x7FFFFFFF, v32;
	v2 =	vmul.f32 v2, v23  }
0x2d7: {  	v4 =	vsel vm11, v4, v49;
	v62 =	vld [tilespmem:s6+$0x80];
	v60 =	vmul.f32 v60, v19;
	v32 =	vmul.f32 v32, v20  }
0x2d8: {  	v28 =	vld [tilespmem:s22+$0x80];
	v34 =	vadd.f32 v34, v53;
	v7 =	vadd.f32 v7, v52;
	v4 =	vmul.f32 $1.442695020e+00, v4  }
0x2d9: {  	v2 =	vadd.f32 v60, v2;
	v60 =	vperm.xlane v51, v9;
	v32 =	vadd.f32 v32, v33  }
0x2da: {  	v34 =	vadd.f32 v34, v55;
	v58 =	vmul.f32 v37, v11;
	v61 =	vmul.f32 v61, v12  }
0x2db: {  	v41 =	vmovc v42;
	v42 =	vmul.f32 v63, v42;
	v8 =	vmul.f32 v8, v60;
	v32 =	vadd.f32 v32, v54  }
0x2dc: {  	[tilespmem:s8+$0xFFFFFFF0] =	vst v45;
	v7 =	vadd.f32 v7, v29;
	v53 =	vnsel vm0, $0x0, v62;
	v2 =	vadd.f32 v2, v58  }
0x2dd: {  	v33 =	vsel vm5, $0x0, v28;
	v29 =	vsel vm4, $0x0, v62;
	v58 =	vld [tilespmem:s29+$0xFFFFFF80];
	[tilespmem:s3+$0x20] =	vst v8;
	v32 =	vadd.f32 v32, v42  }
0x2de: {  	v7 =	vadd.f32 v7, v29;
	v2 =	vadd.f32 v2, v61;
	v42 =	vsel vm2, $0x0, v62;
	v63 =	vld [tilespmem:s23+$0x30]  }
0x2df: {  	v8 =	vadd.f32 v34, v56;
	v61 =	vsel vm6, $0x0, v62;
	v32 =	vadd.f32 v32, v42  }
0x2e0: {  	v7 =	vadd.f32 v7, v33;
	v56 =	vsel vm3, $0x0, v28;
	v2 =	vadd.f32 v2, v61  }
0x2e1: {  	v29 =	vsel vm7, $0x0, v28;
	v8 =	vadd.f32 v8, v53;
	v32 =	vadd.f32 v32, v56  }
0x2e2: {  	v28 =	vsel vm1, $0x0, v28;
	v33 =	vmul.f32 v58, v48;
	v2 =	vadd.f32 v2, v29  }
0x2e3: {  	v8 =	vadd.f32 v8, v28;
	v61 =	vmul.f32 v63, v60;
	v62 =	vperm.xlane v32, v18  }
0x2e4: {  	v6 =	vadd.f32 v6, v59;
	v28 =	vperm.xlane v7, v18;
	v58 =	vperm.xlane v2, v18  }
0x2e5: {  	v59 =	vperm.xlane v57, v18;
	v52 =	vld [tilespmem:s22+$0xFFFFFFC0];
	v63 =	vperm.xlane v8, v18;
	v32 =	vadd.f32 v32, v62;
	[tilespmem:s3+$0x30] =	vst v61  }
0x2e6: {  	(erf) = vpow2.f32 v4;
	v7 =	vadd.f32 v7, v28;
	v2 =	vadd.f32 v2, v58;
	v58 =	vld [tilespmem:s23+$0x40]  }
0x2e7: {  	v53 =	vld [tilespmem:s6+$0xFFFFFFC0];
	v56 =	vadd.f32 v57, v59;
	v8 =	vadd.f32 v8, v63;
	v59 =	vperm.xlane v32, v21  }
0x2e8: {  	v5 =	vadd.f32 v5, v38;
	v38 =	vld [tilespmem:s6+$0xFFFFFFB0];
	[tilespmem:s15+$0xFFFFFF90] =	vst v50;
	v50 =	vperm.xlane v7, v21;
	v54 =	vperm.xlane v2, v21  }
0x2e9: {  	v29 =	vld [tilespmem:s26+$0xFFFFFF90];
	v42 =	vperm.xlane v8, v21;
	v32 =	vadd.f32 v32, v59;
	v59 =	vperm.xlane v51, v17  }
0x2ea: {  	v55 =	vld [tilespmem:s22+$0xFFFFFFB0];
	v57 =	vperm.xlane v3, v21;
	v7 =	vadd.f32 v7, v50;
	v2 =	vadd.f32 v2, v54  }
0x2eb: {  	v28 =	vperm.xlane v6, v21;
	v8 =	vadd.f32 v8, v42;
	v42 =	vmul.f32 v58, v59  }
0x2ec: {  	v34 =	vld [tilespmem:s17+$0xFFFFFFB0];
	v3 =	vadd.f32 v3, v57;
	v57 =	vsub.f32 v52, v53;
	v2 =	vsel vm8, v2, v7  }
0x2ed: {  	v60 =	vld [tilespmem:s6+$0xFFFFFFD0];
	v52 =	vmul.f32 v52, v53;
	v6 =	vadd.f32 v6, v28;
	v2 =	vsel vm9, v2, v32;
	[tilespmem:s3+$0x40] =	vst v42  }
0x2ee: {  	v49 =	vmul.f32 v29, v39;
	v39 =	vperm.xlane v45, v9;
	v2 =	vsel vm10, v8, v2;
	v9 =	vld [tilespmem:$0x1FFE0]  }
0x2ef: {  	v29 =	vsub.f32 v55, v38;
	v38 =	vmul.f32 v55, v38;
	v54 =	vld [tilespmem:s22+$0xFFFFFFD0];
	v62 =	vperm.xlane v2, v24  }
0x2f0: {  	v28 =	vld [tilespmem:s6+$0xFFFFFFE0];
	v57 =	vand.u32 $0x7FFFFFFF, v57;
	v52 =	vmul.f32 v52, v26;
	v50 =	vperm.xlane v5, v21  }
0x2f1: {  	v3 =	vsel vm8, v3, v6;
	v6 =	vld [tilespmem:s22+$0xFFFFFF90];
	v7 =	vperm.xlane v56, v21;
	v2 =	vadd.f32 v2, v62  }
0x2f2: {  	v29 =	vand.u32 $0x7FFFFFFF, v29;
	v38 =	vmul.f32 v38, v16;
	v5 =	vadd.f32 v5, v50;
	v32 =	vld [tilespmem:s6+$0xFFFFFF90]  }
0x2f3: {  	v61 =	vld [tilespmem:s22+$0xFFFFFFE0];
	v50 =	vmul.f32 v34, v40;
	v7 =	vadd.f32 v56, v7;
	v34 =	vperm.xlane v2, v9  }
0x2f4: {  	v29 =	vmul.f32 v29, v14;
	v3 =	vsel vm9, v3, v5;
	v5 =	vld [tilespmem:s23+$0x50];
	v58 =	vsub.f32 v54, v60  }
0x2f5: {  	v4 =	vld [tilespmem:s22+$0xFFFFFFA0];
	v54 =	vmul.f32 v54, v60;
	v3 =	vsel vm10, v7, v3;
	v2 =	vadd.f32 v2, v34  }
0x2f6: {  	v37 =	vmovc v11;
	v51 =	vperm.xlane v51, v1;
	v8 =	vld [tilespmem:s6+$0xFFFFFFA0];
	v40 =	vperm.xlane v3, v24;
	v58 =	vand.u32 $0x7FFFFFFF, v58  }
0x2f7: {  	v56 =	vld [tilespmem:s6+$0xFFFFFF80];
	v54 =	vmul.f32 v54, v37;
	v63 =	vsub.f32 v6, v32;
	v55 =	vmul.f32 $2.000000030e-01, v2  }
0x2f8: {  	v7 =	vld [tilespmem:s6+$0xFFFFFF70];
	v6 =	vmul.f32 v6, v32;
	v58 =	vmul.f32 v58, v23;
	vm11 =	vgt.f32 v2, $0.0e+00  }
0x2f9: {  	v62 =	vld [tilespmem:s22+$0xFFFFFF70];
	v5 =	vmul.f32 v5, v59;
	v59 =	vsub.f32 v61, v28;
	v2 =	vsel vm11, v2, v55  }
0x2fa: {  	v60 =	vand.u32 $0x7FFFFFFF, v63;
	v28 =	vmul.f32 v61, v28;
	v34 =	vld [tilespmem:s22+$0xFFFFFF80];
	v2 =	vmul.f32 $1.442695020e+00, v2  }
0x2fb: {  	v3 =	vadd.f32 v3, v40;
	v6 =	vmul.f32 v6, v10;
	v60 =	vmul.f32 v60, v25  }
0x2fc: {  	[tilespmem:s3+$0x50] =	vst v5;
	v5 =	vmul.f32 v57, v22;
	v57 =	vsub.f32 v4, v8;
	(erf) = vpow2.f32 v2  }
0x2fd: {  	v59 =	vand.u32 $0x7FFFFFFF, v59;
	v4 =	vmul.f32 v4, v8;
	v28 =	vmul.f32 v28, v12  }
0x2fe: {  	[tilespmem:s8+$0xFFFFFF70] =	vst v33;
	v59 =	vmul.f32 v59, v19;
	v5 =	vadd.f32 v5, v29;
	v57 =	vand.u32 $0x7FFFFFFF, v57  }
0x2ff: {  	v8 =	vld [tilespmem:s29+$0xFFFFFF90];
	v29 =	vsub.f32 v62, v7;
	v57 =	vmul.f32 v57, v20;
	v32 =	vsub.f32 v34, v56  }
0x300: {  	v7 =	vmul.f32 v62, v7;
	v4 =	vmul.f32 v4, v41;
	v63 =	vadd.f32 v59, v58;
	v55 =	vld [tilespmem:s23+$0x60]  }
0x301: {  	v29 =	vand.u32 $0x7FFFFFFF, v29;
	v60 =	vadd.f32 v57, v60;
	v2 =	vld [tilespmem:s6+$0xFFFFFFF0];
	v32 =	vand.u32 $0x7FFFFFFF, v32  }
0x302: {  	v5 =	vadd.f32 v5, v38;
	v29 =	vmul.f32 v29, v13;
	v32 =	vmul.f32 v32, v15  }
0x303: {  	s1 =	simm.s32 $0xB00;
	v33 =	vld [tilespmem:s22+$0xFFFFFFF0];
	v7 =	vmul.f32 v7, v36;
	v63 =	vadd.f32 v63, v54;
	v6 =	vadd.f32 v60, v6  }
0x304: {  	v53 =	vld [tilespmem:s1+$0x10];
	[tilespmem:s18+$0xFFFFFF80] =	vst v46;
	v46 =	vpop (erf);
	v48 =	vmul.f32 v8, v48;
	v5 =	vadd.f32 v5, v52;
	v29 =	vadd.f32 v32, v29  }
0x305: {  	s2 =	simm.s32 $0x8C30;
	s5 =	simm.s32 $0x2180;
	[tilespmem:s11+$0xFFFFFFB0] =	vst v47;
	v58 =	vld [tilespmem:s24+$0xFFFFFFA0];
	v28 =	vadd.f32 v63, v28;
	v55 =	vmul.f32 v55, v51;
	v4 =	vadd.f32 v6, v4;
	v47 =	vpop (erf)  }
0x306: {  	s0 =	simm.s32 $0x35D0;
	v59 =	vld [tilespmem:s5+$0x30];
	v62 =	vsel vm4, $0x0, v2;
	v7 =	vadd.f32 v29, v7;
	v29 =	vmul.f32 v34, v56;
	[tilespmem:s2+$0x80] =	vst v47  }
0x307: {  	v60 =	vsel vm6, $0x0, v2;
	v6 =	vsel vm2, $0x0, v2;
	v5 =	vadd.f32 v5, v62;
	v61 =	vld [tilespmem:s0+$0x0]  }
0x308: {  	v38 =	vld [tilespmem:s5+$0x0];
	[tilespmem:s3+$0x60] =	vst v55;
	v4 =	vadd.f32 v4, v6;
	v6 =	vsel vm5, $0x0, v33;
	v29 =	vmul.f32 v29, v0  }
0x309: {  	v32 =	vld [tilespmem:s23+$0x70];
	v2 =	vnsel vm0, $0x0, v2;
	v28 =	vadd.f32 v28, v60;
	v5 =	vadd.f32 v5, v6  }
0x30a: {  	v34 =	vld [tilespmem:s1+$0x0];
	v6 =	vsel vm7, $0x0, v33;
	v7 =	vadd.f32 v7, v29;
	v55 =	vperm.xlane v47, v44  }
0x30b: {  	v11 =	vmovc v10;
	v10 =	vmovc v0;
	v57 =	vld [tilespmem:s16+$0xFFFFFFD0];
	v62 =	vsel vm3, $0x0, v33;
	v0 =	vperm.xlane v45, v17;
	v6 =	vadd.f32 v28, v6  }
0x30c: {  	v54 =	vld [tilespmem:s1+$0x20];
	v4 =	vadd.f32 v4, v62;
	v2 =	vadd.f32 v7, v2;
	v52 =	vmul.f32 v61, v55  }
0x30d: {  	v8 =	vld [tilespmem:s1+$0x60];
	v33 =	vsel vm1, $0x0, v33;
	v28 =	vperm.xlane v5, v18;
	v63 =	vperm.xlane v6, v18  }
0x30e: {  	v56 =	vld [tilespmem:s5+$0x20];
	v51 =	vmul.f32 v32, v51;
	v2 =	vadd.f32 v2, v33;
	v33 =	vperm.xlane v4, v18;
	[tilespmem:s2+$0x0] =	vst v52  }
0x30f: {  	v5 =	vadd.f32 v5, v28;
	v6 =	vadd.f32 v6, v63;
	v63 =	vmul.f32 v38, v34;
	v9 =	vld [tilespmem:$0x1FFE0]  }
0x310: {  	v34 =	vsub.f32 v38, v34;
	v60 =	vperm.xlane v2, v18;
	v4 =	vadd.f32 v4, v33;
	v40 =	vld [tilespmem:s0+$0x10]  }
0x311: {  	v42 =	vimm.s32 $0x4;
	v29 =	vld [tilespmem:s5+$0x10];
	v33 =	vperm.xlane v5, v21;
	v32 =	vperm.xlane v6, v21  }
0x312: {  	v7 =	vld [tilespmem:s1+$0x30];
	v34 =	vand.u32 $0x7FFFFFFF, v34;
	v2 =	vadd.f32 v2, v60;
	v60 =	vperm.xlane v4, v21  }
0x313: {  	v63 =	vmul.f32 v63, v36;
	v61 =	vld [tilespmem:s1+$0x50];
	v5 =	vadd.f32 v5, v33;
	v6 =	vadd.f32 v6, v32  }
0x314: {  	v33 =	vld [tilespmem:s5+$0x50];
	v52 =	vmul.f32 v57, v35;
	v4 =	vadd.f32 v4, v60;
	v57 =	vperm.xlane v3, v9  }
0x315: {  	v28 =	vld [tilespmem:s1+$0x40];
	v60 =	vperm.xlane v2, v21;
	v5 =	vsel vm8, v6, v5;
	v40 =	vmul.f32 v40, v55  }
0x316: {  	v6 =	vmul.f32 v29, v53;
	v29 =	vsub.f32 v29, v53;
	v3 =	vadd.f32 v3, v57;
	v57 =	vld [tilespmem:s5+$0x40]  }
0x317: {  	v34 =	vmul.f32 v34, v13;
	v35 =	vld [tilespmem:$0x1FE20];
	v53 =	vmul.f32 v56, v54;
	v54 =	vsub.f32 v56, v54;
	[tilespmem:s2+$0x10] =	vst v40  }
0x318: {  	v60 =	vadd.f32 v2, v60;
	v29 =	vand.u32 $0x7FFFFFFF, v29;
	v40 =	vld [tilespmem:s0+$0x20];
	v62 =	vmul.f32 $2.000000030e-01, v3  }
0x319: {  	v32 =	vld [tilespmem:s1+$0x70];
	v56 =	vmul.f32 v33, v61;
	v33 =	vsub.f32 v33, v61;
	vm11 =	vgt.f32 v3, $0.0e+00  }
0x31a: {  	v2 =	vld [tilespmem:s5+$0x60];
	v3 =	vsel vm11, v3, v62;
	v62 =	vmul.f32 v59, v7;
	v7 =	vsub.f32 v59, v7  }
0x31b: {  	v55 =	vld [tilespmem:s5+$0x70];
	v59 =	vmul.f32 v57, v28;
	v28 =	vsub.f32 v57, v28;
	v57 =	vperm.xlane v47, v42  }
0x31c: {  	v53 =	vmul.f32 v53, v11;
	v29 =	vmul.f32 v29, v15;
	[tilespmem:$0x1FE30] =	vst v0  }
0x31d: {  	v6 =	vmul.f32 v6, v10;
	v33 =	vand.u32 $0x7FFFFFFF, v33;
	[tilespmem:s12+$0xFFFFFFA0] =	vst v43;
	v38 =	vmul.f32 v40, v57  }
0x31e: {  	v58 =	vmul.f32 v58, v35;
	v29 =	vadd.f32 v29, v34;
	v33 =	vmul.f32 v33, v22;
	[tilespmem:s30+$0xFFFFFFF0] =	vst v46  }
0x31f: {  	v61 =	vmul.f32 v2, v8;
	v2 =	vsub.f32 v2, v8;
	v0 =	vperm.xlane v46, v44;
	v43 =	vld [tilespmem:s14+$0xFFFFFFC0];
	[tilespmem:s2+$0x20] =	vst v38  }
0x320: {  	v8 =	vmul.f32 v55, v32;
	v32 =	vsub.f32 v55, v32;
	v28 =	vand.u32 $0x7FFFFFFF, v28;
	v9 =	vld [tilespmem:$0x1FE40]  }
0x321: {  	v2 =	vand.u32 $0x7FFFFFFF, v2;
	v40 =	vand.u32 $0x7FFFFFFF, v54;
	v28 =	vmul.f32 v28, v14;
	v54 =	vld [tilespmem:s0+$0x30]  }
0x322: {  	v61 =	vmul.f32 v61, v37;
	v2 =	vmul.f32 v2, v23;
	v55 =	vld [tilespmem:s1+$0x80];
	v32 =	vand.u32 $0x7FFFFFFF, v32  }
0x323: {  	v32 =	vmul.f32 v32, v19;
	v7 =	vand.u32 $0x7FFFFFFF, v7;
	v28 =	vadd.f32 v33, v28;
	v33 =	vld [tilespmem:s4+$0xFFFFFF80]  }
0x324: {  	v29 =	vadd.f32 v29, v63;
	v8 =	vmul.f32 v8, v12;
	v7 =	vmul.f32 v7, v20  }
0x325: {  	v2 =	vadd.f32 v32, v2;
	v34 =	vmul.f32 v43, v9;
	v43 =	vmul.f32 v59, v16  }
0x326: {  	v6 =	vadd.f32 v29, v6;
	v40 =	vmul.f32 v40, v25;
	v54 =	vmul.f32 v54, v57  }
0x327: {  	v57 =	vld [tilespmem:s5+$0x80];
	v59 =	vadd.f32 v2, v61;
	v61 =	vmul.f32 v56, v26;
	v28 =	vadd.f32 v28, v43  }
0x328: {  	v29 =	vsel vm6, $0x0, v55;
	v7 =	vadd.f32 v7, v40;
	v2 =	vmul.f32 v33, v0  }
0x329: {  	[tilespmem:s18+$0xFFFFFF90] =	vst v58;
	v33 =	vnsel vm0, $0x0, v55;
	v8 =	vadd.f32 v59, v8;
	v28 =	vadd.f32 v28, v61  }
0x32a: {  	v58 =	vsel vm4, $0x0, v55;
	v7 =	vadd.f32 v7, v53;
	v6 =	vadd.f32 v6, v33;
	[tilespmem:s2+$0x30] =	vst v54  }
0x32b: {  	v33 =	vld [tilespmem:s0+$0x40];
	v8 =	vadd.f32 v8, v29;
	v28 =	vadd.f32 v28, v58  }
0x32c: {  	v56 =	vmul.f32 v62, v41;
	v63 =	vsel vm5, $0x0, v57;
	v61 =	vsel vm7, $0x0, v57  }
0x32d: {  	v8 =	vadd.f32 v8, v61;
	v28 =	vadd.f32 v28, v63  }
0x32e: {  	v7 =	vadd.f32 v7, v56;
	v56 =	vperm.xlane v47, v17  }
0x32f: {  	v40 =	vmovc v11;
	v11 =	vmovc v10;
	v10 =	vmov v41;
	v61 =	vperm.xlane v8, v18;
	v41 =	vperm.xlane v28, v18  }
0x330: {  	v33 =	vmul.f32 v33, v56  }
0x331: {  	v4 =	vsel vm9, v5, v4;
	v5 =	vld [tilespmem:s5+$0xFFFFFFC0];
	v8 =	vadd.f32 v8, v61;
	v28 =	vadd.f32 v28, v41  }
0x332: {  	v38 =	vld [tilespmem:s1+$0xFFFFFFC0];
	[tilespmem:s2+$0x40] =	vst v33  }
0x333: {  	v4 =	vsel vm10, v60, v4;
	v60 =	vld [tilespmem:s0+$0x50];
	v44 =	vperm.xlane v8, v21;
	v41 =	vperm.xlane v28, v21;
	_ =	sdelay $0x1  }
0x334: {  	[tilespmem:s12+$0xFFFFFFB0] =	vst v34;
	v8 =	vadd.f32 v8, v44;
	v28 =	vadd.f32 v28, v41  }
0x335: {  	v53 =	vld [tilespmem:s14+$0xFFFFFFD0]  }
0x336: {  	[tilespmem:s25+$0xFFFFFF80] =	vst v49;
	v8 =	vsel vm8, v8, v28;
	v28 =	vsub.f32 v5, v38  }
0x337: {  	[tilespmem:s15+$0xFFFFFFA0] =	vst v50;
	v49 =	vmul.f32 v60, v56  }
0x338: {  	v55 =	vsel vm2, $0x0, v55;
	v43 =	vperm.xlane v45, v1;
	v1 =	vld [tilespmem:$0x1FE50];
	v28 =	vand.u32 $0x7FFFFFFF, v28  }
0x339: {  	v7 =	vadd.f32 v7, v55;
	v28 =	vmul.f32 v28, v22;
	v22 =	vld [tilespmem:$0x1FE60];
	[tilespmem:s2+$0x50] =	vst v49  }
0x33a: {  	v62 =	vsel vm3, $0x0, v57;
	v53 =	vmul.f32 v53, v9;
	v9 =	vld [tilespmem:$0x1FE70]  }
0x33b: {  	v7 =	vadd.f32 v7, v62;
	v63 =	vsel vm1, $0x0, v57  }
0x33c: {  	v6 =	vadd.f32 v6, v63  }
0x33d: {  	v62 =	vperm.xlane v7, v18  }
0x33e: {  	v63 =	vperm.xlane v6, v18  }
0x33f: {  	v7 =	vadd.f32 v7, v62;
	[tilespmem:s12+$0x70] =	vst v9  }
0x340: {  	v6 =	vadd.f32 v6, v63;
	v9 =	vld [tilespmem:$0x1FE80]  }
0x341: {  	v33 =	vperm.xlane v7, v21  }
0x342: {  	v63 =	vperm.xlane v6, v21  }
0x343: {  	v54 =	vld [tilespmem:s5+$0xFFFFFFB0];
	v7 =	vadd.f32 v7, v33  }
0x344: {  	v29 =	vld [tilespmem:s1+$0xFFFFFFB0];
	v6 =	vadd.f32 v6, v63  }
0x345: {  	v34 =	vld [tilespmem:s24+$0xFFFFFFB0];
	v7 =	vsel vm9, v8, v7;
	[tilespmem:s15+$0x70] =	vst v9  }
0x346: {  	v3 =	vmul.f32 $1.442695020e+00, v3;
	v6 =	vsel vm10, v6, v7;
	v9 =	vld [tilespmem:$0x1FFE0]  }
0x347: {  	v41 =	vperm.xlane v6, v24  }
0x348: {  	(erf) = vpow2.f32 v3  }
0x349: {  	v3 =	vld [tilespmem:s1+$0xFFFFFFE0];
	v45 =	vperm.xlane v4, v24;
	v44 =	vsub.f32 v54, v29;
	v6 =	vadd.f32 v6, v41  }
0x34a: {  	v55 =	vld [tilespmem:s5+$0xFFFFFFD0];
	v59 =	vmul.f32 v34, v35  }
0x34b: {  	v35 =	vadd.f32 v4, v45;
	v45 =	vand.u32 $0x7FFFFFFF, v44;
	v44 =	vperm.xlane v6, v9;
	v9 =	vld [tilespmem:$0x1FE90]  }
0x34c: {  	v58 =	vld [tilespmem:s1+$0xFFFFFFD0]  }
0x34d: {  	v34 =	vld [tilespmem:s1+$0xFFFFFF90]  }
0x34e: {  	v33 =	vld [tilespmem:s5+$0xFFFFFFE0]  }
0x34f: {  	v4 =	vld [tilespmem:s1+$0xFFFFFFA0]  }
0x350: {  	v57 =	vld [tilespmem:s5+$0xFFFFFF90];
	[tilespmem:s18+$0x70] =	vst v9  }
0x351: {  	v9 =	vld [tilespmem:$0x1FEA0]  }
0x352: {  	v8 =	vld [tilespmem:s5+$0xFFFFFFA0]  }
0x353: {  	v54 =	vmul.f32 v54, v29;
	v45 =	vmul.f32 v45, v14;
	v14 =	vsub.f32 v33, v3;
	v29 =	vld [tilespmem:s0+$0x60];
	_ =	sdelay $0x1  }
0x354: {  	v60 =	vsub.f32 v57, v34;
	v56 =	vand.u32 $0x7FFFFFFF, v14;
	v14 =	vimm.s32 $0xC  }
0x355: {  	v61 =	vld [tilespmem:s5+$0xFFFFFF70];
	v63 =	vmul.f32 v57, v34;
	v7 =	vsub.f32 v55, v58;
	v47 =	vperm.xlane v47, v14;
	[tilespmem:s25+$0x70] =	vst v9  }
0x356: {  	v32 =	vmovc v0;
	v60 =	vand.u32 $0x7FFFFFFF, v60;
	v55 =	vmul.f32 v55, v58;
	v41 =	vsub.f32 v8, v4;
	v0 =	vld [tilespmem:$0x1FEB0]  }
0x357: {  	v7 =	vand.u32 $0x7FFFFFFF, v7;
	v28 =	vadd.f32 v28, v45;
	v45 =	vld [tilespmem:s1+$0xFFFFFF70];
	v34 =	vmul.f32 v29, v47  }
0x358: {  	v50 =	vld [tilespmem:s26+$0xFFFFFFA0];
	v56 =	vmul.f32 v56, v19;
	v7 =	vmul.f32 v7, v23;
	v58 =	vand.u32 $0x7FFFFFFF, v41  }
0x359: {  	v62 =	vld [tilespmem:s1+$0xFFFFFF80];
	v57 =	vmul.f32 v60, v25;
	v58 =	vmul.f32 v58, v20;
	v6 =	vadd.f32 v6, v44;
	[tilespmem:s2+$0x60] =	vst v34  }
0x35a: {  	v7 =	vadd.f32 v56, v7;
	v56 =	vld [tilespmem:s5+$0xFFFFFF80];
	[tilespmem:s11+$0xFFFFFFC0] =	vst v52  }
0x35b: {  	v5 =	vmul.f32 v5, v38;
	v49 =	vld [tilespmem:s17+$0xFFFFFFC0];
	v58 =	vadd.f32 v58, v57;
	v57 =	vmul.f32 $2.000000030e-01, v6;
	[tilespmem:s8+$0x70] =	vst v0  }
0x35c: {  	v41 =	vsub.f32 v61, v45;
	vm11 =	vgt.f32 v6, $0.0e+00;
	v0 =	vld [tilespmem:$0x1FEC0]  }
0x35d: {  	v3 =	vmul.f32 v33, v3;
	v33 =	vpop (erf);
	v5 =	vmul.f32 v5, v26;
	v6 =	vsel vm11, v6, v57;
	v57 =	vld [tilespmem:s1+$0xFFFFFFF0];
	[tilespmem:s3+$0x70] =	vst v51  }
0x35e: {  	v24 =	vperm.xlane v46, v42;
	v34 =	vand.u32 $0x7FFFFFFF, v41;
	v41 =	vmul.f32 v54, v16;
	v54 =	vld [tilespmem:s5+$0xFFFFFFF0];
	[tilespmem:s3+$0xFFFFFFF0] =	vst v33  }
0x35f: {  	v19 =	vperm.xlane v46, v14;
	v60 =	vmul.f32 v61, v45;
	v61 =	vsub.f32 v56, v62;
	v38 =	vld [tilespmem:s0+$0x70];
	[tilespmem:s30+$0xFFFFFF70] =	vst v2  }
0x360: {  	v23 =	vperm.xlane v46, v17;
	v4 =	vmul.f32 v8, v4;
	v52 =	vld [tilespmem:s16+$0xFFFFFFE0];
	[tilespmem:s8+$0xFFFFFF80] =	vst v48  }
0x361: {  	v42 =	vmul.f32 v50, v22;
	v8 =	vand.u32 $0x7FFFFFFF, v61;
	v61 =	vmul.f32 v34, v13;
	v50 =	vld [tilespmem:s23+$0xFFFFFF80];
	[tilespmem:s30+$0x70] =	vst v0  }
0x362: {  	v13 =	vmul.f32 v55, v37;
	v55 =	vmul.f32 v63, v40;
	v40 =	vld [tilespmem:$0x1FED0]  }
0x363: {  	v6 =	vmul.f32 $1.442695020e+00, v6;
	v2 =	vmul.f32 v8, v15;
	v45 =	vld [tilespmem:s4+$0xFFFFFF90];
	[tilespmem:s25+$0xFFFFFF90] =	vst v42  }
0x364: {  	v49 =	vmul.f32 v49, v1;
	v62 =	vmul.f32 v56, v62;
	v44 =	vld [tilespmem:s29+$0xFFFFFFA0];
	[tilespmem:s18+$0xFFFFFFA0] =	vst v59  }
0x365: {  	(erf) = vpow2.f32 v6;
	v6 =	vmul.f32 v60, v36;
	v2 =	vadd.f32 v2, v61;
	v59 =	vld [tilespmem:$0x1FFE0]  }
0x366: {  	v34 =	vadd.f32 v28, v41;
	v7 =	vadd.f32 v7, v13;
	v8 =	vmul.f32 v38, v47;
	v42 =	vld [tilespmem:s26+$0xFFFFFFB0]  }
0x367: {  	v2 =	vadd.f32 v2, v6;
	v6 =	vmul.f32 v3, v12;
	[tilespmem:s15+$0xFFFFFFB0] =	vst v49;
	v38 =	vld [tilespmem:s24+$0xFFFFFFC0];
	v61 =	vmul.f32 v52, v40  }
0x368: {  	v46 =	vsel vm2, $0x0, v57;
	v63 =	vmul.f32 v4, v10;
	v60 =	vadd.f32 v58, v55;
	[tilespmem:s12+$0xFFFFFFC0] =	vst v53;
	v47 =	vld [tilespmem:s17+$0xFFFFFFD0]  }
0x369: {  	s22 =	simm.s32 $0x35D0;
	v4 =	vadd.f32 v34, v5;
	v3 =	vsel vm4, $0x0, v57;
	v5 =	vadd.f32 v7, v6;
	v48 =	vld [tilespmem:s14+$0xFFFFFFE0];
	[tilespmem:s11+$0xFFFFFFD0] =	vst v61  }
0x36a: {  	s6 =	simm.s32 $0x22A0;
	s5 =	simm.s32 $0x12;
	v7 =	vsel vm6, $0x0, v57;
	v6 =	vadd.f32 v60, v63;
	[tilespmem:s2+$0x70] =	vst v8;
	v8 =	vmul.f32 v62, v11;
	v49 =	vld [tilespmem:s16+$0xFFFFFFF0];
	s16 =	simm.s32 $0x8C30  }
.LBB2_4:
0x36b: {  	v51 =	vld [tilespmem:s6+$0x80]  }
0x36c: {  	v52 =	vnsel vm0, $0x0, v57;
	v57 =	vld [tilespmem:s6+$0x10]  }
0x36d: {  	v26 =	vld [tilespmem:$0x1FF10]  }
0x36e: {  	v28 =	vld [tilespmem:$0x1FFA0]  }
0x36f: {  	v29 =	vld [tilespmem:$0x1FFB0]  }
0x370: {  	s1 =	sadd.s32 $0x120, s1;
	v25 =	vld [tilespmem:$0x1FF30]  }
0x371: {  	v53 =	vld [tilespmem:s1+$0x80]  }
0x372: {  	v3 =	vadd.f32 v4, v3;
	v4 =	vadd.f32 v5, v7;
	v7 =	vld [tilespmem:s1+$0x0]  }
0x373: {  	v0 =	vimm.s32 $0x0;
	v5 =	vadd.f32 v6, v46;
	v56 =	vld [tilespmem:s1+$0x10]  }
0x374: {  	v6 =	vsel vm5, $0x0, v54;
	v45 =	vmul.f32 v45, v32;
	v32 =	vld [tilespmem:$0x1FFF0];
	v47 =	vmul.f32 v47, v1;
	v1 =	vmovc v31  }
0x375: {  	s2 =	sadd.s32 $0x120, s2;
	v2 =	vadd.f32 v2, v8;
	v3 =	vadd.f32 v3, v6;
	v6 =	vsel vm7, $0x0, v54;
	[tilespmem:$0x1FE50] =	vst v1;
	v1 =	vld [tilespmem:$0x1FDF0];
	v46 =	vpop (erf)  }
0x376: {  	v55 =	vperm.xlane v33, v0;
	v4 =	vadd.f32 v4, v6;
	v6 =	vld [tilespmem:s6+$0x0];
	[tilespmem:s2+$0x80] =	vst v46  }
0x377: {  	v2 =	vadd.f32 v2, v52;
	v8 =	vsel vm3, $0x0, v54;
	v62 =	vsel vm1, $0x0, v54;
	v54 =	vld [tilespmem:s1+$0x20]  }
0x378: {  	v63 =	vperm.xlane v35, v59;
	v50 =	vmul.f32 v50, v55;
	v60 =	vld [tilespmem:s1+$0x30]  }
0x379: {  	v5 =	vadd.f32 v5, v8;
	v2 =	vadd.f32 v2, v62;
	v8 =	vperm.xlane v3, v18;
	v61 =	vld [tilespmem:s6+$0x20]  }
0x37a: {  	s0 =	sadd.s32 $0x100, s0;
	v37 =	vmul.f32 v44, v39;
	v41 =	vadd.f32 v35, v63;
	[tilespmem:s3+$0xFFFFFF70] =	vst v50;
	v12 =	vperm.xlane v4, v18;
	v50 =	vld [tilespmem:s6+$0x30]  }
0x37b: {  	v58 =	vperm.xlane v5, v18;
	v13 =	vperm.xlane v2, v18;
	v3 =	vadd.f32 v3, v8;
	v8 =	vld [tilespmem:s0+$0x0]  }
0x37c: {  	v62 =	vperm.xlane v46, v0;
	v0 =	vmovc v55;
	v55 =	vperm.xlane v33, v17;
	v9 =	vld [tilespmem:s1+$0x40];
	v4 =	vadd.f32 v4, v12  }
0x37d: {  	v34 =	vmul.f32 $2.000000030e-01, v41;
	v10 =	vld [tilespmem:s1+$0x50];
	v5 =	vadd.f32 v5, v58;
	v2 =	vadd.f32 v2, v13  }
0x37e: {  	v11 =	vmovc v39;
	vm11 =	vgt.f32 v41, $0.0e+00;
	v58 =	vld [tilespmem:s6+$0x40];
	v14 =	vperm.xlane v3, v21;
	v35 =	vperm.xlane v4, v21  }
0x37f: {  	v39 =	vmovc v55;
	v41 =	vsel vm11, v41, v34;
	v34 =	vld [tilespmem:$0x1FFC0];
	v63 =	vperm.xlane v5, v21;
	v36 =	vperm.xlane v2, v21  }
0x380: {  	[tilespmem:$0x1FD40] =	vst v39;
	v39 =	vld [tilespmem:$0x1FF80];
	v3 =	vadd.f32 v3, v14;
	v4 =	vadd.f32 v4, v35;
	v8 =	vmul.f32 v8, v62  }
0x381: {  	[tilespmem:$0x1FD30] =	vst v0;
	v0 =	vimm.s32 $0x4;
	v13 =	vmov v23;
	v23 =	vld [tilespmem:$0x1FEE0];
	v5 =	vadd.f32 v5, v63  }
0x382: {  	v2 =	vadd.f32 v2, v36;
	v35 =	vld [tilespmem:$0x1FF50];
	v3 =	vsel vm8, v4, v3;
	[tilespmem:s2+$0x0] =	vst v8;
	v8 =	vperm.xlane v33, v0  }
0x383: {  	v3 =	vsel vm9, v3, v5;
	v5 =	vld [tilespmem:s0+$0x10]  }
0x384: {  	[tilespmem:$0x1FE60] =	vst v11;
	v44 =	vld [tilespmem:s6+$0x50];
	v2 =	vsel vm10, v2, v3;
	v11 =	vmov v8  }
0x385: {  	v63 =	vld [tilespmem:s1+$0x60];
	v52 =	vperm.xlane v2, v32  }
0x386: {  	[tilespmem:s30+$0xFFFFFF80] =	vst v45;
	v8 =	vld [tilespmem:s6+$0x70]  }
0x387: {  	v3 =	vmul.f32 v42, v22;
	v4 =	vmovc v24;
	v42 =	vld [tilespmem:s6+$0x60];
	[tilespmem:$0x1FD60] =	vst v11;
	v11 =	vmov v1;
	v1 =	vadd.f32 v2, v52  }
0x388: {  	v22 =	vld [tilespmem:$0x1FEF0];
	[tilespmem:$0x1FD50] =	vst v4  }
0x389: {  	v4 =	vld [tilespmem:s1+$0x70];
	[tilespmem:$0x1FD90] =	vst v1;
	v1 =	vimm.s32 $0xC  }
0x38a: {  	[tilespmem:s8+$0xFFFFFF90] =	vst v37;
	v12 =	vmul.f32 $1.442695020e+00, v41;
	v2 =	vperm.xlane v33, v1;
	v1 =	vld [tilespmem:$0x1FDB0]  }
0x38b: {  	[tilespmem:s25+$0xFFFFFFA0] =	vst v3;
	v3 =	vmul.f32 v38, v31;
	v38 =	vld [tilespmem:$0x1FE30]  }
0x38c: {  	(erf) = vpow2.f32 v12;
	v31 =	vld [tilespmem:$0x1FF70];
	[tilespmem:$0x1FDA0] =	vst v11;
	v5 =	vmul.f32 v5, v62  }
0x38d: {  	[tilespmem:s18+$0xFFFFFFB0] =	vst v3;
	v41 =	vmul.f32 v44, v10;
	v10 =	vsub.f32 v44, v10;
	v44 =	vperm.xlane v46, v0;
	v0 =	vld [tilespmem:$0x1FF00]  }
0x38e: {  	v55 =	vld [tilespmem:s1+$0xFFFFFFB0];
	[tilespmem:s15+$0xFFFFFFC0] =	vst v47  }
0x38f: {  	v45 =	vmul.f32 v57, v56;
	v52 =	vld [tilespmem:s1+$0xFFFFFFC0];
	[tilespmem:s2+$0x10] =	vst v5;
	v59 =	vmul.f32 v48, v1;
	v11 =	vmovc v1;
	v1 =	vmov v27  }
0x390: {  	v57 =	vsub.f32 v57, v56;
	v36 =	vld [tilespmem:s0+$0x20]  }
0x391: {  	v16 =	vsel vm7, $0x0, v51;
	v45 =	vmul.f32 v45, v26;
	v27 =	vld [tilespmem:$0x1FF20];
	[tilespmem:$0x1FDB0] =	vst v1  }
0x392: {  	v57 =	vand.u32 $0x7FFFFFFF, v57;
	v37 =	vmul.f32 v58, v9;
	v3 =	vmul.f32 v49, v40;
	[tilespmem:s12+$0xFFFFFFD0] =	vst v59;
	v1 =	vmovc v30;
	v30 =	vld [tilespmem:$0x1FF40]  }
0x393: {  	v40 =	vmul.f32 v6, v7;
	v6 =	vsub.f32 v6, v7;
	v7 =	vmul.f32 v61, v54;
	[tilespmem:$0x1FD70] =	vst v1;
	v1 =	vld [tilespmem:$0x1FE10]  }
0x394: {  	v54 =	vsub.f32 v61, v54;
	v12 =	vmul.f32 v8, v4;
	v49 =	vmul.f32 v41, v35;
	v59 =	vld [tilespmem:s6+$0xFFFFFFB0];
	[tilespmem:s11+$0xFFFFFFE0] =	vst v3  }
0x395: {  	v4 =	vsub.f32 v8, v4;
	v8 =	vand.u32 $0x7FFFFFFF, v6;
	v10 =	vand.u32 $0x7FFFFFFF, v10;
	v56 =	vld [tilespmem:s6+$0xFFFFFFC0]  }
0x396: {  	[tilespmem:$0x1FE30] =	vst v13;
	v33 =	vpop (erf);
	v54 =	vand.u32 $0x7FFFFFFF, v54;
	v10 =	vmul.f32 v10, v34;
	v47 =	vmul.f32 v40, v0;
	v61 =	vld [tilespmem:s1+$0xFFFFFFD0]  }
0x397: {  	v14 =	vmovc v38;
	v48 =	vmul.f32 v50, v60;
	v50 =	vsub.f32 v50, v60;
	v13 =	vmul.f32 v37, v30;
	v37 =	vld [tilespmem:$0x1FFD0]  }
0x398: {  	[tilespmem:$0x1FDF0] =	vst v14;
	v14 =	vmul.f32 v7, v27;
	v7 =	vmul.f32 v36, v44;
	v40 =	vmovc v1;
	v1 =	vmov v43;
	v43 =	vld [tilespmem:$0x1FF90]  }
0x399: {  	v3 =	vsub.f32 v58, v9;
	v9 =	vmul.f32 v42, v63;
	v42 =	vsub.f32 v42, v63;
	[tilespmem:s16+$0xFFFFFFF0] =	vst v33;
	v36 =	vld [tilespmem:$0x1FF60]  }
0x39a: {  	v54 =	vmul.f32 v54, v39;
	v4 =	vand.u32 $0x7FFFFFFF, v4;
	v50 =	vand.u32 $0x7FFFFFFF, v50;
	v58 =	vld [tilespmem:s1+$0xFFFFFFE0];
	[tilespmem:s2+$0x20] =	vst v7  }
0x39b: {  	v15 =	vmul.f32 v4, v23;
	v50 =	vmul.f32 v50, v22;
	[tilespmem:$0x1FE10] =	vst v1;
	v1 =	vmovc v2;
	v2 =	vand.u32 $0x7FFFFFFF, v42;
	v42 =	vld [tilespmem:s0+$0x30]  }
0x39c: {  	v60 =	vld [tilespmem:s6+$0xFFFFFFE0];
	v3 =	vand.u32 $0x7FFFFFFF, v3;
	v7 =	vmul.f32 v8, v28;
	v63 =	vmul.f32 v2, v29  }
0x39d: {  	v50 =	vadd.f32 v50, v54;
	v8 =	vmul.f32 v57, v43;
	v57 =	vmul.f32 v3, v37  }
0x39e: {  	v38 =	vnsel vm0, $0x0, v53;
	v9 =	vmul.f32 v9, v36;
	v15 =	vadd.f32 v15, v63  }
0x39f: {  	v12 =	vmul.f32 v12, v31;
	v14 =	vadd.f32 v50, v14;
	v10 =	vadd.f32 v10, v57  }
0x3a0: {  	v41 =	vmovc v19;
	v57 =	vadd.f32 v8, v7;
	v42 =	vmul.f32 v42, v44;
	v9 =	vadd.f32 v15, v9  }
0x3a1: {  	[tilespmem:$0x1FED0] =	vst v11;
	v19 =	vsub.f32 v60, v58;
	v15 =	vmul.f32 v48, v25;
	v10 =	vadd.f32 v10, v13  }
0x3a2: {  	v11 =	vsel vm5, $0x0, v51;
	v47 =	vadd.f32 v57, v47;
	[tilespmem:s2+$0x30] =	vst v42;
	v9 =	vadd.f32 v9, v12  }
0x3a3: {  	v50 =	vsel vm4, $0x0, v53;
	v14 =	vadd.f32 v14, v15;
	v10 =	vadd.f32 v10, v49;
	v12 =	vld [tilespmem:s0+$0x40]  }
0x3a4: {  	v5 =	vld [tilespmem:s6+$0xFFFFFFD0];
	v15 =	vsel vm6, $0x0, v53;
	v13 =	vadd.f32 v47, v45;
	v47 =	vsub.f32 v59, v55  }
0x3a5: {  	v6 =	vld [tilespmem:s1+$0xFFFFFF90];
	v53 =	vsel vm2, $0x0, v53;
	v9 =	vadd.f32 v9, v15;
	v10 =	vadd.f32 v10, v50  }
0x3a6: {  	v62 =	vld [tilespmem:s1+$0xFFFFFFA0];
	v14 =	vadd.f32 v14, v53;
	v15 =	vperm.xlane v46, v17;
	v13 =	vadd.f32 v13, v38  }
0x3a7: {  	v4 =	vld [tilespmem:s6+$0xFFFFFFA0];
	v48 =	vsel vm3, $0x0, v51;
	v9 =	vadd.f32 v9, v16;
	v10 =	vadd.f32 v10, v11  }
0x3a8: {  	v54 =	vld [tilespmem:s6+$0xFFFFFFF0];
	v14 =	vadd.f32 v14, v48;
	v11 =	vsel vm1, $0x0, v51;
	v12 =	vmul.f32 v12, v15  }
0x3a9: {  	v3 =	vld [tilespmem:s6+$0xFFFFFF90];
	v11 =	vadd.f32 v13, v11;
	v16 =	vperm.xlane v9, v18;
	v13 =	vperm.xlane v10, v18  }
0x3aa: {  	v2 =	vld [tilespmem:s1+$0xFFFFFF70];
	v53 =	vsub.f32 v5, v61;
	v5 =	vmul.f32 v5, v61;
	v48 =	vperm.xlane v14, v18  }
0x3ab: {  	v63 =	vld [tilespmem:s1+$0xFFFFFF80];
	[tilespmem:s2+$0x40] =	vst v12;
	v49 =	vperm.xlane v11, v18;
	v9 =	vadd.f32 v9, v16;
	v10 =	vadd.f32 v10, v13  }
0x3ac: {  	v5 =	vmul.f32 v5, v36;
	v51 =	vsub.f32 v56, v52;
	v14 =	vadd.f32 v14, v48;
	v13 =	vld [tilespmem:s0+$0x50]  }
0x3ad: {  	v8 =	vld [tilespmem:s6+$0xFFFFFF70];
	v11 =	vadd.f32 v11, v49;
	v17 =	vperm.xlane v9, v21;
	v12 =	vperm.xlane v10, v21  }
0x3ae: {  	[tilespmem:$0x1FD80] =	vst v1;
	v1 =	vmovc v18;
	v7 =	vld [tilespmem:s6+$0xFFFFFF80];
	v16 =	vand.u32 $0x7FFFFFFF, v47;
	v18 =	vsub.f32 v3, v6;
	v20 =	vperm.xlane v14, v21  }
0x3af: {  	v24 =	vmovc v21;
	v44 =	vld [tilespmem:s4+$0xFFFFFFA0];
	v21 =	vperm.xlane v11, v21;
	v9 =	vadd.f32 v9, v17;
	v10 =	vadd.f32 v10, v12  }
0x3b0: {  	v57 =	vld [tilespmem:s1+$0xFFFFFFF0];
	v6 =	vmul.f32 v3, v6;
	v16 =	vmul.f32 v16, v37;
	v14 =	vadd.f32 v14, v20  }
0x3b1: {  	v42 =	vld [tilespmem:s29+$0xFFFFFFB0];
	v13 =	vmul.f32 v13, v15;
	v11 =	vadd.f32 v11, v21;
	v9 =	vsel vm8, v9, v10  }
0x3b2: {  	v45 =	vld [tilespmem:s23+$0xFFFFFF90];
	v18 =	vand.u32 $0x7FFFFFFF, v18;
	v6 =	vmul.f32 v6, v27;
	v9 =	vsel vm9, v9, v14  }
0x3b3: {  	v18 =	vmul.f32 v18, v39;
	v20 =	vmul.f32 v59, v55;
	v59 =	vld [tilespmem:$0x1FFE0];
	[tilespmem:s2+$0x50] =	vst v13;
	v9 =	vsel vm10, v11, v9  }
0x3b4: {  	v17 =	vand.u32 $0x7FFFFFFF, v19;
	v12 =	vsub.f32 v4, v62;
	v11 =	vld [tilespmem:s0+$0x60];
	v19 =	vperm.xlane v9, v32  }
0x3b5: {  	v50 =	vld [tilespmem:s22+$0xFFFFFF80];
	v17 =	vmul.f32 v17, v23;
	v4 =	vmul.f32 v4, v62;
	v15 =	vand.u32 $0x7FFFFFFF, v51  }
0x3b6: {  	v38 =	vld [tilespmem:s26+$0xFFFFFFC0];
	v51 =	vsub.f32 v8, v2;
	v9 =	vadd.f32 v9, v19;
	v19 =	vimm.s32 $0xC  }
0x3b7: {  	v47 =	vld [tilespmem:s24+$0xFFFFFFD0];
	v2 =	vmul.f32 v8, v2;
	v10 =	vand.u32 $0x7FFFFFFF, v53;
	v19 =	vperm.xlane v46, v19  }
0x3b8: {  	v48 =	vld [tilespmem:s17+$0xFFFFFFE0];
	v3 =	vsel vm4, $0x0, v57;
	v8 =	vmul.f32 v56, v52;
	v10 =	vmul.f32 v10, v29  }
0x3b9: {  	v49 =	vld [tilespmem:s14+$0xFFFFFFF0];
	v53 =	vsub.f32 v7, v63;
	v29 =	vperm.xlane v9, v59;
	v11 =	vmul.f32 v11, v19  }
0x3ba: {  	v27 =	vld [tilespmem:$0x1FD70];
	v12 =	vand.u32 $0x7FFFFFFF, v12;
	v15 =	vmul.f32 v15, v34;
	v13 =	vand.u32 $0x7FFFFFFF, v51  }
0x3bb: {  	v39 =	vld [tilespmem:$0x1FD50];
	v12 =	vmul.f32 v12, v22;
	v2 =	vmul.f32 v2, v0;
	v9 =	vadd.f32 v9, v29;
	[tilespmem:s2+$0x60] =	vst v11  }
0x3bc: {  	v8 =	vmul.f32 v8, v35;
	v14 =	vand.u32 $0x7FFFFFFF, v53;
	v15 =	vadd.f32 v15, v16;
	v61 =	vld [tilespmem:s0+$0x70]  }
0x3bd: {  	v23 =	vld [tilespmem:$0x1FD40];
	v16 =	vmul.f32 v20, v30;
	v10 =	vadd.f32 v17, v10;
	v17 =	vmul.f32 $2.000000030e-01, v9  }
0x3be: {  	s5 =	sadd.s32 $0x2, s5;
	v22 =	vld [tilespmem:$0x1FE60];
	v55 =	vmul.f32 v14, v43;
	v11 =	vmul.f32 v13, v28;
	vm11 =	vgt.f32 v9, $0.0e+00  }
0x3bf: {  	p2 =	slt.u32 s5, $0x26;
	s11 =	smov.u32 s12;
	v21 =	vmovc v24;
	v24 =	vld [tilespmem:$0x1FD60];
	v12 =	vadd.f32 v12, v18;
	v18 =	vmul.f32 v60, v58;
	v9 =	vsel vm11, v9, v17  }
0x3c0: {  	s12 =	smov.u32 s15;
	s15 =	smov.u32 s18;
	s18 =	smov.u32 s25;
	v35 =	vld [tilespmem:$0x1FD90];
	v15 =	vadd.f32 v15, v16;
	v11 =	vadd.f32 v55, v11;
	v9 =	vmul.f32 $1.442695020e+00, v9  }
.Ltmp5:
0x3c1: {  	s25 =	smov.u32 s8;
	s8 =	smov.u32 s30;
	v30 =	vmovc v40;
	v40 =	vld [tilespmem:$0x1FED0];
	v5 =	vadd.f32 v10, v5;
	v6 =	vadd.f32 v12, v6;
	v10 =	vmul.f32 v61, v19;
	(pc) =	sbr.rel @p2 .LBB2_4-.Ltmp5, $4  }
0x3c2: {  	s30 =	smov.u32 s3;
	s3 =	smov.u32 s16;
	s16 =	smov.u32 s2;
	v32 =	vld [tilespmem:$0x1FD30];
	v2 =	vadd.f32 v11, v2;
	v11 =	vmul.f32 v4, v25;
	(erf) = vpow2.f32 v9  }
0x3c3: {  	s6 =	sadd.s32 $0x120, s6;
	s14 =	smov.u32 s17;
	s17 =	smov.u32 s24;
	v46 =	vsel vm2, $0x0, v57;
	v19 =	vld [tilespmem:$0x1FD80];
	v9 =	vmul.f32 v18, v31;
	[tilespmem:s2+$0x70] =	vst v10;
	v10 =	vmul.f32 v7, v63  }
0x3c4: {  	s24 =	smov.u32 s26;
	s26 =	smov.u32 s29;
	s29 =	smov.u32 s4;
	v17 =	vimm.s32 $0x8;
	v4 =	vadd.f32 v15, v8;
	v31 =	vld [tilespmem:$0x1FDA0];
	v6 =	vadd.f32 v6, v11  }
0x3c5: {  	s4 =	smov.u32 s23;
	s23 =	smov.u32 s22;
	s22 =	smov.u32 s0;
	v43 =	vmovc v41;
	v18 =	vmovc v1;
	v1 =	vld [tilespmem:$0x1FE50];
	v5 =	vadd.f32 v5, v9;
	v7 =	vsel vm6, $0x0, v57;
	v8 =	vmul.f32 v10, v26  }
0x3c6: {  	v9 =	vnsel vm0, $0x0, v57;
	v3 =	vadd.f32 v4, v3  }
0x3c7: {  	v57 =	vsel vm5, $0x0, v54;
	v56 =	vadd.f32 v5, v7;
	v2 =	vadd.f32 v2, v8  }
0x3c8: {  	v6 =	vadd.f32 v6, v46;
	v58 =	vsel vm7, $0x0, v54;
	v3 =	vadd.f32 v3, v57  }
0x3c9: {  	v60 =	vsel vm3, $0x0, v54;
	v2 =	vadd.f32 v2, v9;
	v4 =	vadd.f32 v56, v58  }
0x3ca: {  	v61 =	vsel vm1, $0x0, v54;
	v6 =	vadd.f32 v6, v60  }
0x3cb: {  	v62 =	vperm.xlane v3, v18;
	v2 =	vadd.f32 v2, v61;
	v63 =	vperm.xlane v4, v18  }
0x3cc: {  	v12 =	vperm.xlane v6, v18  }
0x3cd: {  	v3 =	vadd.f32 v3, v62;
	v13 =	vperm.xlane v2, v18;
	v4 =	vadd.f32 v4, v63  }
0x3ce: {  	v14 =	vadd.f32 v6, v12  }
0x3cf: {  	v25 =	vperm.xlane v3, v21;
	v2 =	vadd.f32 v2, v13;
	v26 =	vperm.xlane v4, v21  }
0x3d0: {  	v8 =	vperm.xlane v14, v21  }
0x3d1: {  	v60 =	vld [tilespmem:$0x1FFF0];
	v3 =	vadd.f32 v3, v25;
	v28 =	vperm.xlane v2, v21;
	v4 =	vadd.f32 v4, v26  }
0x3d2: {  	v5 =	vadd.f32 v14, v8  }
0x3d3: {  	v2 =	vadd.f32 v2, v28;
	v3 =	vsel vm8, v4, v3  }
0x3d4: {  	v3 =	vsel vm9, v3, v5  }
0x3d5: {  	v2 =	vsel vm10, v2, v3  }
0x3d6: {  	v29 =	vperm.xlane v35, v59;
	v3 =	vperm.xlane v2, v60;
	_ =	sdelay $0x1  }
0x3d7: {  	v2 =	vadd.f32 v2, v3;
	v3 =	vadd.f32 v35, v29;
	_ =	sdelay $0x1  }
0x3d8: {  	v36 =	vmul.f32 $2.000000030e-01, v3  }
0x3d9: {  	v34 =	vperm.xlane v2, v59;
	vm11 =	vgt.f32 v3, $0.0e+00  }
0x3da: {  	v3 =	vsel vm11, v3, v36  }
0x3db: {  	v2 =	vadd.f32 v2, v34;
	v3 =	vmul.f32 $1.442695020e+00, v3;
	_ =	sdelay $0x1  }
0x3dc: {  	v37 =	vmul.f32 $2.000000030e-01, v2;
	(erf) = vpow2.f32 v3  }
0x3dd: {  	vm11 =	vgt.f32 v2, $0.0e+00  }
0x3de: {  	v2 =	vsel vm11, v2, v37  }
0x3df: {  	v2 =	vmul.f32 $1.442695020e+00, v2;
	_ =	sdelay $0x1  }
0x3e0: {  	(erf) = vpow2.f32 v2;
	_ =	sdelay $0x1  }
0x3e1: {  	s1 =	sadd.s32 $0x120, s2;
	v6 =	vpop (erf)  }
0x3e2: {  	s0 =	sadd.s32 $0x100, s0;
	[tilespmem:s1+$0x80] =	vst v6  }
0x3e3: {  	v41 =	vld [tilespmem:s0+$0x0];
	v5 =	vpop (erf)  }
0x3e4: {  	[tilespmem:s16+$0xFFFFFFF0] =	vst v5  }
0x3e5: {  	v0 =	vimm.s32 $0x0;
	v46 =	vld [tilespmem:s22+$0xFFFFFF80]  }
0x3e6: {  	v51 =	vperm.xlane v6, v0  }
0x3e7: {  	v53 =	vperm.xlane v33, v0  }
0x3e8: {  	v2 =	vmul.f32 v41, v51;
	v10 =	vperm.xlane v5, v0;
	v4 =	vpop (erf)  }
0x3e9: {  	v11 =	vmul.f32 v50, v53;
	[tilespmem:s1+$0xFFFFFFF0] =	vst v4  }
0x3ea: {  	[tilespmem:s1+$0x0] =	vst v2;
	v52 =	vld [tilespmem:s0+$0xFFFFFF80];
	v54 =	vmul.f32 v46, v10  }
0x3eb: {  	[tilespmem:s3+$0xFFFFFF70] =	vst v11;
	v55 =	vld [tilespmem:s0+$0x10]  }
0x3ec: {  	v56 =	vmul.f32 v47, v1;
	v13 =	vld [tilespmem:s23+$0xFFFFFF90];
	[tilespmem:s16+$0xFFFFFF70] =	vst v54  }
0x3ed: {  	v61 =	vmul.f32 v49, v40;
	v12 =	vperm.xlane v4, v0;
	v57 =	vld [tilespmem:$0x1FDB0]  }
0x3ee: {  	v15 =	vmul.f32 v45, v32;
	v14 =	vld [tilespmem:s22+$0xFFFFFF90];
	[tilespmem:s15+$0xFFFFFFC0] =	vst v56  }
0x3ef: {  	[tilespmem:s11+$0xFFFFFFE0] =	vst v61;
	v8 =	vmul.f32 v52, v12  }
0x3f0: {  	v3 =	vmul.f32 v55, v51;
	[tilespmem:s30+$0xFFFFFF80] =	vst v15  }
0x3f1: {  	v26 =	vmul.f32 v13, v53;
	v28 =	vld [tilespmem:s4+$0xFFFFFFA0];
	[tilespmem:s1+$0xFFFFFF70] =	vst v8  }
0x3f2: {  	v36 =	vmul.f32 v44, v39;
	[tilespmem:s1+$0x10] =	vst v3;
	v62 =	vld [tilespmem:s0+$0xFFFFFF90]  }
0x3f3: {  	[tilespmem:s3+$0xFFFFFF80] =	vst v26;
	v32 =	vld [tilespmem:s0+$0x20];
	v29 =	vmul.f32 v14, v10  }
0x3f4: {  	v51 =	vmul.f32 v42, v22;
	[tilespmem:s8+$0xFFFFFF90] =	vst v36;
	v35 =	vld [tilespmem:s23+$0xFFFFFFA0]  }
0x3f5: {  	v37 =	vimm.s32 $0x4;
	v63 =	vld [tilespmem:s17+$0xFFFFFFE0];
	v58 =	vmul.f32 v48, v57;
	[tilespmem:s16+$0xFFFFFF80] =	vst v29  }
0x3f6: {  	v40 =	vperm.xlane v6, v37;
	[tilespmem:s25+$0xFFFFFFA0] =	vst v51;
	v3 =	vmul.f32 v28, v24;
	v9 =	vld [tilespmem:s22+$0xFFFFFFA0]  }
0x3f7: {  	v45 =	vperm.xlane v33, v37;
	v48 =	vld [tilespmem:s29+$0xFFFFFFB0];
	[tilespmem:s12+$0xFFFFFFD0] =	vst v58;
	v34 =	vmul.f32 v62, v12  }
0x3f8: {  	v46 =	vmul.f32 v32, v40;
	v25 =	vld [tilespmem:s14+$0xFFFFFFF0];
	[tilespmem:s30+$0xFFFFFF90] =	vst v3  }
0x3f9: {  	v47 =	vperm.xlane v5, v37;
	v11 =	vmul.f32 v35, v45;
	v50 =	vld [tilespmem:s4+$0xFFFFFFB0];
	[tilespmem:s1+$0xFFFFFF80] =	vst v34  }
0x3fa: {  	v2 =	vmul.f32 v63, v27;
	[tilespmem:s1+$0x20] =	vst v46;
	v41 =	vld [tilespmem:s0+$0xFFFFFFA0]  }
0x3fb: {  	[tilespmem:s3+$0xFFFFFF90] =	vst v11;
	v15 =	vld [tilespmem:s0+$0x30];
	v9 =	vmul.f32 v9, v47  }
0x3fc: {  	[tilespmem:s15+$0xFFFFFFD0] =	vst v2;
	v11 =	vld [tilespmem:s23+$0xFFFFFFB0];
	v52 =	vmul.f32 v48, v39  }
0x3fd: {  	v49 =	vperm.xlane v4, v37;
	v44 =	vld [tilespmem:s17+$0xFFFFFFF0];
	v8 =	vmul.f32 v25, v57;
	[tilespmem:s16+$0xFFFFFF90] =	vst v9  }
0x3fe: {  	[tilespmem:s8+$0xFFFFFFA0] =	vst v52;
	v7 =	vmul.f32 v50, v24;
	v16 =	vld [tilespmem:s22+$0xFFFFFFB0]  }
0x3ff: {  	[tilespmem:s12+$0xFFFFFFE0] =	vst v8;
	v2 =	vmul.f32 v41, v49  }
0x400: {  	v54 =	vmul.f32 v15, v40;
	[tilespmem:s30+$0xFFFFFFA0] =	vst v7  }
0x401: {  	v56 =	vmul.f32 v11, v45;
	[tilespmem:s1+$0xFFFFFF90] =	vst v2  }
0x402: {  	v8 =	vmul.f32 v44, v27;
	[tilespmem:s1+$0x30] =	vst v54;
	v53 =	vld [tilespmem:s0+$0xFFFFFFB0]  }
0x403: {  	v55 =	vld [tilespmem:s26+$0xFFFFFFC0];
	[tilespmem:s3+$0xFFFFFFA0] =	vst v56;
	v10 =	vmul.f32 v16, v47  }
0x404: {  	[tilespmem:s15+$0xFFFFFFE0] =	vst v8;
	v57 =	vld [tilespmem:s4+$0xFFFFFFC0]  }
0x405: {  	v58 =	vld [tilespmem:s0+$0x40];
	[tilespmem:s16+$0xFFFFFFA0] =	vst v10  }
0x406: {  	v61 =	vmul.f32 v38, v31;
	v63 =	vld [tilespmem:$0x1FDF0]  }
0x407: {  	v62 =	vld [tilespmem:s23+$0xFFFFFFC0];
	v3 =	vmul.f32 v53, v49  }
0x408: {  	v26 =	vperm.xlane v6, v17;
	v2 =	vld [tilespmem:s29+$0xFFFFFFC0];
	[tilespmem:s18+$0xFFFFFFB0] =	vst v61  }
0x409: {  	v9 =	vmul.f32 v57, v23;
	v25 =	vld [tilespmem:s22+$0xFFFFFFC0];
	[tilespmem:s1+$0xFFFFFFA0] =	vst v3  }
0x40a: {  	v29 =	vperm.xlane v33, v17;
	v34 =	vmul.f32 v58, v26;
	v27 =	vld [tilespmem:$0x1FE30]  }
0x40b: {  	v28 =	vld [tilespmem:s0+$0xFFFFFFC0];
	[tilespmem:s30+$0xFFFFFFB0] =	vst v9;
	v24 =	vmul.f32 v55, v63  }
0x40c: {  	v8 =	vmul.f32 v62, v29;
	[tilespmem:s1+$0x40] =	vst v34;
	v9 =	vld [tilespmem:s4+$0xFFFFFFD0]  }
0x40d: {  	v38 =	vld [tilespmem:s0+$0x50];
	[tilespmem:s25+$0xFFFFFFB0] =	vst v24  }
0x40e: {  	v35 =	vperm.xlane v5, v17;
	[tilespmem:s3+$0xFFFFFFB0] =	vst v8;
	v15 =	vld [tilespmem:s26+$0xFFFFFFD0]  }
0x40f: {  	v36 =	vperm.xlane v4, v17;
	v40 =	vld [tilespmem:s23+$0xFFFFFFD0];
	v2 =	vmul.f32 v2, v27  }
0x410: {  	v37 =	vmul.f32 v25, v35  }
0x411: {  	v32 =	vld [tilespmem:s24+$0xFFFFFFD0];
	v7 =	vmul.f32 v28, v36;
	[tilespmem:s8+$0xFFFFFFB0] =	vst v2  }
0x412: {  	[tilespmem:s16+$0xFFFFFFB0] =	vst v37;
	v9 =	vmul.f32 v9, v23;
	v16 =	vld [tilespmem:s29+$0xFFFFFFD0]  }
0x413: {  	v3 =	vmul.f32 v38, v26;
	[tilespmem:s1+$0xFFFFFFB0] =	vst v7;
	v41 =	vmul.f32 v15, v63;
	v15 =	vld [tilespmem:s22+$0xFFFFFFD0]  }
0x414: {  	v45 =	vmul.f32 v40, v29;
	v44 =	vld [tilespmem:s0+$0xFFFFFFD0];
	[tilespmem:s30+$0xFFFFFFC0] =	vst v9  }
0x415: {  	[tilespmem:s1+$0x50] =	vst v3;
	v46 =	vld [tilespmem:s4+$0xFFFFFFE0]  }
0x416: {  	v39 =	vmul.f32 v32, v31;
	[tilespmem:s3+$0xFFFFFFC0] =	vst v45;
	v47 =	vld [tilespmem:s0+$0x60]  }
0x417: {  	v9 =	vld [tilespmem:s23+$0xFFFFFFE0];
	[tilespmem:s25+$0xFFFFFFC0] =	vst v41;
	v42 =	vmul.f32 v16, v27  }
0x418: {  	[tilespmem:s18+$0xFFFFFFC0] =	vst v39;
	v10 =	vld [tilespmem:s26+$0xFFFFFFE0];
	v11 =	vmul.f32 v15, v35  }
0x419: {  	v50 =	vimm.s32 $0xC;
	v16 =	vld [tilespmem:s24+$0xFFFFFFE0];
	[tilespmem:s8+$0xFFFFFFC0] =	vst v42  }
0x41a: {  	v51 =	vperm.xlane v6, v50;
	v2 =	vmul.f32 v44, v36;
	v7 =	vld [tilespmem:s29+$0xFFFFFFE0];
	[tilespmem:s16+$0xFFFFFFC0] =	vst v11  }
0x41b: {  	v54 =	vperm.xlane v33, v50;
	v3 =	vmul.f32 v46, v19;
	v49 =	vld [tilespmem:$0x1FE10]  }
0x41c: {  	v12 =	vmul.f32 v47, v51;
	v11 =	vld [tilespmem:s22+$0xFFFFFFE0];
	[tilespmem:s1+$0xFFFFFFC0] =	vst v2  }
0x41d: {  	v55 =	vmul.f32 v9, v54;
	[tilespmem:s30+$0xFFFFFFD0] =	vst v3;
	v53 =	vld [tilespmem:s0+$0xFFFFFFE0]  }
0x41e: {  	[tilespmem:s1+$0x60] =	vst v12;
	v48 =	vmul.f32 v16, v30;
	v56 =	vld [tilespmem:s4+$0xFFFFFFF0]  }
0x41f: {  	v5 =	vperm.xlane v5, v50;
	[tilespmem:s3+$0xFFFFFFD0] =	vst v55;
	v12 =	vld [tilespmem:s0+$0x70];
	v52 =	vmul.f32 v7, v43  }
0x420: {  	v4 =	vperm.xlane v4, v50;
	v58 =	vld [tilespmem:s23+$0xFFFFFFF0];
	[tilespmem:s18+$0xFFFFFFD0] =	vst v48;
	v10 =	vmul.f32 v10, v49  }
0x421: {  	v8 =	vld [tilespmem:s24+$0xFFFFFFF0];
	v11 =	vmul.f32 v11, v5;
	[tilespmem:s8+$0xFFFFFFD0] =	vst v52  }
0x422: {  	v57 =	vmul.f32 v53, v4;
	[tilespmem:s25+$0xFFFFFFD0] =	vst v10;
	v6 =	vld [tilespmem:s29+$0xFFFFFFF0]  }
0x423: {  	v61 =	vmul.f32 v56, v19;
	[tilespmem:s16+$0xFFFFFFD0] =	vst v11;
	v10 =	vld [tilespmem:s26+$0xFFFFFFF0]  }
0x424: {  	v2 =	vmul.f32 v12, v51;
	v11 =	vld [tilespmem:s22+$0xFFFFFFF0];
	[tilespmem:s1+$0xFFFFFFD0] =	vst v57  }
0x425: {  	v62 =	vmul.f32 v58, v54;
	[tilespmem:s30+$0xFFFFFFE0] =	vst v61;
	v3 =	vld [tilespmem:s0+$0xFFFFFFF0]  }
0x426: {  	[tilespmem:s1+$0x70] =	vst v2;
	v8 =	vmul.f32 v8, v30  }
0x427: {  	[tilespmem:s3+$0xFFFFFFE0] =	vst v62;
	v6 =	vmul.f32 v6, v43  }
0x428: {  	[tilespmem:s18+$0xFFFFFFE0] =	vst v8;
	v10 =	vmul.f32 v10, v49  }
0x429: {  	v63 =	vmul.f32 v11, v5;
	[tilespmem:s8+$0xFFFFFFE0] =	vst v6  }
0x42a: {  	v3 =	vmul.f32 v3, v4;
	[tilespmem:s25+$0xFFFFFFE0] =	vst v10  }
0x42b: {  	[tilespmem:s16+$0xFFFFFFE0] =	vst v63  }
0x42c: {  	s29 =	simm.s32 $0x0;
	s26 =	rddreg [dreg:$0x2];
	s30 =	simm.s32 $0x82A0;
	[tilespmem:s1+$0xFFFFFFE0] =	vst v3  }
0x42d: {  	[spmem:s26] =	stream.indirect.scatter.add.f32 [tilespmem:s30], [sflag:$0x5], $0x90, s29, s21, $0xb8;
	[tilespmem:$0x1F9B0] =	vst v63  }
0x42e: {  	_ =	swait.ge [sflag:s20], $0x1680  }
0x42f: {  	p2 =	sgt.u32 s9, $0xF7;
	v51 =	vld [tilespmem:$0x1FFA0]  }
0x430: {  	s0 =	smul.u32 @!p2 $0x28, s9;
	v52 =	vld [tilespmem:$0x1FF90]  }
0x431: {  	s1 =	rddreg [dreg:$0xb];
	v63 =	vld [tilespmem:$0x1FF80]  }
0x432: {  	v40 =	vld [tilespmem:$0x1FEF0];
	s0 =	sadd.s32 @!p2 s0, s1  }
0x433: {  	[sflag:s20] =	ssyncset.done $0x0;
	v61 =	vld [tilespmem:$0x1FFD0];
	s1 =	rddreg [dreg:$0x4];
	s0 =	sshrl.u32 @!p2 s0, $0x3  }
0x434: {  	s2 =	simm.s32 @!p2 $0x0;
	v22 =	vld [tilespmem:$0x1FFC0];
	[sflag:s20] =	ssyncadd.s32 $0xFFFFE980;
	s1 =	sadd.s32 @!p2 s1, s0  }
0x435: {  	v23 =	vld [tilespmem:$0x1FFB0];
	[tilespmem:s2], [sflag:$0x1] =	stream.linear.gather @!p2 [hbm4b:s1+s2], $0x28, $0x38  }
0x436: {  	v57 =	vld [tilespmem:$0x1FEE0];
	s1 =	rddreg [dreg:$0x5]  }
0x437: {  	v43 =	vld [tilespmem:$0x1FF00];
	s0 =	sadd.s32 @!p2 s1, s0;
	s1 =	simm.s32 @!p2 $0x28  }
0x438: {  	v44 =	vld [tilespmem:$0x1FF10];
	[tilespmem:s1], [sflag:$0x1] =	stream.linear.gather @!p2 [hbm4b:s0+s2], $0x28, $0x38  }
0x439: {  	v45 =	vld [tilespmem:$0x1FF20];
	p2 =	seq.s32 s10, $0x0  }
.Ltmp6:
0x43a: {  	v46 =	vld [tilespmem:$0x1FF30];
	(pc) =	sbr.rel @p2 .LBB2_9-.Ltmp6, $4  }
0x43b: {  	v47 =	vld [tilespmem:$0x1FF40]  }
0x43c: {  	v48 =	vld [tilespmem:$0x1FF50]  }
0x43d: {  	v49 =	vld [tilespmem:$0x1FF60]  }
0x43e: {  	v42 =	vimm.s32 $0xC;
	s23 =	smov.u32 s13;
	s13 =	simm.s32 $0x4150;
	v58 =	vimm.s32 $0x4;
	v62 =	vimm.s32 $0x0;
	v50 =	vld [tilespmem:$0x1FF70]  }
.LBB2_6:
0x43f: {  	_ =	swait.ge [sflag:s31], $0x1680  }
0x440: {  	[sflag:s31] =	ssyncset.done $0x0  }
0x441: {  	[sflag:s31] =	ssyncadd.s32 $0xFFFFE980  }
0x442: {  	_ =	swait.ge [sflag:s31], $0x1680  }
0x443: {  	[sflag:s31] =	ssyncset.done $0x0  }
0x444: {  	[sflag:s31] =	ssyncadd.s32 $0xFFFFE980  }
0x445: {  	_ =	swait.ge [sflag:s31], $0x1400  }
0x446: {  	p2 =	seq.s32 s9, $0xF9;
	[sflag:s31] =	ssyncset.done $0x0  }
0x447: {  	s0 =	simm.s32 @!p2 $0x1;
	[sflag:s31] =	ssyncadd.s32 $0xFFFFEC00  }
0x448: {  	_ =	swait.ge @!p2 [sflag:s0], $0x28  }
0x449: {  	[sflag:s0] =	ssyncset.done @!p2 $0x0  }
0x44a: {  	[sflag:s0] =	ssyncadd.s32 @!p2 $0xFFFFFFD8  }
0x44b: {  	_ =	swait.ge @!p2 [sflag:s0], $0x28  }
0x44c: {  	s1 =	simm.s32 @!p2 $0x0;
	[sflag:s0] =	ssyncset.done @!p2 $0x0  }
0x44d: {  	s2 =	simm.s32 @!p2 $0x50;
	[sflag:s0] =	ssyncadd.s32 @!p2 $0xFFFFFFD8;
	s0 =	simm.s32 @!p2 $0x28  }
0x44e: {  	[tilespmem:s2], [sflag:$0x2] =	stream.indirect.gather @!p2 [hbm4b:s7+s0], $0x90, s1, s0, $0xb8;
	[tilespmem:$0x1F9B0] =	vst v63  }
0x44f: {  	s1 =	simm.s32 @!p2 $0x16D0  }
0x450: {  	[tilespmem:s1], [sflag:$0x2] =	stream.indirect.gather @!p2 [hbm4b:s7+s0], $0x90, s0, s0, $0xb8;
	[tilespmem:$0x1F9B0] =	vst v63  }
0x451: {  	s22 =	simm.s32 $0x4230;
	s1 =	simm.s32 @!p2 $0x2D50  }
0x452: {  	[tilespmem:s1], [sflag:$0x2] =	stream.indirect.gather @!p2 [hbm4b:s23+s0], $0x80, s0, s0, $0xb8;
	[tilespmem:$0x1F9B0] =	vst v63  }
0x453: {  	v2 =	vld [tilespmem:s22+$0x80]  }
0x454: {  	v3 =	vld [tilespmem:s22+$0x0]  }
0x455: {  	s24 =	simm.s32 $0x58B0;
	v4 =	vld [tilespmem:s22+$0x10]  }
0x456: {  	v5 =	vld [tilespmem:s24+$0x0]  }
0x457: {  	v6 =	vld [tilespmem:s24+$0x10]  }
0x458: {  	v7 =	vld [tilespmem:s22+$0x20]  }
0x459: {  	v8 =	vld [tilespmem:s22+$0x30]  }
0x45a: {  	v9 =	vld [tilespmem:s24+$0x20]  }
0x45b: {  	v10 =	vld [tilespmem:s24+$0x30]  }
0x45c: {  	v11 =	vld [tilespmem:s22+$0x40]  }
0x45d: {  	v12 =	vld [tilespmem:s22+$0x50]  }
0x45e: {  	v13 =	vld [tilespmem:s24+$0x40]  }
0x45f: {  	v14 =	vld [tilespmem:s24+$0x50]  }
0x460: {  	v15 =	vld [tilespmem:s22+$0x70]  }
0x461: {  	v16 =	vld [tilespmem:s24+$0x70]  }
0x462: {  	v17 =	vld [tilespmem:s22+$0x60]  }
0x463: {  	v37 =	vld [tilespmem:s24+$0x60]  }
0x464: {  	v19 =	vmul.f32 v6, v4;
	v20 =	vmul.f32 v10, v8  }
0x465: {  	v1 =	vmovc v21;
	v21 =	vnsel vm0, $0x0, v2;
	v24 =	vmul.f32 v5, v3;
	v25 =	vmul.f32 v14, v12  }
0x466: {  	v3 =	vsub.f32 v5, v3;
	v5 =	vmul.f32 v9, v7;
	v26 =	vmul.f32 v16, v15  }
0x467: {  	v4 =	vsub.f32 v6, v4;
	v6 =	vsub.f32 v9, v7;
	v7 =	vmul.f32 v13, v11  }
0x468: {  	v8 =	vsub.f32 v10, v8;
	v9 =	vsub.f32 v13, v11;
	v10 =	vmul.f32 v37, v17  }
0x469: {  	v12 =	vsub.f32 v14, v12;
	v17 =	vsub.f32 v37, v17;
	v11 =	vmul.f32 v19, v44  }
0x46a: {  	v15 =	vsub.f32 v16, v15;
	v38 =	vmul.f32 v24, v43;
	v39 =	vmul.f32 v25, v48  }
0x46b: {  	v41 =	vld [tilespmem:s24+$0x80];
	v3 =	vand.u32 $0x7FFFFFFF, v3;
	v4 =	vand.u32 $0x7FFFFFFF, v4;
	v7 =	vmul.f32 v7, v47  }
0x46c: {  	v6 =	vand.u32 $0x7FFFFFFF, v6;
	v9 =	vand.u32 $0x7FFFFFFF, v9;
	v12 =	vand.u32 $0x7FFFFFFF, v12  }
0x46d: {  	v17 =	vand.u32 $0x7FFFFFFF, v17;
	v3 =	vmul.f32 v3, v51;
	v4 =	vmul.f32 v4, v52  }
0x46e: {  	v15 =	vand.u32 $0x7FFFFFFF, v15;
	v9 =	vmul.f32 v9, v61;
	v12 =	vmul.f32 v12, v22  }
0x46f: {  	v8 =	vand.u32 $0x7FFFFFFF, v8;
	v17 =	vmul.f32 v17, v23;
	v15 =	vmul.f32 v15, v57  }
0x470: {  	v53 =	vsel vm5, $0x0, v41;
	v6 =	vmul.f32 v6, v63;
	v8 =	vmul.f32 v8, v40  }
0x471: {  	v10 =	vmul.f32 v10, v49;
	v9 =	vadd.f32 v12, v9;
	v54 =	vadd.f32 v15, v17  }
0x472: {  	v5 =	vmul.f32 v5, v45;
	v3 =	vadd.f32 v4, v3;
	v4 =	vadd.f32 v8, v6  }
0x473: {  	v8 =	vmul.f32 v26, v50;
	v6 =	vadd.f32 v9, v7;
	v7 =	vadd.f32 v54, v10  }
0x474: {  	v3 =	vadd.f32 v3, v38;
	v4 =	vadd.f32 v4, v5;
	v5 =	vmul.f32 v20, v46  }
0x475: {  	v9 =	vsel vm4, $0x0, v2;
	v6 =	vadd.f32 v6, v39;
	v7 =	vadd.f32 v7, v8  }
0x476: {  	v3 =	vadd.f32 v3, v11;
	v4 =	vadd.f32 v4, v5;
	v5 =	vsel vm6, $0x0, v2  }
0x477: {  	v2 =	vsel vm2, $0x0, v2;
	v6 =	vadd.f32 v6, v9;
	v5 =	vadd.f32 v7, v5  }
0x478: {  	v7 =	vsel vm7, $0x0, v41;
	v3 =	vadd.f32 v3, v21;
	v2 =	vadd.f32 v4, v2  }
0x479: {  	v4 =	vsel vm3, $0x0, v41;
	v6 =	vadd.f32 v6, v53;
	v5 =	vadd.f32 v5, v7  }
0x47a: {  	v0 =	vmov v18;
	v7 =	vsel vm1, $0x0, v41;
	v2 =	vadd.f32 v2, v4  }
0x47b: {  	v3 =	vadd.f32 v3, v7;
	v4 =	vperm.xlane v6, v0;
	v7 =	vperm.xlane v5, v0  }
0x47c: {  	v8 =	vperm.xlane v2, v0  }
0x47d: {  	v9 =	vperm.xlane v3, v0;
	v4 =	vadd.f32 v6, v4;
	v5 =	vadd.f32 v5, v7  }
0x47e: {  	v2 =	vadd.f32 v2, v8  }
0x47f: {  	v3 =	vadd.f32 v3, v9;
	v6 =	vperm.xlane v4, v1;
	v7 =	vperm.xlane v5, v1  }
0x480: {  	v8 =	vperm.xlane v2, v1  }
0x481: {  	v9 =	vperm.xlane v3, v1;
	v4 =	vadd.f32 v4, v6;
	v5 =	vadd.f32 v5, v7  }
0x482: {  	s25 =	simm.s32 $0x4350;
	v18 =	vld [tilespmem:s24+$0xFFFFFF70];
	v2 =	vadd.f32 v2, v8  }
0x483: {  	v34 =	vld [tilespmem:s25+$0x20];
	v3 =	vadd.f32 v3, v9;
	v4 =	vsel vm8, v5, v4  }
0x484: {  	v13 =	vld [tilespmem:s22+$0xFFFFFF90];
	v2 =	vsel vm9, v4, v2  }
0x485: {  	v14 =	vld [tilespmem:s22+$0xFFFFFFA0];
	v2 =	vsel vm10, v3, v2  }
0x486: {  	v16 =	vld [tilespmem:s24+$0xFFFFFFA0];
	v3 =	vperm.xlane v2, v60  }
0x487: {  	v19 =	vld [tilespmem:s25+$0x0]  }
0x488: {  	v12 =	vld [tilespmem:s24+$0xFFFFFFE0];
	v2 =	vadd.f32 v2, v3  }
0x489: {  	v15 =	vld [tilespmem:s24+$0xFFFFFF90]  }
0x48a: {  	v17 =	vld [tilespmem:s22+$0xFFFFFF70];
	v4 =	vperm.xlane v2, v59  }
0x48b: {  	s26 =	simm.s32 $0x59D0;
	v10 =	vld [tilespmem:s22+$0xFFFFFFE0]  }
0x48c: {  	v38 =	vld [tilespmem:s26+$0x20];
	v2 =	vadd.f32 v2, v4  }
0x48d: {  	v11 =	vld [tilespmem:s24+$0xFFFFFFD0]  }
0x48e: {  	v21 =	vld [tilespmem:s26+$0x0];
	v4 =	vmul.f32 $2.000000030e-01, v2  }
0x48f: {  	v33 =	vsub.f32 v16, v14;
	v14 =	vmul.f32 v16, v14;
	v6 =	vld [tilespmem:s22+$0xFFFFFFB0];
	vm11 =	vgt.f32 v2, $0.0e+00  }
0x490: {  	v7 =	vld [tilespmem:s24+$0xFFFFFFB0];
	v2 =	vsel vm11, v2, v4  }
0x491: {  	v14 =	vmul.f32 v14, v46;
	v8 =	vld [tilespmem:s24+$0xFFFFFFC0];
	v2 =	vmul.f32 $1.442695020e+00, v2  }
0x492: {  	v32 =	vsub.f32 v15, v13;
	v36 =	vsub.f32 v18, v17;
	v13 =	vmul.f32 v15, v13;
	v9 =	vld [tilespmem:s22+$0xFFFFFFD0]  }
0x493: {  	v17 =	vmul.f32 v18, v17;
	v30 =	vsub.f32 v12, v10;
	v3 =	vld [tilespmem:s22+$0xFFFFFFC0];
	(erf) = vpow2.f32 v2  }
0x494: {  	v32 =	vand.u32 $0x7FFFFFFF, v32;
	v10 =	vmul.f32 v12, v10;
	v12 =	vmul.f32 v13, v45  }
0x495: {  	v16 =	vmul.f32 v17, v43;
	v32 =	vmul.f32 v32, v63;
	v30 =	vand.u32 $0x7FFFFFFF, v30  }
0x496: {  	v10 =	vmul.f32 v10, v50;
	v30 =	vmul.f32 v30, v57  }
0x497: {  	v28 =	vld [tilespmem:s26+$0x10];
	v53 =	vmul.f32 v21, v19;
	v19 =	vsub.f32 v21, v19;
	v26 =	vsub.f32 v7, v6  }
0x498: {  	v35 =	vld [tilespmem:s25+$0x30];
	v21 =	vmul.f32 v38, v34;
	v29 =	vsub.f32 v11, v9;
	v27 =	vsub.f32 v8, v3  }
0x499: {  	v20 =	vld [tilespmem:s25+$0x10];
	v6 =	vmul.f32 v7, v6;
	v9 =	vmul.f32 v11, v9;
	v26 =	vand.u32 $0x7FFFFFFF, v26  }
0x49a: {  	v13 =	vld [tilespmem:s25+$0x60];
	v29 =	vand.u32 $0x7FFFFFFF, v29;
	v26 =	vmul.f32 v26, v61;
	v27 =	vand.u32 $0x7FFFFFFF, v27  }
0x49b: {  	v33 =	vand.u32 $0x7FFFFFFF, v33;
	v17 =	vld [tilespmem:s26+$0x60];
	v29 =	vmul.f32 v29, v23;
	v27 =	vmul.f32 v27, v22  }
0x49c: {  	s10 =	simm.s32 $0x8330;
	v19 =	vand.u32 $0x7FFFFFFF, v19;
	v5 =	vld [tilespmem:s24+$0xFFFFFF80];
	v6 =	vmul.f32 v6, v47;
	v3 =	vmul.f32 v8, v3;
	v24 =	vpop (erf)  }
0x49d: {  	s15 =	simm.s32 $0x6F20;
	v9 =	vmul.f32 v9, v49;
	v4 =	vld [tilespmem:s22+$0xFFFFFF80];
	v26 =	vadd.f32 v27, v26;
	v27 =	vadd.f32 v30, v29;
	[tilespmem:s10+$0x80] =	vst v24  }
0x49e: {  	v36 =	vand.u32 $0x7FFFFFFF, v36;
	v19 =	vmul.f32 v19, v51;
	v3 =	vmul.f32 v3, v48;
	v31 =	vld [tilespmem:s15+$0x0]  }
0x49f: {  	v7 =	vld [tilespmem:s25+$0x50];
	v29 =	vmul.f32 v36, v51;
	v6 =	vadd.f32 v26, v6;
	v9 =	vadd.f32 v27, v9  }
0x4a0: {  	v30 =	vld [tilespmem:s26+$0x50];
	v26 =	vmul.f32 v28, v20;
	v20 =	vsub.f32 v28, v20;
	v28 =	vsub.f32 v38, v34  }
0x4a1: {  	v55 =	vmovc v40;
	v40 =	vld [tilespmem:s26+$0x30];
	v38 =	vmul.f32 v17, v13;
	v13 =	vsub.f32 v17, v13;
	v39 =	vperm.xlane v24, v62  }
0x4a2: {  	v18 =	vld [tilespmem:s25+$0x70];
	v17 =	vmul.f32 v21, v45;
	v37 =	vsub.f32 v5, v4;
	v4 =	vmul.f32 v5, v4  }
0x4a3: {  	v41 =	vld [tilespmem:s25+$0x40];
	v26 =	vmul.f32 v26, v44;
	v20 =	vand.u32 $0x7FFFFFFF, v20;
	v31 =	vmul.f32 v31, v39  }
0x4a4: {  	v2 =	vld [tilespmem:s25+$0x80];
	v13 =	vand.u32 $0x7FFFFFFF, v13;
	v3 =	vadd.f32 v6, v3;
	v9 =	vadd.f32 v9, v10  }
0x4a5: {  	v56 =	vmovc v60;
	v11 =	vand.u32 $0x7FFFFFFF, v37;
	v37 =	vld [tilespmem:s26+$0x40];
	v54 =	vmul.f32 v30, v7;
	v20 =	vmul.f32 v20, v52;
	[tilespmem:s10+$0x0] =	vst v31  }
0x4a6: {  	v60 =	vmovc v55;
	v7 =	vsub.f32 v30, v7;
	v11 =	vmul.f32 v11, v52;
	v31 =	vmul.f32 v33, v55;
	v55 =	vld [tilespmem:s15+$0x10]  }
0x4a7: {  	v8 =	vld [tilespmem:s26+$0x70];
	v30 =	vmul.f32 v53, v43;
	v13 =	vmul.f32 v13, v23;
	v19 =	vadd.f32 v20, v19  }
0x4a8: {  	v11 =	vadd.f32 v11, v29;
	v29 =	vmul.f32 v40, v35;
	v35 =	vsub.f32 v40, v35  }
0x4a9: {  	v4 =	vmul.f32 v4, v44;
	v27 =	vnsel vm0, $0x0, v2;
	v7 =	vand.u32 $0x7FFFFFFF, v7  }
0x4aa: {  	v7 =	vmul.f32 v7, v22;
	v19 =	vadd.f32 v19, v30;
	v35 =	vand.u32 $0x7FFFFFFF, v35  }
0x4ab: {  	v15 =	vmul.f32 v55, v39;
	v55 =	vmul.f32 v37, v41;
	v37 =	vsub.f32 v37, v41  }
0x4ac: {  	v11 =	vadd.f32 v11, v16;
	v39 =	vmul.f32 v8, v18;
	v8 =	vsub.f32 v8, v18  }
0x4ad: {  	v40 =	vperm.xlane v24, v58;
	[tilespmem:s10+$0x10] =	vst v15;
	v15 =	vand.u32 $0x7FFFFFFF, v28;
	v28 =	vand.u32 $0x7FFFFFFF, v37  }
0x4ae: {  	v35 =	vmul.f32 v35, v60;
	v8 =	vand.u32 $0x7FFFFFFF, v8;
	v28 =	vmul.f32 v28, v61  }
0x4af: {  	v4 =	vadd.f32 v11, v4;
	v41 =	vld [tilespmem:s15+$0x20];
	v8 =	vmul.f32 v8, v57;
	v15 =	vmul.f32 v15, v63  }
0x4b0: {  	v33 =	vmul.f32 v54, v48;
	v21 =	vmul.f32 v55, v47;
	v7 =	vadd.f32 v7, v28  }
0x4b1: {  	v54 =	vmul.f32 v38, v49;
	v8 =	vadd.f32 v8, v13;
	v15 =	vadd.f32 v35, v15  }
0x4b2: {  	v18 =	vld [tilespmem:s26+$0x80];
	v37 =	vmul.f32 v39, v50;
	v39 =	vadd.f32 v19, v26;
	v7 =	vadd.f32 v7, v21  }
0x4b3: {  	v38 =	vmul.f32 v29, v46;
	v8 =	vadd.f32 v8, v54;
	v15 =	vadd.f32 v15, v17  }
0x4b4: {  	v13 =	vadd.f32 v39, v27;
	v28 =	vmul.f32 v41, v40;
	v7 =	vadd.f32 v7, v33  }
0x4b5: {  	v20 =	vsel vm4, $0x0, v2;
	v8 =	vadd.f32 v8, v37;
	v15 =	vadd.f32 v15, v38  }
0x4b6: {  	v41 =	vsel vm6, $0x0, v2;
	v2 =	vsel vm2, $0x0, v2;
	[tilespmem:s10+$0x20] =	vst v28;
	v7 =	vadd.f32 v7, v20  }
0x4b7: {  	v36 =	vsel vm5, $0x0, v18;
	v54 =	vld [tilespmem:s15+$0x30];
	v8 =	vadd.f32 v8, v41;
	v2 =	vadd.f32 v15, v2  }
0x4b8: {  	v25 =	vld [tilespmem:s22+$0xFFFFFFF0];
	v34 =	vsel vm3, $0x0, v18;
	v33 =	vsel vm7, $0x0, v18;
	v7 =	vadd.f32 v7, v36  }
0x4b9: {  	v35 =	vsel vm1, $0x0, v18;
	v8 =	vadd.f32 v8, v33;
	v2 =	vadd.f32 v2, v34  }
0x4ba: {  	v29 =	vperm.xlane v24, v42;
	v13 =	vadd.f32 v13, v35;
	v36 =	vperm.xlane v7, v0  }
0x4bb: {  	v31 =	vadd.f32 v31, v32;
	v37 =	vperm.xlane v8, v0;
	v39 =	vperm.xlane v2, v0  }
0x4bc: {  	v19 =	vld [tilespmem:s26+$0xFFFFFFE0];
	v20 =	vperm.xlane v13, v0;
	v38 =	vmul.f32 v54, v40;
	v7 =	vadd.f32 v7, v36  }
0x4bd: {  	v32 =	vsel vm4, $0x0, v25;
	v17 =	vld [tilespmem:s25+$0xFFFFFFE0];
	v8 =	vadd.f32 v8, v37;
	v2 =	vadd.f32 v2, v39  }
0x4be: {  	v3 =	vadd.f32 v3, v32;
	v13 =	vadd.f32 v13, v20;
	[tilespmem:s10+$0x30] =	vst v38;
	v15 =	vperm.xlane v7, v1  }
0x4bf: {  	v12 =	vadd.f32 v31, v12;
	v40 =	vperm.xlane v8, v1;
	v5 =	vld [tilespmem:s15+$0x40];
	v6 =	vperm.xlane v2, v1  }
0x4c0: {  	v35 =	vnsel vm0, $0x0, v25;
	v41 =	vperm.xlane v13, v1;
	v7 =	vadd.f32 v7, v15  }
0x4c1: {  	v54 =	vimm.s32 $0x8;
	v8 =	vadd.f32 v8, v40;
	v2 =	vadd.f32 v2, v6;
	v6 =	vld [tilespmem:s24+$0xFFFFFFF0]  }
0x4c2: {  	v4 =	vadd.f32 v4, v35;
	v30 =	vsub.f32 v19, v17;
	v10 =	vperm.xlane v24, v54  }
0x4c3: {  	v13 =	vadd.f32 v13, v41;
	v7 =	vsel vm8, v8, v7;
	v8 =	vsel vm6, $0x0, v25  }
0x4c4: {  	v2 =	vsel vm9, v7, v2;
	v7 =	vadd.f32 v12, v14;
	v5 =	vmul.f32 v5, v10  }
0x4c5: {  	v33 =	vsel vm2, $0x0, v25;
	v8 =	vadd.f32 v9, v8;
	v2 =	vsel vm10, v13, v2  }
0x4c6: {  	v26 =	vld [tilespmem:s25+$0xFFFFFF80];
	v34 =	vperm.xlane v2, v56;
	[tilespmem:s10+$0x40] =	vst v5;
	v5 =	vadd.f32 v7, v33;
	v7 =	vsel vm5, $0x0, v6  }
0x4c7: {  	v30 =	vand.u32 $0x7FFFFFFF, v30;
	v11 =	vld [tilespmem:s15+$0x50];
	v3 =	vadd.f32 v3, v7;
	v7 =	vsel vm7, $0x0, v6  }
0x4c8: {  	v27 =	vld [tilespmem:s26+$0xFFFFFF80];
	v36 =	vsel vm3, $0x0, v6;
	v2 =	vadd.f32 v2, v34;
	v7 =	vadd.f32 v8, v7  }
0x4c9: {  	v6 =	vsel vm1, $0x0, v6;
	v5 =	vadd.f32 v5, v36;
	v38 =	vperm.xlane v3, v0  }
0x4ca: {  	v18 =	vld [tilespmem:s26+$0xFFFFFFD0];
	v4 =	vadd.f32 v4, v6;
	v37 =	vperm.xlane v2, v59;
	v6 =	vperm.xlane v7, v0  }
0x4cb: {  	v28 =	vld [tilespmem:s26+$0xFFFFFFA0];
	v30 =	vmul.f32 v30, v57;
	v39 =	vperm.xlane v5, v0;
	v3 =	vadd.f32 v3, v38  }
0x4cc: {  	v25 =	vld [tilespmem:s25+$0xFFFFFFF0];
	v2 =	vadd.f32 v2, v37;
	v10 =	vmul.f32 v11, v10;
	v6 =	vadd.f32 v7, v6  }
0x4cd: {  	v11 =	vperm.xlane v4, v0;
	v5 =	vadd.f32 v5, v39;
	v7 =	vld [tilespmem:s25+$0xFFFFFFA0];
	v37 =	vsub.f32 v27, v26  }
0x4ce: {  	v12 =	vld [tilespmem:s25+$0xFFFFFFB0];
	v20 =	vmul.f32 $2.000000030e-01, v2;
	[tilespmem:s10+$0x50] =	vst v10;
	vm11 =	vgt.f32 v2, $0.0e+00;
	v10 =	vperm.xlane v3, v1  }
0x4cf: {  	v9 =	vld [tilespmem:s26+$0xFFFFFFB0];
	v4 =	vadd.f32 v4, v11;
	v40 =	vperm.xlane v6, v1;
	v37 =	vand.u32 $0x7FFFFFFF, v37  }
0x4d0: {  	v8 =	vld [tilespmem:s25+$0xFFFFFFD0];
	v21 =	vperm.xlane v5, v1;
	v37 =	vmul.f32 v37, v52;
	v2 =	vsel vm11, v2, v20  }
0x4d1: {  	v11 =	vld [tilespmem:s15+$0x60];
	v3 =	vadd.f32 v3, v10;
	v10 =	vperm.xlane v4, v1;
	v6 =	vadd.f32 v6, v40  }
0x4d2: {  	v13 =	vld [tilespmem:s25+$0xFFFFFF90];
	v2 =	vmul.f32 $1.442695020e+00, v2;
	v33 =	vsub.f32 v28, v7;
	v7 =	vmul.f32 v28, v7  }
0x4d3: {  	v20 =	vld [tilespmem:s26+$0xFFFFFF90];
	v28 =	vsel vm4, $0x0, v25;
	v4 =	vadd.f32 v4, v10;
	v3 =	vsel vm8, v6, v3  }
0x4d4: {  	v16 =	vld [tilespmem:s25+$0xFFFFFF70];
	v10 =	vsub.f32 v9, v12;
	v9 =	vmul.f32 v9, v12;
	(erf) = vpow2.f32 v2  }
0x4d5: {  	v15 =	vld [tilespmem:s26+$0xFFFFFFC0];
	v2 =	vadd.f32 v5, v21;
	v21 =	vsub.f32 v18, v8;
	v8 =	vmul.f32 v18, v8  }
0x4d6: {  	v5 =	vld [tilespmem:s26+$0xFFFFFF70];
	v33 =	vand.u32 $0x7FFFFFFF, v33;
	v7 =	vmul.f32 v7, v46;
	v6 =	vmul.f32 v11, v29  }
0x4d7: {  	s0 =	simm.s32 $0x4470;
	v14 =	vld [tilespmem:s25+$0xFFFFFFC0];
	v10 =	vand.u32 $0x7FFFFFFF, v10;
	v33 =	vmul.f32 v33, v60;
	v9 =	vmul.f32 v9, v47  }
0x4d8: {  	s3 =	simm.s32 $0x5AF0;
	v31 =	vld [tilespmem:s0+$0x10];
	v2 =	vsel vm9, v3, v2;
	v41 =	vsub.f32 v20, v13;
	v21 =	vand.u32 $0x7FFFFFFF, v21  }
0x4d9: {  	v35 =	vld [tilespmem:s3+$0x20];
	v10 =	vmul.f32 v10, v61;
	v8 =	vmul.f32 v8, v49;
	v3 =	vsel vm10, v4, v2  }
0x4da: {  	v34 =	vld [tilespmem:s3+$0x0];
	[tilespmem:s10+$0x60] =	vst v6;
	v21 =	vmul.f32 v21, v23;
	v4 =	vperm.xlane v3, v56;
	v32 =	vand.u32 $0x7FFFFFFF, v41  }
0x4db: {  	v6 =	vld [tilespmem:s15+$0x70];
	v42 =	vsub.f32 v5, v16;
	v32 =	vmul.f32 v32, v63;
	v5 =	vmul.f32 v5, v16  }
0x4dc: {  	v11 =	vld [tilespmem:s0+$0x0];
	v3 =	vadd.f32 v3, v4;
	v4 =	vsub.f32 v15, v14;
	v14 =	vmul.f32 v15, v14  }
0x4dd: {  	v39 =	vld [tilespmem:s0+$0x20];
	v15 =	vmul.f32 v19, v17;
	v18 =	vand.u32 $0x7FFFFFFF, v42;
	v5 =	vmul.f32 v5, v43  }
0x4de: {  	v36 =	vld [tilespmem:s3+$0x10];
	v21 =	vadd.f32 v30, v21;
	v41 =	vperm.xlane v3, v59;
	v18 =	vmul.f32 v18, v51  }
0x4df: {  	v12 =	vld [tilespmem:s0+$0x30];
	v4 =	vand.u32 $0x7FFFFFFF, v4;
	v14 =	vmul.f32 v14, v48;
	v15 =	vmul.f32 v15, v50  }
0x4e0: {  	s11 =	simm.s32 $0x8450;
	v2 =	vld [tilespmem:s0+$0x80];
	v8 =	vadd.f32 v21, v8;
	v24 =	vpop (erf);
	v4 =	vmul.f32 v4, v22;
	v6 =	vmul.f32 v6, v29  }
0x4e1: {  	s12 =	simm.s32 $0x7020;
	v16 =	vld [tilespmem:s3+$0x40];
	[tilespmem:s11+$0x80] =	vst v24;
	v3 =	vadd.f32 v3, v41;
	v18 =	vadd.f32 v37, v18;
	v37 =	vmul.f32 v34, v11  }
0x4e2: {  	v11 =	vsub.f32 v34, v11;
	v34 =	vmul.f32 v35, v39;
	v35 =	vsub.f32 v35, v39;
	v38 =	vld [tilespmem:s12+$0x0]  }
0x4e3: {  	v17 =	vld [tilespmem:s3+$0x50];
	v40 =	vperm.xlane v24, v62;
	v8 =	vadd.f32 v8, v15;
	v4 =	vadd.f32 v4, v10  }
0x4e4: {  	v19 =	vld [tilespmem:s0+$0x70];
	v10 =	vmul.f32 v20, v13;
	v30 =	vmul.f32 $2.000000030e-01, v3;
	vm11 =	vgt.f32 v3, $0.0e+00  }
0x4e5: {  	v13 =	vld [tilespmem:s0+$0x40];
	v37 =	vmul.f32 v37, v43;
	v11 =	vand.u32 $0x7FFFFFFF, v11;
	v35 =	vand.u32 $0x7FFFFFFF, v35  }
0x4e6: {  	v42 =	vld [tilespmem:s3+$0x30];
	v34 =	vmul.f32 v34, v45;
	v10 =	vmul.f32 v10, v45;
	v3 =	vsel vm11, v3, v30  }
0x4e7: {  	v29 =	vld [tilespmem:s3+$0x70];
	v5 =	vadd.f32 v18, v5;
	v3 =	vmul.f32 $1.442695020e+00, v3;
	v20 =	vmul.f32 v38, v40  }
0x4e8: {  	v9 =	vadd.f32 v4, v9;
	v4 =	vld [tilespmem:s0+$0x60];
	v11 =	vmul.f32 v11, v51;
	v35 =	vmul.f32 v35, v63  }
0x4e9: {  	v30 =	vmul.f32 v36, v31;
	v31 =	vsub.f32 v36, v31;
	(erf) = vpow2.f32 v3;
	v3 =	vld [tilespmem:s3+$0x60];
	[tilespmem:s11+$0x0] =	vst v20  }
0x4ea: {  	v9 =	vadd.f32 v9, v14;
	v36 =	vmul.f32 v16, v13;
	v13 =	vsub.f32 v16, v13;
	v41 =	vld [tilespmem:s12+$0x10]  }
0x4eb: {  	v38 =	vld [tilespmem:s0+$0x50];
	v20 =	vadd.f32 v33, v32;
	v32 =	vmul.f32 v42, v12;
	v12 =	vsub.f32 v42, v12  }
0x4ec: {  	v53 =	vmovc v61;
	v30 =	vmul.f32 v30, v44;
	v33 =	vnsel vm0, $0x0, v2;
	v13 =	vand.u32 $0x7FFFFFFF, v13  }
0x4ed: {  	v13 =	vmul.f32 v13, v53;
	v12 =	vand.u32 $0x7FFFFFFF, v12;
	v39 =	vmul.f32 v32, v46  }
0x4ee: {  	v10 =	vadd.f32 v20, v10;
	v12 =	vmul.f32 v12, v60;
	v16 =	vmul.f32 v3, v4  }
0x4ef: {  	v3 =	vsub.f32 v3, v4;
	v4 =	vsub.f32 v29, v19;
	v21 =	vmul.f32 v41, v40  }
0x4f0: {  	v40 =	vmul.f32 v17, v38;
	v41 =	vmul.f32 v29, v19;
	v17 =	vsub.f32 v17, v38  }
0x4f1: {  	v29 =	vand.u32 $0x7FFFFFFF, v31;
	v3 =	vand.u32 $0x7FFFFFFF, v3;
	v4 =	vand.u32 $0x7FFFFFFF, v4  }
0x4f2: {  	v3 =	vmul.f32 v3, v23;
	v4 =	vmul.f32 v4, v57;
	v17 =	vand.u32 $0x7FFFFFFF, v17  }
0x4f3: {  	v7 =	vadd.f32 v10, v7;
	v29 =	vmul.f32 v29, v52;
	v17 =	vmul.f32 v17, v22  }
0x4f4: {  	v10 =	vsel vm2, $0x0, v25;
	v3 =	vadd.f32 v4, v3;
	v4 =	vmul.f32 v16, v49  }
0x4f5: {  	v31 =	vmul.f32 v36, v47;
	v11 =	vadd.f32 v29, v11;
	v13 =	vadd.f32 v17, v13  }
0x4f6: {  	v12 =	vadd.f32 v12, v35;
	v19 =	vld [tilespmem:s3+$0x80];
	v3 =	vadd.f32 v3, v4;
	v4 =	vmul.f32 v41, v50  }
0x4f7: {  	v42 =	vmul.f32 v40, v48;
	v11 =	vadd.f32 v11, v37;
	v13 =	vadd.f32 v13, v31  }
0x4f8: {  	v12 =	vadd.f32 v12, v34;
	v40 =	vsel vm4, $0x0, v2;
	v3 =	vadd.f32 v3, v4  }
0x4f9: {  	[tilespmem:s11+$0x10] =	vst v21;
	v41 =	vsel vm6, $0x0, v2;
	v4 =	vadd.f32 v11, v30;
	v13 =	vadd.f32 v13, v42  }
0x4fa: {  	v2 =	vsel vm2, $0x0, v2;
	v11 =	vadd.f32 v12, v39;
	v42 =	vld [tilespmem:s12+$0x20];
	v3 =	vadd.f32 v3, v41  }
0x4fb: {  	v32 =	vsel vm7, $0x0, v19;
	v4 =	vadd.f32 v4, v33;
	v13 =	vadd.f32 v13, v40  }
0x4fc: {  	v36 =	vsel vm5, $0x0, v19;
	v2 =	vadd.f32 v11, v2;
	v12 =	vadd.f32 v3, v32  }
0x4fd: {  	v11 =	vsel vm3, $0x0, v19;
	v33 =	vperm.xlane v24, v58;
	v13 =	vadd.f32 v13, v36  }
0x4fe: {  	v3 =	vsel vm1, $0x0, v19;
	v2 =	vadd.f32 v2, v11;
	v29 =	vperm.xlane v12, v0  }
0x4ff: {  	v19 =	vadd.f32 v4, v3;
	v16 =	vmul.f32 v42, v33;
	v21 =	vperm.xlane v13, v0  }
0x500: {  	[tilespmem:s10+$0x70] =	vst v6;
	v7 =	vadd.f32 v7, v10;
	v37 =	vsel vm6, $0x0, v25;
	v20 =	vperm.xlane v2, v0  }
0x501: {  	v11 =	vld [tilespmem:s26+$0xFFFFFFF0];
	v6 =	vperm.xlane v19, v0;
	v12 =	vadd.f32 v12, v29;
	[tilespmem:s11+$0x20] =	vst v16;
	v13 =	vadd.f32 v13, v21  }
0x502: {  	v61 =	vimm.s32 $0xC;
	v8 =	vadd.f32 v8, v37;
	v2 =	vadd.f32 v2, v20;
	v36 =	vld [tilespmem:s12+$0x30]  }
0x503: {  	v6 =	vadd.f32 v19, v6;
	v35 =	vperm.xlane v12, v1;
	v34 =	vperm.xlane v13, v1  }
0x504: {  	v40 =	vnsel vm0, $0x0, v25;
	v20 =	vmul.f32 v27, v26;
	v21 =	vperm.xlane v2, v1  }
0x505: {  	v26 =	vperm.xlane v6, v1;
	v12 =	vadd.f32 v12, v35;
	v13 =	vadd.f32 v13, v34  }
0x506: {  	v41 =	vsel vm3, $0x0, v11;
	v38 =	vmul.f32 v20, v44;
	v2 =	vadd.f32 v2, v21  }
0x507: {  	v6 =	vadd.f32 v6, v26;
	v39 =	vmul.f32 v36, v33;
	v12 =	vsel vm8, v12, v13  }
0x508: {  	v15 =	vld [tilespmem:s0+$0xFFFFFFE0];
	v7 =	vadd.f32 v7, v41;
	v5 =	vadd.f32 v5, v38;
	v2 =	vsel vm9, v12, v2  }
0x509: {  	v10 =	vsel vm5, $0x0, v11;
	[tilespmem:s11+$0x30] =	vst v39;
	v12 =	vld [tilespmem:s3+$0xFFFFFFE0];
	v2 =	vsel vm10, v6, v2;
	v6 =	vadd.f32 v9, v28  }
0x50a: {  	v35 =	vperm.xlane v7, v0;
	v5 =	vadd.f32 v5, v40;
	v42 =	vld [tilespmem:s12+$0x40];
	v9 =	vperm.xlane v2, v56  }
0x50b: {  	v18 =	vld [tilespmem:s3+$0xFFFFFFB0];
	v34 =	vperm.xlane v24, v54;
	v24 =	vperm.xlane v24, v61;
	v6 =	vadd.f32 v6, v10  }
0x50c: {  	v14 =	vld [tilespmem:s3+$0xFFFFFF80];
	v2 =	vadd.f32 v2, v9;
	v9 =	vsel vm7, $0x0, v11;
	v11 =	vsel vm1, $0x0, v11  }
0x50d: {  	v17 =	vld [tilespmem:s3+$0xFFFFFFD0];
	v8 =	vadd.f32 v8, v9;
	v33 =	vperm.xlane v6, v0;
	v5 =	vadd.f32 v5, v11  }
0x50e: {  	s4 =	simm.s32 $0x4590;
	v9 =	vld [tilespmem:s0+$0xFFFFFFD0];
	v25 =	vsub.f32 v12, v15;
	v12 =	vmul.f32 v12, v15;
	v32 =	vperm.xlane v2, v59  }
0x50f: {  	v30 =	vld [tilespmem:s4+$0x0];
	v7 =	vadd.f32 v7, v35;
	v13 =	vmul.f32 v42, v34;
	v11 =	vperm.xlane v8, v0  }
0x510: {  	v29 =	vld [tilespmem:s3+$0xFFFFFF90];
	v6 =	vadd.f32 v6, v33;
	v36 =	vperm.xlane v5, v0;
	v2 =	vadd.f32 v2, v32  }
0x511: {  	v21 =	vld [tilespmem:s0+$0xFFFFFFA0];
	v42 =	vand.u32 $0x7FFFFFFF, v25;
	v12 =	vmul.f32 v12, v50;
	v8 =	vadd.f32 v8, v11  }
0x512: {  	[tilespmem:s11+$0x40] =	vst v13;
	v13 =	vld [tilespmem:s3+$0xFFFFFFA0];
	v37 =	vperm.xlane v6, v1;
	v5 =	vadd.f32 v5, v36;
	v20 =	vmul.f32 $2.000000030e-01, v2  }
0x513: {  	v11 =	vld [tilespmem:s0+$0xFFFFFF90];
	vm11 =	vgt.f32 v2, $0.0e+00;
	v41 =	vsub.f32 v17, v9;
	v9 =	vmul.f32 v17, v9  }
0x514: {  	v39 =	vld [tilespmem:s12+$0x50];
	v38 =	vperm.xlane v8, v1;
	v6 =	vadd.f32 v6, v37;
	v40 =	vperm.xlane v5, v1  }
0x515: {  	s5 =	simm.s32 $0x5C10;
	v3 =	vld [tilespmem:s0+$0xFFFFFFB0];
	v2 =	vsel vm11, v2, v20;
	v20 =	vperm.xlane v7, v1;
	v19 =	vand.u32 $0x7FFFFFFF, v41  }
0x516: {  	v35 =	vld [tilespmem:s5+$0x0];
	v9 =	vmul.f32 v9, v49;
	v2 =	vmul.f32 $1.442695020e+00, v2;
	v8 =	vadd.f32 v8, v38  }
0x517: {  	v33 =	vld [tilespmem:s4+$0x10];
	v32 =	vsub.f32 v13, v21;
	v19 =	vmul.f32 v19, v23;
	v7 =	vadd.f32 v7, v20  }
0x518: {  	v36 =	vld [tilespmem:s5+$0x20];
	v31 =	vsub.f32 v29, v11;
	v11 =	vmul.f32 v29, v11;
	(erf) = vpow2.f32 v2  }
0x519: {  	v17 =	vld [tilespmem:s4+$0x20];
	v2 =	vadd.f32 v5, v40;
	v5 =	vsel vm8, v8, v6;
	v8 =	vmul.f32 v39, v34  }
0x51a: {  	v38 =	vld [tilespmem:s5+$0x10];
	v34 =	vmul.f32 v42, v57;
	v42 =	vand.u32 $0x7FFFFFFF, v32;
	v5 =	vsel vm9, v5, v7  }
0x51b: {  	v4 =	vld [tilespmem:s0+$0xFFFFFFC0];
	v31 =	vand.u32 $0x7FFFFFFF, v31;
	v11 =	vmul.f32 v11, v45;
	v2 =	vsel vm10, v2, v5  }
0x51c: {  	v10 =	vld [tilespmem:s3+$0xFFFFFFC0];
	[tilespmem:s11+$0x50] =	vst v8;
	v8 =	vsub.f32 v18, v3;
	v3 =	vmul.f32 v18, v3;
	v18 =	vmul.f32 v42, v60  }
0x51d: {  	v6 =	vld [tilespmem:s0+$0xFFFFFF80];
	v19 =	vadd.f32 v34, v19;
	v34 =	vmul.f32 v35, v30;
	v30 =	vsub.f32 v35, v30  }
0x51e: {  	v20 =	vld [tilespmem:s0+$0xFFFFFF70];
	v35 =	vmul.f32 v36, v17;
	v17 =	vsub.f32 v36, v17;
	v5 =	vperm.xlane v2, v56  }
0x51f: {  	v7 =	vld [tilespmem:s3+$0xFFFFFF70];
	v15 =	vmul.f32 v38, v33;
	v33 =	vsub.f32 v38, v33;
	v8 =	vand.u32 $0x7FFFFFFF, v8  }
0x520: {  	v16 =	vld [tilespmem:s12+$0x60];
	v3 =	vmul.f32 v3, v47;
	v9 =	vadd.f32 v19, v9;
	v30 =	vand.u32 $0x7FFFFFFF, v30  }
0x521: {  	v27 =	vadd.f32 v2, v5;
	v5 =	vsub.f32 v10, v4;
	v8 =	vmul.f32 v8, v53  }
0x522: {  	v28 =	vld [tilespmem:s0+$0xFFFFFFF0];
	v39 =	vsub.f32 v14, v6;
	v4 =	vmul.f32 v10, v4;
	v6 =	vmul.f32 v14, v6  }
0x523: {  	v26 =	vpop (erf);
	v32 =	vld [tilespmem:s5+$0x30];
	v15 =	vmul.f32 v15, v44;
	v30 =	vmul.f32 v30, v51;
	v5 =	vand.u32 $0x7FFFFFFF, v5  }
0x524: {  	s14 =	simm.s32 $0x8570;
	v2 =	vld [tilespmem:s4+$0x80];
	v54 =	vsub.f32 v7, v20;
	v7 =	vmul.f32 v7, v20;
	v37 =	vmul.f32 v5, v22;
	v25 =	vpop (erf)  }
0x525: {  	s16 =	simm.s32 $0x7120;
	v33 =	vand.u32 $0x7FFFFFFF, v33;
	v5 =	vmul.f32 v16, v24;
	v16 =	vmul.f32 v31, v63;
	v31 =	vld [tilespmem:s4+$0x30];
	[tilespmem:s14+$0x80] =	vst v25  }
0x526: {  	v9 =	vadd.f32 v9, v12;
	v39 =	vand.u32 $0x7FFFFFFF, v39;
	v54 =	vand.u32 $0x7FFFFFFF, v54;
	v40 =	vld [tilespmem:s16+$0x0]  }
0x527: {  	v12 =	vsel vm6, $0x0, v28;
	v29 =	vmul.f32 v54, v51;
	v54 =	vmul.f32 v39, v52;
	v39 =	vld [tilespmem:s4+$0x40]  }
0x528: {  	v33 =	vmul.f32 v33, v52;
	v4 =	vmul.f32 v4, v48;
	v8 =	vadd.f32 v37, v8;
	v20 =	vld [tilespmem:s4+$0x50]  }
0x529: {  	v6 =	vmul.f32 v6, v44;
	v7 =	vmul.f32 v7, v43;
	v9 =	vadd.f32 v9, v12;
	v10 =	vld [tilespmem:s5+$0x40]  }
0x52a: {  	v41 =	vperm.xlane v25, v62;
	v3 =	vadd.f32 v8, v3;
	v8 =	vmul.f32 v13, v21;
	v13 =	vld [tilespmem:s5+$0x50]  }
0x52b: {  	v16 =	vadd.f32 v18, v16;
	v18 =	vsel vm4, $0x0, v28;
	v42 =	vadd.f32 v54, v29  }
0x52c: {  	v19 =	vnsel vm0, $0x0, v2;
	v38 =	vperm.xlane v25, v58;
	v14 =	vld [tilespmem:s5+$0x70];
	v40 =	vmul.f32 v40, v41  }
0x52d: {  	v21 =	vld [tilespmem:s4+$0x70];
	v11 =	vadd.f32 v16, v11;
	v7 =	vadd.f32 v42, v7;
	v29 =	vmul.f32 v32, v31  }
0x52e: {  	v16 =	vld [tilespmem:s5+$0x60];
	v31 =	vsub.f32 v32, v31;
	v8 =	vmul.f32 v8, v46;
	v54 =	vmul.f32 v10, v39;
	[tilespmem:s14+$0x0] =	vst v40  }
0x52f: {  	v10 =	vsub.f32 v10, v39;
	v37 =	vmul.f32 v13, v20;
	v13 =	vsub.f32 v13, v20;
	v40 =	vld [tilespmem:s16+$0x10]  }
0x530: {  	v3 =	vadd.f32 v3, v4;
	v4 =	vld [tilespmem:s4+$0x60];
	v31 =	vand.u32 $0x7FFFFFFF, v31;
	v6 =	vadd.f32 v7, v6  }
0x531: {  	v31 =	vmul.f32 v31, v60;
	v10 =	vand.u32 $0x7FFFFFFF, v10;
	v13 =	vand.u32 $0x7FFFFFFF, v13  }
0x532: {  	v8 =	vadd.f32 v11, v8;
	v10 =	vmul.f32 v10, v53;
	v13 =	vmul.f32 v13, v22  }
0x533: {  	v39 =	vadd.f32 v33, v30;
	v20 =	vmul.f32 v34, v43;
	v42 =	vmul.f32 v54, v47  }
0x534: {  	v10 =	vadd.f32 v13, v10;
	v11 =	vmul.f32 v40, v41;
	v40 =	vmul.f32 v14, v21  }
0x535: {  	v41 =	vmul.f32 v16, v4;
	v4 =	vsub.f32 v16, v4;
	v14 =	vsub.f32 v14, v21  }
0x536: {  	v3 =	vadd.f32 v3, v18;
	v34 =	vmul.f32 v37, v48;
	v16 =	vmul.f32 v35, v45  }
0x537: {  	v10 =	vadd.f32 v10, v42;
	v4 =	vand.u32 $0x7FFFFFFF, v4;
	v14 =	vand.u32 $0x7FFFFFFF, v14  }
0x538: {  	v21 =	vld [tilespmem:s5+$0x80];
	[tilespmem:s14+$0x10] =	vst v11;
	v11 =	vand.u32 $0x7FFFFFFF, v17;
	v4 =	vmul.f32 v4, v23;
	v14 =	vmul.f32 v14, v57  }
0x539: {  	v42 =	vmul.f32 v29, v46;
	v35 =	vsel vm2, $0x0, v28;
	v54 =	vld [tilespmem:s16+$0x20];
	v11 =	vmul.f32 v11, v63  }
0x53a: {  	v32 =	vmul.f32 v41, v49;
	v10 =	vadd.f32 v10, v34;
	v4 =	vadd.f32 v14, v4  }
0x53b: {  	v17 =	vadd.f32 v39, v20;
	v20 =	vsel vm4, $0x0, v2;
	v11 =	vadd.f32 v31, v11  }
0x53c: {  	v41 =	vmul.f32 v40, v50;
	v10 =	vadd.f32 v10, v20;
	v4 =	vadd.f32 v4, v32  }
0x53d: {  	v36 =	vsel vm5, $0x0, v21;
	v34 =	vsel vm7, $0x0, v21;
	v11 =	vadd.f32 v11, v16  }
0x53e: {  	v10 =	vadd.f32 v10, v36;
	v37 =	vmul.f32 v54, v38;
	v4 =	vadd.f32 v4, v41  }
0x53f: {  	v32 =	vsel vm6, $0x0, v2;
	v54 =	vadd.f32 v17, v15;
	v11 =	vadd.f32 v11, v42  }
0x540: {  	v36 =	vsel vm1, $0x0, v21;
	v2 =	vsel vm2, $0x0, v2;
	[tilespmem:s14+$0x20] =	vst v37;
	v4 =	vadd.f32 v4, v32  }
0x541: {  	v13 =	vadd.f32 v54, v19;
	v37 =	vperm.xlane v10, v0;
	v33 =	vld [tilespmem:s16+$0x30];
	v2 =	vadd.f32 v11, v2  }
0x542: {  	v41 =	vld [tilespmem:s3+$0xFFFFFFF0];
	v54 =	vnsel vm0, $0x0, v28;
	v11 =	vsel vm3, $0x0, v21;
	v4 =	vadd.f32 v4, v34  }
0x543: {  	v28 =	vimm.s32 $0x8;
	v10 =	vadd.f32 v10, v37;
	v2 =	vadd.f32 v2, v11  }
0x544: {  	[tilespmem:s11+$0x60] =	vst v5;
	v5 =	vperm.xlane v25, v28;
	v11 =	vadd.f32 v13, v36;
	v39 =	vperm.xlane v4, v0  }
0x545: {  	v7 =	vadd.f32 v8, v35;
	v32 =	vperm.xlane v10, v1;
	v40 =	vperm.xlane v2, v0  }
0x546: {  	v42 =	vperm.xlane v11, v0;
	v15 =	vmul.f32 v33, v38;
	v4 =	vadd.f32 v4, v39  }
0x547: {  	v36 =	vsel vm5, $0x0, v41;
	v37 =	vsel vm3, $0x0, v41;
	v2 =	vadd.f32 v2, v40  }
0x548: {  	v3 =	vadd.f32 v3, v36;
	v11 =	vadd.f32 v11, v42;
	[tilespmem:s14+$0x30] =	vst v15;
	v33 =	vperm.xlane v4, v1  }
0x549: {  	v7 =	vadd.f32 v7, v37;
	v10 =	vadd.f32 v10, v32;
	v8 =	vld [tilespmem:s16+$0x40];
	v34 =	vperm.xlane v2, v1  }
0x54a: {  	v38 =	vsel vm7, $0x0, v41;
	v35 =	vperm.xlane v11, v1;
	v4 =	vadd.f32 v4, v33  }
0x54b: {  	v40 =	vperm.xlane v3, v0;
	v42 =	vperm.xlane v7, v0;
	v2 =	vadd.f32 v2, v34  }
0x54c: {  	v9 =	vadd.f32 v9, v38;
	v11 =	vadd.f32 v11, v35;
	v4 =	vsel vm8, v4, v10  }
0x54d: {  	v12 =	vld [tilespmem:s4+$0xFFFFFFC0];
	v3 =	vadd.f32 v3, v40;
	v7 =	vadd.f32 v7, v42;
	v2 =	vsel vm9, v4, v2  }
0x54e: {  	v18 =	vld [tilespmem:s4+$0xFFFFFFA0];
	v40 =	vperm.xlane v26, v58;
	v8 =	vmul.f32 v8, v5;
	v2 =	vsel vm10, v11, v2  }
0x54f: {  	v16 =	vld [tilespmem:s5+$0xFFFFFFC0];
	v42 =	vperm.xlane v26, v61;
	v4 =	vadd.f32 v6, v54;
	v39 =	vperm.xlane v2, v56  }
0x550: {  	v29 =	vld [tilespmem:s5+$0xFFFFFFD0];
	v36 =	vperm.xlane v3, v1;
	v11 =	vsel vm1, $0x0, v41;
	v41 =	vperm.xlane v27, v59;
	[tilespmem:s14+$0x40] =	vst v8  }
0x551: {  	[tilespmem:s10+$0xFFFFFFF0] =	vst v26;
	v4 =	vadd.f32 v4, v11;
	v8 =	vperm.xlane v9, v0;
	v11 =	vld [tilespmem:s16+$0x50];
	v2 =	vadd.f32 v2, v39  }
0x552: {  	v14 =	vld [tilespmem:s15+$0xFFFFFF80];
	v38 =	vperm.xlane v7, v1;
	v3 =	vadd.f32 v3, v36;
	v54 =	vadd.f32 v27, v41  }
0x553: {  	v17 =	vld [tilespmem:s5+$0xFFFFFFB0];
	v34 =	vperm.xlane v4, v0;
	v8 =	vadd.f32 v9, v8;
	v35 =	vperm.xlane v2, v59  }
0x554: {  	v21 =	vld [tilespmem:s4+$0xFFFFFFE0];
	v41 =	vsub.f32 v16, v12;
	v20 =	vmul.f32 $2.000000030e-01, v54;
	vm11 =	vgt.f32 v54, $0.0e+00  }
0x555: {  	v10 =	vld [tilespmem:s12+$0x70];
	v4 =	vadd.f32 v4, v34;
	v37 =	vperm.xlane v8, v1;
	v2 =	vadd.f32 v2, v35  }
0x556: {  	v13 =	vld [tilespmem:s5+$0xFFFFFFE0];
	v12 =	vmul.f32 v16, v12;
	v15 =	vsel vm11, v54, v20;
	v5 =	vmul.f32 v11, v5  }
0x557: {  	v6 =	vld [tilespmem:s4+$0xFFFFFFB0];
	v11 =	vperm.xlane v4, v1;
	v8 =	vadd.f32 v8, v37;
	v27 =	vmul.f32 $2.000000030e-01, v2  }
0x558: {  	v9 =	vld [tilespmem:s4+$0xFFFFFFD0];
	[tilespmem:s14+$0x50] =	vst v5;
	vm11 =	vgt.f32 v2, $0.0e+00;
	v5 =	vadd.f32 v7, v38;
	v7 =	vmul.f32 $1.442695020e+00, v15  }
0x559: {  	v35 =	vld [tilespmem:s4+$0xFFFFFF90];
	v4 =	vadd.f32 v4, v11;
	v3 =	vsel vm8, v8, v3;
	v2 =	vsel vm11, v2, v27  }
0x55a: {  	v10 =	vmul.f32 v10, v24;
	v39 =	vld [tilespmem:s16+$0x60];
	v3 =	vsel vm9, v3, v5;
	v2 =	vmul.f32 $1.442695020e+00, v2  }
0x55b: {  	v12 =	vmul.f32 v12, v48;
	v8 =	vld [tilespmem:s5+$0xFFFFFF90];
	(erf) = vpow2.f32 v7;
	v3 =	vsel vm10, v4, v3  }
0x55c: {  	v19 =	vand.u32 $0x7FFFFFFF, v41;
	v11 =	vld [tilespmem:s4+$0xFFFFFF80];
	(erf) = vpow2.f32 v2;
	v2 =	vperm.xlane v3, v56  }
0x55d: {  	v19 =	vmul.f32 v19, v22;
	v5 =	vld [tilespmem:s5+$0xFFFFFFA0];
	v7 =	vperm.xlane v25, v61  }
0x55e: {  	v20 =	vsub.f32 v13, v21;
	v4 =	vld [tilespmem:s4+$0xFFFFFF70];
	[tilespmem:$0x1FCB0] =	vst v10;
	v33 =	vadd.f32 v3, v2;
	v2 =	vperm.xlane v26, v28  }
0x55f: {  	v13 =	vmul.f32 v13, v21;
	v54 =	vsub.f32 v29, v9;
	v10 =	vld [tilespmem:s5+$0xFFFFFF70];
	[tilespmem:$0x1FBE0] =	vst v40;
	v15 =	vmul.f32 v39, v7  }
0x560: {  	v20 =	vand.u32 $0x7FFFFFFF, v20;
	v9 =	vmul.f32 v29, v9;
	v25 =	vperm.xlane v26, v62;
	v3 =	vld [tilespmem:s5+$0xFFFFFF80];
	[tilespmem:$0x1FC60] =	vst v2  }
0x561: {  	v13 =	vmul.f32 v13, v50;
	v20 =	vmul.f32 v20, v57;
	[tilespmem:s14+$0x60] =	vst v15  }
0x562: {  	v34 =	vmul.f32 v14, v25;
	v32 =	vsub.f32 v8, v35;
	v2 =	vsub.f32 v17, v6;
	v14 =	vld [tilespmem:s4+$0xFFFFFFF0];
	[tilespmem:$0x1FD20] =	vst v42  }
0x563: {  	s6 =	simm.s32 $0x46B0;
	v9 =	vmul.f32 v9, v49;
	v8 =	vmul.f32 v8, v35;
	v26 =	vld [tilespmem:s16+$0x70]  }
0x564: {  	v37 =	vsub.f32 v5, v18;
	v36 =	vand.u32 $0x7FFFFFFF, v32;
	v31 =	vand.u32 $0x7FFFFFFF, v2;
	v2 =	vld [tilespmem:s6+$0x80]  }
0x565: {  	v5 =	vmul.f32 v5, v18;
	v29 =	vmul.f32 v36, v63;
	v39 =	vsub.f32 v10, v4;
	v38 =	vld [tilespmem:s6+$0x0]  }
0x566: {  	s8 =	simm.s32 $0x5D30;
	v37 =	vand.u32 $0x7FFFFFFF, v37;
	v6 =	vmul.f32 v17, v6;
	v4 =	vmul.f32 v10, v4;
	v42 =	vld [tilespmem:s6+$0x10]  }
0x567: {  	v24 =	vmovc v43;
	v5 =	vmul.f32 v5, v46;
	v15 =	vand.u32 $0x7FFFFFFF, v54;
	v37 =	vmul.f32 v37, v60;
	v43 =	vld [tilespmem:s8+$0x0]  }
0x568: {  	v15 =	vmul.f32 v15, v23;
	v39 =	vand.u32 $0x7FFFFFFF, v39;
	v6 =	vmul.f32 v6, v47;
	v17 =	vld [tilespmem:s8+$0x10]  }
0x569: {  	v27 =	vpop (erf);
	v4 =	vmul.f32 v4, v24;
	v40 =	vsub.f32 v3, v11;
	v54 =	vmul.f32 v31, v53;
	v35 =	vld [tilespmem:s6+$0x20]  }
0x56a: {  	s17 =	simm.s32 $0x8690;
	v39 =	vmul.f32 v39, v51;
	v41 =	vld [tilespmem:s6+$0x30];
	v37 =	vadd.f32 v37, v29;
	v29 =	vmov v45;
	v31 =	vpop (erf)  }
0x56b: {  	s18 =	simm.s32 $0x7220;
	v10 =	vld [tilespmem:s8+$0x30];
	v15 =	vadd.f32 v20, v15;
	v8 =	vmul.f32 v8, v29;
	v40 =	vand.u32 $0x7FFFFFFF, v40;
	[tilespmem:s17+$0x80] =	vst v31  }
0x56c: {  	v3 =	vmul.f32 v3, v11;
	v19 =	vadd.f32 v19, v54;
	v40 =	vmul.f32 v40, v52;
	v36 =	vld [tilespmem:s18+$0x0]  }
0x56d: {  	v16 =	vld [tilespmem:s6+$0x40];
	v9 =	vadd.f32 v15, v9;
	v8 =	vadd.f32 v37, v8;
	v7 =	vmul.f32 v26, v7  }
0x56e: {  	v20 =	vld [tilespmem:s8+$0x20];
	v45 =	vsel vm4, $0x0, v14;
	v54 =	vmovc v44;
	v44 =	vperm.xlane v31, v62;
	v6 =	vadd.f32 v19, v6  }
0x56f: {  	v19 =	vld [tilespmem:s6+$0x50];
	v9 =	vadd.f32 v9, v13;
	v5 =	vadd.f32 v8, v5;
	v8 =	vsel vm2, $0x0, v14;
	[tilespmem:$0x1FCC0] =	vst v7  }
0x570: {  	v13 =	vmul.f32 v17, v42;
	v26 =	vmul.f32 v10, v41;
	v17 =	vsub.f32 v17, v42;
	v11 =	vld [tilespmem:s8+$0x50]  }
0x571: {  	v10 =	vsub.f32 v10, v41;
	v6 =	vadd.f32 v6, v12;
	v12 =	vld [tilespmem:s6+$0x70];
	v36 =	vmul.f32 v36, v44  }
0x572: {  	v3 =	vmul.f32 v3, v54;
	v5 =	vadd.f32 v5, v8;
	v13 =	vmul.f32 v13, v54;
	v15 =	vld [tilespmem:s8+$0x70]  }
0x573: {  	v17 =	vand.u32 $0x7FFFFFFF, v17;
	v10 =	vand.u32 $0x7FFFFFFF, v10;
	[tilespmem:s17+$0x0] =	vst v36;
	v36 =	vadd.f32 v40, v39  }
0x574: {  	v7 =	vld [tilespmem:s8+$0x40];
	v6 =	vadd.f32 v6, v45;
	v17 =	vmul.f32 v17, v52;
	v40 =	vsel vm6, $0x0, v14  }
0x575: {  	v10 =	vmul.f32 v10, v60;
	v39 =	vld [tilespmem:s18+$0x10];
	v9 =	vadd.f32 v9, v40;
	v4 =	vadd.f32 v36, v4  }
0x576: {  	v21 =	vld [tilespmem:s6+$0x60];
	v36 =	vmul.f32 v43, v38;
	v37 =	vmul.f32 v11, v19;
	v38 =	vsub.f32 v43, v38  }
0x577: {  	v40 =	vmul.f32 v15, v12;
	v11 =	vsub.f32 v11, v19;
	v3 =	vadd.f32 v4, v3;
	v4 =	vld [tilespmem:s8+$0x60]  }
0x578: {  	v12 =	vsub.f32 v15, v12;
	v19 =	vmul.f32 v36, v24;
	v43 =	vand.u32 $0x7FFFFFFF, v38  }
0x579: {  	v36 =	vmul.f32 v37, v48;
	v11 =	vand.u32 $0x7FFFFFFF, v11;
	v37 =	vmul.f32 v43, v51  }
0x57a: {  	v12 =	vand.u32 $0x7FFFFFFF, v12;
	v11 =	vmul.f32 v11, v22;
	v8 =	vmul.f32 v39, v44  }
0x57b: {  	v39 =	vmul.f32 v20, v35;
	v44 =	vmul.f32 v7, v16;
	v7 =	vsub.f32 v7, v16  }
0x57c: {  	v20 =	vsub.f32 v20, v35;
	v45 =	vmul.f32 v4, v21;
	v4 =	vsub.f32 v4, v21  }
0x57d: {  	v12 =	vmul.f32 v12, v57;
	v16 =	vperm.xlane v31, v58;
	v7 =	vand.u32 $0x7FFFFFFF, v7  }
0x57e: {  	[tilespmem:s17+$0x10] =	vst v8;
	v8 =	vand.u32 $0x7FFFFFFF, v20;
	v7 =	vmul.f32 v7, v53;
	v4 =	vand.u32 $0x7FFFFFFF, v4  }
0x57f: {  	v18 =	vnsel vm0, $0x0, v2;
	v20 =	vld [tilespmem:s18+$0x20];
	v8 =	vmul.f32 v8, v63;
	v4 =	vmul.f32 v4, v23  }
0x580: {  	v35 =	vmul.f32 v44, v47;
	v21 =	vmul.f32 v39, v29;
	v7 =	vadd.f32 v11, v7  }
0x581: {  	v11 =	vmul.f32 v45, v49;
	v8 =	vadd.f32 v10, v8;
	v4 =	vadd.f32 v12, v4  }
0x582: {  	v55 =	vmovc v23;
	v42 =	vld [tilespmem:s8+$0x80];
	v17 =	vadd.f32 v17, v37;
	v10 =	vmul.f32 v40, v50;
	v7 =	vadd.f32 v7, v35  }
0x583: {  	v23 =	vmovc v63;
	v63 =	vmul.f32 v26, v46;
	v8 =	vadd.f32 v8, v21;
	v4 =	vadd.f32 v4, v11  }
0x584: {  	v45 =	vmul.f32 v20, v16;
	v7 =	vadd.f32 v7, v36;
	v11 =	vadd.f32 v17, v19  }
0x585: {  	v20 =	vsel vm4, $0x0, v2;
	v8 =	vadd.f32 v8, v63;
	v4 =	vadd.f32 v4, v10  }
0x586: {  	v35 =	vld [tilespmem:s5+$0xFFFFFFF0];
	[tilespmem:s17+$0x20] =	vst v45;
	v7 =	vadd.f32 v7, v20;
	v10 =	vadd.f32 v11, v13;
	v11 =	vsel vm6, $0x0, v2  }
0x587: {  	v44 =	vsel vm5, $0x0, v42;
	v12 =	vld [tilespmem:s18+$0x30];
	v2 =	vsel vm2, $0x0, v2;
	v4 =	vadd.f32 v4, v11  }
0x588: {  	v2 =	vadd.f32 v8, v2;
	v7 =	vadd.f32 v7, v44;
	v11 =	vsel vm7, $0x0, v42  }
0x589: {  	v8 =	vsel vm3, $0x0, v42;
	v10 =	vadd.f32 v10, v18;
	v4 =	vadd.f32 v4, v11  }
0x58a: {  	v30 =	vimm.s32 $0x8;
	v36 =	vsel vm1, $0x0, v42;
	v2 =	vadd.f32 v2, v8  }
0x58b: {  	v8 =	vadd.f32 v10, v36;
	v10 =	vperm.xlane v7, v0;
	v37 =	vperm.xlane v4, v0  }
0x58c: {  	v11 =	vsel vm5, $0x0, v35;
	v12 =	vmul.f32 v12, v16;
	v39 =	vperm.xlane v2, v0  }
0x58d: {  	v40 =	vperm.xlane v8, v0;
	v7 =	vadd.f32 v7, v10;
	v4 =	vadd.f32 v4, v37  }
0x58e: {  	v6 =	vadd.f32 v6, v11;
	v10 =	vsel vm7, $0x0, v35;
	v2 =	vadd.f32 v2, v39  }
0x58f: {  	v8 =	vadd.f32 v8, v40;
	v11 =	vperm.xlane v7, v1;
	v41 =	vperm.xlane v4, v1  }
0x590: {  	v14 =	vnsel vm0, $0x0, v14;
	[tilespmem:s17+$0x30] =	vst v12;
	v9 =	vadd.f32 v9, v10;
	v42 =	vperm.xlane v2, v1  }
0x591: {  	v10 =	vld [tilespmem:s18+$0x40];
	v44 =	vperm.xlane v8, v1;
	v7 =	vadd.f32 v7, v11;
	v4 =	vadd.f32 v4, v41  }
0x592: {  	v3 =	vadd.f32 v3, v14;
	v38 =	vsel vm3, $0x0, v35;
	v2 =	vadd.f32 v2, v42  }
0x593: {  	[tilespmem:s10+$0xFFFFFF70] =	vst v34;
	v34 =	vld [tilespmem:s8+$0xFFFFFFE0];
	v5 =	vadd.f32 v5, v38;
	v8 =	vadd.f32 v8, v44;
	v4 =	vsel vm8, v4, v7  }
0x594: {  	[tilespmem:s11+$0xFFFFFFF0] =	vst v27;
	v15 =	vld [tilespmem:s8+$0xFFFFFF90];
	v26 =	vperm.xlane v27, v62;
	v63 =	vperm.xlane v31, v30;
	v2 =	vsel vm9, v4, v2  }
0x595: {  	v43 =	vld [tilespmem:s12+$0xFFFFFF80];
	v19 =	vperm.xlane v31, v61;
	v42 =	vperm.xlane v5, v0;
	v2 =	vsel vm10, v8, v2  }
0x596: {  	v14 =	vld [tilespmem:s6+$0xFFFFFFE0];
	v45 =	vsel vm1, $0x0, v35;
	v10 =	vmul.f32 v10, v63;
	v41 =	vperm.xlane v2, v56  }
0x597: {  	v3 =	vadd.f32 v3, v45;
	v11 =	vld [tilespmem:s15+$0xFFFFFF90];
	v7 =	vperm.xlane v6, v0;
	v4 =	vperm.xlane v9, v0  }
0x598: {  	v17 =	vld [tilespmem:s6+$0xFFFFFFC0];
	v40 =	vperm.xlane v33, v59;
	v5 =	vadd.f32 v5, v42;
	[tilespmem:s17+$0x40] =	vst v10;
	v2 =	vadd.f32 v2, v41  }
0x599: {  	v10 =	vperm.xlane v3, v0;
	v6 =	vadd.f32 v6, v7;
	v4 =	vadd.f32 v9, v4;
	v9 =	vld [tilespmem:s18+$0x50]  }
0x59a: {  	v20 =	vld [tilespmem:s8+$0xFFFFFFD0];
	v38 =	vmul.f32 v43, v26;
	v7 =	vadd.f32 v33, v40;
	v21 =	vperm.xlane v2, v59  }
0x59b: {  	v13 =	vld [tilespmem:s6+$0xFFFFFFB0];
	v45 =	vperm.xlane v5, v1;
	v3 =	vadd.f32 v3, v10;
	v43 =	vperm.xlane v6, v1  }
0x59c: {  	v18 =	vld [tilespmem:s8+$0xFFFFFFB0];
	v40 =	vmul.f32 v11, v25;
	v44 =	vmul.f32 $2.000000030e-01, v7;
	v2 =	vadd.f32 v2, v21  }
0x59d: {  	v16 =	vld [tilespmem:s6+$0xFFFFFFD0];
	vm11 =	vgt.f32 v7, $0.0e+00;
	v10 =	vperm.xlane v4, v1;
	v6 =	vadd.f32 v6, v43  }
0x59e: {  	v12 =	vld [tilespmem:s6+$0xFFFFFF90];
	v7 =	vsel vm11, v7, v44;
	v9 =	vmul.f32 v9, v63;
	v63 =	vmul.f32 $2.000000030e-01, v2  }
0x59f: {  	v8 =	vld [tilespmem:s8+$0xFFFFFFC0];
	v4 =	vadd.f32 v4, v10;
	v21 =	vperm.xlane v3, v1;
	vm11 =	vgt.f32 v2, $0.0e+00  }
0x5a0: {  	v11 =	vld [tilespmem:s8+$0xFFFFFF70];
	v5 =	vadd.f32 v5, v45;
	v7 =	vmul.f32 $1.442695020e+00, v7;
	v2 =	vsel vm11, v2, v63  }
0x5a1: {  	v10 =	vld [tilespmem:s6+$0xFFFFFFA0];
	v4 =	vsel vm8, v4, v6;
	v3 =	vadd.f32 v3, v21;
	v2 =	vmul.f32 $1.442695020e+00, v2  }
0x5a2: {  	v31 =	vsub.f32 v20, v16;
	(erf) = vpow2.f32 v7;
	[tilespmem:s17+$0x50] =	vst v9;
	v4 =	vsel vm9, v4, v5;
	v9 =	vld [tilespmem:s6+$0xFFFFFF70]  }
0x5a3: {  	v5 =	vld [tilespmem:s18+$0x60];
	v3 =	vsel vm10, v3, v4;
	(erf) = vpow2.f32 v2;
	v2 =	vperm.xlane v27, v58  }
0x5a4: {  	v16 =	vmul.f32 v20, v16;
	v35 =	vsub.f32 v15, v12;
	v6 =	vld [tilespmem:s8+$0xFFFFFFA0];
	v4 =	vperm.xlane v3, v56  }
0x5a5: {  	v31 =	vand.u32 $0x7FFFFFFF, v31;
	v12 =	vmul.f32 v15, v12;
	v7 =	vld [tilespmem:s6+$0xFFFFFF80];
	[tilespmem:$0x1FC00] =	vst v2;
	v2 =	vperm.xlane v27, v30  }
0x5a6: {  	v32 =	vmovc v29;
	v31 =	vmul.f32 v31, v55;
	v39 =	vadd.f32 v3, v4;
	v4 =	vperm.xlane v27, v61  }
0x5a7: {  	v12 =	vmul.f32 v12, v32;
	v43 =	vsub.f32 v11, v9;
	v9 =	vmul.f32 v11, v9;
	[tilespmem:$0x1FCA0] =	vst v2  }
0x5a8: {  	v11 =	vmul.f32 v16, v49;
	v3 =	vmul.f32 v5, v19;
	v21 =	vld [tilespmem:s8+$0xFFFFFF80];
	[tilespmem:$0x1FBD0] =	vst v4  }
0x5a9: {  	v43 =	vand.u32 $0x7FFFFFFF, v43;
	v27 =	vsub.f32 v8, v17;
	v8 =	vmul.f32 v8, v17;
	v5 =	vld [tilespmem:s6+$0xFFFFFFF0]  }
0x5aa: {  	s22 =	simm.s32 $0x47D0;
	v63 =	vmovc v48;
	v9 =	vmul.f32 v9, v24;
	v15 =	vmul.f32 v43, v51;
	v2 =	vsub.f32 v18, v13;
	v4 =	vld [tilespmem:s8+$0xFFFFFFF0]  }
0x5ab: {  	v61 =	vmovc v47;
	v27 =	vand.u32 $0x7FFFFFFF, v27;
	v13 =	vmul.f32 v18, v13;
	v8 =	vmul.f32 v8, v63;
	v47 =	vld [tilespmem:s22+$0x0]  }
0x5ac: {  	s26 =	simm.s32 $0x5E50;
	v27 =	vmul.f32 v27, v22;
	v33 =	vand.u32 $0x7FFFFFFF, v2;
	v2 =	vsub.f32 v34, v14;
	v48 =	vld [tilespmem:s22+$0x10]  }
0x5ad: {  	[tilespmem:s17+$0x60] =	vst v3;
	v3 =	vsub.f32 v6, v10;
	v18 =	vld [tilespmem:s26+$0x0];
	v13 =	vmul.f32 v13, v61;
	v14 =	vmul.f32 v34, v14  }
0x5ae: {  	v25 =	vmovc v46;
	v45 =	vand.u32 $0x7FFFFFFF, v35;
	v16 =	vld [tilespmem:s22+$0x30];
	v6 =	vmul.f32 v6, v10;
	v46 =	vmul.f32 v33, v53  }
0x5af: {  	v29 =	vmovc v53;
	v41 =	vld [tilespmem:s18+$0x70];
	v53 =	vmul.f32 v45, v23;
	v42 =	vand.u32 $0x7FFFFFFF, v2;
	v3 =	vand.u32 $0x7FFFFFFF, v3  }
0x5b0: {  	v36 =	vpop (erf);
	v17 =	vld [tilespmem:s26+$0x20];
	v42 =	vmul.f32 v42, v57;
	v3 =	vmul.f32 v3, v60  }
0x5b1: {  	s24 =	simm.s32 $0x87B0;
	v45 =	vld [tilespmem:s26+$0x10];
	v6 =	vmul.f32 v6, v25;
	v37 =	vpop (erf);
	v27 =	vadd.f32 v27, v46;
	v44 =	vsub.f32 v21, v7  }
0x5b2: {  	s25 =	simm.s32 $0x7320;
	v2 =	vld [tilespmem:s22+$0x80];
	[tilespmem:s24+$0x80] =	vst v37;
	v7 =	vmul.f32 v21, v7;
	v31 =	vadd.f32 v42, v31;
	v3 =	vadd.f32 v3, v53  }
0x5b3: {  	v35 =	vld [tilespmem:s25+$0x0];
	v53 =	vperm.xlane v37, v62;
	v13 =	vadd.f32 v27, v13;
	v43 =	vsel vm6, $0x0, v5  }
0x5b4: {  	v42 =	vld [tilespmem:s22+$0x20];
	v21 =	vsel vm3, $0x0, v4;
	v20 =	vand.u32 $0x7FFFFFFF, v44;
	v19 =	vmul.f32 v41, v19  }
0x5b5: {  	v27 =	vld [tilespmem:s26+$0x30];
	v44 =	vsel vm4, $0x0, v5;
	v20 =	vmul.f32 v20, v52;
	v3 =	vadd.f32 v3, v12  }
0x5b6: {  	v7 =	vmul.f32 v7, v54;
	v10 =	vadd.f32 v31, v11;
	v11 =	vld [tilespmem:s22+$0x40];
	v8 =	vadd.f32 v13, v8;
	[tilespmem:$0x1FCD0] =	vst v19  }
0x5b7: {  	v15 =	vadd.f32 v20, v15;
	v19 =	vld [tilespmem:s22+$0x50];
	v3 =	vadd.f32 v3, v6;
	v6 =	vsel vm2, $0x0, v5  }
0x5b8: {  	v13 =	vld [tilespmem:s26+$0x50];
	v5 =	vnsel vm0, $0x0, v5;
	v8 =	vadd.f32 v8, v44;
	v31 =	vmul.f32 v35, v53  }
0x5b9: {  	v20 =	vld [tilespmem:s22+$0x70];
	v35 =	vmul.f32 v14, v50;
	v9 =	vadd.f32 v15, v9;
	v3 =	vadd.f32 v3, v6  }
0x5ba: {  	v12 =	vld [tilespmem:s26+$0x70];
	v6 =	vsel vm5, $0x0, v4;
	v15 =	vmul.f32 v45, v48;
	v45 =	vsub.f32 v45, v48  }
0x5bb: {  	v10 =	vadd.f32 v10, v35;
	v6 =	vadd.f32 v8, v6;
	v8 =	vsel vm7, $0x0, v4  }
0x5bc: {  	v14 =	vld [tilespmem:s26+$0x40];
	v35 =	vmul.f32 v17, v42;
	v17 =	vsub.f32 v17, v42;
	v4 =	vsel vm1, $0x0, v4  }
0x5bd: {  	v28 =	vmovc v22;
	v7 =	vadd.f32 v9, v7;
	v45 =	vand.u32 $0x7FFFFFFF, v45;
	v3 =	vadd.f32 v3, v21  }
0x5be: {  	v22 =	vmovc v49;
	v10 =	vadd.f32 v10, v43;
	v43 =	vmul.f32 v27, v16;
	v34 =	vmul.f32 v13, v19  }
0x5bf: {  	[tilespmem:s24+$0x0] =	vst v31;
	v31 =	vld [tilespmem:s26+$0x60];
	v49 =	vmul.f32 v12, v20;
	v16 =	vsub.f32 v27, v16;
	v13 =	vsub.f32 v13, v19  }
0x5c0: {  	v41 =	vld [tilespmem:s25+$0x10];
	v12 =	vsub.f32 v12, v20;
	v45 =	vmul.f32 v45, v52;
	v5 =	vadd.f32 v7, v5  }
0x5c1: {  	v9 =	vld [tilespmem:s22+$0x60];
	v48 =	vmul.f32 v14, v11;
	v11 =	vsub.f32 v14, v11;
	v14 =	vmul.f32 v15, v54  }
0x5c2: {  	v15 =	vperm.xlane v37, v58;
	v44 =	vmul.f32 v34, v63;
	v13 =	vand.u32 $0x7FFFFFFF, v13  }
0x5c3: {  	v20 =	vld [tilespmem:s26+$0x80];
	v12 =	vand.u32 $0x7FFFFFFF, v12;
	v16 =	vand.u32 $0x7FFFFFFF, v16;
	v42 =	vmul.f32 v48, v61  }
0x5c4: {  	v11 =	vand.u32 $0x7FFFFFFF, v11;
	v13 =	vmul.f32 v13, v28;
	v12 =	vmul.f32 v12, v57  }
0x5c5: {  	v16 =	vmul.f32 v16, v60;
	v7 =	vmul.f32 v41, v53;
	v41 =	vnsel vm0, $0x0, v2  }
0x5c6: {  	v53 =	vmul.f32 v18, v47;
	v18 =	vsub.f32 v18, v47;
	v27 =	vmul.f32 v31, v9  }
0x5c7: {  	v9 =	vsub.f32 v31, v9;
	v31 =	vmul.f32 v35, v32;
	v11 =	vmul.f32 v11, v29  }
0x5c8: {  	v47 =	vmul.f32 v49, v50;
	v49 =	vmul.f32 v43, v25;
	v46 =	vsel vm5, $0x0, v20  }
0x5c9: {  	v19 =	vmul.f32 v53, v24;
	[tilespmem:s24+$0x10] =	vst v7;
	v7 =	vand.u32 $0x7FFFFFFF, v17;
	v9 =	vand.u32 $0x7FFFFFFF, v9  }
0x5ca: {  	v18 =	vand.u32 $0x7FFFFFFF, v18;
	v17 =	vld [tilespmem:s25+$0x20];
	v9 =	vmul.f32 v9, v55;
	v7 =	vmul.f32 v7, v23  }
0x5cb: {  	v11 =	vadd.f32 v13, v11;
	v48 =	vmul.f32 v27, v22;
	v18 =	vmul.f32 v18, v51  }
0x5cc: {  	v30 =	vmovc v22;
	v22 =	vperm.xlane v36, v62;
	v9 =	vadd.f32 v12, v9;
	v7 =	vadd.f32 v16, v7  }
0x5cd: {  	v34 =	vmovc v23;
	v23 =	vimm.s32 $0x8;
	v11 =	vadd.f32 v11, v42;
	v45 =	vadd.f32 v45, v18  }
0x5ce: {  	v42 =	vsel vm4, $0x0, v2;
	v9 =	vadd.f32 v9, v48;
	v7 =	vadd.f32 v7, v31  }
0x5cf: {  	v11 =	vadd.f32 v11, v44;
	v48 =	vadd.f32 v45, v19;
	v13 =	vmul.f32 v17, v15  }
0x5d0: {  	v44 =	vsel vm6, $0x0, v2;
	v9 =	vadd.f32 v9, v47;
	v7 =	vadd.f32 v7, v49  }
0x5d1: {  	v2 =	vsel vm2, $0x0, v2;
	v11 =	vadd.f32 v11, v42;
	v43 =	vadd.f32 v48, v14;
	[tilespmem:s24+$0x20] =	vst v13  }
0x5d2: {  	v47 =	vsel vm7, $0x0, v20;
	v45 =	vld [tilespmem:s25+$0x30];
	v9 =	vadd.f32 v9, v44;
	v2 =	vadd.f32 v7, v2  }
0x5d3: {  	v11 =	vadd.f32 v11, v46;
	v12 =	vadd.f32 v43, v41;
	v7 =	vsel vm3, $0x0, v20  }
0x5d4: {  	[tilespmem:s11+$0xFFFFFF70] =	vst v38;
	v48 =	vsel vm1, $0x0, v20;
	v9 =	vadd.f32 v9, v47;
	v2 =	vadd.f32 v2, v7  }
0x5d5: {  	v21 =	vperm.xlane v37, v23;
	v49 =	vperm.xlane v11, v0;
	v7 =	vadd.f32 v12, v48;
	v12 =	vld [tilespmem:s12+$0xFFFFFF90]  }
0x5d6: {  	v8 =	vadd.f32 v10, v8;
	v41 =	vperm.xlane v9, v0;
	v42 =	vperm.xlane v2, v0  }
0x5d7: {  	[tilespmem:s14+$0xFFFFFFF0] =	vst v36;
	v18 =	vld [tilespmem:s26+$0xFFFFFFB0];
	v11 =	vadd.f32 v11, v49;
	v43 =	vperm.xlane v7, v0;
	v10 =	vmul.f32 v45, v15  }
0x5d8: {  	v46 =	vperm.xlane v39, v59;
	v44 =	vperm.xlane v6, v0;
	v15 =	vld [tilespmem:s16+$0xFFFFFF80];
	v9 =	vadd.f32 v9, v41  }
0x5d9: {  	v19 =	vld [tilespmem:s22+$0xFFFFFFB0];
	v2 =	vadd.f32 v2, v42;
	v7 =	vadd.f32 v7, v43;
	[tilespmem:s24+$0x30] =	vst v10;
	v10 =	vperm.xlane v11, v1  }
0x5da: {  	v4 =	vadd.f32 v5, v4;
	v43 =	vmul.f32 v12, v26;
	v45 =	vperm.xlane v9, v1  }
0x5db: {  	v6 =	vadd.f32 v6, v44;
	v5 =	vld [tilespmem:s25+$0x40];
	v47 =	vperm.xlane v2, v1;
	v20 =	vperm.xlane v7, v1  }
0x5dc: {  	v10 =	vadd.f32 v11, v10;
	v11 =	vperm.xlane v8, v0;
	v9 =	vadd.f32 v9, v45  }
0x5dd: {  	v2 =	vadd.f32 v2, v47;
	v7 =	vadd.f32 v7, v20;
	v41 =	vmul.f32 v15, v22  }
0x5de: {  	v47 =	vsub.f32 v18, v19;
	v18 =	vmul.f32 v18, v19;
	v9 =	vsel vm8, v9, v10  }
0x5df: {  	v38 =	vld [tilespmem:s26+$0xFFFFFFD0];
	v8 =	vadd.f32 v8, v11;
	v10 =	vperm.xlane v3, v0;
	v2 =	vsel vm9, v9, v2  }
0x5e0: {  	v16 =	vld [tilespmem:s22+$0xFFFFFFC0];
	v9 =	vadd.f32 v39, v46;
	v5 =	vmul.f32 v5, v21;
	v2 =	vsel vm10, v7, v2  }
0x5e1: {  	v17 =	vld [tilespmem:s22+$0xFFFFFFD0];
	v7 =	vperm.xlane v4, v0;
	v3 =	vadd.f32 v3, v10;
	v10 =	vperm.xlane v6, v1  }
0x5e2: {  	v13 =	vld [tilespmem:s26+$0xFFFFFFC0];
	v20 =	vperm.xlane v2, v56;
	v27 =	vmul.f32 $2.000000030e-01, v9  }
0x5e3: {  	v11 =	vld [tilespmem:s22+$0xFFFFFFE0];
	[tilespmem:s24+$0x40] =	vst v5;
	v5 =	vperm.xlane v8, v1;
	vm11 =	vgt.f32 v9, $0.0e+00;
	v4 =	vadd.f32 v4, v7  }
0x5e4: {  	v7 =	vld [tilespmem:s25+$0x50];
	v6 =	vadd.f32 v6, v10;
	v2 =	vadd.f32 v2, v20;
	v20 =	vperm.xlane v3, v1  }
0x5e5: {  	[tilespmem:s10+$0xFFFFFF80] =	vst v40;
	v10 =	vld [tilespmem:s26+$0xFFFFFFE0];
	v5 =	vadd.f32 v8, v5;
	v9 =	vsel vm11, v9, v27;
	v48 =	vperm.xlane v4, v1  }
0x5e6: {  	v14 =	vld [tilespmem:s15+$0xFFFFFFA0];
	v9 =	vmul.f32 $1.442695020e+00, v9;
	v49 =	vperm.xlane v2, v59  }
0x5e7: {  	v15 =	vld [tilespmem:s22+$0xFFFFFFA0];
	v3 =	vadd.f32 v3, v20;
	v5 =	vsel vm8, v5, v6;
	v20 =	vperm.xlane v36, v58  }
0x5e8: {  	v8 =	vld [tilespmem:s22+$0xFFFFFF90];
	v4 =	vadd.f32 v4, v48;
	(erf) = vpow2.f32 v9;
	v9 =	vperm.xlane v36, v23  }
0x5e9: {  	v6 =	vld [tilespmem:s26+$0xFFFFFF90];
	v48 =	vsub.f32 v13, v16;
	v13 =	vmul.f32 v13, v16;
	v2 =	vadd.f32 v2, v49  }
0x5ea: {  	v3 =	vsel vm9, v5, v3;
	v5 =	vld [tilespmem:s26+$0xFFFFFFA0];
	v7 =	vmul.f32 v7, v21;
	v49 =	vsub.f32 v10, v11  }
0x5eb: {  	v10 =	vmul.f32 v10, v11;
	v3 =	vsel vm10, v4, v3;
	v4 =	vld [tilespmem:s22+$0xFFFFFF70];
	[tilespmem:$0x1FC40] =	vst v20;
	v13 =	vmul.f32 v13, v63  }
0x5ec: {  	v53 =	vmovc v24;
	v24 =	vimm.s32 $0xC;
	v40 =	vmul.f32 $2.000000030e-01, v2;
	v20 =	vperm.xlane v3, v56;
	v21 =	vld [tilespmem:s22+$0xFFFFFF80];
	[tilespmem:s24+$0x50] =	vst v7  }
0x5ed: {  	vm11 =	vgt.f32 v2, $0.0e+00;
	v7 =	vld [tilespmem:s25+$0x60];
	[tilespmem:$0x1FCF0] =	vst v9;
	v9 =	vperm.xlane v36, v24;
	v36 =	vperm.xlane v37, v24  }
0x5ee: {  	v12 =	vsub.f32 v6, v8;
	v37 =	vand.u32 $0x7FFFFFFF, v49;
	v6 =	vmul.f32 v6, v8  }
0x5ef: {  	v2 =	vsel vm11, v2, v40;
	v40 =	vimm.s32 $0x8;
	v45 =	vadd.f32 v3, v20  }
0x5f0: {  	v31 =	vld [tilespmem:$0x1FBE0];
	v20 =	vsub.f32 v38, v17;
	v37 =	vmul.f32 v37, v57;
	v17 =	vmul.f32 v38, v17  }
0x5f1: {  	v35 =	vmovc v32;
	v3 =	vld [tilespmem:s26+$0xFFFFFF70];
	v38 =	vmul.f32 v18, v61;
	v2 =	vmul.f32 $1.442695020e+00, v2;
	v39 =	vsub.f32 v5, v15  }
0x5f2: {  	[tilespmem:$0x1FBF0] =	vst v9;
	v12 =	vand.u32 $0x7FFFFFFF, v12;
	v6 =	vmul.f32 v6, v35;
	v5 =	vmul.f32 v5, v15  }
0x5f3: {  	v9 =	vld [tilespmem:s26+$0xFFFFFF80];
	v20 =	vand.u32 $0x7FFFFFFF, v20;
	v12 =	vmul.f32 v12, v34;
	v17 =	vmul.f32 v17, v30  }
0x5f4: {  	s2 =	simm.s32 $0x48F0;
	v46 =	vld [tilespmem:s22+$0xFFFFFFF0];
	(erf) = vpow2.f32 v2;
	v2 =	vand.u32 $0x7FFFFFFF, v47;
	v20 =	vmul.f32 v20, v55  }
0x5f5: {  	v8 =	vld [tilespmem:s2+$0x10];
	v5 =	vmul.f32 v5, v25;
	v44 =	vmul.f32 v14, v31;
	v14 =	vand.u32 $0x7FFFFFFF, v48  }
0x5f6: {  	v15 =	vld [tilespmem:s2+$0x30];
	v7 =	vmul.f32 v7, v36;
	v49 =	vmul.f32 v2, v29;
	v42 =	vsub.f32 v3, v4  }
0x5f7: {  	v47 =	vld [tilespmem:s26+$0xFFFFFFF0];
	v14 =	vmul.f32 v14, v28;
	v20 =	vadd.f32 v37, v20;
	v3 =	vmul.f32 v3, v4  }
0x5f8: {  	s3 =	simm.s32 $0x5F70;
	v2 =	vld [tilespmem:s2+$0x80];
	[tilespmem:s24+$0x60] =	vst v7;
	v7 =	vand.u32 $0x7FFFFFFF, v39;
	v48 =	vsub.f32 v9, v21;
	v39 =	vand.u32 $0x7FFFFFFF, v42  }
0x5f9: {  	v32 =	vmovc v60;
	v4 =	vld [tilespmem:s3+$0x10];
	v7 =	vmul.f32 v7, v60;
	v14 =	vadd.f32 v14, v49;
	v18 =	vsel vm4, $0x0, v46  }
0x5fa: {  	v23 =	vmovc v50;
	v50 =	vld [tilespmem:s25+$0x70];
	v60 =	vadd.f32 v20, v17;
	v3 =	vmul.f32 v3, v53;
	v9 =	vmul.f32 v9, v21  }
0x5fb: {  	v33 =	vmovc v55;
	v26 =	vmovc v53;
	v49 =	vld [tilespmem:s3+$0x0];
	v53 =	vsel vm6, $0x0, v46;
	v55 =	vand.u32 $0x7FFFFFFF, v48;
	v7 =	vadd.f32 v7, v12  }
0x5fc: {  	v17 =	vld [tilespmem:s2+$0x40];
	v37 =	vmul.f32 v39, v51;
	v42 =	vpop (erf);
	v11 =	vadd.f32 v14, v38;
	v19 =	vmul.f32 v55, v52  }
0x5fd: {  	s8 =	simm.s32 $0x88D0;
	v48 =	vld [tilespmem:s2+$0x0];
	v9 =	vmul.f32 v9, v54;
	v6 =	vadd.f32 v7, v6;
	v7 =	vmul.f32 v10, v23;
	v39 =	vpop (erf)  }
0x5fe: {  	v24 =	vmovc v54;
	s26 =	simm.s32 $0x7420;
	v54 =	vsel vm2, $0x0, v46;
	v10 =	vld [tilespmem:s3+$0x30];
	v11 =	vadd.f32 v11, v13;
	v38 =	vadd.f32 v19, v37;
	[tilespmem:s8+$0x80] =	vst v39  }
0x5ff: {  	v21 =	vmul.f32 v50, v36;
	v36 =	vperm.xlane v42, v62;
	v7 =	vadd.f32 v60, v7;
	v55 =	vld [tilespmem:s26+$0x0]  }
0x600: {  	v12 =	vld [tilespmem:s2+$0x20];
	v20 =	vperm.xlane v39, v62;
	v5 =	vadd.f32 v6, v5;
	v11 =	vadd.f32 v11, v18  }
0x601: {  	v19 =	vld [tilespmem:s3+$0x20];
	v3 =	vadd.f32 v38, v3;
	[tilespmem:$0x1FD00] =	vst v21;
	v21 =	vnsel vm0, $0x0, v46;
	v46 =	vperm.xlane v45, v59  }
0x602: {  	v13 =	vld [tilespmem:s2+$0x50];
	v7 =	vadd.f32 v7, v53;
	v5 =	vadd.f32 v5, v54;
	v53 =	vsel vm3, $0x0, v47  }
0x603: {  	v27 =	vmovc v52;
	v14 =	vld [tilespmem:s3+$0x50];
	v3 =	vadd.f32 v3, v9;
	v9 =	vsel vm5, $0x0, v47;
	v52 =	vmul.f32 v10, v15  }
0x604: {  	v10 =	vsub.f32 v10, v15;
	v9 =	vadd.f32 v11, v9;
	v16 =	vmul.f32 v55, v20  }
0x605: {  	v6 =	vld [tilespmem:s3+$0x40];
	v11 =	vsel vm7, $0x0, v47;
	v5 =	vadd.f32 v5, v53;
	v53 =	vmul.f32 v49, v48  }
0x606: {  	v48 =	vsub.f32 v49, v48;
	v49 =	vmul.f32 v19, v12;
	v7 =	vadd.f32 v7, v11;
	v11 =	vld [tilespmem:s3+$0x70];
	[tilespmem:s8+$0x0] =	vst v16  }
0x607: {  	v3 =	vadd.f32 v3, v21;
	v21 =	vsel vm1, $0x0, v47;
	v10 =	vand.u32 $0x7FFFFFFF, v10;
	v55 =	vld [tilespmem:s26+$0x10]  }
0x608: {  	v37 =	vperm.xlane v9, v0;
	v54 =	vmul.f32 v14, v13;
	v13 =	vsub.f32 v14, v13;
	v16 =	vld [tilespmem:s2+$0x70]  }
0x609: {  	v47 =	vld [tilespmem:s2+$0x60];
	v49 =	vmul.f32 v49, v35;
	v48 =	vand.u32 $0x7FFFFFFF, v48;
	v10 =	vmul.f32 v10, v32;
	[tilespmem:$0x1FC30] =	vst v36  }
0x60a: {  	v60 =	vmovc v51;
	v50 =	vperm.xlane v7, v0;
	v14 =	vmul.f32 v53, v26;
	v13 =	vand.u32 $0x7FFFFFFF, v13;
	v51 =	vld [tilespmem:s3+$0x60]  }
0x60b: {  	v3 =	vadd.f32 v3, v21;
	v48 =	vmul.f32 v48, v60;
	v13 =	vmul.f32 v13, v28  }
0x60c: {  	v21 =	vnsel vm0, $0x0, v2;
	v18 =	vmul.f32 v55, v20;
	v20 =	vmul.f32 v4, v8  }
0x60d: {  	v55 =	vmul.f32 v11, v16;
	v4 =	vsub.f32 v4, v8;
	v8 =	vsub.f32 v19, v12  }
0x60e: {  	v12 =	vmul.f32 v6, v17;
	v6 =	vsub.f32 v6, v17;
	v19 =	vperm.xlane v39, v58  }
0x60f: {  	v11 =	vsub.f32 v11, v16;
	v15 =	vmul.f32 v51, v47;
	v47 =	vsub.f32 v51, v47  }
0x610: {  	v16 =	vld [tilespmem:s3+$0x80];
	v17 =	vmul.f32 v20, v24;
	v20 =	vmul.f32 v54, v63;
	v4 =	vand.u32 $0x7FFFFFFF, v4  }
0x611: {  	v12 =	vmul.f32 v12, v61;
	v6 =	vand.u32 $0x7FFFFFFF, v6;
	v11 =	vand.u32 $0x7FFFFFFF, v11  }
0x612: {  	v4 =	vmul.f32 v4, v27;
	v47 =	vand.u32 $0x7FFFFFFF, v47;
	v6 =	vmul.f32 v6, v29  }
0x613: {  	[tilespmem:s8+$0x10] =	vst v18;
	v8 =	vand.u32 $0x7FFFFFFF, v8;
	v11 =	vmul.f32 v11, v57;
	v47 =	vmul.f32 v47, v33  }
0x614: {  	v9 =	vadd.f32 v9, v37;
	v18 =	vld [tilespmem:s26+$0x20];
	v8 =	vmul.f32 v8, v34;
	v54 =	vmul.f32 v15, v30  }
0x615: {  	v51 =	vsel vm5, $0x0, v16;
	v6 =	vadd.f32 v13, v6;
	v11 =	vadd.f32 v11, v47  }
0x616: {  	v4 =	vadd.f32 v4, v48;
	v8 =	vadd.f32 v10, v8;
	v48 =	vmul.f32 v52, v25  }
0x617: {  	v6 =	vadd.f32 v6, v12;
	v10 =	vadd.f32 v11, v54;
	v11 =	vmul.f32 v55, v23  }
0x618: {  	v4 =	vadd.f32 v4, v14;
	v8 =	vadd.f32 v8, v49;
	v49 =	vsel vm4, $0x0, v2  }
0x619: {  	v47 =	vmul.f32 v18, v19;
	v6 =	vadd.f32 v6, v20;
	v10 =	vadd.f32 v10, v11  }
0x61a: {  	[tilespmem:s14+$0xFFFFFF70] =	vst v41;
	v4 =	vadd.f32 v4, v17;
	v8 =	vadd.f32 v8, v48;
	v11 =	vsel vm6, $0x0, v2  }
0x61b: {  	v15 =	vld [tilespmem:s16+$0xFFFFFF90];
	v2 =	vsel vm2, $0x0, v2;
	v6 =	vadd.f32 v6, v49;
	v10 =	vadd.f32 v10, v11  }
0x61c: {  	[tilespmem:s8+$0x20] =	vst v47;
	v4 =	vadd.f32 v4, v21;
	v2 =	vadd.f32 v8, v2;
	v11 =	vsel vm7, $0x0, v16  }
0x61d: {  	v52 =	vsel vm3, $0x0, v16;
	v8 =	vld [tilespmem:s26+$0x30];
	v6 =	vadd.f32 v6, v51;
	v10 =	vadd.f32 v10, v11  }
0x61e: {  	v7 =	vadd.f32 v7, v50;
	[tilespmem:s17+$0xFFFFFFF0] =	vst v42;
	v54 =	vsel vm1, $0x0, v16;
	v2 =	vadd.f32 v2, v52  }
0x61f: {  	v55 =	vld [tilespmem:s18+$0xFFFFFF80];
	v4 =	vadd.f32 v4, v54;
	v41 =	vperm.xlane v6, v0;
	v47 =	vperm.xlane v10, v0  }
0x620: {  	v38 =	vmovc v24;
	[tilespmem:s11+$0xFFFFFF80] =	vst v43;
	v24 =	vimm.s32 $0xC;
	v43 =	vmul.f32 v15, v22;
	v48 =	vperm.xlane v2, v0  }
0x621: {  	[tilespmem:s10+$0xFFFFFF90] =	vst v44;
	v44 =	vld [tilespmem:s2+$0xFFFFFF90];
	v20 =	vperm.xlane v4, v0;
	v6 =	vadd.f32 v6, v41;
	v10 =	vadd.f32 v10, v47  }
0x622: {  	v13 =	vld [tilespmem:s15+$0xFFFFFFB0];
	v49 =	vperm.xlane v3, v0;
	v8 =	vmul.f32 v8, v19;
	v2 =	vadd.f32 v2, v48  }
0x623: {  	v12 =	vld [tilespmem:s2+$0xFFFFFFC0];
	v4 =	vadd.f32 v4, v20;
	v51 =	vperm.xlane v6, v1;
	v20 =	vperm.xlane v10, v1  }
0x624: {  	v18 =	vld [tilespmem:s12+$0xFFFFFFA0];
	v16 =	vadd.f32 v45, v46;
	v37 =	vmul.f32 v55, v36;
	[tilespmem:s8+$0x30] =	vst v8;
	v8 =	vperm.xlane v2, v1  }
0x625: {  	v11 =	vperm.xlane v5, v0;
	v21 =	vld [tilespmem:s26+$0x40];
	v6 =	vadd.f32 v6, v51;
	v10 =	vadd.f32 v10, v20  }
0x626: {  	v17 =	vld [tilespmem:s2+$0xFFFFFFB0];
	v3 =	vadd.f32 v3, v49;
	v54 =	vperm.xlane v39, v40;
	v2 =	vadd.f32 v2, v8  }
0x627: {  	v49 =	vld [tilespmem:s2+$0xFFFFFFE0];
	v5 =	vadd.f32 v5, v11;
	v52 =	vperm.xlane v4, v1;
	v6 =	vsel vm8, v10, v6  }
0x628: {  	v11 =	vperm.xlane v9, v1;
	v19 =	vld [tilespmem:s3+$0xFFFFFFB0];
	v2 =	vsel vm9, v6, v2;
	v6 =	vperm.xlane v7, v1  }
0x629: {  	v39 =	vperm.xlane v39, v24;
	v55 =	vperm.xlane v5, v1;
	v4 =	vadd.f32 v4, v52;
	v20 =	vld [tilespmem:s3+$0xFFFFFFC0]  }
0x62a: {  	v9 =	vadd.f32 v9, v11;
	v10 =	vld [tilespmem:s2+$0xFFFFFFD0];
	v21 =	vmul.f32 v21, v54;
	v6 =	vadd.f32 v7, v6  }
0x62b: {  	v11 =	vperm.xlane v3, v1;
	v5 =	vadd.f32 v5, v55;
	v2 =	vsel vm10, v4, v2;
	v4 =	vld [tilespmem:s3+$0xFFFFFFD0]  }
0x62c: {  	vm11 =	vgt.f32 v16, $0.0e+00;
	v8 =	vmul.f32 $2.000000030e-01, v16;
	[tilespmem:s8+$0x40] =	vst v21;
	v7 =	vld [tilespmem:s3+$0xFFFFFFE0];
	v6 =	vsel vm8, v6, v9  }
0x62d: {  	v3 =	vadd.f32 v3, v11;
	v11 =	vld [tilespmem:s26+$0x50];
	v5 =	vsel vm9, v6, v5;
	v6 =	vperm.xlane v42, v58  }
0x62e: {  	v48 =	vperm.xlane v42, v40;
	v8 =	vsel vm11, v16, v8;
	v36 =	vperm.xlane v2, v56;
	v22 =	vld [tilespmem:$0x1FC00]  }
0x62f: {  	v47 =	vmul.f32 v13, v31;
	v50 =	vsub.f32 v19, v17;
	v8 =	vmul.f32 $1.442695020e+00, v8;
	v9 =	vld [tilespmem:s2+$0xFFFFFFA0];
	[tilespmem:$0x1FC90] =	vst v6  }
0x630: {  	v17 =	vmul.f32 v19, v17;
	v2 =	vadd.f32 v2, v36;
	v3 =	vsel vm10, v3, v5;
	v6 =	vld [tilespmem:s3+$0xFFFFFF90]  }
0x631: {  	v16 =	vand.u32 $0x7FFFFFFF, v50;
	(erf) = vpow2.f32 v8;
	v8 =	vperm.xlane v3, v56;
	v5 =	vld [tilespmem:s3+$0xFFFFFFA0]  }
0x632: {  	v16 =	vmul.f32 v16, v29;
	v41 =	vperm.xlane v2, v59;
	v13 =	vld [tilespmem:s2+$0xFFFFFF70]  }
0x633: {  	v51 =	vsub.f32 v4, v10;
	v15 =	vld [tilespmem:s2+$0xFFFFFF80];
	[tilespmem:$0x1FC10] =	vst v48;
	v48 =	vadd.f32 v3, v8;
	v8 =	vperm.xlane v42, v24  }
0x634: {  	v4 =	vmul.f32 v4, v10;
	v11 =	vmul.f32 v11, v54;
	v2 =	vadd.f32 v2, v41  }
0x635: {  	v46 =	vmul.f32 v18, v22;
	v52 =	vsub.f32 v7, v49;
	v7 =	vmul.f32 v7, v49;
	v3 =	vld [tilespmem:s3+$0xFFFFFF70];
	[tilespmem:$0x1FC20] =	vst v8  }
0x636: {  	v4 =	vmul.f32 v4, v30;
	v45 =	vmul.f32 $2.000000030e-01, v2;
	[tilespmem:s8+$0x50] =	vst v11  }
0x637: {  	v55 =	vand.u32 $0x7FFFFFFF, v52;
	v7 =	vmul.f32 v7, v23;
	vm11 =	vgt.f32 v2, $0.0e+00;
	v18 =	vld [tilespmem:s26+$0x60]  }
0x638: {  	v14 =	vmul.f32 v55, v57;
	v55 =	vmul.f32 v17, v61;
	v2 =	vsel vm11, v2, v45  }
0x639: {  	v11 =	vsub.f32 v20, v12;
	v12 =	vmul.f32 v20, v12;
	v2 =	vmul.f32 $1.442695020e+00, v2  }
0x63a: {  	v21 =	vsub.f32 v6, v44;
	v54 =	vsub.f32 v5, v9;
	v6 =	vmul.f32 v6, v44  }
0x63b: {  	v53 =	vmovc v26;
	v8 =	vld [tilespmem:s3+$0xFFFFFF80];
	v5 =	vmul.f32 v5, v9;
	v11 =	vand.u32 $0x7FFFFFFF, v11;
	(erf) = vpow2.f32 v2  }
0x63c: {  	v26 =	vmovc v56;
	v56 =	vsub.f32 v3, v13;
	v3 =	vmul.f32 v3, v13;
	v18 =	vmul.f32 v18, v39  }
0x63d: {  	v12 =	vmul.f32 v12, v63;
	v2 =	vand.u32 $0x7FFFFFFF, v51;
	v11 =	vmul.f32 v11, v28  }
0x63e: {  	v21 =	vand.u32 $0x7FFFFFFF, v21;
	v51 =	vld [tilespmem:s2+$0xFFFFFFF0];
	v6 =	vmul.f32 v6, v35;
	v5 =	vmul.f32 v5, v25;
	[tilespmem:s8+$0x60] =	vst v18  }
0x63f: {  	s4 =	simm.s32 $0x4A10;
	v45 =	vand.u32 $0x7FFFFFFF, v54;
	v2 =	vmul.f32 v2, v33;
	v40 =	vmul.f32 v21, v34;
	v21 =	vld [tilespmem:s26+$0x70]  }
0x640: {  	s5 =	simm.s32 $0x6090;
	v17 =	vld [tilespmem:s4+$0x10];
	v42 =	vand.u32 $0x7FFFFFFF, v56;
	v41 =	vmul.f32 v45, v32;
	v36 =	vsub.f32 v8, v15  }
0x641: {  	v20 =	vld [tilespmem:s5+$0x10];
	v3 =	vmul.f32 v3, v53;
	v11 =	vadd.f32 v11, v16;
	v8 =	vmul.f32 v8, v15  }
0x642: {  	v52 =	vld [tilespmem:s3+$0xFFFFFFF0];
	v54 =	vmul.f32 v42, v60;
	v2 =	vadd.f32 v14, v2;
	v10 =	vand.u32 $0x7FFFFFFF, v36  }
0x643: {  	v50 =	vld [tilespmem:s4+$0x0];
	v45 =	vpop (erf);
	v11 =	vadd.f32 v11, v55;
	v8 =	vmul.f32 v8, v38;
	v10 =	vmul.f32 v10, v27  }
0x644: {  	s29 =	simm.s32 $0x89F0;
	v13 =	vld [tilespmem:s5+$0x0];
	v18 =	vadd.f32 v41, v40;
	v56 =	vsel vm4, $0x0, v51;
	v44 =	vpop (erf);
	v16 =	vmul.f32 v21, v39  }
0x645: {  	s30 =	simm.s32 $0x7520;
	v2 =	vadd.f32 v2, v4;
	v41 =	vmovc v38;
	v38 =	vsel vm2, $0x0, v51;
	v4 =	vadd.f32 v10, v54;
	v10 =	vld [tilespmem:s4+$0x20];
	[tilespmem:s29+$0x80] =	vst v44  }
0x646: {  	v40 =	vmul.f32 v20, v17;
	v17 =	vsub.f32 v20, v17;
	v6 =	vadd.f32 v18, v6;
	v9 =	vld [tilespmem:s30+$0x0];
	[tilespmem:$0x1FD10] =	vst v16  }
0x647: {  	v11 =	vadd.f32 v11, v12;
	v2 =	vadd.f32 v2, v7;
	v7 =	vsel vm6, $0x0, v51;
	v14 =	vld [tilespmem:s4+$0x30]  }
0x648: {  	v17 =	vand.u32 $0x7FFFFFFF, v17;
	v3 =	vadd.f32 v4, v3;
	v5 =	vadd.f32 v6, v5;
	v4 =	vld [tilespmem:s5+$0x20]  }
0x649: {  	v18 =	vperm.xlane v48, v59;
	v17 =	vmul.f32 v17, v27;
	v6 =	vadd.f32 v11, v56;
	v12 =	vld [tilespmem:s5+$0x30]  }
0x64a: {  	v2 =	vadd.f32 v2, v7;
	v7 =	vsel vm5, $0x0, v52;
	v5 =	vadd.f32 v5, v38;
	v15 =	vld [tilespmem:s4+$0x40]  }
0x64b: {  	v6 =	vadd.f32 v6, v7;
	v7 =	vsel vm7, $0x0, v52;
	v3 =	vadd.f32 v3, v8;
	v11 =	vld [tilespmem:s4+$0x50]  }
0x64c: {  	v8 =	vsel vm3, $0x0, v52;
	v39 =	vnsel vm0, $0x0, v51;
	v2 =	vadd.f32 v2, v7;
	v19 =	vld [tilespmem:s5+$0x40]  }
0x64d: {  	v3 =	vadd.f32 v3, v39;
	v39 =	vmul.f32 v13, v50;
	v13 =	vsub.f32 v13, v50;
	v7 =	vld [tilespmem:s5+$0x50]  }
0x64e: {  	v38 =	vperm.xlane v45, v62;
	v16 =	vperm.xlane v44, v62;
	v5 =	vadd.f32 v5, v8;
	v21 =	vld [tilespmem:s4+$0x70]  }
0x64f: {  	v8 =	vperm.xlane v6, v0;
	v49 =	vperm.xlane v2, v0;
	v51 =	vld [tilespmem:s5+$0x70];
	v13 =	vand.u32 $0x7FFFFFFF, v13  }
0x650: {  	v24 =	vmovc v53;
	v52 =	vsel vm1, $0x0, v52;
	v54 =	vld [tilespmem:s4+$0x60];
	v53 =	vperm.xlane v5, v0;
	v13 =	vmul.f32 v13, v60  }
0x651: {  	v3 =	vadd.f32 v3, v52;
	v52 =	vld [tilespmem:s5+$0x60];
	v6 =	vadd.f32 v6, v8;
	v9 =	vmul.f32 v9, v16  }
0x652: {  	v56 =	vmul.f32 v39, v24;
	v2 =	vadd.f32 v2, v49;
	v13 =	vadd.f32 v17, v13  }
0x653: {  	[tilespmem:s29+$0x0] =	vst v9;
	v17 =	vadd.f32 v48, v18;
	v55 =	vmul.f32 v12, v14;
	v50 =	vmul.f32 v4, v10  }
0x654: {  	v9 =	vld [tilespmem:s30+$0x10];
	v4 =	vsub.f32 v4, v10;
	v20 =	vmul.f32 v7, v11;
	v12 =	vsub.f32 v12, v14  }
0x655: {  	v14 =	vmul.f32 v19, v15;
	v15 =	vsub.f32 v19, v15;
	v19 =	vmul.f32 v51, v21  }
0x656: {  	v7 =	vsub.f32 v7, v11;
	v21 =	vsub.f32 v51, v21;
	v11 =	vmul.f32 v52, v54  }
0x657: {  	v52 =	vsub.f32 v52, v54;
	v54 =	vperm.xlane v44, v58;
	v15 =	vand.u32 $0x7FFFFFFF, v15  }
0x658: {  	v7 =	vand.u32 $0x7FFFFFFF, v7;
	v20 =	vmul.f32 v20, v63;
	v21 =	vand.u32 $0x7FFFFFFF, v21  }
0x659: {  	v4 =	vand.u32 $0x7FFFFFFF, v4;
	v15 =	vmul.f32 v15, v29;
	v9 =	vmul.f32 v9, v16  }
0x65a: {  	v7 =	vmul.f32 v7, v28;
	v52 =	vand.u32 $0x7FFFFFFF, v52;
	v21 =	vmul.f32 v21, v57  }
0x65b: {  	v10 =	vld [tilespmem:s4+$0x80];
	v12 =	vand.u32 $0x7FFFFFFF, v12;
	v4 =	vmul.f32 v4, v34;
	v52 =	vmul.f32 v52, v33;
	[tilespmem:s29+$0x10] =	vst v9  }
0x65c: {  	v42 =	vmovc v30;
	v13 =	vadd.f32 v13, v56;
	v12 =	vmul.f32 v12, v32;
	v16 =	vmul.f32 v40, v41;
	v40 =	vld [tilespmem:s30+$0x20]  }
0x65d: {  	v50 =	vmul.f32 v50, v35;
	v11 =	vmul.f32 v11, v42;
	v21 =	vadd.f32 v21, v52  }
0x65e: {  	v14 =	vmul.f32 v14, v61;
	v7 =	vadd.f32 v7, v15;
	v4 =	vadd.f32 v12, v4  }
0x65f: {  	v36 =	vmovc v35;
	v35 =	vmul.f32 v55, v25;
	v12 =	vmul.f32 v19, v23;
	v11 =	vadd.f32 v21, v11  }
0x660: {  	v51 =	vnsel vm0, $0x0, v10;
	v9 =	vld [tilespmem:s5+$0x80];
	v7 =	vadd.f32 v7, v14;
	v4 =	vadd.f32 v4, v50  }
0x661: {  	v50 =	vadd.f32 v13, v16;
	v11 =	vadd.f32 v11, v12;
	v15 =	vmul.f32 v40, v54  }
0x662: {  	v55 =	vsel vm6, $0x0, v10;
	v7 =	vadd.f32 v7, v20;
	v4 =	vadd.f32 v4, v35  }
0x663: {  	v11 =	vadd.f32 v11, v55;
	v40 =	vsel vm4, $0x0, v10;
	v10 =	vsel vm2, $0x0, v10;
	[tilespmem:s29+$0x20] =	vst v15  }
0x664: {  	[tilespmem:s10+$0xFFFFFFA0] =	vst v47;
	v47 =	vperm.xlane v3, v0;
	v7 =	vadd.f32 v7, v40;
	v4 =	vadd.f32 v4, v10;
	v10 =	vld [tilespmem:s30+$0x30]  }
0x665: {  	[tilespmem:s24+$0xFFFFFFF0] =	vst v45;
	v48 =	vld [tilespmem:s5+$0xFFFFFFC0];
	v12 =	vadd.f32 v50, v51;
	v52 =	vsel vm5, $0x0, v9;
	v35 =	vsel vm7, $0x0, v9  }
0x666: {  	[tilespmem:s17+$0xFFFFFF70] =	vst v37;
	v56 =	vld [tilespmem:s25+$0xFFFFFF80];
	v40 =	vsel vm3, $0x0, v9;
	v11 =	vadd.f32 v11, v35;
	v7 =	vadd.f32 v7, v52  }
0x667: {  	[tilespmem:s14+$0xFFFFFF80] =	vst v43;
	v5 =	vadd.f32 v5, v53;
	v18 =	vld [tilespmem:s4+$0xFFFFFFE0];
	v8 =	vsel vm1, $0x0, v9;
	v4 =	vadd.f32 v4, v40  }
0x668: {  	[tilespmem:s11+$0xFFFFFF90] =	vst v46;
	v19 =	vld [tilespmem:s5+$0xFFFFFFD0];
	v8 =	vadd.f32 v12, v8;
	v46 =	vperm.xlane v11, v0;
	v43 =	vperm.xlane v7, v0  }
0x669: {  	v3 =	vadd.f32 v3, v47;
	v14 =	vld [tilespmem:s18+$0xFFFFFF90];
	v51 =	vperm.xlane v4, v0;
	v10 =	vmul.f32 v10, v54  }
0x66a: {  	v16 =	vld [tilespmem:s12+$0xFFFFFFB0];
	v21 =	vperm.xlane v8, v0;
	v11 =	vadd.f32 v11, v46;
	v7 =	vadd.f32 v7, v43  }
0x66b: {  	vm11 =	vgt.f32 v17, $0.0e+00;
	v49 =	vmul.f32 v56, v38;
	v13 =	vld [tilespmem:s5+$0xFFFFFFB0];
	v4 =	vadd.f32 v4, v51;
	[tilespmem:s29+$0x30] =	vst v10  }
0x66c: {  	v8 =	vadd.f32 v8, v21;
	v21 =	vperm.xlane v11, v1;
	v52 =	vperm.xlane v7, v1;
	v54 =	vld [tilespmem:s30+$0x40]  }
0x66d: {  	v30 =	vmovc v25;
	v25 =	vimm.s32 $0x8;
	v56 =	vperm.xlane v6, v1;
	v20 =	vld [tilespmem:s15+$0xFFFFFFC0];
	v10 =	vperm.xlane v4, v1  }
0x66e: {  	v12 =	vld [tilespmem:s4+$0xFFFFFFB0];
	v55 =	vperm.xlane v8, v1;
	v11 =	vadd.f32 v11, v21;
	v7 =	vadd.f32 v7, v52  }
0x66f: {  	v6 =	vadd.f32 v6, v56;
	v9 =	vld [tilespmem:s16+$0xFFFFFFA0];
	v35 =	vperm.xlane v44, v25;
	v4 =	vadd.f32 v4, v10  }
0x670: {  	v15 =	vld [tilespmem:s4+$0xFFFFFFC0];
	v8 =	vadd.f32 v8, v55;
	v7 =	vsel vm8, v11, v7;
	v11 =	vperm.xlane v2, v1  }
0x671: {  	v21 =	vmul.f32 $2.000000030e-01, v17;
	v10 =	vld [tilespmem:s4+$0xFFFFFFD0];
	v4 =	vsel vm9, v7, v4;
	v37 =	vmul.f32 v54, v35  }
0x672: {  	v7 =	vperm.xlane v5, v1;
	v4 =	vsel vm10, v8, v4;
	v8 =	vld [tilespmem:s5+$0xFFFFFFE0];
	v2 =	vadd.f32 v2, v11  }
0x673: {  	v53 =	vperm.xlane v3, v1;
	v11 =	vsel vm11, v17, v21;
	v52 =	vperm.xlane v4, v26;
	v54 =	vld [tilespmem:$0x1FC30];
	[tilespmem:s29+$0x40] =	vst v37  }
0x674: {  	v5 =	vadd.f32 v5, v7;
	v2 =	vsel vm8, v2, v6;
	v6 =	vmul.f32 $1.442695020e+00, v11;
	v11 =	vld [tilespmem:s30+$0x50]  }
0x675: {  	v3 =	vadd.f32 v3, v53;
	v4 =	vadd.f32 v4, v52;
	v40 =	vld [tilespmem:$0x1FC40]  }
0x676: {  	v56 =	vperm.xlane v45, v25;
	v2 =	vsel vm9, v2, v5;
	v5 =	vperm.xlane v45, v58;
	v25 =	vld [tilespmem:$0x1FC60]  }
0x677: {  	v7 =	vld [tilespmem:s4+$0xFFFFFF90];
	v2 =	vsel vm10, v3, v2;
	(erf) = vpow2.f32 v6;
	v55 =	vperm.xlane v4, v59  }
0x678: {  	v39 =	vmovc v24;
	v24 =	vimm.s32 $0xC;
	v6 =	vperm.xlane v2, v26;
	v46 =	vmul.f32 v14, v54;
	v14 =	vld [tilespmem:s4+$0xFFFFFFA0];
	[tilespmem:$0x1FCE0] =	vst v5  }
0x679: {  	v22 =	vmul.f32 v16, v22;
	v44 =	vperm.xlane v44, v24;
	v5 =	vld [tilespmem:s5+$0xFFFFFF90];
	v4 =	vadd.f32 v4, v55  }
0x67a: {  	v3 =	vld [tilespmem:s5+$0xFFFFFFA0];
	v2 =	vadd.f32 v2, v6;
	v6 =	vperm.xlane v45, v24;
	v50 =	vmul.f32 v9, v40  }
0x67b: {  	v9 =	vld [tilespmem:s4+$0xFFFFFF70];
	[tilespmem:$0x1FC50] =	vst v56;
	v47 =	vmul.f32 v20, v25;
	v20 =	vsub.f32 v13, v12;
	v11 =	vmul.f32 v11, v35  }
0x67c: {  	v21 =	vmul.f32 $2.000000030e-01, v4;
	vm11 =	vgt.f32 v4, $0.0e+00;
	v35 =	vsub.f32 v48, v15;
	v16 =	vld [tilespmem:s4+$0xFFFFFF80]  }
0x67d: {  	v12 =	vmul.f32 v13, v12;
	v15 =	vmul.f32 v48, v15;
	v17 =	vld [tilespmem:s5+$0xFFFFFF70];
	[tilespmem:$0x1FC70] =	vst v6;
	v20 =	vand.u32 $0x7FFFFFFF, v20  }
0x67e: {  	[tilespmem:s29+$0x50] =	vst v11;
	v4 =	vsel vm11, v4, v21;
	v11 =	vsub.f32 v19, v10;
	v21 =	vsub.f32 v8, v18  }
0x67f: {  	v45 =	vand.u32 $0x7FFFFFFF, v35;
	v10 =	vmul.f32 v19, v10;
	v12 =	vmul.f32 v12, v61  }
0x680: {  	v35 =	vimm.s32 $0xC;
	v8 =	vmul.f32 v8, v18;
	v4 =	vmul.f32 $1.442695020e+00, v4  }
0x681: {  	v51 =	vld [tilespmem:s30+$0x60];
	v52 =	vsub.f32 v5, v7;
	v20 =	vmul.f32 v20, v29;
	v45 =	vmul.f32 v45, v28  }
0x682: {  	v6 =	vld [tilespmem:s5+$0xFFFFFF80];
	v53 =	vsub.f32 v3, v14;
	v5 =	vmul.f32 v5, v7;
	v3 =	vmul.f32 v3, v14  }
0x683: {  	v11 =	vand.u32 $0x7FFFFFFF, v11;
	v10 =	vmul.f32 v10, v42;
	(erf) = vpow2.f32 v4  }
0x684: {  	v21 =	vand.u32 $0x7FFFFFFF, v21;
	v8 =	vmul.f32 v8, v23;
	v11 =	vmul.f32 v11, v33  }
0x685: {  	v52 =	vand.u32 $0x7FFFFFFF, v52;
	v21 =	vmul.f32 v21, v57;
	v5 =	vmul.f32 v5, v36  }
0x686: {  	v53 =	vand.u32 $0x7FFFFFFF, v53;
	v3 =	vmul.f32 v3, v30;
	v51 =	vmul.f32 v51, v44  }
0x687: {  	s22 =	simm.s32 $0x61B0;
	v55 =	vld [tilespmem:s4+$0xFFFFFFF0];
	v4 =	vsub.f32 v17, v9;
	v43 =	vmul.f32 v52, v34;
	v37 =	vsub.f32 v6, v16  }
0x688: {  	v18 =	vld [tilespmem:s22+$0x0];
	v20 =	vadd.f32 v45, v20;
	v56 =	vmul.f32 v53, v32;
	v9 =	vmul.f32 v17, v9;
	[tilespmem:s29+$0x60] =	vst v51  }
0x689: {  	s6 =	simm.s32 $0x4B30;
	v11 =	vadd.f32 v21, v11;
	v4 =	vand.u32 $0x7FFFFFFF, v4;
	v13 =	vand.u32 $0x7FFFFFFF, v37;
	v7 =	vld [tilespmem:s30+$0x70]  }
0x68a: {  	v14 =	vld [tilespmem:s6+$0x20];
	v12 =	vadd.f32 v20, v12;
	v4 =	vmul.f32 v4, v60;
	v13 =	vmul.f32 v13, v27  }
0x68b: {  	v17 =	vld [tilespmem:s6+$0x0];
	v45 =	vpop (erf);
	v6 =	vmul.f32 v6, v16;
	v19 =	vadd.f32 v56, v43;
	v9 =	vmul.f32 v9, v39  }
0x68c: {  	s3 =	simm.s32 $0x8B10;
	v37 =	vld [tilespmem:s5+$0xFFFFFFF0];
	v10 =	vadd.f32 v11, v10;
	v11 =	vmul.f32 v15, v63;
	v4 =	vadd.f32 v13, v4;
	v51 =	vpop (erf)  }
0x68d: {  	s4 =	simm.s32 $0x7620;
	v53 =	vld [tilespmem:s6+$0x10];
	v21 =	vsel vm4, $0x0, v55;
	v6 =	vmul.f32 v6, v41;
	v5 =	vadd.f32 v19, v5;
	[tilespmem:s3+$0x80] =	vst v51  }
0x68e: {  	v11 =	vadd.f32 v12, v11;
	v4 =	vadd.f32 v4, v9;
	v44 =	vmul.f32 v7, v44;
	v7 =	vld [tilespmem:s4+$0x0]  }
0x68f: {  	v52 =	vld [tilespmem:s22+$0x60];
	v48 =	vsel vm2, $0x0, v55;
	v8 =	vadd.f32 v10, v8;
	v3 =	vadd.f32 v5, v3  }
0x690: {  	v54 =	vnsel vm0, $0x0, v55;
	v20 =	vld [tilespmem:s6+$0x50];
	v11 =	vadd.f32 v11, v21;
	v4 =	vadd.f32 v4, v6  }
0x691: {  	v19 =	vld [tilespmem:s22+$0x30];
	v3 =	vadd.f32 v3, v48;
	v15 =	vperm.xlane v51, v62;
	v6 =	vsel vm5, $0x0, v37  }
0x692: {  	v10 =	vsel vm6, $0x0, v55;
	v13 =	vld [tilespmem:s22+$0x10];
	v6 =	vadd.f32 v11, v6;
	v4 =	vadd.f32 v4, v54  }
0x693: {  	v12 =	vld [tilespmem:s22+$0x20];
	v55 =	vsel vm3, $0x0, v37;
	v56 =	vsel vm1, $0x0, v37;
	v7 =	vmul.f32 v7, v15  }
0x694: {  	v5 =	vld [tilespmem:s6+$0x40];
	v3 =	vadd.f32 v3, v55;
	v16 =	vperm.xlane v6, v0;
	v4 =	vadd.f32 v4, v56  }
0x695: {  	v8 =	vadd.f32 v8, v10;
	v10 =	vld [tilespmem:s22+$0x40];
	[tilespmem:s3+$0x0] =	vst v7;
	v7 =	vsel vm7, $0x0, v37;
	v37 =	vperm.xlane v2, v59  }
0x696: {  	v21 =	vld [tilespmem:s6+$0x70];
	v55 =	vperm.xlane v3, v0;
	v6 =	vadd.f32 v6, v16;
	v16 =	vperm.xlane v4, v0  }
0x697: {  	v54 =	vld [tilespmem:s22+$0x70];
	v7 =	vadd.f32 v8, v7;
	v2 =	vadd.f32 v2, v37;
	v37 =	vmul.f32 v13, v53  }
0x698: {  	v11 =	vld [tilespmem:s4+$0x10];
	v13 =	vsub.f32 v13, v53;
	v53 =	vmul.f32 v12, v14;
	v12 =	vsub.f32 v12, v14  }
0x699: {  	v48 =	vperm.xlane v45, v62;
	v3 =	vadd.f32 v3, v55;
	v8 =	vld [tilespmem:s22+$0x50];
	v43 =	vperm.xlane v7, v0  }
0x69a: {  	v56 =	vld [tilespmem:s6+$0x60];
	v4 =	vadd.f32 v4, v16;
	v13 =	vand.u32 $0x7FFFFFFF, v13;
	v12 =	vand.u32 $0x7FFFFFFF, v12  }
0x69b: {  	v9 =	vld [tilespmem:s6+$0x30];
	v53 =	vmul.f32 v53, v36;
	v7 =	vadd.f32 v7, v43;
	v43 =	vmul.f32 v10, v5  }
0x69c: {  	vm11 =	vgt.f32 v2, $0.0e+00;
	v13 =	vmul.f32 v13, v27;
	v12 =	vmul.f32 v12, v34  }
0x69d: {  	v5 =	vsub.f32 v10, v5;
	v11 =	vmul.f32 v11, v15;
	v15 =	vmul.f32 v18, v17  }
0x69e: {  	v17 =	vsub.f32 v18, v17;
	v10 =	vmul.f32 v8, v20;
	v8 =	vsub.f32 v8, v20  }
0x69f: {  	v20 =	vmul.f32 v52, v56;
	v52 =	vsub.f32 v52, v56;
	v56 =	vmul.f32 v54, v21  }
0x6a0: {  	v21 =	vsub.f32 v54, v21;
	v54 =	vmul.f32 v19, v9;
	v18 =	vmul.f32 v37, v41  }
0x6a1: {  	v9 =	vsub.f32 v19, v9;
	v5 =	vand.u32 $0x7FFFFFFF, v5;
	v14 =	vmul.f32 v43, v61  }
0x6a2: {  	v16 =	vperm.xlane v7, v1;
	v8 =	vand.u32 $0x7FFFFFFF, v8;
	v52 =	vand.u32 $0x7FFFFFFF, v52  }
0x6a3: {  	v5 =	vmul.f32 v5, v29;
	v21 =	vand.u32 $0x7FFFFFFF, v21;
	v15 =	vmul.f32 v15, v39  }
0x6a4: {  	v19 =	vld [tilespmem:s6+$0x80];
	v17 =	vand.u32 $0x7FFFFFFF, v17;
	v10 =	vmul.f32 v10, v63;
	v20 =	vmul.f32 v20, v42  }
0x6a5: {  	v9 =	vand.u32 $0x7FFFFFFF, v9;
	v8 =	vmul.f32 v8, v28;
	v52 =	vmul.f32 v52, v33  }
0x6a6: {  	v31 =	vmovc v28;
	v21 =	vmul.f32 v21, v57;
	v17 =	vmul.f32 v17, v60;
	v28 =	vimm.s32 $0x8  }
0x6a7: {  	[tilespmem:s3+$0x10] =	vst v11;
	v9 =	vmul.f32 v9, v32;
	v55 =	vperm.xlane v51, v28;
	v5 =	vadd.f32 v8, v5  }
0x6a8: {  	v8 =	vld [tilespmem:s4+$0x20];
	v21 =	vadd.f32 v21, v52;
	v52 =	vperm.xlane v51, v58;
	v13 =	vadd.f32 v13, v17  }
0x6a9: {  	v11 =	vld [tilespmem:s22+$0x80];
	v17 =	vnsel vm0, $0x0, v19;
	v9 =	vadd.f32 v9, v12;
	v51 =	vperm.xlane v51, v35  }
0x6aa: {  	v5 =	vadd.f32 v5, v14;
	v43 =	vadd.f32 v21, v20;
	v20 =	vmul.f32 v56, v23  }
0x6ab: {  	v13 =	vadd.f32 v13, v15;
	v9 =	vadd.f32 v9, v53;
	v53 =	vmul.f32 v54, v30  }
0x6ac: {  	v54 =	vsel vm6, $0x0, v19;
	v5 =	vadd.f32 v5, v10;
	v14 =	vadd.f32 v43, v20  }
0x6ad: {  	[tilespmem:s8+$0xFFFFFFF0] =	vst v45;
	v10 =	vsel vm4, $0x0, v19;
	v9 =	vadd.f32 v9, v53;
	v8 =	vmul.f32 v8, v52  }
0x6ae: {  	v12 =	vsel vm5, $0x0, v11;
	v21 =	vld [tilespmem:s26+$0xFFFFFF80];
	v5 =	vadd.f32 v5, v10;
	v10 =	vadd.f32 v14, v54  }
0x6af: {  	v56 =	vsel vm2, $0x0, v19;
	v43 =	vsel vm7, $0x0, v11;
	[tilespmem:s3+$0x20] =	vst v8;
	v8 =	vadd.f32 v13, v18  }
0x6b0: {  	v53 =	vsel vm3, $0x0, v11;
	v9 =	vadd.f32 v9, v56;
	v15 =	vld [tilespmem:s4+$0x30];
	v10 =	vadd.f32 v10, v43  }
0x6b1: {  	v11 =	vsel vm1, $0x0, v11;
	v5 =	vadd.f32 v5, v12;
	v8 =	vadd.f32 v8, v17  }
0x6b2: {  	v20 =	vld [tilespmem:s6+$0xFFFFFFC0];
	v9 =	vadd.f32 v9, v53;
	v17 =	vmul.f32 $2.000000030e-01, v2;
	v54 =	vperm.xlane v10, v0  }
0x6b3: {  	[tilespmem:s14+$0xFFFFFF90] =	vst v50;
	v19 =	vld [tilespmem:s22+$0xFFFFFFC0];
	v13 =	vmul.f32 v21, v48;
	v8 =	vadd.f32 v8, v11;
	v11 =	vperm.xlane v5, v0  }
0x6b4: {  	v14 =	vld [tilespmem:s16+$0xFFFFFFB0];
	v56 =	vperm.xlane v9, v0;
	v2 =	vsel vm11, v2, v17;
	v10 =	vadd.f32 v10, v54  }
0x6b5: {  	[tilespmem:s24+$0xFFFFFF70] =	vst v49;
	v18 =	vld [tilespmem:s6+$0xFFFFFFB0];
	v15 =	vmul.f32 v15, v52;
	v21 =	vperm.xlane v8, v0;
	v5 =	vadd.f32 v5, v11  }
0x6b6: {  	v12 =	vld [tilespmem:s25+$0xFFFFFF90];
	v9 =	vadd.f32 v9, v56;
	v2 =	vmul.f32 $1.442695020e+00, v2;
	v11 =	vperm.xlane v6, v1  }
0x6b7: {  	v53 =	vld [tilespmem:s6+$0xFFFFFFD0];
	[tilespmem:s3+$0x30] =	vst v15;
	v8 =	vadd.f32 v8, v21;
	v43 =	vperm.xlane v5, v1;
	v21 =	vperm.xlane v10, v1  }
0x6b8: {  	v7 =	vadd.f32 v7, v16;
	v50 =	vperm.xlane v9, v1;
	(erf) = vpow2.f32 v2;
	v49 =	vld [tilespmem:s4+$0x40]  }
0x6b9: {  	v52 =	vld [tilespmem:s22+$0xFFFFFFB0];
	v54 =	vperm.xlane v8, v1;
	v5 =	vadd.f32 v5, v43;
	v10 =	vadd.f32 v10, v21  }
0x6ba: {  	v6 =	vadd.f32 v6, v11;
	v11 =	vld [tilespmem:s6+$0xFFFFFFE0];
	v9 =	vadd.f32 v9, v50;
	v43 =	vperm.xlane v3, v1  }
0x6bb: {  	v21 =	vld [tilespmem:s22+$0xFFFFFFD0];
	v8 =	vadd.f32 v8, v54;
	v5 =	vsel vm8, v10, v5;
	v10 =	vperm.xlane v4, v1  }
0x6bc: {  	v6 =	vsel vm8, v7, v6;
	v7 =	vld [tilespmem:s22+$0xFFFFFF90];
	v3 =	vadd.f32 v3, v43;
	v5 =	vsel vm9, v5, v9  }
0x6bd: {  	v54 =	vld [tilespmem:s22+$0xFFFFFFE0];
	v50 =	vmul.f32 v49, v55;
	v5 =	vsel vm10, v8, v5;
	v4 =	vadd.f32 v4, v10  }
0x6be: {  	v9 =	vld [tilespmem:s6+$0xFFFFFF90];
	v49 =	vmul.f32 v12, v38;
	v3 =	vsel vm9, v6, v3;
	v10 =	vperm.xlane v45, v58  }
0x6bf: {  	v38 =	vsub.f32 v19, v20;
	v19 =	vmul.f32 v19, v20;
	v56 =	vperm.xlane v5, v26  }
0x6c0: {  	v8 =	vld [tilespmem:s6+$0xFFFFFFA0];
	v17 =	vsub.f32 v21, v53;
	[tilespmem:s3+$0x40] =	vst v50;
	v3 =	vsel vm10, v4, v3;
	v50 =	vmul.f32 v14, v40  }
0x6c1: {  	v6 =	vld [tilespmem:s4+$0x50];
	v5 =	vadd.f32 v5, v56;
	[tilespmem:$0x1FC80] =	vst v10;
	v10 =	vsub.f32 v52, v18;
	v14 =	vperm.xlane v3, v26  }
0x6c2: {  	v43 =	vsub.f32 v54, v11;
	v18 =	vmul.f32 v52, v18;
	v17 =	vand.u32 $0x7FFFFFFF, v17;
	v2 =	vld [tilespmem:s22+$0xFFFFFFA0]  }
0x6c3: {  	v11 =	vmul.f32 v54, v11;
	v56 =	vsub.f32 v7, v9;
	v7 =	vmul.f32 v7, v9;
	v54 =	vld [tilespmem:s22+$0xFFFFFFF0]  }
0x6c4: {  	v16 =	vand.u32 $0x7FFFFFFF, v38;
	v4 =	vld [tilespmem:s6+$0xFFFFFF70];
	v17 =	vmul.f32 v17, v33;
	v12 =	vperm.xlane v5, v59  }
0x6c5: {  	v15 =	vld [tilespmem:s6+$0xFFFFFF80];
	v10 =	vand.u32 $0x7FFFFFFF, v10;
	v43 =	vand.u32 $0x7FFFFFFF, v43;
	v18 =	vmul.f32 v18, v61  }
0x6c6: {  	v40 =	vld [tilespmem:s22+$0xFFFFFF70];
	v11 =	vmul.f32 v11, v23;
	v10 =	vmul.f32 v10, v29;
	v5 =	vadd.f32 v5, v12  }
0x6c7: {  	v3 =	vadd.f32 v3, v14;
	v7 =	vmul.f32 v7, v36;
	v12 =	vld [tilespmem:s22+$0xFFFFFF80];
	v6 =	vmul.f32 v6, v55  }
0x6c8: {  	v38 =	vmul.f32 $2.000000030e-01, v5;
	vm11 =	vgt.f32 v5, $0.0e+00;
	v20 =	vsel vm3, $0x0, v54  }
0x6c9: {  	[tilespmem:s3+$0x50] =	vst v6;
	v6 =	vmul.f32 v16, v31;
	v16 =	vmul.f32 v21, v53;
	v21 =	vsub.f32 v2, v8  }
0x6ca: {  	v53 =	vmul.f32 v43, v57;
	v2 =	vmul.f32 v2, v8;
	v5 =	vsel vm11, v5, v38  }
0x6cb: {  	v38 =	vand.u32 $0x7FFFFFFF, v56;
	v6 =	vadd.f32 v6, v10;
	v5 =	vmul.f32 $1.442695020e+00, v5  }
0x6cc: {  	[tilespmem:s8+$0xFFFFFF70] =	vst v13;
	v56 =	vmul.f32 v19, v63;
	v10 =	vsub.f32 v40, v4;
	v9 =	vsub.f32 v12, v15  }
0x6cd: {  	v8 =	vld [tilespmem:s26+$0xFFFFFF90];
	v21 =	vand.u32 $0x7FFFFFFF, v21;
	v55 =	vmul.f32 v38, v34;
	(erf) = vpow2.f32 v5  }
0x6ce: {  	[tilespmem:s10+$0xFFFFFFB0] =	vst v47;
	v52 =	vld [tilespmem:s4+$0x60];
	v17 =	vadd.f32 v53, v17;
	v4 =	vmul.f32 v40, v4;
	v16 =	vmul.f32 v16, v42  }
0x6cf: {  	v40 =	vld [tilespmem:s15+$0xFFFFFFD0];
	v21 =	vmul.f32 v21, v32;
	v10 =	vand.u32 $0x7FFFFFFF, v10;
	v9 =	vand.u32 $0x7FFFFFFF, v9  }
0x6d0: {  	v5 =	vld [tilespmem:s6+$0xFFFFFFF0];
	v6 =	vadd.f32 v6, v18;
	v10 =	vmul.f32 v10, v60;
	v9 =	vmul.f32 v9, v27  }
0x6d1: {  	v2 =	vmul.f32 v2, v30;
	v16 =	vadd.f32 v17, v16;
	v21 =	vadd.f32 v21, v55  }
0x6d2: {  	s1 =	simm.s32 $0x4C50;
	v4 =	vmul.f32 v4, v39;
	v48 =	vmul.f32 v8, v48;
	v9 =	vadd.f32 v9, v10  }
0x6d3: {  	v37 =	vmovc v32;
	v18 =	vld [tilespmem:s1+$0x20];
	v52 =	vmul.f32 v52, v51;
	v6 =	vadd.f32 v6, v56;
	v7 =	vadd.f32 v21, v7  }
0x6d4: {  	[tilespmem:s17+$0xFFFFFF80] =	vst v46;
	v8 =	vld [tilespmem:s1+$0x60];
	v11 =	vadd.f32 v16, v11;
	v4 =	vadd.f32 v9, v4;
	v9 =	vmul.f32 v12, v15  }
0x6d5: {  	s5 =	simm.s32 $0x62D0;
	v46 =	vpop (erf);
	v16 =	vld [tilespmem:s1+$0x10];
	[tilespmem:s3+$0x60] =	vst v52;
	v52 =	vmul.f32 v40, v25;
	v43 =	vsel vm4, $0x0, v5;
	v2 =	vadd.f32 v7, v2  }
0x6d6: {  	s2 =	simm.s32 $0x8C30;
	v21 =	vld [tilespmem:s5+$0x30];
	v32 =	vsel vm6, $0x0, v5;
	v7 =	vsel vm2, $0x0, v5;
	v9 =	vmul.f32 v9, v41;
	v47 =	vpop (erf)  }
0x6d7: {  	s0 =	simm.s32 $0x7720;
	v40 =	vld [tilespmem:s1+$0x50];
	v5 =	vnsel vm0, $0x0, v5;
	v6 =	vadd.f32 v6, v43;
	v2 =	vadd.f32 v2, v7;
	[tilespmem:s2+$0x80] =	vst v47  }
0x6d8: {  	v24 =	vmovc v33;
	v11 =	vadd.f32 v11, v32;
	v7 =	vsel vm5, $0x0, v54;
	v4 =	vadd.f32 v4, v9;
	v33 =	vld [tilespmem:s0+$0x0]  }
0x6d9: {  	v10 =	vld [tilespmem:s4+$0x70];
	v6 =	vadd.f32 v6, v7;
	v7 =	vsel vm7, $0x0, v54;
	v2 =	vadd.f32 v2, v20  }
0x6da: {  	v55 =	vperm.xlane v3, v59;
	v12 =	vld [tilespmem:s1+$0x0];
	v4 =	vadd.f32 v4, v5;
	v5 =	vadd.f32 v11, v7  }
0x6db: {  	v13 =	vsel vm1, $0x0, v54;
	v15 =	vld [tilespmem:s5+$0x0];
	v19 =	vperm.xlane v47, v62;
	v11 =	vperm.xlane v6, v0  }
0x6dc: {  	v9 =	vld [tilespmem:s5+$0x10];
	v43 =	vperm.xlane v2, v0;
	v38 =	vperm.xlane v5, v0;
	v4 =	vadd.f32 v4, v13  }
0x6dd: {  	v3 =	vadd.f32 v3, v55;
	v20 =	vld [tilespmem:s5+$0x20];
	v6 =	vadd.f32 v6, v11;
	v17 =	vmul.f32 v33, v19  }
0x6de: {  	v7 =	vld [tilespmem:s1+$0x30];
	v2 =	vadd.f32 v2, v43;
	v5 =	vadd.f32 v5, v38;
	v56 =	vperm.xlane v4, v0  }
0x6df: {  	v25 =	vimm.s32 $0x8;
	v51 =	vmul.f32 v10, v51;
	v11 =	vld [tilespmem:s1+$0x40];
	v38 =	vperm.xlane v6, v1;
	[tilespmem:s2+$0x0] =	vst v17  }
0x6e0: {  	v43 =	vperm.xlane v2, v1;
	v10 =	vperm.xlane v5, v1;
	v4 =	vadd.f32 v4, v56;
	v14 =	vld [tilespmem:s0+$0x10]  }
0x6e1: {  	v32 =	vmul.f32 v15, v12;
	v12 =	vsub.f32 v15, v12;
	v13 =	vld [tilespmem:s5+$0x50];
	v6 =	vadd.f32 v6, v38  }
0x6e2: {  	v55 =	vadd.f32 v2, v43;
	v43 =	vld [tilespmem:s5+$0x70];
	v5 =	vadd.f32 v5, v10;
	v2 =	vperm.xlane v4, v1  }
0x6e3: {  	vm11 =	vgt.f32 v3, $0.0e+00;
	v12 =	vand.u32 $0x7FFFFFFF, v12;
	v38 =	vmul.f32 $2.000000030e-01, v3;
	v17 =	vld [tilespmem:s5+$0x40]  }
0x6e4: {  	v4 =	vadd.f32 v4, v2;
	v5 =	vsel vm8, v5, v6;
	v2 =	vld [tilespmem:s5+$0x60];
	v6 =	vmul.f32 v9, v16  }
0x6e5: {  	v10 =	vld [tilespmem:s1+$0x70];
	v9 =	vsub.f32 v9, v16;
	v16 =	vmul.f32 v20, v18;
	v14 =	vmul.f32 v14, v19  }
0x6e6: {  	v18 =	vsub.f32 v20, v18;
	v20 =	vmul.f32 v13, v40;
	v13 =	vsub.f32 v13, v40  }
0x6e7: {  	v12 =	vmul.f32 v12, v60;
	v56 =	vperm.xlane v45, v25;
	v33 =	vld [tilespmem:$0x1FC90];
	v3 =	vsel vm11, v3, v38;
	[tilespmem:s2+$0x10] =	vst v14  }
0x6e8: {  	v13 =	vand.u32 $0x7FFFFFFF, v13;
	v16 =	vmul.f32 v16, v36;
	v14 =	vmul.f32 v21, v7;
	v38 =	vld [tilespmem:s0+$0x20]  }
0x6e9: {  	v7 =	vsub.f32 v21, v7;
	v54 =	vmul.f32 v2, v8;
	v2 =	vsub.f32 v2, v8  }
0x6ea: {  	v21 =	vmul.f32 v17, v11;
	v8 =	vmul.f32 v43, v10;
	v10 =	vsub.f32 v43, v10  }
0x6eb: {  	v11 =	vsub.f32 v17, v11;
	v17 =	vperm.xlane v47, v58;
	v2 =	vand.u32 $0x7FFFFFFF, v2  }
0x6ec: {  	v6 =	vmul.f32 v6, v41;
	v10 =	vand.u32 $0x7FFFFFFF, v10;
	v2 =	vmul.f32 v2, v24  }
0x6ed: {  	v9 =	vand.u32 $0x7FFFFFFF, v9;
	v10 =	vmul.f32 v10, v57;
	v15 =	vmul.f32 v38, v17  }
0x6ee: {  	v13 =	vmul.f32 v13, v31;
	v9 =	vmul.f32 v9, v27  }
0x6ef: {  	v7 =	vand.u32 $0x7FFFFFFF, v7;
	v2 =	vadd.f32 v10, v2;
	v10 =	vld [tilespmem:s1+$0x80];
	v38 =	vand.u32 $0x7FFFFFFF, v18;
	[tilespmem:s2+$0x20] =	vst v15  }
0x6f0: {  	v11 =	vand.u32 $0x7FFFFFFF, v11;
	v7 =	vmul.f32 v7, v37;
	v15 =	vmul.f32 v38, v34;
	v40 =	vld [tilespmem:s0+$0x30]  }
0x6f1: {  	[tilespmem:s11+$0xFFFFFFA0] =	vst v22;
	v54 =	vmul.f32 v54, v42;
	v11 =	vmul.f32 v11, v29  }
0x6f2: {  	[tilespmem:s29+$0xFFFFFFF0] =	vst v46;
	v43 =	vld [tilespmem:s12+$0xFFFFFFC0];
	v9 =	vadd.f32 v9, v12;
	v38 =	vmul.f32 v32, v39;
	v7 =	vadd.f32 v7, v15  }
0x6f3: {  	v8 =	vmul.f32 v8, v23;
	v11 =	vadd.f32 v13, v11;
	v18 =	vadd.f32 v2, v54;
	v28 =	vld [tilespmem:$0x1FCA0]  }
0x6f4: {  	v53 =	vld [tilespmem:s18+$0xFFFFFFA0];
	v14 =	vmul.f32 v14, v30;
	v9 =	vadd.f32 v9, v38;
	v7 =	vadd.f32 v7, v16  }
0x6f5: {  	v8 =	vadd.f32 v18, v8;
	v54 =	vnsel vm0, $0x0, v10;
	v15 =	vmul.f32 v40, v17  }
0x6f6: {  	v6 =	vadd.f32 v9, v6;
	v9 =	vsel vm6, $0x0, v10;
	v17 =	vld [tilespmem:s5+$0x80];
	v7 =	vadd.f32 v7, v14  }
0x6f7: {  	v40 =	vperm.xlane v45, v35;
	v45 =	vsel vm4, $0x0, v10;
	v10 =	vsel vm2, $0x0, v10;
	[tilespmem:s2+$0x30] =	vst v15  }
0x6f8: {  	v12 =	vmul.f32 v43, v28;
	v43 =	vmul.f32 v21, v61;
	v7 =	vadd.f32 v7, v10;
	v10 =	vld [tilespmem:s0+$0x40]  }
0x6f9: {  	v53 =	vmul.f32 v53, v33  }
0x6fa: {  	v32 =	vmul.f32 v20, v63;
	v8 =	vadd.f32 v8, v9;
	v11 =	vadd.f32 v11, v43  }
0x6fb: {  	v19 =	vperm.xlane v47, v25;
	[tilespmem:s17+$0xFFFFFF90] =	vst v53;
	v53 =	vsel vm7, $0x0, v17  }
0x6fc: {  	v11 =	vadd.f32 v11, v32;
	v8 =	vadd.f32 v8, v53  }
0x6fd: {  	v10 =	vmul.f32 v10, v19  }
0x6fe: {  	v11 =	vadd.f32 v11, v45;
	v45 =	vperm.xlane v8, v0  }
0x6ff: {  	[tilespmem:s2+$0x40] =	vst v10  }
0x700: {  	v8 =	vadd.f32 v8, v45;
	v45 =	vld [tilespmem:s0+$0x50]  }
0x701: {  	v13 =	vld [tilespmem:s30+$0xFFFFFF80]  }
0x702: {  	[tilespmem:s11+$0xFFFFFFB0] =	vst v12  }
0x703: {  	v14 =	vld [tilespmem:s12+$0xFFFFFFD0]  }
0x704: {  	v43 =	vperm.xlane v46, v62  }
0x705: {  	[tilespmem:s24+$0xFFFFFF80] =	vst v49;
	v9 =	vld [tilespmem:s1+$0xFFFFFFB0];
	v19 =	vmul.f32 v45, v19  }
0x706: {  	[tilespmem:s14+$0xFFFFFFA0] =	vst v50;
	v2 =	vmul.f32 v13, v43;
	v13 =	vld [tilespmem:s5+$0xFFFFFFB0];
	v38 =	vsel vm5, $0x0, v17  }
0x707: {  	v6 =	vadd.f32 v6, v54;
	v54 =	vsel vm3, $0x0, v17;
	v11 =	vadd.f32 v11, v38;
	[tilespmem:s2+$0x50] =	vst v19  }
0x708: {  	v7 =	vadd.f32 v7, v54;
	v14 =	vmul.f32 v14, v28;
	v28 =	vld [tilespmem:$0x1FCB0]  }
0x709: {  	v32 =	vsel vm1, $0x0, v17;
	v38 =	vperm.xlane v11, v0  }
0x70a: {  	v3 =	vmul.f32 $1.442695020e+00, v3;
	v18 =	vld [tilespmem:s5+$0xFFFFFFC0];
	v6 =	vadd.f32 v6, v32;
	v20 =	vperm.xlane v7, v0  }
0x70b: {  	v12 =	vld [tilespmem:s18+$0xFFFFFFB0];
	v11 =	vadd.f32 v11, v38;
	v38 =	vsub.f32 v13, v9  }
0x70c: {  	(erf) = vpow2.f32 v3;
	v15 =	vld [tilespmem:s1+$0xFFFFFFC0];
	v53 =	vperm.xlane v6, v0;
	v7 =	vadd.f32 v7, v20  }
0x70d: {  	v3 =	vld [tilespmem:s1+$0xFFFFFFE0];
	v20 =	vperm.xlane v8, v1;
	v54 =	vperm.xlane v11, v1;
	v16 =	vand.u32 $0x7FFFFFFF, v38;
	[tilespmem:s11+$0x70] =	vst v28  }
0x70e: {  	v6 =	vadd.f32 v6, v53;
	v16 =	vmul.f32 v16, v29;
	v29 =	vld [tilespmem:$0x1FCC0]  }
0x70f: {  	v5 =	vsel vm9, v5, v55;
	v21 =	vld [tilespmem:s1+$0xFFFFFFD0];
	v8 =	vadd.f32 v8, v20;
	v11 =	vadd.f32 v11, v54  }
0x710: {  	v4 =	vsel vm10, v4, v5;
	v17 =	vld [tilespmem:s5+$0xFFFFFFD0];
	v5 =	vmul.f32 v12, v33;
	v10 =	vperm.xlane v7, v1  }
0x711: {  	v12 =	vld [tilespmem:s1+$0xFFFFFF90];
	v55 =	vperm.xlane v6, v1;
	v8 =	vsel vm8, v8, v11;
	v11 =	vsub.f32 v18, v15  }
0x712: {  	v33 =	vld [tilespmem:s5+$0xFFFFFF90];
	v7 =	vadd.f32 v7, v10  }
0x713: {  	v10 =	vld [tilespmem:s5+$0xFFFFFFE0];
	v6 =	vadd.f32 v6, v55;
	v11 =	vand.u32 $0x7FFFFFFF, v11;
	[tilespmem:s14+$0x70] =	vst v29  }
0x714: {  	v20 =	vperm.xlane v4, v26;
	v7 =	vsel vm9, v8, v7;
	v11 =	vmul.f32 v11, v31;
	v31 =	vld [tilespmem:$0x1FCD0]  }
0x715: {  	v6 =	vsel vm10, v6, v7  }
0x716: {  	v53 =	vld [tilespmem:s1+$0xFFFFFF80];
	v55 =	vadd.f32 v4, v20;
	v20 =	vperm.xlane v6, v26  }
0x717: {  	v4 =	vld [tilespmem:s1+$0xFFFFFFA0];
	v54 =	vsub.f32 v33, v12;
	v7 =	vsub.f32 v17, v21  }
0x718: {  	v9 =	vmul.f32 v13, v9;
	v13 =	vld [tilespmem:s0+$0x60];
	v6 =	vadd.f32 v6, v20;
	v20 =	vsub.f32 v10, v3  }
0x719: {  	v47 =	vperm.xlane v47, v35;
	v8 =	vld [tilespmem:s5+$0xFFFFFFA0];
	[tilespmem:s17+$0x70] =	vst v31  }
0x71a: {  	v49 =	vand.u32 $0x7FFFFFFF, v54;
	v7 =	vand.u32 $0x7FFFFFFF, v7;
	v20 =	vand.u32 $0x7FFFFFFF, v20;
	v50 =	vld [tilespmem:$0x1FD00]  }
0x71b: {  	v11 =	vadd.f32 v11, v16;
	v16 =	vld [tilespmem:s1+$0xFFFFFF70];
	v7 =	vmul.f32 v7, v24;
	v20 =	vmul.f32 v20, v57  }
0x71c: {  	v28 =	vld [tilespmem:s5+$0xFFFFFF70]  }
0x71d: {  	v13 =	vmul.f32 v13, v47;
	v7 =	vadd.f32 v20, v7;
	v20 =	vld [tilespmem:s5+$0xFFFFFF80]  }
0x71e: {  	v57 =	vmul.f32 v49, v34;
	v49 =	vmov v37;
	v29 =	vperm.xlane v6, v59;
	v37 =	vld [tilespmem:$0x1FCE0]  }
0x71f: {  	v25 =	vimm.s32 $0x8;
	v17 =	vmul.f32 v17, v21;
	v21 =	vsub.f32 v8, v4;
	v32 =	vld [tilespmem:$0x1FCF0];
	[tilespmem:s24+$0x70] =	vst v50  }
0x720: {  	v9 =	vmul.f32 v9, v61;
	v12 =	vmul.f32 v33, v12;
	v6 =	vadd.f32 v6, v29;
	v29 =	vld [tilespmem:$0x1FD10];
	[tilespmem:s2+$0x60] =	vst v13  }
0x721: {  	v45 =	vld [tilespmem:s25+$0xFFFFFFA0];
	v15 =	vmul.f32 v18, v15;
	v26 =	vperm.xlane v46, v25;
	v21 =	vand.u32 $0x7FFFFFFF, v21;
	[tilespmem:s10+$0xFFFFFFC0] =	vst v52  }
0x722: {  	v24 =	vperm.xlane v46, v58;
	v21 =	vmul.f32 v21, v49;
	[tilespmem:s29+$0x70] =	vst v44  }
0x723: {  	v33 =	vpop (erf);
	v19 =	vld [tilespmem:s16+$0xFFFFFFC0];
	v3 =	vmul.f32 v10, v3;
	v4 =	vmul.f32 v8, v4;
	v54 =	vsub.f32 v28, v16;
	[tilespmem:s3+$0x70] =	vst v51  }
0x724: {  	v21 =	vadd.f32 v21, v57;
	v16 =	vmul.f32 v28, v16;
	v57 =	vld [tilespmem:s1+$0xFFFFFFF0];
	v28 =	vmul.f32 $2.000000030e-01, v6;
	[tilespmem:s3+$0xFFFFFFF0] =	vst v33  }
0x725: {  	v10 =	vsub.f32 v20, v53;
	vm11 =	vgt.f32 v6, $0.0e+00;
	v13 =	vand.u32 $0x7FFFFFFF, v54;
	v54 =	vld [tilespmem:s5+$0xFFFFFFF0];
	[tilespmem:s29+$0xFFFFFF70] =	vst v2  }
0x726: {  	v9 =	vadd.f32 v11, v9;
	v6 =	vsel vm11, v6, v28;
	v38 =	vmul.f32 v45, v37;
	[tilespmem:s8+$0xFFFFFF80] =	vst v48;
	v45 =	vld [tilespmem:s0+$0x70]  }
0x727: {  	v11 =	vmul.f32 v12, v36;
	v8 =	vand.u32 $0x7FFFFFFF, v10;
	v6 =	vmul.f32 $1.442695020e+00, v6;
	v49 =	vld [tilespmem:s15+$0xFFFFFFE0];
	[tilespmem:s8+$0x70] =	vst v29  }
0x728: {  	v2 =	vmul.f32 v8, v27;
	v10 =	vmul.f32 v13, v60;
	v22 =	vld [tilespmem:$0x1FD20]  }
0x729: {  	v61 =	vmul.f32 v20, v53;
	(erf) = vpow2.f32 v6;
	v50 =	vld [tilespmem:s4+$0xFFFFFF80]  }
0x72a: {  	v6 =	vmul.f32 v16, v39;
	v60 =	vmul.f32 v17, v42;
	v44 =	vld [tilespmem:s26+$0xFFFFFFA0];
	v2 =	vadd.f32 v2, v10  }
0x72b: {  	v19 =	vmul.f32 v19, v32;
	v8 =	vmul.f32 v45, v47;
	v45 =	vld [tilespmem:s30+$0xFFFFFF90];
	[tilespmem:s24+$0xFFFFFF90] =	vst v38  }
0x72c: {  	v7 =	vadd.f32 v7, v60;
	v2 =	vadd.f32 v2, v6;
	v6 =	vmul.f32 v3, v23;
	[tilespmem:s17+$0xFFFFFFA0] =	vst v5;
	v42 =	vld [tilespmem:s25+$0xFFFFFFB0]  }
0x72d: {  	v10 =	vadd.f32 v21, v11;
	v5 =	vmul.f32 v15, v63;
	[tilespmem:s14+$0xFFFFFFB0] =	vst v19;
	v38 =	vld [tilespmem:s18+$0xFFFFFFC0];
	v11 =	vmul.f32 v49, v22  }
0x72e: {  	v28 =	vperm.xlane v46, v35;
	v46 =	vsel vm2, $0x0, v57;
	[tilespmem:s11+$0xFFFFFFC0] =	vst v14;
	v63 =	vmul.f32 v4, v30;
	v47 =	vld [tilespmem:s16+$0xFFFFFFD0]  }
0x72f: {  	s22 =	simm.s32 $0x7720;
	v3 =	vsel vm4, $0x0, v57;
	v48 =	vld [tilespmem:s12+$0xFFFFFFE0];
	v4 =	vadd.f32 v9, v5;
	v5 =	vadd.f32 v7, v6;
	[tilespmem:s10+$0xFFFFFFD0] =	vst v11  }
0x730: {  	s6 =	simm.s32 $0x63F0;
	s5 =	simm.s32 $0x12;
	v7 =	vsel vm6, $0x0, v57;
	[tilespmem:s2+$0x70] =	vst v8;
	v8 =	vmul.f32 v61, v41;
	v6 =	vadd.f32 v10, v63;
	v49 =	vld [tilespmem:s15+$0xFFFFFFF0];
	s15 =	simm.s32 $0x8C30  }
.LBB2_7:
0x731: {  	v51 =	vld [tilespmem:s6+$0x80]  }
0x732: {  	v12 =	vld [tilespmem:s6+$0x10]  }
0x733: {  	v27 =	vld [tilespmem:$0x1FF00]  }
0x734: {  	v31 =	vld [tilespmem:$0x1FF40]  }
0x735: {  	s1 =	sadd.s32 $0x120, s1;
	v30 =	vld [tilespmem:$0x1FF80]  }
0x736: {  	v13 =	vperm.xlane v33, v62;
	v3 =	vadd.f32 v4, v3;
	v53 =	vld [tilespmem:s1+$0x80]  }
0x737: {  	v4 =	vadd.f32 v5, v7;
	v2 =	vadd.f32 v2, v8;
	v7 =	vld [tilespmem:s1+$0x0]  }
0x738: {  	v9 =	vnsel vm0, $0x0, v57;
	v5 =	vadd.f32 v6, v46;
	v10 =	vld [tilespmem:s1+$0x10];
	v21 =	vmov v13  }
0x739: {  	v2 =	vadd.f32 v2, v9;
	[tilespmem:$0x1FB80] =	vst v21;
	v21 =	vld [tilespmem:$0x1FC80];
	v6 =	vsel vm5, $0x0, v54;
	v8 =	vsel vm3, $0x0, v54  }
0x73a: {  	s2 =	sadd.s32 $0x120, s2;
	v34 =	vmul.f32 v45, v43;
	v43 =	vld [tilespmem:$0x1FFF0];
	v3 =	vadd.f32 v3, v6;
	v6 =	vsel vm7, $0x0, v54;
	v46 =	vpop (erf)  }
0x73b: {  	v5 =	vadd.f32 v5, v8;
	v4 =	vadd.f32 v4, v6;
	v6 =	vld [tilespmem:s6+$0x0];
	[tilespmem:s2+$0x80] =	vst v46  }
0x73c: {  	v9 =	vsel vm1, $0x0, v54;
	v11 =	vperm.xlane v55, v59;
	v15 =	vld [tilespmem:s1+$0x20]  }
0x73d: {  	v2 =	vadd.f32 v2, v9;
	v8 =	vperm.xlane v3, v0;
	v14 =	vperm.xlane v5, v0;
	v17 =	vld [tilespmem:s1+$0x30]  }
0x73e: {  	s0 =	sadd.s32 $0x100, s0;
	v11 =	vadd.f32 v55, v11;
	v9 =	vperm.xlane v4, v0;
	v19 =	vld [tilespmem:s6+$0x20]  }
0x73f: {  	v16 =	vperm.xlane v2, v0;
	v3 =	vadd.f32 v3, v8;
	v8 =	vld [tilespmem:s0+$0x0];
	v5 =	vadd.f32 v5, v14  }
0x740: {  	v20 =	vperm.xlane v46, v62;
	v63 =	vld [tilespmem:s1+$0x40];
	v4 =	vadd.f32 v4, v9;
	v9 =	vmul.f32 v50, v13  }
0x741: {  	v35 =	vld [tilespmem:s6+$0x40];
	v60 =	vperm.xlane v3, v1;
	v23 =	vperm.xlane v5, v1  }
0x742: {  	v18 =	vmul.f32 $2.000000030e-01, v11;
	v2 =	vadd.f32 v2, v16;
	v16 =	vld [tilespmem:s1+$0x50];
	v61 =	vperm.xlane v4, v1  }
0x743: {  	v25 =	vmul.f32 v44, v21;
	[tilespmem:s3+$0xFFFFFF70] =	vst v9;
	v9 =	vld [tilespmem:s6+$0x30];
	v3 =	vadd.f32 v3, v60;
	v5 =	vadd.f32 v5, v23  }
0x744: {  	[tilespmem:s29+$0xFFFFFF80] =	vst v34;
	v23 =	vimm.s32 $0x8;
	v34 =	vld [tilespmem:$0x1FFC0];
	v4 =	vadd.f32 v4, v61;
	v8 =	vmul.f32 v8, v20  }
0x745: {  	vm11 =	vgt.f32 v11, $0.0e+00;
	v39 =	vperm.xlane v33, v23;
	[tilespmem:s8+$0xFFFFFF90] =	vst v25;
	v23 =	vld [tilespmem:$0x1FC10]  }
0x746: {  	v11 =	vsel vm11, v11, v18;
	v25 =	vmul.f32 v47, v32;
	v32 =	vld [tilespmem:$0x1FF60];
	v3 =	vsel vm8, v4, v3;
	[tilespmem:s2+$0x0] =	vst v8  }
0x747: {  	v11 =	vmul.f32 $1.442695020e+00, v11;
	v3 =	vsel vm9, v3, v5;
	v5 =	vld [tilespmem:s0+$0x10]  }
0x748: {  	v41 =	vperm.xlane v2, v1;
	v18 =	vld [tilespmem:s6+$0x50]  }
0x749: {  	v8 =	vperm.xlane v33, v58;
	v44 =	vld [tilespmem:s1+$0x60]  }
0x74a: {  	v2 =	vadd.f32 v2, v41;
	v45 =	vld [tilespmem:s6+$0x60]  }
0x74b: {  	(erf) = vpow2.f32 v11;
	v4 =	vmov v24;
	v11 =	vmov v8;
	v8 =	vld [tilespmem:s6+$0x70]  }
0x74c: {  	v2 =	vsel vm10, v2, v3;
	v3 =	vmul.f32 v42, v37;
	v37 =	vld [tilespmem:$0x1FF50];
	[tilespmem:$0x1FC80] =	vst v4;
	v24 =	vmov v23  }
0x74d: {  	[tilespmem:$0x1FCF0] =	vst v24;
	v24 =	vld [tilespmem:$0x1FC50]  }
0x74e: {  	v4 =	vld [tilespmem:s1+$0x70];
	[tilespmem:s24+$0xFFFFFFA0] =	vst v3;
	v3 =	vmul.f32 v38, v23  }
0x74f: {  	v5 =	vmul.f32 v5, v20;
	v20 =	vmov v39;
	v39 =	vld [tilespmem:$0x1FFD0]  }
0x750: {  	v21 =	vmov v21;
	[tilespmem:s17+$0xFFFFFFB0] =	vst v3;
	v3 =	vmul.f32 v49, v22;
	v22 =	vmov v26;
	v26 =	vld [tilespmem:$0x1FEF0]  }
0x751: {  	[tilespmem:$0x1FCE0] =	vst v21;
	v55 =	vld [tilespmem:s1+$0xFFFFFFB0]  }
0x752: {  	[tilespmem:$0x1FBB0] =	vst v22;
	v22 =	vld [tilespmem:$0x1FBF0];
	v23 =	vmov v24  }
0x753: {  	v24 =	vmov v56;
	[tilespmem:$0x1FC10] =	vst v23;
	v23 =	vld [tilespmem:$0x1FBD0]  }
0x754: {  	[tilespmem:$0x1FC50] =	vst v24;
	v24 =	vld [tilespmem:$0x1FF10]  }
0x755: {  	[tilespmem:s14+$0xFFFFFFC0] =	vst v25;
	v25 =	vld [tilespmem:$0x1FF90]  }
0x756: {  	v41 =	vmul.f32 v35, v63;
	v42 =	vmul.f32 v9, v17;
	v52 =	vld [tilespmem:s1+$0xFFFFFFC0];
	[tilespmem:s2+$0x10] =	vst v5  }
0x757: {  	v21 =	vperm.xlane v2, v43;
	[tilespmem:$0x1FBA0] =	vst v20;
	v20 =	vmul.f32 v12, v10;
	v50 =	vld [tilespmem:s0+$0x20]  }
0x758: {  	v9 =	vsub.f32 v9, v17;
	v17 =	vperm.xlane v46, v58;
	[tilespmem:$0x1FBC0] =	vst v11;
	v5 =	vmov v22;
	v22 =	vld [tilespmem:$0x1FEE0]  }
0x759: {  	v2 =	vadd.f32 v2, v21;
	v10 =	vsub.f32 v12, v10;
	v11 =	vmovc v23;
	v14 =	vmul.f32 v20, v24;
	v20 =	vld [tilespmem:$0x1FC20]  }
0x75a: {  	v12 =	vsub.f32 v19, v15;
	v21 =	vmul.f32 v48, v23;
	v23 =	vld [tilespmem:$0x1FF20];
	[tilespmem:$0x1FD20] =	vst v11;
	v11 =	vmul.f32 v6, v7  }
0x75b: {  	v6 =	vsub.f32 v6, v7;
	v7 =	vmul.f32 v19, v15;
	v15 =	vmul.f32 v41, v31;
	v41 =	vld [tilespmem:$0x1FFB0]  }
0x75c: {  	v38 =	vnsel vm0, $0x0, v53;
	v9 =	vand.u32 $0x7FFFFFFF, v9;
	v47 =	vmul.f32 v18, v16;
	[tilespmem:s11+$0xFFFFFFD0] =	vst v21;
	v21 =	vld [tilespmem:$0x1FC70]  }
0x75d: {  	v13 =	vmul.f32 v45, v44;
	v16 =	vsub.f32 v18, v16;
	[tilespmem:$0x1FB90] =	vst v2;
	v2 =	vimm.s32 $0xC;
	v59 =	vld [tilespmem:s6+$0xFFFFFFB0]  }
0x75e: {  	v57 =	vsub.f32 v45, v44;
	v2 =	vperm.xlane v33, v2;
	[tilespmem:s10+$0xFFFFFFE0] =	vst v3;
	v3 =	vsub.f32 v35, v63;
	v35 =	vld [tilespmem:$0x1FFA0]  }
0x75f: {  	v45 =	vsel vm7, $0x0, v51;
	v49 =	vmul.f32 v8, v4;
	v33 =	vpop (erf);
	v18 =	vmul.f32 v47, v37;
	[tilespmem:$0x1FBD0] =	vst v5;
	v56 =	vld [tilespmem:s6+$0xFFFFFFC0]  }
0x760: {  	v4 =	vsub.f32 v8, v4;
	v16 =	vand.u32 $0x7FFFFFFF, v16;
	v13 =	vmul.f32 v13, v32;
	v61 =	vld [tilespmem:s1+$0xFFFFFFD0];
	[tilespmem:s15+$0xFFFFFFF0] =	vst v33;
	v5 =	vmovc v20  }
0x761: {  	v16 =	vmul.f32 v16, v34;
	v20 =	vmul.f32 v7, v23;
	v3 =	vand.u32 $0x7FFFFFFF, v3;
	[tilespmem:$0x1FBF0] =	vst v5;
	v5 =	vld [tilespmem:s6+$0xFFFFFFD0]  }
0x762: {  	v29 =	vmovc v28;
	v12 =	vand.u32 $0x7FFFFFFF, v12;
	v7 =	vmul.f32 v50, v17;
	v36 =	vmul.f32 v3, v39;
	v3 =	vld [tilespmem:s6+$0xFFFFFF90];
	v8 =	vmovc v21  }
0x763: {  	v28 =	vmovc v2;
	v2 =	vand.u32 $0x7FFFFFFF, v57;
	v4 =	vand.u32 $0x7FFFFFFF, v4;
	[tilespmem:$0x1FC20] =	vst v8;
	v8 =	vand.u32 $0x7FFFFFFF, v6;
	v6 =	vmovc v40;
	v40 =	vld [tilespmem:$0x1FF70]  }
0x764: {  	v12 =	vmul.f32 v12, v30;
	v9 =	vmul.f32 v9, v26;
	[tilespmem:s2+$0x20] =	vst v7;
	v16 =	vadd.f32 v16, v36;
	v36 =	vld [tilespmem:$0x1FF30]  }
0x765: {  	v10 =	vand.u32 $0x7FFFFFFF, v10;
	v50 =	vmul.f32 v4, v22;
	v21 =	vmul.f32 v2, v41;
	[tilespmem:$0x1FC70] =	vst v6;
	v6 =	vld [tilespmem:s1+$0xFFFFFF90]  }
0x766: {  	v9 =	vadd.f32 v9, v12;
	v7 =	vmul.f32 v8, v35;
	v8 =	vmul.f32 v10, v25;
	v10 =	vld [tilespmem:s0+$0x30]  }
0x767: {  	v48 =	vsel vm5, $0x0, v51;
	v11 =	vmul.f32 v11, v27;
	v54 =	vadd.f32 v50, v21  }
0x768: {  	v9 =	vadd.f32 v9, v20;
	v50 =	vsel vm6, $0x0, v53;
	v21 =	vadd.f32 v8, v7  }
0x769: {  	v57 =	vadd.f32 v16, v15;
	v13 =	vadd.f32 v54, v13;
	v44 =	vmul.f32 v49, v40  }
0x76a: {  	v11 =	vadd.f32 v21, v11;
	v47 =	vmul.f32 v42, v36;
	v49 =	vsel vm4, $0x0, v53  }
0x76b: {  	v10 =	vmul.f32 v10, v17;
	v17 =	vsub.f32 v5, v61;
	v20 =	vsub.f32 v3, v6  }
0x76c: {  	v53 =	vsel vm2, $0x0, v53;
	v13 =	vadd.f32 v13, v44;
	v11 =	vadd.f32 v11, v14  }
0x76d: {  	v58 =	vld [tilespmem:s1+$0xFFFFFFE0];
	v42 =	vsel vm3, $0x0, v51;
	v9 =	vadd.f32 v9, v47;
	v47 =	vsub.f32 v59, v55;
	[tilespmem:s2+$0x30] =	vst v10  }
0x76e: {  	v5 =	vmul.f32 v5, v61;
	v10 =	vadd.f32 v57, v18;
	v15 =	vld [tilespmem:s0+$0x40];
	v19 =	vadd.f32 v13, v50  }
0x76f: {  	v60 =	vld [tilespmem:s6+$0xFFFFFFE0];
	v6 =	vmul.f32 v3, v6;
	v11 =	vadd.f32 v11, v38;
	v9 =	vadd.f32 v9, v53  }
0x770: {  	v38 =	vimm.s32 $0x8;
	v10 =	vadd.f32 v10, v49;
	v12 =	vadd.f32 v19, v45  }
0x771: {  	v5 =	vmul.f32 v5, v32;
	v13 =	vperm.xlane v46, v38;
	v9 =	vadd.f32 v9, v42  }
0x772: {  	v10 =	vadd.f32 v10, v48;
	v48 =	vsel vm1, $0x0, v51;
	v53 =	vperm.xlane v12, v0  }
0x773: {  	v57 =	vld [tilespmem:s1+$0xFFFFFFF0];
	v11 =	vadd.f32 v11, v48;
	v48 =	vperm.xlane v9, v0;
	v49 =	vmul.f32 v15, v13  }
0x774: {  	v62 =	vld [tilespmem:s1+$0xFFFFFFA0];
	v21 =	vsub.f32 v60, v58;
	v6 =	vmul.f32 v6, v23;
	v51 =	vperm.xlane v10, v0  }
0x775: {  	v4 =	vld [tilespmem:s6+$0xFFFFFFA0];
	v16 =	vand.u32 $0x7FFFFFFF, v47;
	v12 =	vadd.f32 v12, v53;
	v9 =	vadd.f32 v9, v48;
	[tilespmem:s2+$0x40] =	vst v49  }
0x776: {  	v16 =	vmul.f32 v16, v39;
	v49 =	vperm.xlane v11, v0;
	v10 =	vadd.f32 v10, v51;
	v15 =	vld [tilespmem:s0+$0x50]  }
0x777: {  	v63 =	vld [tilespmem:s1+$0xFFFFFF80];
	v18 =	vsub.f32 v56, v52;
	v19 =	vperm.xlane v12, v1;
	v51 =	vperm.xlane v9, v1  }
0x778: {  	v2 =	vld [tilespmem:s1+$0xFFFFFF70];
	v3 =	vsel vm4, $0x0, v57;
	v11 =	vadd.f32 v11, v49;
	v14 =	vperm.xlane v10, v1  }
0x779: {  	v8 =	vld [tilespmem:s6+$0xFFFFFF70];
	v12 =	vadd.f32 v12, v19;
	v9 =	vadd.f32 v9, v51;
	v51 =	vand.u32 $0x7FFFFFFF, v20  }
0x77a: {  	v7 =	vld [tilespmem:s6+$0xFFFFFF80];
	v20 =	vmul.f32 v59, v55;
	v53 =	vperm.xlane v11, v1;
	v10 =	vadd.f32 v10, v14  }
0x77b: {  	v54 =	vld [tilespmem:s6+$0xFFFFFFF0];
	v14 =	vsub.f32 v4, v62;
	v4 =	vmul.f32 v4, v62;
	v13 =	vmul.f32 v15, v13  }
0x77c: {  	v44 =	vld [tilespmem:s30+$0xFFFFFFA0];
	v62 =	vimm.s32 $0x0;
	v11 =	vadd.f32 v11, v53;
	v10 =	vsel vm8, v12, v10  }
0x77d: {  	v59 =	vld [tilespmem:$0x1FFE0];
	v15 =	vand.u32 $0x7FFFFFFF, v18;
	v12 =	vand.u32 $0x7FFFFFFF, v17;
	v9 =	vsel vm9, v10, v9;
	[tilespmem:s2+$0x50] =	vst v13  }
0x77e: {  	v17 =	vand.u32 $0x7FFFFFFF, v21;
	v18 =	vmul.f32 v51, v30;
	v9 =	vsel vm10, v11, v9;
	v11 =	vld [tilespmem:s0+$0x60]  }
0x77f: {  	v32 =	vld [tilespmem:$0x1FCF0];
	v14 =	vand.u32 $0x7FFFFFFF, v14;
	v15 =	vmul.f32 v15, v34;
	v53 =	vperm.xlane v9, v43  }
0x780: {  	v50 =	vld [tilespmem:s22+$0xFFFFFF80];
	v12 =	vmul.f32 v12, v41;
	v17 =	vmul.f32 v17, v22;
	v34 =	vimm.s32 $0xC  }
0x781: {  	v47 =	vld [tilespmem:s18+$0xFFFFFFD0];
	v14 =	vmul.f32 v14, v26;
	v19 =	vperm.xlane v46, v34;
	v9 =	vadd.f32 v9, v53  }
0x782: {  	v38 =	vld [tilespmem:s25+$0xFFFFFFC0];
	v10 =	vsub.f32 v8, v2;
	v2 =	vmul.f32 v8, v2;
	v8 =	vmul.f32 v56, v52  }
0x783: {  	v45 =	vld [tilespmem:s4+$0xFFFFFF90];
	v13 =	vsub.f32 v7, v63;
	v21 =	vperm.xlane v9, v59;
	v11 =	vmul.f32 v11, v19  }
0x784: {  	v42 =	vld [tilespmem:s26+$0xFFFFFFB0];
	v46 =	vmul.f32 v20, v31;
	v10 =	vand.u32 $0x7FFFFFFF, v10;
	v15 =	vadd.f32 v15, v16  }
0x785: {  	v48 =	vld [tilespmem:s16+$0xFFFFFFE0];
	v12 =	vadd.f32 v17, v12;
	v2 =	vmul.f32 v2, v27;
	v9 =	vadd.f32 v9, v21;
	[tilespmem:s2+$0x60] =	vst v11  }
0x786: {  	v8 =	vmul.f32 v8, v37;
	v13 =	vand.u32 $0x7FFFFFFF, v13;
	v10 =	vmul.f32 v10, v35;
	v41 =	vld [tilespmem:s0+$0x70]  }
0x787: {  	s5 =	sadd.s32 $0x2, s5;
	v49 =	vld [tilespmem:s12+$0xFFFFFFF0];
	v39 =	vadd.f32 v14, v18;
	v11 =	vmul.f32 v13, v25;
	v51 =	vmul.f32 $2.000000030e-01, v9  }
0x788: {  	p2 =	slt.u32 s5, $0x26;
	s10 =	smov.u32 s11;
	v55 =	vld [tilespmem:$0x1FB90];
	v53 =	vmul.f32 v60, v58;
	v58 =	vimm.s32 $0x4;
	vm11 =	vgt.f32 v9, $0.0e+00  }
0x789: {  	s11 =	smov.u32 s14;
	s14 =	smov.u32 s17;
	s17 =	smov.u32 s24;
	v22 =	vld [tilespmem:$0x1FD20];
	v15 =	vadd.f32 v15, v46;
	v10 =	vadd.f32 v11, v10;
	v9 =	vsel vm11, v9, v51  }
.Ltmp7:
0x78a: {  	s24 =	smov.u32 s8;
	s8 =	smov.u32 s29;
	v26 =	vld [tilespmem:$0x1FBA0];
	v6 =	vadd.f32 v39, v6;
	v11 =	vmul.f32 v4, v36;
	v9 =	vmul.f32 $1.442695020e+00, v9;
	(pc) =	sbr.rel @p2 .LBB2_7-.Ltmp7, $4  }
0x78b: {  	s29 =	smov.u32 s3;
	s3 =	smov.u32 s15;
	s15 =	smov.u32 s2;
	v56 =	vld [tilespmem:$0x1FBB0];
	v2 =	vadd.f32 v10, v2;
	v10 =	vmul.f32 v7, v63;
	v61 =	vmul.f32 v41, v19  }
0x78c: {  	s6 =	sadd.s32 $0x120, s6;
	s12 =	smov.u32 s16;
	s16 =	smov.u32 s18;
	v43 =	vld [tilespmem:$0x1FB80];
	v5 =	vadd.f32 v12, v5;
	(erf) = vpow2.f32 v9;
	v9 =	vmul.f32 v53, v40  }
0x78d: {  	s18 =	smov.u32 s25;
	s25 =	smov.u32 s26;
	s26 =	smov.u32 s30;
	v37 =	vld [tilespmem:$0x1FCE0];
	v46 =	vsel vm2, $0x0, v57;
	v4 =	vadd.f32 v15, v8;
	v6 =	vadd.f32 v6, v11  }
0x78e: {  	s30 =	smov.u32 s4;
	s4 =	smov.u32 s22;
	s22 =	smov.u32 s0;
	v7 =	vsel vm6, $0x0, v57;
	v40 =	vmovc v29;
	v8 =	vmul.f32 v10, v24;
	v24 =	vld [tilespmem:$0x1FBC0];
	[tilespmem:s2+$0x70] =	vst v61;
	v5 =	vadd.f32 v5, v9  }
0x78f: {  	v9 =	vnsel vm0, $0x0, v57;
	v3 =	vadd.f32 v4, v3  }
0x790: {  	v52 =	vsel vm5, $0x0, v54;
	v51 =	vadd.f32 v5, v7;
	v2 =	vadd.f32 v2, v8  }
0x791: {  	v6 =	vadd.f32 v6, v46;
	v53 =	vsel vm7, $0x0, v54;
	v3 =	vadd.f32 v3, v52  }
0x792: {  	v57 =	vsel vm3, $0x0, v54;
	v2 =	vadd.f32 v2, v9;
	v4 =	vadd.f32 v51, v53  }
0x793: {  	v60 =	vsel vm1, $0x0, v54;
	v6 =	vadd.f32 v6, v57  }
0x794: {  	v61 =	vperm.xlane v3, v0;
	v2 =	vadd.f32 v2, v60;
	v63 =	vperm.xlane v4, v0  }
0x795: {  	v12 =	vperm.xlane v6, v0  }
0x796: {  	v3 =	vadd.f32 v3, v61;
	v13 =	vperm.xlane v2, v0;
	v4 =	vadd.f32 v4, v63  }
0x797: {  	v14 =	vadd.f32 v6, v12  }
0x798: {  	v25 =	vperm.xlane v3, v1;
	v2 =	vadd.f32 v2, v13;
	v27 =	vperm.xlane v4, v1  }
0x799: {  	v8 =	vperm.xlane v14, v1  }
0x79a: {  	v60 =	vld [tilespmem:$0x1FFF0];
	v3 =	vadd.f32 v3, v25;
	v29 =	vperm.xlane v2, v1;
	v4 =	vadd.f32 v4, v27  }
0x79b: {  	v5 =	vadd.f32 v14, v8  }
0x79c: {  	v2 =	vadd.f32 v2, v29;
	v3 =	vsel vm8, v4, v3  }
0x79d: {  	v3 =	vsel vm9, v3, v5  }
0x79e: {  	v2 =	vsel vm10, v2, v3  }
0x79f: {  	v30 =	vperm.xlane v55, v59;
	v3 =	vperm.xlane v2, v60;
	_ =	sdelay $0x1  }
0x7a0: {  	v2 =	vadd.f32 v2, v3;
	v3 =	vadd.f32 v55, v30;
	_ =	sdelay $0x1  }
0x7a1: {  	v31 =	vperm.xlane v2, v59;
	v34 =	vmul.f32 $2.000000030e-01, v3  }
0x7a2: {  	vm11 =	vgt.f32 v3, $0.0e+00  }
0x7a3: {  	v2 =	vadd.f32 v2, v31;
	v3 =	vsel vm11, v3, v34  }
0x7a4: {  	v3 =	vmul.f32 $1.442695020e+00, v3  }
0x7a5: {  	v35 =	vmul.f32 $2.000000030e-01, v2  }
0x7a6: {  	vm11 =	vgt.f32 v2, $0.0e+00;
	(erf) = vpow2.f32 v3  }
0x7a7: {  	v2 =	vsel vm11, v2, v35  }
0x7a8: {  	v2 =	vmul.f32 $1.442695020e+00, v2;
	_ =	sdelay $0x1  }
0x7a9: {  	(erf) = vpow2.f32 v2;
	_ =	sdelay $0x3  }
0x7aa: {  	s1 =	sadd.s32 $0x120, s2;
	v2 =	vpop (erf)  }
0x7ab: {  	s0 =	sadd.s32 $0x100, s0;
	[tilespmem:s1+$0x80] =	vst v2;
	v5 =	vpop (erf)  }
0x7ac: {  	v36 =	vld [tilespmem:s0+$0x0];
	[tilespmem:s15+$0xFFFFFFF0] =	vst v5  }
0x7ad: {  	v41 =	vld [tilespmem:s22+$0xFFFFFF80]  }
0x7ae: {  	v51 =	vperm.xlane v33, v62  }
0x7af: {  	v39 =	vperm.xlane v2, v62;
	v4 =	vpop (erf)  }
0x7b0: {  	v11 =	vmul.f32 v50, v51;
	v10 =	vperm.xlane v5, v62;
	[tilespmem:s1+$0xFFFFFFF0] =	vst v4  }
0x7b1: {  	v3 =	vmul.f32 v36, v39;
	v46 =	vld [tilespmem:s0+$0xFFFFFF80]  }
0x7b2: {  	[tilespmem:s3+$0xFFFFFF70] =	vst v11;
	v7 =	vmul.f32 v41, v10  }
0x7b3: {  	v13 =	vld [tilespmem:s4+$0xFFFFFF90];
	[tilespmem:s1+$0x0] =	vst v3  }
0x7b4: {  	v53 =	vmul.f32 v47, v32;
	v52 =	vperm.xlane v4, v62;
	v12 =	vld [tilespmem:s0+$0x10];
	[tilespmem:s15+$0xFFFFFF70] =	vst v7  }
0x7b5: {  	v55 =	vmul.f32 v49, v22;
	v15 =	vld [tilespmem:$0x1FBD0]  }
0x7b6: {  	[tilespmem:s14+$0xFFFFFFC0] =	vst v53;
	v8 =	vmul.f32 v46, v52  }
0x7b7: {  	v25 =	vmul.f32 v45, v43;
	[tilespmem:s10+$0xFFFFFFE0] =	vst v55  }
0x7b8: {  	v27 =	vmul.f32 v13, v51;
	v14 =	vld [tilespmem:s22+$0xFFFFFF90];
	[tilespmem:s1+$0xFFFFFF70] =	vst v8  }
0x7b9: {  	[tilespmem:s29+$0xFFFFFF80] =	vst v25;
	v6 =	vmul.f32 v12, v39;
	v57 =	vld [tilespmem:s0+$0xFFFFFF90]  }
0x7ba: {  	[tilespmem:s3+$0xFFFFFF80] =	vst v27;
	v61 =	vld [tilespmem:s16+$0xFFFFFFE0];
	v54 =	vmul.f32 v48, v15  }
0x7bb: {  	v31 =	vld [tilespmem:s4+$0xFFFFFFA0];
	[tilespmem:s1+$0x10] =	vst v6  }
0x7bc: {  	v29 =	vld [tilespmem:s0+$0x20];
	[tilespmem:s11+$0xFFFFFFD0] =	vst v54  }
0x7bd: {  	v10 =	vmul.f32 v14, v10;
	v16 =	vld [tilespmem:$0x1FBF0]  }
0x7be: {  	v12 =	vld [tilespmem:s30+$0xFFFFFFA0];
	v3 =	vmul.f32 v57, v52  }
0x7bf: {  	v32 =	vperm.xlane v2, v58;
	v63 =	vld [tilespmem:s12+$0xFFFFFFF0];
	[tilespmem:s15+$0xFFFFFF80] =	vst v10  }
0x7c0: {  	[tilespmem:s1+$0xFFFFFF80] =	vst v3  }
0x7c1: {  	v9 =	vmul.f32 v29, v32;
	v17 =	vld [tilespmem:$0x1FC80]  }
0x7c2: {  	v41 =	vperm.xlane v33, v58;
	v34 =	vld [tilespmem:s22+$0xFFFFFFA0];
	v30 =	vmul.f32 v61, v16  }
0x7c3: {  	v12 =	vmul.f32 v12, v24;
	v36 =	vld [tilespmem:s0+$0xFFFFFFA0];
	[tilespmem:s1+$0x20] =	vst v9  }
0x7c4: {  	v7 =	vmul.f32 v31, v41;
	v8 =	vmul.f32 v63, v15;
	v15 =	vld [tilespmem:s0+$0x30];
	[tilespmem:s14+$0xFFFFFFD0] =	vst v30  }
0x7c5: {  	v43 =	vperm.xlane v5, v58;
	v48 =	vmul.f32 v42, v37;
	[tilespmem:s29+$0xFFFFFF90] =	vst v12;
	v39 =	vld [tilespmem:s16+$0xFFFFFFF0]  }
0x7c6: {  	[tilespmem:s3+$0xFFFFFF90] =	vst v7;
	v12 =	vld [tilespmem:s30+$0xFFFFFFB0];
	v35 =	vmul.f32 v44, v17  }
0x7c7: {  	v45 =	vperm.xlane v4, v58;
	[tilespmem:s24+$0xFFFFFFA0] =	vst v48;
	v47 =	vld [tilespmem:s4+$0xFFFFFFB0];
	v11 =	vmul.f32 v34, v43  }
0x7c8: {  	[tilespmem:s8+$0xFFFFFF90] =	vst v35  }
0x7c9: {  	[tilespmem:s15+$0xFFFFFF90] =	vst v11;
	v6 =	vmul.f32 v36, v45;
	v44 =	vld [tilespmem:s26+$0xFFFFFFB0]  }
0x7ca: {  	[tilespmem:s11+$0xFFFFFFE0] =	vst v8;
	v51 =	vmul.f32 v15, v32;
	v46 =	vmul.f32 v39, v16;
	v16 =	vld [tilespmem:s22+$0xFFFFFFB0]  }
0x7cb: {  	v53 =	vmul.f32 v12, v24;
	[tilespmem:s1+$0xFFFFFF90] =	vst v6  }
0x7cc: {  	v52 =	vld [tilespmem:s25+$0xFFFFFFC0];
	v8 =	vmul.f32 v47, v41;
	[tilespmem:s1+$0x30] =	vst v51  }
0x7cd: {  	v50 =	vld [tilespmem:s0+$0xFFFFFFB0];
	[tilespmem:s29+$0xFFFFFFA0] =	vst v53  }
0x7ce: {  	[tilespmem:s3+$0xFFFFFFA0] =	vst v8;
	v55 =	vld [tilespmem:s0+$0x40];
	v49 =	vmul.f32 v44, v17  }
0x7cf: {  	v6 =	vld [tilespmem:s30+$0xFFFFFFC0];
	[tilespmem:s14+$0xFFFFFFE0] =	vst v46;
	v3 =	vmul.f32 v16, v43  }
0x7d0: {  	v61 =	vld [tilespmem:s4+$0xFFFFFFC0];
	[tilespmem:s8+$0xFFFFFFA0] =	vst v49  }
0x7d1: {  	v17 =	vld [tilespmem:$0x1FC10];
	[tilespmem:s15+$0xFFFFFFA0] =	vst v3  }
0x7d2: {  	v16 =	vimm.s32 $0x8;
	v18 =	vld [tilespmem:$0x1FC50]  }
0x7d3: {  	v7 =	vmul.f32 v50, v45;
	v63 =	vperm.xlane v2, v16  }
0x7d4: {  	v6 =	vmul.f32 v6, v26;
	v29 =	vperm.xlane v33, v16;
	v54 =	vld [tilespmem:s26+$0xFFFFFFC0]  }
0x7d5: {  	v24 =	vld [tilespmem:s22+$0xFFFFFFC0];
	[tilespmem:s1+$0xFFFFFFA0] =	vst v7;
	v11 =	vmul.f32 v55, v63  }
0x7d6: {  	v12 =	vmul.f32 v61, v29;
	[tilespmem:s29+$0xFFFFFFB0] =	vst v6;
	v27 =	vld [tilespmem:s0+$0xFFFFFFC0]  }
0x7d7: {  	v31 =	vperm.xlane v5, v16;
	v36 =	vld [tilespmem:s30+$0xFFFFFFD0];
	[tilespmem:s1+$0x40] =	vst v11;
	v10 =	vmul.f32 v52, v18  }
0x7d8: {  	v32 =	vperm.xlane v4, v16;
	[tilespmem:s3+$0xFFFFFFB0] =	vst v12;
	v16 =	vld [tilespmem:s0+$0x50];
	v57 =	vmul.f32 v38, v17  }
0x7d9: {  	v25 =	vmul.f32 v54, v56;
	v38 =	vld [tilespmem:s4+$0xFFFFFFD0];
	[tilespmem:s24+$0xFFFFFFB0] =	vst v10  }
0x7da: {  	[tilespmem:s17+$0xFFFFFFB0] =	vst v57;
	v15 =	vld [tilespmem:s25+$0xFFFFFFD0]  }
0x7db: {  	[tilespmem:s8+$0xFFFFFFB0] =	vst v25;
	v8 =	vmul.f32 v27, v32;
	v30 =	vld [tilespmem:s18+$0xFFFFFFD0]  }
0x7dc: {  	v35 =	vmul.f32 v24, v31;
	v34 =	vld [tilespmem:s26+$0xFFFFFFD0]  }
0x7dd: {  	v43 =	vmul.f32 v36, v26;
	[tilespmem:s1+$0xFFFFFFB0] =	vst v8  }
0x7de: {  	[tilespmem:s15+$0xFFFFFFB0] =	vst v35;
	v3 =	vmul.f32 v16, v63;
	v42 =	vld [tilespmem:s0+$0xFFFFFFD0]  }
0x7df: {  	[tilespmem:s29+$0xFFFFFFC0] =	vst v43;
	v9 =	vmul.f32 v38, v29;
	v39 =	vmul.f32 v15, v18;
	v15 =	vld [tilespmem:s22+$0xFFFFFFD0]  }
0x7e0: {  	v47 =	vld [tilespmem:s30+$0xFFFFFFE0];
	[tilespmem:s1+$0x50] =	vst v3;
	v37 =	vmul.f32 v30, v17  }
0x7e1: {  	v45 =	vld [tilespmem:s0+$0x60];
	[tilespmem:s3+$0xFFFFFFC0] =	vst v9;
	v41 =	vmul.f32 v34, v56  }
0x7e2: {  	v49 =	vld [tilespmem:s4+$0xFFFFFFE0];
	[tilespmem:s17+$0xFFFFFFC0] =	vst v37  }
0x7e3: {  	[tilespmem:s8+$0xFFFFFFC0] =	vst v41;
	v12 =	vld [tilespmem:s18+$0xFFFFFFE0]  }
0x7e4: {  	v50 =	vimm.s32 $0xC;
	[tilespmem:s24+$0xFFFFFFC0] =	vst v39;
	v44 =	vld [tilespmem:s26+$0xFFFFFFE0];
	v46 =	vmul.f32 v15, v31  }
0x7e5: {  	v2 =	vperm.xlane v2, v50;
	v6 =	vld [tilespmem:s25+$0xFFFFFFE0]  }
0x7e6: {  	v7 =	vmul.f32 v42, v32;
	v15 =	vld [tilespmem:$0x1FC20];
	[tilespmem:s15+$0xFFFFFFC0] =	vst v46  }
0x7e7: {  	v51 =	vperm.xlane v33, v50;
	v13 =	vmul.f32 v45, v2;
	v16 =	vld [tilespmem:$0x1FC70]  }
0x7e8: {  	v52 =	vmul.f32 v47, v28;
	v8 =	vld [tilespmem:s22+$0xFFFFFFE0];
	[tilespmem:s1+$0xFFFFFFC0] =	vst v7  }
0x7e9: {  	v11 =	vmul.f32 v49, v51;
	[tilespmem:s1+$0x60] =	vst v13;
	v7 =	vld [tilespmem:s0+$0xFFFFFFE0]  }
0x7ea: {  	v3 =	vmul.f32 v44, v40;
	[tilespmem:s29+$0xFFFFFFD0] =	vst v52;
	v13 =	vld [tilespmem:s0+$0x70]  }
0x7eb: {  	v5 =	vperm.xlane v5, v50;
	[tilespmem:s3+$0xFFFFFFD0] =	vst v11;
	v55 =	vld [tilespmem:s30+$0xFFFFFFF0];
	v48 =	vmul.f32 v12, v15  }
0x7ec: {  	v4 =	vperm.xlane v4, v50;
	[tilespmem:s8+$0xFFFFFFD0] =	vst v3;
	v11 =	vld [tilespmem:s4+$0xFFFFFFF0];
	v6 =	vmul.f32 v6, v16  }
0x7ed: {  	v53 =	vld [tilespmem:s26+$0xFFFFFFF0];
	[tilespmem:s17+$0xFFFFFFD0] =	vst v48;
	v54 =	vmul.f32 v8, v5  }
0x7ee: {  	v9 =	vld [tilespmem:s18+$0xFFFFFFF0];
	v7 =	vmul.f32 v7, v4;
	[tilespmem:s24+$0xFFFFFFD0] =	vst v6  }
0x7ef: {  	v2 =	vmul.f32 v13, v2;
	[tilespmem:s15+$0xFFFFFFD0] =	vst v54;
	v6 =	vld [tilespmem:s25+$0xFFFFFFF0]  }
0x7f0: {  	v57 =	vmul.f32 v55, v28;
	v3 =	vld [tilespmem:s22+$0xFFFFFFF0];
	[tilespmem:s1+$0xFFFFFFD0] =	vst v7  }
0x7f1: {  	v61 =	vmul.f32 v11, v51;
	[tilespmem:s1+$0x70] =	vst v2;
	v7 =	vld [tilespmem:s0+$0xFFFFFFF0]  }
0x7f2: {  	v56 =	vmul.f32 v53, v40;
	[tilespmem:s29+$0xFFFFFFE0] =	vst v57  }
0x7f3: {  	[tilespmem:s3+$0xFFFFFFE0] =	vst v61;
	v9 =	vmul.f32 v9, v15  }
0x7f4: {  	[tilespmem:s8+$0xFFFFFFE0] =	vst v56;
	v6 =	vmul.f32 v6, v16  }
0x7f5: {  	[tilespmem:s17+$0xFFFFFFE0] =	vst v9;
	v3 =	vmul.f32 v3, v5  }
0x7f6: {  	v63 =	vmul.f32 v7, v4;
	[tilespmem:s24+$0xFFFFFFE0] =	vst v6  }
0x7f7: {  	[tilespmem:s15+$0xFFFFFFE0] =	vst v3  }
0x7f8: {  	s30 =	simm.s32 $0x82A0;
	s29 =	rddreg [dreg:$0x2];
	[tilespmem:s1+$0xFFFFFFE0] =	vst v63  }
0x7f9: {  	[spmem:s29] =	stream.indirect.scatter.add.f32 [tilespmem:s30], [sflag:$0x5], $0x90, s13, s21, $0xb8;
	[tilespmem:$0x1F9B0] =	vst v63  }
0x7fa: {  	_ =	swait.ge [sflag:s20], $0x1680  }
0x7fb: {  	v51 =	vld [tilespmem:$0x1FFA0]  }
0x7fc: {  	v52 =	vld [tilespmem:$0x1FF90]  }
0x7fd: {  	v63 =	vld [tilespmem:$0x1FF80]  }
0x7fe: {  	v40 =	vld [tilespmem:$0x1FEF0]  }
0x7ff: {  	v61 =	vld [tilespmem:$0x1FFD0]  }
0x800: {  	v22 =	vld [tilespmem:$0x1FFC0]  }
0x801: {  	p2 =	sgt.u32 s9, $0xF7;
	v23 =	vld [tilespmem:$0x1FFB0]  }
0x802: {  	s0 =	smul.u32 @!p2 $0x28, s9;
	v57 =	vld [tilespmem:$0x1FEE0]  }
0x803: {  	s1 =	rddreg [dreg:$0xb];
	v43 =	vld [tilespmem:$0x1FF00]  }
0x804: {  	s2 =	simm.s32 @!p2 $0x0;
	s3 =	simm.s32 @!p2 $0x4150;
	v44 =	vld [tilespmem:$0x1FF10];
	s0 =	sadd.s32 @!p2 s0, s1  }
0x805: {  	[sflag:s20] =	ssyncset.done $0x0;
	v45 =	vld [tilespmem:$0x1FF20];
	s1 =	rddreg [dreg:$0x4];
	s0 =	sshrl.u32 @!p2 s0, $0x3  }
.Ltmp8:
0x806: {  	v46 =	vld [tilespmem:$0x1FF30];
	[sflag:s20] =	ssyncadd.s32 $0xFFFFE980;
	s1 =	sadd.s32 @!p2 s1, s0;
	(pc) =	sbr.rel .LBB2_9-.Ltmp8, $4  }
0x807: {  	v47 =	vld [tilespmem:$0x1FF40];
	[tilespmem:s3], [sflag:$0x3] =	stream.linear.gather @!p2 [hbm4b:s1+s2], $0x28, $0x38  }
0x808: {  	v48 =	vld [tilespmem:$0x1FF50];
	s1 =	rddreg [dreg:$0x5]  }
0x809: {  	v49 =	vld [tilespmem:$0x1FF60];
	s0 =	sadd.s32 @!p2 s1, s0;
	s1 =	simm.s32 @!p2 $0x4178  }
0x80a: {  	v21 =	vmovc v1;
	v17 =	vimm.s32 $0x8;
	v18 =	vmov v0;
	v42 =	vimm.s32 $0xC;
	v50 =	vld [tilespmem:$0x1FF70];
	[tilespmem:s1], [sflag:$0x3] =	stream.linear.gather @!p2 [hbm4b:s0+s2], $0x28, $0x38  }
.LBB2_11:
0x80b: {  	_ =	sfence.sel $0x180000  }
0x80c: {  	[bflag:$0x0] =	sbarrier.arrive $0xFFFF  }
0x80d: {  	_ =	strace $0x90000047  }
0x80e: {  	[bflag:$0x2] =	sbarrier.arrive $0xFFFF  }
0x80f: {  	s0 =	rddreg [dreg:$0x3]  }
0x810: {  	s0 =	sadd.s32 @!p0 $0x100000, s0  }
0x811: {  	[sflag:s0] =	ssyncadd.tile.s32 @!p0 $0x1;
	_ =	shalt  }
.Lfunc_end2:
_tile_overlayer_lowered:
.L_overlay_start_2:
0x812: {  	(tag) =	ssettag $0x2  }
0x813: {  	s0 =	rddreg [dreg:$0x0];
	s2 =	stileid.u32  }
0x814: {  	s1 =	rddreg [dreg:$0x1];
	p0 =	sne.s32 s2, $0x0  }
0x815: {  	s3 =	rddreg [dreg:$0x2];
	[bflag:$0x3] =	sbarrier.arrive $0xFFFF;
	s2 =	simm.s32 @!p0 $0x1C05  }
0x816: {  	[timem:s3], [sflag:s2] =	dma.local @!p0 [hbm:s0], s1  }
0x817: {  	s0 =	simm.s32 @!p0 $0x5  }
0x818: {  	_ =	swait.ge @!p0 [sflag:s0], s1  }
0x819: {  	s1 =	ssub.s32 @!p0 $0x0, s1;
	[sflag:s0] =	ssyncset.done @!p0 $0x0  }
0x81a: {  	[sflag:s0] =	ssyncadd.s32 @!p0 s1  }
0x81b: {  	[bflag:$0x3] =	sbarrier.arrive $0xFFFF  }
0x81c: {  	_ =	shalt  }

</sc_bundles>
